<compile_context>
chip_gen: v7x
topology: tpu7x:2x2x1
jax: 0.10.2.dev20260603
libtpu: 0.0.44.dev20260713+nightly
codegen_flags: <defaults>
</compile_context>

<pallas_src>
import dataclasses
import functools

import jax
import jax.numpy as jnp
from jax import lax
from jax.experimental import pallas as pl
from jax.experimental.pallas import tpu as pltpu
from jax.experimental.pallas import tpu_sc as plsc

N = 10000
E = 320000
D = 128
H = 64
NCORE = 2
NSUB = 16
IW = 128
SROWS = E // IW
DROWS = SROWS
EP = 327680
SROWSP = EP // IW
MROWSP = SROWSP // NCORE
TROWS = MROWSP // NSUB
NBLK = TROWS // 8
NP = 10240
RPT = NP // NSUB

_mesh = plsc.VectorSubcoreMesh(core_axis_name="c", subcore_axis_name="s")
_f32 = jnp.float32


DTROWS = SROWSP // NSUB
HR = NP // IW
RED = HR // 8

_deg_cp = pltpu.CompilerParams()
if "needs_layout_passes" in pltpu.CompilerParams.__dataclass_fields__:
    _deg_cp = dataclasses.replace(_deg_cp, needs_layout_passes=False)

_DEG_KW = dict(
    mesh=_mesh,
    compiler_params=_deg_cp,
    out_type=jax.ShapeDtypeStruct((NCORE, HR, IW), _f32),
    scratch_types=[
        pltpu.VMEM((DTROWS, IW), jnp.int32),
        pltpu.VMEM((HR, IW), _f32),
        pltpu.VMEM((8, IW), _f32),
        pltpu.VMEM((8, IW), _f32),
        pltpu.VMEM((16,), _f32),
        pltpu.VMEM_SHARED((NSUB * HR, IW), _f32),
    ],
)


def _deg_body(ei2_hbm, z128_hbm, o128_hbm, out_hbm,
              idx_v, hist_v, acc_v, tmp_v, one_v, hist_sh):
    c = lax.axis_index("c")
    t = lax.axis_index("s")

    pltpu.sync_copy(z128_hbm.at[pl.ds(0, HR)], hist_v)
    pltpu.sync_copy(ei2_hbm.at[pl.ds(c * SROWSP + t * DTROWS, DTROWS)], idx_v)
    pltpu.sync_copy(o128_hbm.at[0, pl.ds(0, 16)], one_v)
    ones16 = one_v[...]

    @pl.loop(0, DTROWS)
    def _(j):
        for l in range(IW // 16):
            idx16 = idx_v[j, pl.ds(l * 16, 16)]
            ri = lax.shift_right_logical(idx16, 7)
            ci = lax.bitwise_and(idx16, 127)
            plsc.addupdate_scatter(hist_v, [ri, ci], ones16)

    pltpu.sync_copy(hist_v, hist_sh.at[pl.ds(t * HR, HR)])
    plsc.subcore_barrier()

    @pl.when(t < RED)
    def _():
        pltpu.sync_copy(hist_sh.at[pl.ds(t * 8, 8)], acc_v)

        @pl.loop(1, NSUB)
        def _(h):
            pltpu.sync_copy(hist_sh.at[pl.ds(h * HR + t * 8, 8)], tmp_v)
            for i in range(8):
                for l in range(IW // 16):
                    sl = (i, pl.ds(l * 16, 16))
                    acc_v[sl] = acc_v[sl] + tmp_v[sl]

        pltpu.sync_copy(acc_v, out_hbm.at[c, pl.ds(t * 8, 8)])


_deg_kernel = pl.kernel(_deg_body, **_DEG_KW)


_MP_KW = dict(
    mesh=_mesh,
    out_type=jax.ShapeDtypeStruct((NCORE, NP, D), _f32),
    scratch_types=[
        pltpu.VMEM((8, IW), jnp.int32),
        pltpu.VMEM((8, IW), jnp.int32),
        pltpu.VMEM((8, IW), jnp.int32),
        pltpu.VMEM((8, IW), jnp.int32),
        pltpu.VMEM((IW, D), _f32),
        pltpu.VMEM((IW, D), _f32),
        pltpu.VMEM_SHARED((NP, D), _f32),
        pltpu.SemaphoreType.DMA,
        pltpu.SemaphoreType.DMA,
        pltpu.SemaphoreType.DMA,
        pltpu.SemaphoreType.DMA,
    ],
)


def _mp_body(tab_hbm, ei2_hbm, z128_hbm, out_hbm,
             sA, dA, sB, dB, rA, rB, agg_sh, siA, siB, sgA, sgB):
    c = lax.axis_index("c")
    t = lax.axis_index("s")

    pltpu.sync_copy(z128_hbm, agg_sh.at[pl.ds(t * RPT, RPT)])
    plsc.subcore_barrier()

    base = c * MROWSP + t * TROWS

    def idx_start(k, s_ref, d_ref, sem):
        r0 = base + 8 * k
        pltpu.async_copy(ei2_hbm.at[pl.ds(r0, 8)], s_ref, sem)
        pltpu.async_copy(ei2_hbm.at[pl.ds(SROWSP + r0, 8)], d_ref, sem)

    def idx_wait(s_ref, d_ref, sem):
        pltpu.make_async_copy(ei2_hbm.at[pl.ds(0, 8)], s_ref, sem).wait()
        pltpu.make_async_copy(ei2_hbm.at[pl.ds(0, 8)], d_ref, sem).wait()

    def g_start(s_ref, j, r_ref, sem):
        pltpu.async_copy(tab_hbm.at[s_ref.at[j]], r_ref, sem)

    def g_wait(s_ref, j, r_ref, sem):
        pltpu.make_async_copy(tab_hbm.at[s_ref.at[j]], r_ref, sem).wait()

    def do_block(k, sC, dC, siC, sN, dN, siN):
        @pl.when(k + 1 < NBLK)
        def _():
            idx_start(k + 1, sN, dN, siN)

        for j in range(8):
            if j % 2 == 0:
                rX, sgX, rY, sgY = rA, sgA, rB, sgB
            else:
                rX, sgX, rY, sgY = rB, sgB, rA, sgA
            g_wait(sC, j, rX, sgX)
            if j < 7:
                g_start(sC, j + 1, rY, sgY)
            else:
                @pl.when(k + 1 < NBLK)
                def _():
                    idx_wait(sN, dN, siN)
                    g_start(sN, 0, rY, sgY)
            pltpu.sync_copy(rX, agg_sh.at[dC.at[j]], add=True)

    idx_start(0, sA, dA, siA)
    idx_wait(sA, dA, siA)
    g_start(sA, 0, rA, sgA)

    @pl.loop(0, NBLK, step=2)
    def _(k):
        do_block(k, sA, dA, siA, sB, dB, siB)
        do_block(k + 1, sB, dB, siB, sA, dA, siA)

    plsc.subcore_barrier()
    pltpu.sync_copy(agg_sh.at[pl.ds(t * RPT, RPT)],
                    out_hbm.at[c, pl.ds(t * RPT, RPT)])


_mp_kernel = pl.kernel(_mp_body, **_MP_KW)


def _bn(x, g, b):
    m = jnp.mean(x, axis=0, keepdims=True)
    v = jnp.mean((x - m) ** 2, axis=0, keepdims=True)
    return g * (x - m) / jnp.sqrt(v + 1e-5) + b


def _norm_scale(deg):
    return lax.rsqrt(jnp.maximum(deg, 1.0))


def _tc1_body(deg2_ref, nf_ref, we_ref, be_ref, wc1_ref, x_out, hs_out):
    ns = _norm_scale(deg2_ref[0][:N])
    x = jnp.dot(nf_ref[...], we_ref[...], preferred_element_type=_f32)
    x = x + be_ref[...]
    x_out[...] = x
    hs_out[:N] = jnp.dot(x, wc1_ref[...], preferred_element_type=_f32) * ns
    hs_out[N:] = jnp.zeros((NP - N, D), _f32)


_tc1 = pl.pallas_call(
    _tc1_body,
    out_shape=[
        jax.ShapeDtypeStruct((N, D), _f32),
        jax.ShapeDtypeStruct((NP, D), _f32),
    ],
)


def _tc2_body(agg_ref, deg2_ref, bc1_ref, g1a, be1a, g1b, be1b, x_ref,
              wc2_ref, h_out, hs_out):
    ns = _norm_scale(deg2_ref[0][:N])
    nd = _norm_scale(deg2_ref[1][:N])
    aggf = agg_ref[0][:N] + agg_ref[1][:N]
    h1 = aggf * nd + bc1_ref[...]
    t = jax.nn.relu(_bn(h1, g1a[...], be1a[...]))
    t = jax.nn.relu(_bn(t, g1b[...], be1b[...]))
    h = x_ref[...] + t
    h_out[...] = h
    hs_out[:N] = jnp.dot(h, wc2_ref[...], preferred_element_type=_f32) * ns
    hs_out[N:] = jnp.zeros((NP - N, D), _f32)


_tc2 = pl.pallas_call(
    _tc2_body,
    out_shape=[
        jax.ShapeDtypeStruct((N, D), _f32),
        jax.ShapeDtypeStruct((NP, D), _f32),
    ],
)


def _tc3_body(agg_ref, deg2_ref, bc2, g2a, be2a, g2b, be2b, xr_ref,
              wout, bout, wci, bci, w3a, b3a, g3a, be3a,
              w3b, b3b, g3b, be3b, wcls, bcls, h3d_out, label_out):
    nd = _norm_scale(deg2_ref[1][:N])
    aggf = agg_ref[0][:N] + agg_ref[1][:N]
    h2 = aggf * nd + bc2[...]
    t = jax.nn.relu(_bn(h2, g2a[...], be2a[...]))
    t = jax.nn.relu(_bn(t, g2b[...], be2b[...]))
    h = xr_ref[...] + t
    h3d = jnp.dot(h, wout[...], preferred_element_type=_f32) + bout[...]
    h3d_out[...] = h3d
    pooled = jnp.mean(h3d, axis=0, keepdims=True)
    cc = jnp.dot(pooled, wci[...], preferred_element_type=_f32) + bci[...]
    z = jnp.dot(cc, w3a[...], preferred_element_type=_f32) + b3a[...]
    t2 = jax.nn.relu(_bn(z, g3a[...], be3a[...]))
    z2 = jnp.dot(t2, w3b[...], preferred_element_type=_f32) + b3b[...]
    t3 = jax.nn.relu(_bn(z2, g3b[...], be3b[...]))
    label_out[...] = jnp.dot(t3, wcls[...], preferred_element_type=_f32) + bcls[...]


_tc3 = pl.pallas_call(
    _tc3_body,
    out_shape=[
        jax.ShapeDtypeStruct((N, 3), _f32),
        jax.ShapeDtypeStruct((1, 60), _f32),
    ],
)


def kernel(node_features, edge_index, W_emb, b_emb, W_c1, b_c1, g_1a, be_1a,
           g_1b, be_1b, W_c2, b_c2, g_2a, be_2a, g_2b, be_2b, W_out, b_out,
           W_ci, b_ci, W_3a, b_3a, g_3a, be_3a, W_3b, b_3b, g_3b, be_3b,
           W_cls, b_cls):
    r = lambda v: v.reshape(1, -1)
    z128 = jnp.zeros((RPT, D), _f32)

    pad = N + (jnp.arange(EP - E, dtype=jnp.int32) % (NP - N))
    ei2p = jnp.concatenate([
        edge_index[0], pad, edge_index[1], pad]).reshape(2 * SROWSP, IW)
    o128 = jnp.ones((IW, D), _f32)
    deg2 = _deg_kernel(ei2p, z128, o128).reshape(NCORE, NP, 1)
    x, hs1 = _tc1(deg2, node_features, W_emb, r(b_emb), W_c1)
    agg1 = _mp_kernel(hs1, ei2p, z128)
    h, hs2 = _tc2(agg1, deg2, r(b_c1), r(g_1a), r(be_1a), r(g_1b), r(be_1b),
                  x, W_c2)
    agg2 = _mp_kernel(hs2, ei2p, z128)
    h3d, label = _tc3(agg2, deg2, r(b_c2), r(g_2a), r(be_2a), r(g_2b),
                      r(be_2b), h, W_out, r(b_out), W_ci, r(b_ci),
                      W_3a, r(b_3a), r(g_3a), r(be_3a),
                      W_3b, r(b_3b), r(g_3b), r(be_3b), W_cls, r(b_cls))
    return (h3d, label)

# --- scband reference (transcript-rebuilt; emitter-appended) ---
"""Pipeline reference for scband-simple-pose-gnn-4183298146474 (READ-ONLY COPY).

The authoritative reference and input builder live on the scoring server;
editing this copy changes nothing except your own understanding.
"""

import jax, jax.numpy as jnp
import numpy as np

N_NODES = 10000
N_EDGES = 320000
D_IN = 128
HID = 128
D_OUT = 3
N_CLASSES = 60


def _glorot(k, shape):
    lim = (6.0 / (shape[0] + shape[1])) ** 0.5
    return jax.random.uniform(k, shape, jnp.float32, -lim, lim)


def setup_inputs(seed: int = 0):
    key = jax.random.key(seed)
    ks = jax.random.split(key, 16)
    inp = {}
    inp["node_features"] = jax.random.normal(ks[0], (N_NODES, D_IN), jnp.float32)
    inp["edge_index"] = jax.random.randint(ks[1], (2, N_EDGES), 0, N_NODES, jnp.int32)
    inp["W_emb"] = _glorot(ks[2], (D_IN, HID)); inp["b_emb"] = jnp.zeros((HID,), jnp.float32)
    inp["W_c1"] = _glorot(ks[3], (HID, HID)); inp["b_c1"] = jnp.zeros((HID,), jnp.float32)
    inp["g_1a"] = jnp.ones((HID,), jnp.float32); inp["be_1a"] = jnp.zeros((HID,), jnp.float32)
    inp["g_1b"] = jnp.ones((HID,), jnp.float32); inp["be_1b"] = jnp.zeros((HID,), jnp.float32)
    inp["W_c2"] = _glorot(ks[4], (HID, HID)); inp["b_c2"] = jnp.zeros((HID,), jnp.float32)
    inp["g_2a"] = jnp.ones((HID,), jnp.float32); inp["be_2a"] = jnp.zeros((HID,), jnp.float32)
    inp["g_2b"] = jnp.ones((HID,), jnp.float32); inp["be_2b"] = jnp.zeros((HID,), jnp.float32)
    inp["W_out"] = _glorot(ks[5], (HID, D_OUT)); inp["b_out"] = jnp.zeros((D_OUT,), jnp.float32)
    inp["W_ci"] = _glorot(ks[6], (D_OUT, HID)); inp["b_ci"] = jnp.zeros((HID,), jnp.float32)
    inp["W_3a"] = _glorot(ks[7], (HID, HID)); inp["b_3a"] = jnp.zeros((HID,), jnp.float32)
    inp["g_3a"] = jnp.ones((HID,), jnp.float32); inp["be_3a"] = jnp.zeros((HID,), jnp.float32)
    inp["W_3b"] = _glorot(ks[8], (HID, HID)); inp["b_3b"] = jnp.zeros((HID,), jnp.float32)
    inp["g_3b"] = jnp.ones((HID,), jnp.float32); inp["be_3b"] = jnp.zeros((HID,), jnp.float32)
    inp["W_cls"] = _glorot(ks[9], (HID, N_CLASSES)); inp["b_cls"] = jnp.zeros((N_CLASSES,), jnp.float32)
    return inp


def _bn(x, g, b):
    m = jnp.mean(x, axis=0, keepdims=True)
    v = jnp.var(x, axis=0, keepdims=True)
    return g * (x - m) / jnp.sqrt(v + 1e-5) + b


def _gconv(x, src, dst, W, b):
    e = jnp.ones((src.shape[0],), x.dtype)
    deg_o = jax.ops.segment_sum(e, src, num_segments=N_NODES)
    deg_i = jax.ops.segment_sum(e, dst, num_segments=N_NODES)
    ns = jnp.where(deg_o > 0, deg_o, 1.0) ** -0.5
    nd = jnp.where(deg_i > 0, deg_i, 1.0) ** -0.5
    h = x @ W
    m = h[src] * ns[src][:, None]
    agg = jax.ops.segment_sum(m, dst, num_segments=N_NODES)
    return agg * nd[:, None] + b


def reference(node_features, edge_index, W_emb, b_emb, W_c1, b_c1, g_1a, be_1a, g_1b, be_1b, W_c2, b_c2, g_2a, be_2a, g_2b, be_2b, W_out, b_out, W_ci, b_ci, W_3a, b_3a, g_3a, be_3a, W_3b, b_3b, g_3b, be_3b, W_cls, b_cls):
    src = edge_index[0]
    dst = edge_index[1]
    x = node_features @ W_emb + b_emb
    h = _gconv(x, src, dst, W_c1, b_c1)
    t = jax.nn.relu(_bn(h, g_1a, be_1a))
    t = jax.nn.relu(_bn(t, g_1b, be_1b))
    h = x + t
    xr = h
    h2 = _gconv(h, src, dst, W_c2, b_c2)
    t = jax.nn.relu(_bn(h2, g_2a, be_2a))
    t = jax.nn.relu(_bn(t, g_2b, be_2b))
    h = xr + t
    h3d = h @ W_out + b_out
    pooled = jnp.mean(h3d, axis=0, keepdims=True)
    c = pooled @ W_ci + b_ci
    c = jax.nn.relu(_bn(c @ W_3a + b_3a, g_3a, be_3a))
    c = jax.nn.relu(_bn(c @ W_3b + b_3b, g_3b, be_3b))
    label = c @ W_cls + b_cls
    return (h3d, label)

if __name__ == "__main__":
    import jax
    _d = setup_inputs()
    print(jax.jit(kernel)(*tuple(_d.values())))

</pallas_src>

<mosaic_0001>
#map = affine_map<(d0, d1) -> (0, 0)>
#map1 = affine_map<(d0, d1) -> (0, 0, 0)>
module attributes {stable_mosaic.version = 14 : i64} {
  func.func @_deg_body(%arg0: i32, %arg1: i32, %arg2: memref<5120x128xi32, #tpu.memory_space<hbm>>, %arg3: memref<640x128xf32, #tpu.memory_space<hbm>>, %arg4: memref<128x128xf32, #tpu.memory_space<hbm>>, %arg5: memref<2x80x128xf32, #tpu.memory_space<hbm>>, %arg6: memref<160x128xi32, #tpu.memory_space<vmem>>, %arg7: memref<80x128xf32, #tpu.memory_space<vmem>>, %arg8: memref<8x128xf32, #tpu.memory_space<vmem>>, %arg9: memref<8x128xf32, #tpu.memory_space<vmem>>, %arg10: memref<16xf32, #tpu.memory_space<vmem>>, %arg11: memref<1280x128xf32, #tpu.memory_space<vmem_shared>>) attributes {dimension_semantics = [#tpu.dimension_semantics<core_parallel>, #tpu.dimension_semantics<subcore_parallel>], iteration_bounds = array<i64: 2, 16>, scalar_prefetch = 0 : i64, scratch_operands = 6 : i64, tpu.core_type = #tpu.core_type<sc_vector_subcore>, window_params = [{transform_indices = #map}, {transform_indices = #map}, {transform_indices = #map}, {transform_indices = #map1}]} {
    "tpu.region"() ({
      %run_scoped3A_12 = tpu.sem_alloc : memref<!tpu.dma_semaphore, #tpu.memory_space<semaphore_mem>>
      %dma_start3A = arith.constant 0 : i32
      %dma_start3A_13 = arith.constant 0 : i32
      %dma_start3A_14 = tpu.memref_slice %arg3[%dma_start3A, %dma_start3A_13] : memref<640x128xf32, #tpu.memory_space<hbm>> -> memref<80x128xf32, #tpu.memory_space<hbm>>
      %dma_start3A_15 = arith.constant 0 : i32
      %dma_start3A_16 = arith.constant 0 : i32
      %dma_start3A_17 = tpu.memref_slice %arg3[%dma_start3A_15, %dma_start3A_16] : memref<640x128xf32, #tpu.memory_space<hbm>> -> memref<80x128xf32, #tpu.memory_space<hbm>>
      tpu.enqueue_dma source(%dma_start3A_17 : memref<80x128xf32, #tpu.memory_space<hbm>>) target(%arg7 : memref<80x128xf32, #tpu.memory_space<vmem>>) target_semaphore(%run_scoped3A_12 : memref<!tpu.dma_semaphore, #tpu.memory_space<semaphore_mem>>)
      %dma_wait3A = arith.constant 0 : i32
      %dma_wait3A_18 = arith.constant 0 : i32
      %dma_wait3A_19 = tpu.memref_slice %arg3[%dma_wait3A, %dma_wait3A_18] : memref<640x128xf32, #tpu.memory_space<hbm>> -> memref<80x128xf32, #tpu.memory_space<hbm>>
      %dma_wait3A_20 = arith.constant 0 : i32
      %dma_wait3A_21 = arith.constant 0 : i32
      %dma_wait3A_22 = tpu.memref_slice %arg3[%dma_wait3A_20, %dma_wait3A_21] : memref<640x128xf32, #tpu.memory_space<hbm>> -> memref<80x128xf32, #tpu.memory_space<hbm>>
      tpu.wait_dma2 semaphore(%run_scoped3A_12 : memref<!tpu.dma_semaphore, #tpu.memory_space<semaphore_mem>>) src(%dma_wait3A_22 : memref<80x128xf32, #tpu.memory_space<hbm>>) dst(%arg7 : memref<80x128xf32, #tpu.memory_space<vmem>>)
      tpu.yield
    }) : () -> ()
    %mul3A = arith.constant 2560 : i32
    %mul3A_0 = arith.muli %arg0, %mul3A : i32
    %mul3A_1 = arith.constant 160 : i32
    %mul3A_2 = arith.muli %arg1, %mul3A_1 : i32
    %add3A = arith.addi %mul3A_0, %mul3A_2 : i32
    "tpu.region"() ({
      %run_scoped3A_12 = tpu.sem_alloc : memref<!tpu.dma_semaphore, #tpu.memory_space<semaphore_mem>>
      %dma_start3A = arith.constant 0 : i32
      %dma_start3A_13 = tpu.memref_slice %arg2[%add3A, %dma_start3A] : memref<5120x128xi32, #tpu.memory_space<hbm>> -> memref<160x128xi32, #tpu.memory_space<hbm>>
      %dma_start3A_14 = arith.constant 0 : i32
      %dma_start3A_15 = tpu.memref_slice %arg2[%add3A, %dma_start3A_14] : memref<5120x128xi32, #tpu.memory_space<hbm>> -> memref<160x128xi32, #tpu.memory_space<hbm>>
      tpu.enqueue_dma source(%dma_start3A_15 : memref<160x128xi32, #tpu.memory_space<hbm>>) target(%arg6 : memref<160x128xi32, #tpu.memory_space<vmem>>) target_semaphore(%run_scoped3A_12 : memref<!tpu.dma_semaphore, #tpu.memory_space<semaphore_mem>>)
      %dma_wait3A = arith.constant 0 : i32
      %dma_wait3A_16 = tpu.memref_slice %arg2[%add3A, %dma_wait3A] : memref<5120x128xi32, #tpu.memory_space<hbm>> -> memref<160x128xi32, #tpu.memory_space<hbm>>
      %dma_wait3A_17 = arith.constant 0 : i32
      %dma_wait3A_18 = tpu.memref_slice %arg2[%add3A, %dma_wait3A_17] : memref<5120x128xi32, #tpu.memory_space<hbm>> -> memref<160x128xi32, #tpu.memory_space<hbm>>
      tpu.wait_dma2 semaphore(%run_scoped3A_12 : memref<!tpu.dma_semaphore, #tpu.memory_space<semaphore_mem>>) src(%dma_wait3A_18 : memref<160x128xi32, #tpu.memory_space<hbm>>) dst(%arg6 : memref<160x128xi32, #tpu.memory_space<vmem>>)
      tpu.yield
    }) : () -> ()
    %run_scoped3A = arith.constant 0 : i32
    "tpu.region"() ({
      %run_scoped3A_12 = tpu.sem_alloc : memref<!tpu.dma_semaphore, #tpu.memory_space<semaphore_mem>>
      %dma_start3A = arith.constant 0 : i32
      %dma_start3A_13 = tpu.memref_slice %arg4[%run_scoped3A, %dma_start3A] : memref<128x128xf32, #tpu.memory_space<hbm>> -> memref<1x16xf32, #tpu.memory_space<hbm>>
      %dma_start3A_14 = tpu.memref_squeeze %dma_start3A_13 : memref<1x16xf32, #tpu.memory_space<hbm>> -> memref<16xf32, #tpu.memory_space<hbm>>
      %dma_start3A_15 = arith.constant 0 : i32
      %dma_start3A_16 = tpu.memref_slice %arg4[%run_scoped3A, %dma_start3A_15] : memref<128x128xf32, #tpu.memory_space<hbm>> -> memref<1x16xf32, #tpu.memory_space<hbm>>
      %dma_start3A_17 = tpu.memref_squeeze %dma_start3A_16 : memref<1x16xf32, #tpu.memory_space<hbm>> -> memref<16xf32, #tpu.memory_space<hbm>>
      tpu.enqueue_dma source(%dma_start3A_17 : memref<16xf32, #tpu.memory_space<hbm>>) target(%arg10 : memref<16xf32, #tpu.memory_space<vmem>>) target_semaphore(%run_scoped3A_12 : memref<!tpu.dma_semaphore, #tpu.memory_space<semaphore_mem>>)
      %dma_wait3A = arith.constant 0 : i32
      %dma_wait3A_18 = tpu.memref_slice %arg4[%run_scoped3A, %dma_wait3A] : memref<128x128xf32, #tpu.memory_space<hbm>> -> memref<1x16xf32, #tpu.memory_space<hbm>>
      %dma_wait3A_19 = tpu.memref_squeeze %dma_wait3A_18 : memref<1x16xf32, #tpu.memory_space<hbm>> -> memref<16xf32, #tpu.memory_space<hbm>>
      %dma_wait3A_20 = arith.constant 0 : i32
      %dma_wait3A_21 = tpu.memref_slice %arg4[%run_scoped3A, %dma_wait3A_20] : memref<128x128xf32, #tpu.memory_space<hbm>> -> memref<1x16xf32, #tpu.memory_space<hbm>>
      %dma_wait3A_22 = tpu.memref_squeeze %dma_wait3A_21 : memref<1x16xf32, #tpu.memory_space<hbm>> -> memref<16xf32, #tpu.memory_space<hbm>>
      tpu.wait_dma2 semaphore(%run_scoped3A_12 : memref<!tpu.dma_semaphore, #tpu.memory_space<semaphore_mem>>) src(%dma_wait3A_22 : memref<16xf32, #tpu.memory_space<hbm>>) dst(%arg10 : memref<16xf32, #tpu.memory_space<vmem>>)
      tpu.yield
    }) : () -> ()
    %get3A = arith.constant 0 : index
    %get3A_3 = tpu.vector_load %arg10[%get3A] {strides = array<i32>} : memref<16xf32, #tpu.memory_space<vmem>>, vector<16xf32>,
    %scan3A = arith.constant 0 : i32
    %scan3A_4 = arith.constant 160 : i32
    %scan3A_5 = arith.addi %scan3A, %scan3A_4 : i32
    %scan3A_6 = arith.constant 1 : i32
    scf.for %scan3A_12 = %scan3A to %scan3A_5 step %scan3A_6  : i32 {
      %mul3A_13 = arith.constant 1 : i32
      %mul3A_14 = arith.muli %scan3A_12, %mul3A_13 : i32
      %add3A_15 = arith.constant 0 : i32
      %add3A_16 = arith.addi %add3A_15, %mul3A_14 : i32
      %get3A_17 = arith.index_cast %add3A_16 : i32 to index
      %get3A_18 = arith.constant 0 : index
      %get3A_19 = tpu.vector_load %arg6[%get3A_17, %get3A_18] {strides = array<i32>} : memref<160x128xi32, #tpu.memory_space<vmem>>, vector<16xi32>,
      %shift_right_logical3A = arith.constant 7 : i32
      %shift_right_logical3A_20 = vector.broadcast %shift_right_logical3A : i32 to vector<16xi32>
      %shift_right_logical3A_21 = arith.shrui %get3A_19, %shift_right_logical3A_20 : vector<16xi32>
      %and3A = arith.constant 127 : i32
      %and3A_22 = vector.broadcast %and3A : i32 to vector<16xi32>
      %and3A_23 = arith.andi %get3A_19, %and3A_22 : vector<16xi32>
      tpu.vector_store_idx %arg7[%shift_right_logical3A_21, %and3A_23], %get3A_3 {add = true} : memref<80x128xf32, #tpu.memory_space<vmem>>[vector<16xi32>, vector<16xi32>], vector<16xf32>,
      %get3A_24 = arith.index_cast %add3A_16 : i32 to index
      %get3A_25 = arith.constant 16 : index
      %get3A_26 = tpu.vector_load %arg6[%get3A_24, %get3A_25] {strides = array<i32>} : memref<160x128xi32, #tpu.memory_space<vmem>>, vector<16xi32>,
      %shift_right_logical3A_27 = arith.constant 7 : i32
      %shift_right_logical3A_28 = vector.broadcast %shift_right_logical3A_27 : i32 to vector<16xi32>
      %shift_right_logical3A_29 = arith.shrui %get3A_26, %shift_right_logical3A_28 : vector<16xi32>
      %and3A_30 = arith.constant 127 : i32
      %and3A_31 = vector.broadcast %and3A_30 : i32 to vector<16xi32>
      %and3A_32 = arith.andi %get3A_26, %and3A_31 : vector<16xi32>
      tpu.vector_store_idx %arg7[%shift_right_logical3A_29, %and3A_32], %get3A_3 {add = true} : memref<80x128xf32, #tpu.memory_space<vmem>>[vector<16xi32>, vector<16xi32>], vector<16xf32>,
      %get3A_33 = arith.index_cast %add3A_16 : i32 to index
      %get3A_34 = arith.constant 32 : index
      %get3A_35 = tpu.vector_load %arg6[%get3A_33, %get3A_34] {strides = array<i32>} : memref<160x128xi32, #tpu.memory_space<vmem>>, vector<16xi32>,
      %shift_right_logical3A_36 = arith.constant 7 : i32
      %shift_right_logical3A_37 = vector.broadcast %shift_right_logical3A_36 : i32 to vector<16xi32>
      %shift_right_logical3A_38 = arith.shrui %get3A_35, %shift_right_logical3A_37 : vector<16xi32>
      %and3A_39 = arith.constant 127 : i32
      %and3A_40 = vector.broadcast %and3A_39 : i32 to vector<16xi32>
      %and3A_41 = arith.andi %get3A_35, %and3A_40 : vector<16xi32>
      tpu.vector_store_idx %arg7[%shift_right_logical3A_38, %and3A_41], %get3A_3 {add = true} : memref<80x128xf32, #tpu.memory_space<vmem>>[vector<16xi32>, vector<16xi32>], vector<16xf32>,
      %get3A_42 = arith.index_cast %add3A_16 : i32 to index
      %get3A_43 = arith.constant 48 : index
      %get3A_44 = tpu.vector_load %arg6[%get3A_42, %get3A_43] {strides = array<i32>} : memref<160x128xi32, #tpu.memory_space<vmem>>, vector<16xi32>,
      %shift_right_logical3A_45 = arith.constant 7 : i32
      %shift_right_logical3A_46 = vector.broadcast %shift_right_logical3A_45 : i32 to vector<16xi32>
      %shift_right_logical3A_47 = arith.shrui %get3A_44, %shift_right_logical3A_46 : vector<16xi32>
      %and3A_48 = arith.constant 127 : i32
      %and3A_49 = vector.broadcast %and3A_48 : i32 to vector<16xi32>
      %and3A_50 = arith.andi %get3A_44, %and3A_49 : vector<16xi32>
      tpu.vector_store_idx %arg7[%shift_right_logical3A_47, %and3A_50], %get3A_3 {add = true} : memref<80x128xf32, #tpu.memory_space<vmem>>[vector<16xi32>, vector<16xi32>], vector<16xf32>,
      %get3A_51 = arith.index_cast %add3A_16 : i32 to index
      %get3A_52 = arith.constant 64 : index
      %get3A_53 = tpu.vector_load %arg6[%get3A_51, %get3A_52] {strides = array<i32>} : memref<160x128xi32, #tpu.memory_space<vmem>>, vector<16xi32>,
      %shift_right_logical3A_54 = arith.constant 7 : i32
      %shift_right_logical3A_55 = vector.broadcast %shift_right_logical3A_54 : i32 to vector<16xi32>
      %shift_right_logical3A_56 = arith.shrui %get3A_53, %shift_right_logical3A_55 : vector<16xi32>
      %and3A_57 = arith.constant 127 : i32
      %and3A_58 = vector.broadcast %and3A_57 : i32 to vector<16xi32>
      %and3A_59 = arith.andi %get3A_53, %and3A_58 : vector<16xi32>
      tpu.vector_store_idx %arg7[%shift_right_logical3A_56, %and3A_59], %get3A_3 {add = true} : memref<80x128xf32, #tpu.memory_space<vmem>>[vector<16xi32>, vector<16xi32>], vector<16xf32>,
      %get3A_60 = arith.index_cast %add3A_16 : i32 to index
      %get3A_61 = arith.constant 80 : index
      %get3A_62 = tpu.vector_load %arg6[%get3A_60, %get3A_61] {strides = array<i32>} : memref<160x128xi32, #tpu.memory_space<vmem>>, vector<16xi32>,
      %shift_right_logical3A_63 = arith.constant 7 : i32
      %shift_right_logical3A_64 = vector.broadcast %shift_right_logical3A_63 : i32 to vector<16xi32>
      %shift_right_logical3A_65 = arith.shrui %get3A_62, %shift_right_logical3A_64 : vector<16xi32>
      %and3A_66 = arith.constant 127 : i32
      %and3A_67 = vector.broadcast %and3A_66 : i32 to vector<16xi32>
      %and3A_68 = arith.andi %get3A_62, %and3A_67 : vector<16xi32>
      tpu.vector_store_idx %arg7[%shift_right_logical3A_65, %and3A_68], %get3A_3 {add = true} : memref<80x128xf32, #tpu.memory_space<vmem>>[vector<16xi32>, vector<16xi32>], vector<16xf32>,
      %get3A_69 = arith.index_cast %add3A_16 : i32 to index
      %get3A_70 = arith.constant 96 : index
      %get3A_71 = tpu.vector_load %arg6[%get3A_69, %get3A_70] {strides = array<i32>} : memref<160x128xi32, #tpu.memory_space<vmem>>, vector<16xi32>,
      %shift_right_logical3A_72 = arith.constant 7 : i32
      %shift_right_logical3A_73 = vector.broadcast %shift_right_logical3A_72 : i32 to vector<16xi32>
      %shift_right_logical3A_74 = arith.shrui %get3A_71, %shift_right_logical3A_73 : vector<16xi32>
      %and3A_75 = arith.constant 127 : i32
      %and3A_76 = vector.broadcast %and3A_75 : i32 to vector<16xi32>
      %and3A_77 = arith.andi %get3A_71, %and3A_76 : vector<16xi32>
      tpu.vector_store_idx %arg7[%shift_right_logical3A_74, %and3A_77], %get3A_3 {add = true} : memref<80x128xf32, #tpu.memory_space<vmem>>[vector<16xi32>, vector<16xi32>], vector<16xf32>,
      %get3A_78 = arith.index_cast %add3A_16 : i32 to index
      %get3A_79 = arith.constant 112 : index
      %get3A_80 = tpu.vector_load %arg6[%get3A_78, %get3A_79] {strides = array<i32>} : memref<160x128xi32, #tpu.memory_space<vmem>>, vector<16xi32>,
      %shift_right_logical3A_81 = arith.constant 7 : i32
      %shift_right_logical3A_82 = vector.broadcast %shift_right_logical3A_81 : i32 to vector<16xi32>
      %shift_right_logical3A_83 = arith.shrui %get3A_80, %shift_right_logical3A_82 : vector<16xi32>
      %and3A_84 = arith.constant 127 : i32
      %and3A_85 = vector.broadcast %and3A_84 : i32 to vector<16xi32>
      %and3A_86 = arith.andi %get3A_80, %and3A_85 : vector<16xi32>
      tpu.vector_store_idx %arg7[%shift_right_logical3A_83, %and3A_86], %get3A_3 {add = true} : memref<80x128xf32, #tpu.memory_space<vmem>>[vector<16xi32>, vector<16xi32>], vector<16xf32>,
    }
    %scan3A_7 = arith.constant 160 : i32
    %mul3A_8 = arith.constant 80 : i32
    %mul3A_9 = arith.muli %arg1, %mul3A_8 : i32
    "tpu.region"() ({
      %run_scoped3A_12 = tpu.sem_alloc : memref<!tpu.dma_semaphore, #tpu.memory_space<semaphore_mem>>
      %dma_start3A = arith.constant 0 : i32
      %dma_start3A_13 = tpu.memref_slice %arg11[%mul3A_9, %dma_start3A] : memref<1280x128xf32, #tpu.memory_space<vmem_shared>> -> memref<80x128xf32, #tpu.memory_space<vmem_shared>>
      %dma_start3A_14 = arith.constant 0 : i32
      %dma_start3A_15 = tpu.memref_slice %arg11[%mul3A_9, %dma_start3A_14] : memref<1280x128xf32, #tpu.memory_space<vmem_shared>> -> memref<80x128xf32, #tpu.memory_space<vmem_shared>>
      tpu.enqueue_dma source(%arg7 : memref<80x128xf32, #tpu.memory_space<vmem>>) target(%dma_start3A_15 : memref<80x128xf32, #tpu.memory_space<vmem_shared>>) target_semaphore(%run_scoped3A_12 : memref<!tpu.dma_semaphore, #tpu.memory_space<semaphore_mem>>)
      %dma_wait3A = arith.constant 0 : i32
      %dma_wait3A_16 = tpu.memref_slice %arg11[%mul3A_9, %dma_wait3A] : memref<1280x128xf32, #tpu.memory_space<vmem_shared>> -> memref<80x128xf32, #tpu.memory_space<vmem_shared>>
      %dma_wait3A_17 = arith.constant 0 : i32
      %dma_wait3A_18 = tpu.memref_slice %arg11[%mul3A_9, %dma_wait3A_17] : memref<1280x128xf32, #tpu.memory_space<vmem_shared>> -> memref<80x128xf32, #tpu.memory_space<vmem_shared>>
      tpu.wait_dma2 semaphore(%run_scoped3A_12 : memref<!tpu.dma_semaphore, #tpu.memory_space<semaphore_mem>>) src(%arg7 : memref<80x128xf32, #tpu.memory_space<vmem>>) dst(%dma_wait3A_18 : memref<80x128xf32, #tpu.memory_space<vmem_shared>>)
      tpu.yield
    }) : () -> ()
    %barrier3A = arith.constant 0 : index
    tpu.barrier barrier_id(%barrier3A)
    %lt3A = arith.constant 10 : i32
    %lt3A_10 = arith.cmpi slt, %arg1, %lt3A : i32
    %convert_element_type3A = arith.extui %lt3A_10 : i1 to i32
    %cond3A = arith.constant 0 : i32
    %cond3A_11 = arith.cmpi ne, %convert_element_type3A, %cond3A : i32
    scf.if %cond3A_11 {
      %mul3A_12 = arith.constant 8 : i32
      %mul3A_13 = arith.muli %arg1, %mul3A_12 : i32
      "tpu.region"() ({
        %run_scoped3A_21 = tpu.sem_alloc : memref<!tpu.dma_semaphore, #tpu.memory_space<semaphore_mem>>
        %dma_start3A = arith.constant 0 : i32
        %dma_start3A_22 = tpu.memref_slice %arg11[%mul3A_13, %dma_start3A] : memref<1280x128xf32, #tpu.memory_space<vmem_shared>> -> memref<8x128xf32, #tpu.memory_space<vmem_shared>>
        %dma_start3A_23 = arith.constant 0 : i32
        %dma_start3A_24 = tpu.memref_slice %arg11[%mul3A_13, %dma_start3A_23] : memref<1280x128xf32, #tpu.memory_space<vmem_shared>> -> memref<8x128xf32, #tpu.memory_space<vmem_shared>>
        tpu.enqueue_dma source(%dma_start3A_24 : memref<8x128xf32, #tpu.memory_space<vmem_shared>>) target(%arg8 : memref<8x128xf32, #tpu.memory_space<vmem>>) target_semaphore(%run_scoped3A_21 : memref<!tpu.dma_semaphore, #tpu.memory_space<semaphore_mem>>)
        %dma_wait3A = arith.constant 0 : i32
        %dma_wait3A_25 = tpu.memref_slice %arg11[%mul3A_13, %dma_wait3A] : memref<1280x128xf32, #tpu.memory_space<vmem_shared>> -> memref<8x128xf32, #tpu.memory_space<vmem_shared>>
        %dma_wait3A_26 = arith.constant 0 : i32
        %dma_wait3A_27 = tpu.memref_slice %arg11[%mul3A_13, %dma_wait3A_26] : memref<1280x128xf32, #tpu.memory_space<vmem_shared>> -> memref<8x128xf32, #tpu.memory_space<vmem_shared>>
        tpu.wait_dma2 semaphore(%run_scoped3A_21 : memref<!tpu.dma_semaphore, #tpu.memory_space<semaphore_mem>>) src(%dma_wait3A_27 : memref<8x128xf32, #tpu.memory_space<vmem_shared>>) dst(%arg8 : memref<8x128xf32, #tpu.memory_space<vmem>>)
        tpu.yield
      }) : () -> ()
      %scan3A_14 = arith.constant 0 : i32
      %scan3A_15 = arith.constant 15 : i32
      %scan3A_16 = arith.addi %scan3A_14, %scan3A_15 : i32
      %scan3A_17 = arith.constant 1 : i32
      scf.for %scan3A_21 = %scan3A_14 to %scan3A_16 step %scan3A_17  : i32 {
        %mul3A_22 = arith.constant 1 : i32
        %mul3A_23 = arith.muli %scan3A_21, %mul3A_22 : i32
        %add3A_24 = arith.constant 1 : i32
        %add3A_25 = arith.addi %add3A_24, %mul3A_23 : i32
        %mul3A_26 = arith.constant 80 : i32
        %mul3A_27 = arith.muli %add3A_25, %mul3A_26 : i32
        %mul3A_28 = arith.constant 8 : i32
        %mul3A_29 = arith.muli %arg1, %mul3A_28 : i32
        %add3A_30 = arith.addi %mul3A_27, %mul3A_29 : i32
        "tpu.region"() ({
          %run_scoped3A_862 = tpu.sem_alloc : memref<!tpu.dma_semaphore, #tpu.memory_space<semaphore_mem>>
          %dma_start3A = arith.constant 0 : i32
          %dma_start3A_863 = tpu.memref_slice %arg11[%add3A_30, %dma_start3A] : memref<1280x128xf32, #tpu.memory_space<vmem_shared>> -> memref<8x128xf32, #tpu.memory_space<vmem_shared>>
          %dma_start3A_864 = arith.constant 0 : i32
          %dma_start3A_865 = tpu.memref_slice %arg11[%add3A_30, %dma_start3A_864] : memref<1280x128xf32, #tpu.memory_space<vmem_shared>> -> memref<8x128xf32, #tpu.memory_space<vmem_shared>>
          tpu.enqueue_dma source(%dma_start3A_865 : memref<8x128xf32, #tpu.memory_space<vmem_shared>>) target(%arg9 : memref<8x128xf32, #tpu.memory_space<vmem>>) target_semaphore(%run_scoped3A_862 : memref<!tpu.dma_semaphore, #tpu.memory_space<semaphore_mem>>)
          %dma_wait3A = arith.constant 0 : i32
          %dma_wait3A_866 = tpu.memref_slice %arg11[%add3A_30, %dma_wait3A] : memref<1280x128xf32, #tpu.memory_space<vmem_shared>> -> memref<8x128xf32, #tpu.memory_space<vmem_shared>>
          %dma_wait3A_867 = arith.constant 0 : i32
          %dma_wait3A_868 = tpu.memref_slice %arg11[%add3A_30, %dma_wait3A_867] : memref<1280x128xf32, #tpu.memory_space<vmem_shared>> -> memref<8x128xf32, #tpu.memory_space<vmem_shared>>
          tpu.wait_dma2 semaphore(%run_scoped3A_862 : memref<!tpu.dma_semaphore, #tpu.memory_space<semaphore_mem>>) src(%dma_wait3A_868 : memref<8x128xf32, #tpu.memory_space<vmem_shared>>) dst(%arg9 : memref<8x128xf32, #tpu.memory_space<vmem>>)
          tpu.yield
        }) : () -> ()
        %get3A_31 = arith.constant 0 : i32
        %get3A_32 = arith.index_cast %get3A_31 : i32 to index
        %get3A_33 = arith.constant 0 : index
        %get3A_34 = tpu.vector_load %arg8[%get3A_32, %get3A_33] {strides = array<i32>} : memref<8x128xf32, #tpu.memory_space<vmem>>, vector<16xf32>,
        %get3A_35 = arith.constant 0 : i32
        %get3A_36 = arith.index_cast %get3A_35 : i32 to index
        %get3A_37 = arith.constant 0 : index
        %get3A_38 = tpu.vector_load %arg9[%get3A_36, %get3A_37] {strides = array<i32>} : memref<8x128xf32, #tpu.memory_space<vmem>>, vector<16xf32>,
        %add3A_39 = arith.addf %get3A_34, %get3A_38 : vector<16xf32>
        %swap3A = arith.constant 0 : i32
        %swap3A_40 = arith.index_cast %swap3A : i32 to index
        %swap3A_41 = arith.constant 0 : index
        %swap3A_42 = tpu.vector_load %arg8[%swap3A_40, %swap3A_41] {strides = array<i32>} : memref<8x128xf32, #tpu.memory_space<vmem>>, vector<16xf32>,
        tpu.vector_store %arg8[%swap3A_40, %swap3A_41], %add3A_39 {strides = array<i32>} : memref<8x128xf32, #tpu.memory_space<vmem>>, vector<16xf32>,
        %get3A_43 = arith.constant 0 : i32
        %get3A_44 = arith.index_cast %get3A_43 : i32 to index
        %get3A_45 = arith.constant 16 : index
        %get3A_46 = tpu.vector_load %arg8[%get3A_44, %get3A_45] {strides = array<i32>} : memref<8x128xf32, #tpu.memory_space<vmem>>, vector<16xf32>,
        %get3A_47 = arith.constant 0 : i32
        %get3A_48 = arith.index_cast %get3A_47 : i32 to index
        %get3A_49 = arith.constant 16 : index
        %get3A_50 = tpu.vector_load %arg9[%get3A_48, %get3A_49] {strides = array<i32>} : memref<8x128xf32, #tpu.memory_space<vmem>>, vector<16xf32>,
        %add3A_51 = arith.addf %get3A_46, %get3A_50 : vector<16xf32>
        %swap3A_52 = arith.constant 0 : i32
        %swap3A_53 = arith.index_cast %swap3A_52 : i32 to index
        %swap3A_54 = arith.constant 16 : index
        %swap3A_55 = tpu.vector_load %arg8[%swap3A_53, %swap3A_54] {strides = array<i32>} : memref<8x128xf32, #tpu.memory_space<vmem>>, vector<16xf32>,
        tpu.vector_store %arg8[%swap3A_53, %swap3A_54], %add3A_51 {strides = array<i32>} : memref<8x128xf32, #tpu.memory_space<vmem>>, vector<16xf32>,
        %get3A_56 = arith.constant 0 : i32
        %get3A_57 = arith.index_cast %get3A_56 : i32 to index
        %get3A_58 = arith.constant 32 : index
        %get3A_59 = tpu.vector_load %arg8[%get3A_57, %get3A_58] {strides = array<i32>} : memref<8x128xf32, #tpu.memory_space<vmem>>, vector<16xf32>,
        %get3A_60 = arith.constant 0 : i32
        %get3A_61 = arith.index_cast %get3A_60 : i32 to index
        %get3A_62 = arith.constant 32 : index
        %get3A_63 = tpu.vector_load %arg9[%get3A_61, %get3A_62] {strides = array<i32>} : memref<8x128xf32, #tpu.memory_space<vmem>>, vector<16xf32>,
        %add3A_64 = arith.addf %get3A_59, %get3A_63 : vector<16xf32>
        %swap3A_65 = arith.constant 0 : i32
        %swap3A_66 = arith.index_cast %swap3A_65 : i32 to index
        %swap3A_67 = arith.constant 32 : index
        %swap3A_68 = tpu.vector_load %arg8[%swap3A_66, %swap3A_67] {strides = array<i32>} : memref<8x128xf32, #tpu.memory_space<vmem>>, vector<16xf32>,
        tpu.vector_store %arg8[%swap3A_66, %swap3A_67], %add3A_64 {strides = array<i32>} : memref<8x128xf32, #tpu.memory_space<vmem>>, vector<16xf32>,
        %get3A_69 = arith.constant 0 : i32
        %get3A_70 = arith.index_cast %get3A_69 : i32 to index
        %get3A_71 = arith.constant 48 : index
        %get3A_72 = tpu.vector_load %arg8[%get3A_70, %get3A_71] {strides = array<i32>} : memref<8x128xf32, #tpu.memory_space<vmem>>, vector<16xf32>,
        %get3A_73 = arith.constant 0 : i32
        %get3A_74 = arith.index_cast %get3A_73 : i32 to index
        %get3A_75 = arith.constant 48 : index
        %get3A_76 = tpu.vector_load %arg9[%get3A_74, %get3A_75] {strides = array<i32>} : memref<8x128xf32, #tpu.memory_space<vmem>>, vector<16xf32>,
        %add3A_77 = arith.addf %get3A_72, %get3A_76 : vector<16xf32>
        %swap3A_78 = arith.constant 0 : i32
        %swap3A_79 = arith.index_cast %swap3A_78 : i32 to index
        %swap3A_80 = arith.constant 48 : index
        %swap3A_81 = tpu.vector_load %arg8[%swap3A_79, %swap3A_80] {strides = array<i32>} : memref<8x128xf32, #tpu.memory_space<vmem>>, vector<16xf32>,
        tpu.vector_store %arg8[%swap3A_79, %swap3A_80], %add3A_77 {strides = array<i32>} : memref<8x128xf32, #tpu.memory_space<vmem>>, vector<16xf32>,
        %get3A_82 = arith.constant 0 : i32
        %get3A_83 = arith.index_cast %get3A_82 : i32 to index
        %get3A_84 = arith.constant 64 : index
        %get3A_85 = tpu.vector_load %arg8[%get3A_83, %get3A_84] {strides = array<i32>} : memref<8x128xf32, #tpu.memory_space<vmem>>, vector<16xf32>,
        %get3A_86 = arith.constant 0 : i32
        %get3A_87 = arith.index_cast %get3A_86 : i32 to index
        %get3A_88 = arith.constant 64 : index
        %get3A_89 = tpu.vector_load %arg9[%get3A_87, %get3A_88] {strides = array<i32>} : memref<8x128xf32, #tpu.memory_space<vmem>>, vector<16xf32>,
        %add3A_90 = arith.addf %get3A_85, %get3A_89 : vector<16xf32>
        %swap3A_91 = arith.constant 0 : i32
        %swap3A_92 = arith.index_cast %swap3A_91 : i32 to index
        %swap3A_93 = arith.constant 64 : index
        %swap3A_94 = tpu.vector_load %arg8[%swap3A_92, %swap3A_93] {strides = array<i32>} : memref<8x128xf32, #tpu.memory_space<vmem>>, vector<16xf32>,
        tpu.vector_store %arg8[%swap3A_92, %swap3A_93], %add3A_90 {strides = array<i32>} : memref<8x128xf32, #tpu.memory_space<vmem>>, vector<16xf32>,
        %get3A_95 = arith.constant 0 : i32
        %get3A_96 = arith.index_cast %get3A_95 : i32 to index
        %get3A_97 = arith.constant 80 : index
        %get3A_98 = tpu.vector_load %arg8[%get3A_96, %get3A_97] {strides = array<i32>} : memref<8x128xf32, #tpu.memory_space<vmem>>, vector<16xf32>,
        %get3A_99 = arith.constant 0 : i32
        %get3A_100 = arith.index_cast %get3A_99 : i32 to index
        %get3A_101 = arith.constant 80 : index
        %get3A_102 = tpu.vector_load %arg9[%get3A_100, %get3A_101] {strides = array<i32>} : memref<8x128xf32, #tpu.memory_space<vmem>>, vector<16xf32>,
        %add3A_103 = arith.addf %get3A_98, %get3A_102 : vector<16xf32>
        %swap3A_104 = arith.constant 0 : i32
        %swap3A_105 = arith.index_cast %swap3A_104 : i32 to index
        %swap3A_106 = arith.constant 80 : index
        %swap3A_107 = tpu.vector_load %arg8[%swap3A_105, %swap3A_106] {strides = array<i32>} : memref<8x128xf32, #tpu.memory_space<vmem>>, vector<16xf32>,
        tpu.vector_store %arg8[%swap3A_105, %swap3A_106], %add3A_103 {strides = array<i32>} : memref<8x128xf32, #tpu.memory_space<vmem>>, vector<16xf32>,
        %get3A_108 = arith.constant 0 : i32
        %get3A_109 = arith.index_cast %get3A_108 : i32 to index
        %get3A_110 = arith.constant 96 : index
        %get3A_111 = tpu.vector_load %arg8[%get3A_109, %get3A_110] {strides = array<i32>} : memref<8x128xf32, #tpu.memory_space<vmem>>, vector<16xf32>,
        %get3A_112 = arith.constant 0 : i32
        %get3A_113 = arith.index_cast %get3A_112 : i32 to index
        %get3A_114 = arith.constant 96 : index
        %get3A_115 = tpu.vector_load %arg9[%get3A_113, %get3A_114] {strides = array<i32>} : memref<8x128xf32, #tpu.memory_space<vmem>>, vector<16xf32>,
        %add3A_116 = arith.addf %get3A_111, %get3A_115 : vector<16xf32>
        %swap3A_117 = arith.constant 0 : i32
        %swap3A_118 = arith.index_cast %swap3A_117 : i32 to index
        %swap3A_119 = arith.constant 96 : index
        %swap3A_120 = tpu.vector_load %arg8[%swap3A_118, %swap3A_119] {strides = array<i32>} : memref<8x128xf32, #tpu.memory_space<vmem>>, vector<16xf32>,
        tpu.vector_store %arg8[%swap3A_118, %swap3A_119], %add3A_116 {strides = array<i32>} : memref<8x128xf32, #tpu.memory_space<vmem>>, vector<16xf32>,
        %get3A_121 = arith.constant 0 : i32
        %get3A_122 = arith.index_cast %get3A_121 : i32 to index
        %get3A_123 = arith.constant 112 : index
        %get3A_124 = tpu.vector_load %arg8[%get3A_122, %get3A_123] {strides = array<i32>} : memref<8x128xf32, #tpu.memory_space<vmem>>, vector<16xf32>,
        %get3A_125 = arith.constant 0 : i32
        %get3A_126 = arith.index_cast %get3A_125 : i32 to index
        %get3A_127 = arith.constant 112 : index
        %get3A_128 = tpu.vector_load %arg9[%get3A_126, %get3A_127] {strides = array<i32>} : memref<8x128xf32, #tpu.memory_space<vmem>>, vector<16xf32>,
        %add3A_129 = arith.addf %get3A_124, %get3A_128 : vector<16xf32>
        %swap3A_130 = arith.constant 0 : i32
        %swap3A_131 = arith.index_cast %swap3A_130 : i32 to index
        %swap3A_132 = arith.constant 112 : index
        %swap3A_133 = tpu.vector_load %arg8[%swap3A_131, %swap3A_132] {strides = array<i32>} : memref<8x128xf32, #tpu.memory_space<vmem>>, vector<16xf32>,
        tpu.vector_store %arg8[%swap3A_131, %swap3A_132], %add3A_129 {strides = array<i32>} : memref<8x128xf32, #tpu.memory_space<vmem>>, vector<16xf32>,
        %get3A_134 = arith.constant 1 : i32
        %get3A_135 = arith.index_cast %get3A_134 : i32 to index
        %get3A_136 = arith.constant 0 : index
        %get3A_137 = tpu.vector_load %arg8[%get3A_135, %get3A_136] {strides = array<i32>} : memref<8x128xf32, #tpu.memory_space<vmem>>, vector<16xf32>,
        %get3A_138 = arith.constant 1 : i32
        %get3A_139 = arith.index_cast %get3A_138 : i32 to index
        %get3A_140 = arith.constant 0 : index
        %get3A_141 = tpu.vector_load %arg9[%get3A_139, %get3A_140] {strides = array<i32>} : memref<8x128xf32, #tpu.memory_space<vmem>>, vector<16xf32>,
        %add3A_142 = arith.addf %get3A_137, %get3A_141 : vector<16xf32>
        %swap3A_143 = arith.constant 1 : i32
        %swap3A_144 = arith.index_cast %swap3A_143 : i32 to index
        %swap3A_145 = arith.constant 0 : index
        %swap3A_146 = tpu.vector_load %arg8[%swap3A_144, %swap3A_145] {strides = array<i32>} : memref<8x128xf32, #tpu.memory_space<vmem>>, vector<16xf32>,
        tpu.vector_store %arg8[%swap3A_144, %swap3A_145], %add3A_142 {strides = array<i32>} : memref<8x128xf32, #tpu.memory_space<vmem>>, vector<16xf32>,
        %get3A_147 = arith.constant 1 : i32
        %get3A_148 = arith.index_cast %get3A_147 : i32 to index
        %get3A_149 = arith.constant 16 : index
        %get3A_150 = tpu.vector_load %arg8[%get3A_148, %get3A_149] {strides = array<i32>} : memref<8x128xf32, #tpu.memory_space<vmem>>, vector<16xf32>,
        %get3A_151 = arith.constant 1 : i32
        %get3A_152 = arith.index_cast %get3A_151 : i32 to index
        %get3A_153 = arith.constant 16 : index
        %get3A_154 = tpu.vector_load %arg9[%get3A_152, %get3A_153] {strides = array<i32>} : memref<8x128xf32, #tpu.memory_space<vmem>>, vector<16xf32>,
        %add3A_155 = arith.addf %get3A_150, %get3A_154 : vector<16xf32>
        %swap3A_156 = arith.constant 1 : i32
        %swap3A_157 = arith.index_cast %swap3A_156 : i32 to index
        %swap3A_158 = arith.constant 16 : index
        %swap3A_159 = tpu.vector_load %arg8[%swap3A_157, %swap3A_158] {strides = array<i32>} : memref<8x128xf32, #tpu.memory_space<vmem>>, vector<16xf32>,
        tpu.vector_store %arg8[%swap3A_157, %swap3A_158], %add3A_155 {strides = array<i32>} : memref<8x128xf32, #tpu.memory_space<vmem>>, vector<16xf32>,
        %get3A_160 = arith.constant 1 : i32
        %get3A_161 = arith.index_cast %get3A_160 : i32 to index
        %get3A_162 = arith.constant 32 : index
        %get3A_163 = tpu.vector_load %arg8[%get3A_161, %get3A_162] {strides = array<i32>} : memref<8x128xf32, #tpu.memory_space<vmem>>, vector<16xf32>,
        %get3A_164 = arith.constant 1 : i32
        %get3A_165 = arith.index_cast %get3A_164 : i32 to index
        %get3A_166 = arith.constant 32 : index
        %get3A_167 = tpu.vector_load %arg9[%get3A_165, %get3A_166] {strides = array<i32>} : memref<8x128xf32, #tpu.memory_space<vmem>>, vector<16xf32>,
        %add3A_168 = arith.addf %get3A_163, %get3A_167 : vector<16xf32>
        %swap3A_169 = arith.constant 1 : i32
        %swap3A_170 = arith.index_cast %swap3A_169 : i32 to index
        %swap3A_171 = arith.constant 32 : index
        %swap3A_172 = tpu.vector_load %arg8[%swap3A_170, %swap3A_171] {strides = array<i32>} : memref<8x128xf32, #tpu.memory_space<vmem>>, vector<16xf32>,
        tpu.vector_store %arg8[%swap3A_170, %swap3A_171], %add3A_168 {strides = array<i32>} : memref<8x128xf32, #tpu.memory_space<vmem>>, vector<16xf32>,
        %get3A_173 = arith.constant 1 : i32
        %get3A_174 = arith.index_cast %get3A_173 : i32 to index
        %get3A_175 = arith.constant 48 : index
        %get3A_176 = tpu.vector_load %arg8[%get3A_174, %get3A_175] {strides = array<i32>} : memref<8x128xf32, #tpu.memory_space<vmem>>, vector<16xf32>,
        %get3A_177 = arith.constant 1 : i32
        %get3A_178 = arith.index_cast %get3A_177 : i32 to index
        %get3A_179 = arith.constant 48 : index
        %get3A_180 = tpu.vector_load %arg9[%get3A_178, %get3A_179] {strides = array<i32>} : memref<8x128xf32, #tpu.memory_space<vmem>>, vector<16xf32>,
        %add3A_181 = arith.addf %get3A_176, %get3A_180 : vector<16xf32>
        %swap3A_182 = arith.constant 1 : i32
        %swap3A_183 = arith.index_cast %swap3A_182 : i32 to index
        %swap3A_184 = arith.constant 48 : index
        %swap3A_185 = tpu.vector_load %arg8[%swap3A_183, %swap3A_184] {strides = array<i32>} : memref<8x128xf32, #tpu.memory_space<vmem>>, vector<16xf32>,
        tpu.vector_store %arg8[%swap3A_183, %swap3A_184], %add3A_181 {strides = array<i32>} : memref<8x128xf32, #tpu.memory_space<vmem>>, vector<16xf32>,
        %get3A_186 = arith.constant 1 : i32
        %get3A_187 = arith.index_cast %get3A_186 : i32 to index
        %get3A_188 = arith.constant 64 : index
        %get3A_189 = tpu.vector_load %arg8[%get3A_187, %get3A_188] {strides = array<i32>} : memref<8x128xf32, #tpu.memory_space<vmem>>, vector<16xf32>,
        %get3A_190 = arith.constant 1 : i32
        %get3A_191 = arith.index_cast %get3A_190 : i32 to index
        %get3A_192 = arith.constant 64 : index
        %get3A_193 = tpu.vector_load %arg9[%get3A_191, %get3A_192] {strides = array<i32>} : memref<8x128xf32, #tpu.memory_space<vmem>>, vector<16xf32>,
        %add3A_194 = arith.addf %get3A_189, %get3A_193 : vector<16xf32>
        %swap3A_195 = arith.constant 1 : i32
        %swap3A_196 = arith.index_cast %swap3A_195 : i32 to index
        %swap3A_197 = arith.constant 64 : index
        %swap3A_198 = tpu.vector_load %arg8[%swap3A_196, %swap3A_197] {strides = array<i32>} : memref<8x128xf32, #tpu.memory_space<vmem>>, vector<16xf32>,
        tpu.vector_store %arg8[%swap3A_196, %swap3A_197], %add3A_194 {strides = array<i32>} : memref<8x128xf32, #tpu.memory_space<vmem>>, vector<16xf32>,
        %get3A_199 = arith.constant 1 : i32
        %get3A_200 = arith.index_cast %get3A_199 : i32 to index
        %get3A_201 = arith.constant 80 : index
        %get3A_202 = tpu.vector_load %arg8[%get3A_200, %get3A_201] {strides = array<i32>} : memref<8x128xf32, #tpu.memory_space<vmem>>, vector<16xf32>,
        %get3A_203 = arith.constant 1 : i32
        %get3A_204 = arith.index_cast %get3A_203 : i32 to index
        %get3A_205 = arith.constant 80 : index
        %get3A_206 = tpu.vector_load %arg9[%get3A_204, %get3A_205] {strides = array<i32>} : memref<8x128xf32, #tpu.memory_space<vmem>>, vector<16xf32>,
        %add3A_207 = arith.addf %get3A_202, %get3A_206 : vector<16xf32>
        %swap3A_208 = arith.constant 1 : i32
        %swap3A_209 = arith.index_cast %swap3A_208 : i32 to index
        %swap3A_210 = arith.constant 80 : index
        %swap3A_211 = tpu.vector_load %arg8[%swap3A_209, %swap3A_210] {strides = array<i32>} : memref<8x128xf32, #tpu.memory_space<vmem>>, vector<16xf32>,
        tpu.vector_store %arg8[%swap3A_209, %swap3A_210], %add3A_207 {strides = array<i32>} : memref<8x128xf32, #tpu.memory_space<vmem>>, vector<16xf32>,
        %get3A_212 = arith.constant 1 : i32
        %get3A_213 = arith.index_cast %get3A_212 : i32 to index
        %get3A_214 = arith.constant 96 : index
        %get3A_215 = tpu.vector_load %arg8[%get3A_213, %get3A_214] {strides = array<i32>} : memref<8x128xf32, #tpu.memory_space<vmem>>, vector<16xf32>,
        %get3A_216 = arith.constant 1 : i32
        %get3A_217 = arith.index_cast %get3A_216 : i32 to index
        %get3A_218 = arith.constant 96 : index
        %get3A_219 = tpu.vector_load %arg9[%get3A_217, %get3A_218] {strides = array<i32>} : memref<8x128xf32, #tpu.memory_space<vmem>>, vector<16xf32>,
        %add3A_220 = arith.addf %get3A_215, %get3A_219 : vector<16xf32>
        %swap3A_221 = arith.constant 1 : i32
        %swap3A_222 = arith.index_cast %swap3A_221 : i32 to index
        %swap3A_223 = arith.constant 96 : index
        %swap3A_224 = tpu.vector_load %arg8[%swap3A_222, %swap3A_223] {strides = array<i32>} : memref<8x128xf32, #tpu.memory_space<vmem>>, vector<16xf32>,
        tpu.vector_store %arg8[%swap3A_222, %swap3A_223], %add3A_220 {strides = array<i32>} : memref<8x128xf32, #tpu.memory_space<vmem>>, vector<16xf32>,
        %get3A_225 = arith.constant 1 : i32
        %get3A_226 = arith.index_cast %get3A_225 : i32 to index
        %get3A_227 = arith.constant 112 : index
        %get3A_228 = tpu.vector_load %arg8[%get3A_226, %get3A_227] {strides = array<i32>} : memref<8x128xf32, #tpu.memory_space<vmem>>, vector<16xf32>,
        %get3A_229 = arith.constant 1 : i32
        %get3A_230 = arith.index_cast %get3A_229 : i32 to index
        %get3A_231 = arith.constant 112 : index
        %get3A_232 = tpu.vector_load %arg9[%get3A_230, %get3A_231] {strides = array<i32>} : memref<8x128xf32, #tpu.memory_space<vmem>>, vector<16xf32>,
        %add3A_233 = arith.addf %get3A_228, %get3A_232 : vector<16xf32>
        %swap3A_234 = arith.constant 1 : i32
        %swap3A_235 = arith.index_cast %swap3A_234 : i32 to index
        %swap3A_236 = arith.constant 112 : index
        %swap3A_237 = tpu.vector_load %arg8[%swap3A_235, %swap3A_236] {strides = array<i32>} : memref<8x128xf32, #tpu.memory_space<vmem>>, vector<16xf32>,
        tpu.vector_store %arg8[%swap3A_235, %swap3A_236], %add3A_233 {strides = array<i32>} : memref<8x128xf32, #tpu.memory_space<vmem>>, vector<16xf32>,
        %get3A_238 = arith.constant 2 : i32
        %get3A_239 = arith.index_cast %get3A_238 : i32 to index
        %get3A_240 = arith.constant 0 : index
        %get3A_241 = tpu.vector_load %arg8[%get3A_239, %get3A_240] {strides = array<i32>} : memref<8x128xf32, #tpu.memory_space<vmem>>, vector<16xf32>,
        %get3A_242 = arith.constant 2 : i32
        %get3A_243 = arith.index_cast %get3A_242 : i32 to index
        %get3A_244 = arith.constant 0 : index
        %get3A_245 = tpu.vector_load %arg9[%get3A_243, %get3A_244] {strides = array<i32>} : memref<8x128xf32, #tpu.memory_space<vmem>>, vector<16xf32>,
        %add3A_246 = arith.addf %get3A_241, %get3A_245 : vector<16xf32>
        %swap3A_247 = arith.constant 2 : i32
        %swap3A_248 = arith.index_cast %swap3A_247 : i32 to index
        %swap3A_249 = arith.constant 0 : index
        %swap3A_250 = tpu.vector_load %arg8[%swap3A_248, %swap3A_249] {strides = array<i32>} : memref<8x128xf32, #tpu.memory_space<vmem>>, vector<16xf32>,
        tpu.vector_store %arg8[%swap3A_248, %swap3A_249], %add3A_246 {strides = array<i32>} : memref<8x128xf32, #tpu.memory_space<vmem>>, vector<16xf32>,
        %get3A_251 = arith.constant 2 : i32
        %get3A_252 = arith.index_cast %get3A_251 : i32 to index
        %get3A_253 = arith.constant 16 : index
        %get3A_254 = tpu.vector_load %arg8[%get3A_252, %get3A_253] {strides = array<i32>} : memref<8x128xf32, #tpu.memory_space<vmem>>, vector<16xf32>,
        %get3A_255 = arith.constant 2 : i32
        %get3A_256 = arith.index_cast %get3A_255 : i32 to index
        %get3A_257 = arith.constant 16 : index
        %get3A_258 = tpu.vector_load %arg9[%get3A_256, %get3A_257] {strides = array<i32>} : memref<8x128xf32, #tpu.memory_space<vmem>>, vector<16xf32>,
        %add3A_259 = arith.addf %get3A_254, %get3A_258 : vector<16xf32>
        %swap3A_260 = arith.constant 2 : i32
        %swap3A_261 = arith.index_cast %swap3A_260 : i32 to index
        %swap3A_262 = arith.constant 16 : index
        %swap3A_263 = tpu.vector_load %arg8[%swap3A_261, %swap3A_262] {strides = array<i32>} : memref<8x128xf32, #tpu.memory_space<vmem>>, vector<16xf32>,
        tpu.vector_store %arg8[%swap3A_261, %swap3A_262], %add3A_259 {strides = array<i32>} : memref<8x128xf32, #tpu.memory_space<vmem>>, vector<16xf32>,
        %get3A_264 = arith.constant 2 : i32
        %get3A_265 = arith.index_cast %get3A_264 : i32 to index
        %get3A_266 = arith.constant 32 : index
        %get3A_267 = tpu.vector_load %arg8[%get3A_265, %get3A_266] {strides = array<i32>} : memref<8x128xf32, #tpu.memory_space<vmem>>, vector<16xf32>,
        %get3A_268 = arith.constant 2 : i32
        %get3A_269 = arith.index_cast %get3A_268 : i32 to index
        %get3A_270 = arith.constant 32 : index
        %get3A_271 = tpu.vector_load %arg9[%get3A_269, %get3A_270] {strides = array<i32>} : memref<8x128xf32, #tpu.memory_space<vmem>>, vector<16xf32>,
        %add3A_272 = arith.addf %get3A_267, %get3A_271 : vector<16xf32>
        %swap3A_273 = arith.constant 2 : i32
        %swap3A_274 = arith.index_cast %swap3A_273 : i32 to index
        %swap3A_275 = arith.constant 32 : index
        %swap3A_276 = tpu.vector_load %arg8[%swap3A_274, %swap3A_275] {strides = array<i32>} : memref<8x128xf32, #tpu.memory_space<vmem>>, vector<16xf32>,
        tpu.vector_store %arg8[%swap3A_274, %swap3A_275], %add3A_272 {strides = array<i32>} : memref<8x128xf32, #tpu.memory_space<vmem>>, vector<16xf32>,
        %get3A_277 = arith.constant 2 : i32
        %get3A_278 = arith.index_cast %get3A_277 : i32 to index
        %get3A_279 = arith.constant 48 : index
        %get3A_280 = tpu.vector_load %arg8[%get3A_278, %get3A_279] {strides = array<i32>} : memref<8x128xf32, #tpu.memory_space<vmem>>, vector<16xf32>,
        %get3A_281 = arith.constant 2 : i32
        %get3A_282 = arith.index_cast %get3A_281 : i32 to index
        %get3A_283 = arith.constant 48 : index
        %get3A_284 = tpu.vector_load %arg9[%get3A_282, %get3A_283] {strides = array<i32>} : memref<8x128xf32, #tpu.memory_space<vmem>>, vector<16xf32>,
        %add3A_285 = arith.addf %get3A_280, %get3A_284 : vector<16xf32>
        %swap3A_286 = arith.constant 2 : i32
        %swap3A_287 = arith.index_cast %swap3A_286 : i32 to index
        %swap3A_288 = arith.constant 48 : index
        %swap3A_289 = tpu.vector_load %arg8[%swap3A_287, %swap3A_288] {strides = array<i32>} : memref<8x128xf32, #tpu.memory_space<vmem>>, vector<16xf32>,
        tpu.vector_store %arg8[%swap3A_287, %swap3A_288], %add3A_285 {strides = array<i32>} : memref<8x128xf32, #tpu.memory_space<vmem>>, vector<16xf32>,
        %get3A_290 = arith.constant 2 : i32
        %get3A_291 = arith.index_cast %get3A_290 : i32 to index
        %get3A_292 = arith.constant 64 : index
        %get3A_293 = tpu.vector_load %arg8[%get3A_291, %get3A_292] {strides = array<i32>} : memref<8x128xf32, #tpu.memory_space<vmem>>, vector<16xf32>,
        %get3A_294 = arith.constant 2 : i32
        %get3A_295 = arith.index_cast %get3A_294 : i32 to index
        %get3A_296 = arith.constant 64 : index
        %get3A_297 = tpu.vector_load %arg9[%get3A_295, %get3A_296] {strides = array<i32>} : memref<8x128xf32, #tpu.memory_space<vmem>>, vector<16xf32>,
        %add3A_298 = arith.addf %get3A_293, %get3A_297 : vector<16xf32>
        %swap3A_299 = arith.constant 2 : i32
        %swap3A_300 = arith.index_cast %swap3A_299 : i32 to index
        %swap3A_301 = arith.constant 64 : index
        %swap3A_302 = tpu.vector_load %arg8[%swap3A_300, %swap3A_301] {strides = array<i32>} : memref<8x128xf32, #tpu.memory_space<vmem>>, vector<16xf32>,
        tpu.vector_store %arg8[%swap3A_300, %swap3A_301], %add3A_298 {strides = array<i32>} : memref<8x128xf32, #tpu.memory_space<vmem>>, vector<16xf32>,
        %get3A_303 = arith.constant 2 : i32
        %get3A_304 = arith.index_cast %get3A_303 : i32 to index
        %get3A_305 = arith.constant 80 : index
        %get3A_306 = tpu.vector_load %arg8[%get3A_304, %get3A_305] {strides = array<i32>} : memref<8x128xf32, #tpu.memory_space<vmem>>, vector<16xf32>,
        %get3A_307 = arith.constant 2 : i32
        %get3A_308 = arith.index_cast %get3A_307 : i32 to index
        %get3A_309 = arith.constant 80 : index
        %get3A_310 = tpu.vector_load %arg9[%get3A_308, %get3A_309] {strides = array<i32>} : memref<8x128xf32, #tpu.memory_space<vmem>>, vector<16xf32>,
        %add3A_311 = arith.addf %get3A_306, %get3A_310 : vector<16xf32>
        %swap3A_312 = arith.constant 2 : i32
        %swap3A_313 = arith.index_cast %swap3A_312 : i32 to index
        %swap3A_314 = arith.constant 80 : index
        %swap3A_315 = tpu.vector_load %arg8[%swap3A_313, %swap3A_314] {strides = array<i32>} : memref<8x128xf32, #tpu.memory_space<vmem>>, vector<16xf32>,
        tpu.vector_store %arg8[%swap3A_313, %swap3A_314], %add3A_311 {strides = array<i32>} : memref<8x128xf32, #tpu.memory_space<vmem>>, vector<16xf32>,
        %get3A_316 = arith.constant 2 : i32
        %get3A_317 = arith.index_cast %get3A_316 : i32 to index
        %get3A_318 = arith.constant 96 : index
        %get3A_319 = tpu.vector_load %arg8[%get3A_317, %get3A_318] {strides = array<i32>} : memref<8x128xf32, #tpu.memory_space<vmem>>, vector<16xf32>,
        %get3A_320 = arith.constant 2 : i32
        %get3A_321 = arith.index_cast %get3A_320 : i32 to index
        %get3A_322 = arith.constant 96 : index
        %get3A_323 = tpu.vector_load %arg9[%get3A_321, %get3A_322] {strides = array<i32>} : memref<8x128xf32, #tpu.memory_space<vmem>>, vector<16xf32>,
        %add3A_324 = arith.addf %get3A_319, %get3A_323 : vector<16xf32>
        %swap3A_325 = arith.constant 2 : i32
        %swap3A_326 = arith.index_cast %swap3A_325 : i32 to index
        %swap3A_327 = arith.constant 96 : index
        %swap3A_328 = tpu.vector_load %arg8[%swap3A_326, %swap3A_327] {strides = array<i32>} : memref<8x128xf32, #tpu.memory_space<vmem>>, vector<16xf32>,
        tpu.vector_store %arg8[%swap3A_326, %swap3A_327], %add3A_324 {strides = array<i32>} : memref<8x128xf32, #tpu.memory_space<vmem>>, vector<16xf32>,
        %get3A_329 = arith.constant 2 : i32
        %get3A_330 = arith.index_cast %get3A_329 : i32 to index
        %get3A_331 = arith.constant 112 : index
        %get3A_332 = tpu.vector_load %arg8[%get3A_330, %get3A_331] {strides = array<i32>} : memref<8x128xf32, #tpu.memory_space<vmem>>, vector<16xf32>,
        %get3A_333 = arith.constant 2 : i32
        %get3A_334 = arith.index_cast %get3A_333 : i32 to index
        %get3A_335 = arith.constant 112 : index
        %get3A_336 = tpu.vector_load %arg9[%get3A_334, %get3A_335] {strides = array<i32>} : memref<8x128xf32, #tpu.memory_space<vmem>>, vector<16xf32>,
        %add3A_337 = arith.addf %get3A_332, %get3A_336 : vector<16xf32>
        %swap3A_338 = arith.constant 2 : i32
        %swap3A_339 = arith.index_cast %swap3A_338 : i32 to index
        %swap3A_340 = arith.constant 112 : index
        %swap3A_341 = tpu.vector_load %arg8[%swap3A_339, %swap3A_340] {strides = array<i32>} : memref<8x128xf32, #tpu.memory_space<vmem>>, vector<16xf32>,
        tpu.vector_store %arg8[%swap3A_339, %swap3A_340], %add3A_337 {strides = array<i32>} : memref<8x128xf32, #tpu.memory_space<vmem>>, vector<16xf32>,
        %get3A_342 = arith.constant 3 : i32
        %get3A_343 = arith.index_cast %get3A_342 : i32 to index
        %get3A_344 = arith.constant 0 : index
        %get3A_345 = tpu.vector_load %arg8[%get3A_343, %get3A_344] {strides = array<i32>} : memref<8x128xf32, #tpu.memory_space<vmem>>, vector<16xf32>,
        %get3A_346 = arith.constant 3 : i32
        %get3A_347 = arith.index_cast %get3A_346 : i32 to index
        %get3A_348 = arith.constant 0 : index
        %get3A_349 = tpu.vector_load %arg9[%get3A_347, %get3A_348] {strides = array<i32>} : memref<8x128xf32, #tpu.memory_space<vmem>>, vector<16xf32>,
        %add3A_350 = arith.addf %get3A_345, %get3A_349 : vector<16xf32>
        %swap3A_351 = arith.constant 3 : i32
        %swap3A_352 = arith.index_cast %swap3A_351 : i32 to index
        %swap3A_353 = arith.constant 0 : index
        %swap3A_354 = tpu.vector_load %arg8[%swap3A_352, %swap3A_353] {strides = array<i32>} : memref<8x128xf32, #tpu.memory_space<vmem>>, vector<16xf32>,
        tpu.vector_store %arg8[%swap3A_352, %swap3A_353], %add3A_350 {strides = array<i32>} : memref<8x128xf32, #tpu.memory_space<vmem>>, vector<16xf32>,
        %get3A_355 = arith.constant 3 : i32
        %get3A_356 = arith.index_cast %get3A_355 : i32 to index
        %get3A_357 = arith.constant 16 : index
        %get3A_358 = tpu.vector_load %arg8[%get3A_356, %get3A_357] {strides = array<i32>} : memref<8x128xf32, #tpu.memory_space<vmem>>, vector<16xf32>,
        %get3A_359 = arith.constant 3 : i32
        %get3A_360 = arith.index_cast %get3A_359 : i32 to index
        %get3A_361 = arith.constant 16 : index
        %get3A_362 = tpu.vector_load %arg9[%get3A_360, %get3A_361] {strides = array<i32>} : memref<8x128xf32, #tpu.memory_space<vmem>>, vector<16xf32>,
        %add3A_363 = arith.addf %get3A_358, %get3A_362 : vector<16xf32>
        %swap3A_364 = arith.constant 3 : i32
        %swap3A_365 = arith.index_cast %swap3A_364 : i32 to index
        %swap3A_366 = arith.constant 16 : index
        %swap3A_367 = tpu.vector_load %arg8[%swap3A_365, %swap3A_366] {strides = array<i32>} : memref<8x128xf32, #tpu.memory_space<vmem>>, vector<16xf32>,
        tpu.vector_store %arg8[%swap3A_365, %swap3A_366], %add3A_363 {strides = array<i32>} : memref<8x128xf32, #tpu.memory_space<vmem>>, vector<16xf32>,
        %get3A_368 = arith.constant 3 : i32
        %get3A_369 = arith.index_cast %get3A_368 : i32 to index
        %get3A_370 = arith.constant 32 : index
        %get3A_371 = tpu.vector_load %arg8[%get3A_369, %get3A_370] {strides = array<i32>} : memref<8x128xf32, #tpu.memory_space<vmem>>, vector<16xf32>,
        %get3A_372 = arith.constant 3 : i32
        %get3A_373 = arith.index_cast %get3A_372 : i32 to index
        %get3A_374 = arith.constant 32 : index
        %get3A_375 = tpu.vector_load %arg9[%get3A_373, %get3A_374] {strides = array<i32>} : memref<8x128xf32, #tpu.memory_space<vmem>>, vector<16xf32>,
        %add3A_376 = arith.addf %get3A_371, %get3A_375 : vector<16xf32>
        %swap3A_377 = arith.constant 3 : i32
        %swap3A_378 = arith.index_cast %swap3A_377 : i32 to index
        %swap3A_379 = arith.constant 32 : index
        %swap3A_380 = tpu.vector_load %arg8[%swap3A_378, %swap3A_379] {strides = array<i32>} : memref<8x128xf32, #tpu.memory_space<vmem>>, vector<16xf32>,
        tpu.vector_store %arg8[%swap3A_378, %swap3A_379], %add3A_376 {strides = array<i32>} : memref<8x128xf32, #tpu.memory_space<vmem>>, vector<16xf32>,
        %get3A_381 = arith.constant 3 : i32
        %get3A_382 = arith.index_cast %get3A_381 : i32 to index
        %get3A_383 = arith.constant 48 : index
        %get3A_384 = tpu.vector_load %arg8[%get3A_382, %get3A_383] {strides = array<i32>} : memref<8x128xf32, #tpu.memory_space<vmem>>, vector<16xf32>,
        %get3A_385 = arith.constant 3 : i32
        %get3A_386 = arith.index_cast %get3A_385 : i32 to index
        %get3A_387 = arith.constant 48 : index
        %get3A_388 = tpu.vector_load %arg9[%get3A_386, %get3A_387] {strides = array<i32>} : memref<8x128xf32, #tpu.memory_space<vmem>>, vector<16xf32>,
        %add3A_389 = arith.addf %get3A_384, %get3A_388 : vector<16xf32>
        %swap3A_390 = arith.constant 3 : i32
        %swap3A_391 = arith.index_cast %swap3A_390 : i32 to index
        %swap3A_392 = arith.constant 48 : index
        %swap3A_393 = tpu.vector_load %arg8[%swap3A_391, %swap3A_392] {strides = array<i32>} : memref<8x128xf32, #tpu.memory_space<vmem>>, vector<16xf32>,
        tpu.vector_store %arg8[%swap3A_391, %swap3A_392], %add3A_389 {strides = array<i32>} : memref<8x128xf32, #tpu.memory_space<vmem>>, vector<16xf32>,
        %get3A_394 = arith.constant 3 : i32
        %get3A_395 = arith.index_cast %get3A_394 : i32 to index
        %get3A_396 = arith.constant 64 : index
        %get3A_397 = tpu.vector_load %arg8[%get3A_395, %get3A_396] {strides = array<i32>} : memref<8x128xf32, #tpu.memory_space<vmem>>, vector<16xf32>,
        %get3A_398 = arith.constant 3 : i32
        %get3A_399 = arith.index_cast %get3A_398 : i32 to index
        %get3A_400 = arith.constant 64 : index
        %get3A_401 = tpu.vector_load %arg9[%get3A_399, %get3A_400] {strides = array<i32>} : memref<8x128xf32, #tpu.memory_space<vmem>>, vector<16xf32>,
        %add3A_402 = arith.addf %get3A_397, %get3A_401 : vector<16xf32>
        %swap3A_403 = arith.constant 3 : i32
        %swap3A_404 = arith.index_cast %swap3A_403 : i32 to index
        %swap3A_405 = arith.constant 64 : index
        %swap3A_406 = tpu.vector_load %arg8[%swap3A_404, %swap3A_405] {strides = array<i32>} : memref<8x128xf32, #tpu.memory_space<vmem>>, vector<16xf32>,
        tpu.vector_store %arg8[%swap3A_404, %swap3A_405], %add3A_402 {strides = array<i32>} : memref<8x128xf32, #tpu.memory_space<vmem>>, vector<16xf32>,
        %get3A_407 = arith.constant 3 : i32
        %get3A_408 = arith.index_cast %get3A_407 : i32 to index
        %get3A_409 = arith.constant 80 : index
        %get3A_410 = tpu.vector_load %arg8[%get3A_408, %get3A_409] {strides = array<i32>} : memref<8x128xf32, #tpu.memory_space<vmem>>, vector<16xf32>,
        %get3A_411 = arith.constant 3 : i32
        %get3A_412 = arith.index_cast %get3A_411 : i32 to index
        %get3A_413 = arith.constant 80 : index
        %get3A_414 = tpu.vector_load %arg9[%get3A_412, %get3A_413] {strides = array<i32>} : memref<8x128xf32, #tpu.memory_space<vmem>>, vector<16xf32>,
        %add3A_415 = arith.addf %get3A_410, %get3A_414 : vector<16xf32>
        %swap3A_416 = arith.constant 3 : i32
        %swap3A_417 = arith.index_cast %swap3A_416 : i32 to index
        %swap3A_418 = arith.constant 80 : index
        %swap3A_419 = tpu.vector_load %arg8[%swap3A_417, %swap3A_418] {strides = array<i32>} : memref<8x128xf32, #tpu.memory_space<vmem>>, vector<16xf32>,
        tpu.vector_store %arg8[%swap3A_417, %swap3A_418], %add3A_415 {strides = array<i32>} : memref<8x128xf32, #tpu.memory_space<vmem>>, vector<16xf32>,
        %get3A_420 = arith.constant 3 : i32
        %get3A_421 = arith.index_cast %get3A_420 : i32 to index
        %get3A_422 = arith.constant 96 : index
        %get3A_423 = tpu.vector_load %arg8[%get3A_421, %get3A_422] {strides = array<i32>} : memref<8x128xf32, #tpu.memory_space<vmem>>, vector<16xf32>,
        %get3A_424 = arith.constant 3 : i32
        %get3A_425 = arith.index_cast %get3A_424 : i32 to index
        %get3A_426 = arith.constant 96 : index
        %get3A_427 = tpu.vector_load %arg9[%get3A_425, %get3A_426] {strides = array<i32>} : memref<8x128xf32, #tpu.memory_space<vmem>>, vector<16xf32>,
        %add3A_428 = arith.addf %get3A_423, %get3A_427 : vector<16xf32>
        %swap3A_429 = arith.constant 3 : i32
        %swap3A_430 = arith.index_cast %swap3A_429 : i32 to index
        %swap3A_431 = arith.constant 96 : index
        %swap3A_432 = tpu.vector_load %arg8[%swap3A_430, %swap3A_431] {strides = array<i32>} : memref<8x128xf32, #tpu.memory_space<vmem>>, vector<16xf32>,
        tpu.vector_store %arg8[%swap3A_430, %swap3A_431], %add3A_428 {strides = array<i32>} : memref<8x128xf32, #tpu.memory_space<vmem>>, vector<16xf32>,
        %get3A_433 = arith.constant 3 : i32
        %get3A_434 = arith.index_cast %get3A_433 : i32 to index
        %get3A_435 = arith.constant 112 : index
        %get3A_436 = tpu.vector_load %arg8[%get3A_434, %get3A_435] {strides = array<i32>} : memref<8x128xf32, #tpu.memory_space<vmem>>, vector<16xf32>,
        %get3A_437 = arith.constant 3 : i32
        %get3A_438 = arith.index_cast %get3A_437 : i32 to index
        %get3A_439 = arith.constant 112 : index
        %get3A_440 = tpu.vector_load %arg9[%get3A_438, %get3A_439] {strides = array<i32>} : memref<8x128xf32, #tpu.memory_space<vmem>>, vector<16xf32>,
        %add3A_441 = arith.addf %get3A_436, %get3A_440 : vector<16xf32>
        %swap3A_442 = arith.constant 3 : i32
        %swap3A_443 = arith.index_cast %swap3A_442 : i32 to index
        %swap3A_444 = arith.constant 112 : index
        %swap3A_445 = tpu.vector_load %arg8[%swap3A_443, %swap3A_444] {strides = array<i32>} : memref<8x128xf32, #tpu.memory_space<vmem>>, vector<16xf32>,
        tpu.vector_store %arg8[%swap3A_443, %swap3A_444], %add3A_441 {strides = array<i32>} : memref<8x128xf32, #tpu.memory_space<vmem>>, vector<16xf32>,
        %get3A_446 = arith.constant 4 : i32
        %get3A_447 = arith.index_cast %get3A_446 : i32 to index
        %get3A_448 = arith.constant 0 : index
        %get3A_449 = tpu.vector_load %arg8[%get3A_447, %get3A_448] {strides = array<i32>} : memref<8x128xf32, #tpu.memory_space<vmem>>, vector<16xf32>,
        %get3A_450 = arith.constant 4 : i32
        %get3A_451 = arith.index_cast %get3A_450 : i32 to index
        %get3A_452 = arith.constant 0 : index
        %get3A_453 = tpu.vector_load %arg9[%get3A_451, %get3A_452] {strides = array<i32>} : memref<8x128xf32, #tpu.memory_space<vmem>>, vector<16xf32>,
        %add3A_454 = arith.addf %get3A_449, %get3A_453 : vector<16xf32>
        %swap3A_455 = arith.constant 4 : i32
        %swap3A_456 = arith.index_cast %swap3A_455 : i32 to index
        %swap3A_457 = arith.constant 0 : index
        %swap3A_458 = tpu.vector_load %arg8[%swap3A_456, %swap3A_457] {strides = array<i32>} : memref<8x128xf32, #tpu.memory_space<vmem>>, vector<16xf32>,
        tpu.vector_store %arg8[%swap3A_456, %swap3A_457], %add3A_454 {strides = array<i32>} : memref<8x128xf32, #tpu.memory_space<vmem>>, vector<16xf32>,
        %get3A_459 = arith.constant 4 : i32
        %get3A_460 = arith.index_cast %get3A_459 : i32 to index
        %get3A_461 = arith.constant 16 : index
        %get3A_462 = tpu.vector_load %arg8[%get3A_460, %get3A_461] {strides = array<i32>} : memref<8x128xf32, #tpu.memory_space<vmem>>, vector<16xf32>,
        %get3A_463 = arith.constant 4 : i32
        %get3A_464 = arith.index_cast %get3A_463 : i32 to index
        %get3A_465 = arith.constant 16 : index
        %get3A_466 = tpu.vector_load %arg9[%get3A_464, %get3A_465] {strides = array<i32>} : memref<8x128xf32, #tpu.memory_space<vmem>>, vector<16xf32>,
        %add3A_467 = arith.addf %get3A_462, %get3A_466 : vector<16xf32>
        %swap3A_468 = arith.constant 4 : i32
        %swap3A_469 = arith.index_cast %swap3A_468 : i32 to index
        %swap3A_470 = arith.constant 16 : index
        %swap3A_471 = tpu.vector_load %arg8[%swap3A_469, %swap3A_470] {strides = array<i32>} : memref<8x128xf32, #tpu.memory_space<vmem>>, vector<16xf32>,
        tpu.vector_store %arg8[%swap3A_469, %swap3A_470], %add3A_467 {strides = array<i32>} : memref<8x128xf32, #tpu.memory_space<vmem>>, vector<16xf32>,
        %get3A_472 = arith.constant 4 : i32
        %get3A_473 = arith.index_cast %get3A_472 : i32 to index
        %get3A_474 = arith.constant 32 : index
        %get3A_475 = tpu.vector_load %arg8[%get3A_473, %get3A_474] {strides = array<i32>} : memref<8x128xf32, #tpu.memory_space<vmem>>, vector<16xf32>,
        %get3A_476 = arith.constant 4 : i32
        %get3A_477 = arith.index_cast %get3A_476 : i32 to index
        %get3A_478 = arith.constant 32 : index
        %get3A_479 = tpu.vector_load %arg9[%get3A_477, %get3A_478] {strides = array<i32>} : memref<8x128xf32, #tpu.memory_space<vmem>>, vector<16xf32>,
        %add3A_480 = arith.addf %get3A_475, %get3A_479 : vector<16xf32>
        %swap3A_481 = arith.constant 4 : i32
        %swap3A_482 = arith.index_cast %swap3A_481 : i32 to index
        %swap3A_483 = arith.constant 32 : index
        %swap3A_484 = tpu.vector_load %arg8[%swap3A_482, %swap3A_483] {strides = array<i32>} : memref<8x128xf32, #tpu.memory_space<vmem>>, vector<16xf32>,
        tpu.vector_store %arg8[%swap3A_482, %swap3A_483], %add3A_480 {strides = array<i32>} : memref<8x128xf32, #tpu.memory_space<vmem>>, vector<16xf32>,
        %get3A_485 = arith.constant 4 : i32
        %get3A_486 = arith.index_cast %get3A_485 : i32 to index
        %get3A_487 = arith.constant 48 : index
        %get3A_488 = tpu.vector_load %arg8[%get3A_486, %get3A_487] {strides = array<i32>} : memref<8x128xf32, #tpu.memory_space<vmem>>, vector<16xf32>,
        %get3A_489 = arith.constant 4 : i32
        %get3A_490 = arith.index_cast %get3A_489 : i32 to index
        %get3A_491 = arith.constant 48 : index
        %get3A_492 = tpu.vector_load %arg9[%get3A_490, %get3A_491] {strides = array<i32>} : memref<8x128xf32, #tpu.memory_space<vmem>>, vector<16xf32>,
        %add3A_493 = arith.addf %get3A_488, %get3A_492 : vector<16xf32>
        %swap3A_494 = arith.constant 4 : i32
        %swap3A_495 = arith.index_cast %swap3A_494 : i32 to index
        %swap3A_496 = arith.constant 48 : index
        %swap3A_497 = tpu.vector_load %arg8[%swap3A_495, %swap3A_496] {strides = array<i32>} : memref<8x128xf32, #tpu.memory_space<vmem>>, vector<16xf32>,
        tpu.vector_store %arg8[%swap3A_495, %swap3A_496], %add3A_493 {strides = array<i32>} : memref<8x128xf32, #tpu.memory_space<vmem>>, vector<16xf32>,
        %get3A_498 = arith.constant 4 : i32
        %get3A_499 = arith.index_cast %get3A_498 : i32 to index
        %get3A_500 = arith.constant 64 : index
        %get3A_501 = tpu.vector_load %arg8[%get3A_499, %get3A_500] {strides = array<i32>} : memref<8x128xf32, #tpu.memory_space<vmem>>, vector<16xf32>,
        %get3A_502 = arith.constant 4 : i32
        %get3A_503 = arith.index_cast %get3A_502 : i32 to index
        %get3A_504 = arith.constant 64 : index
        %get3A_505 = tpu.vector_load %arg9[%get3A_503, %get3A_504] {strides = array<i32>} : memref<8x128xf32, #tpu.memory_space<vmem>>, vector<16xf32>,
        %add3A_506 = arith.addf %get3A_501, %get3A_505 : vector<16xf32>
        %swap3A_507 = arith.constant 4 : i32
        %swap3A_508 = arith.index_cast %swap3A_507 : i32 to index
        %swap3A_509 = arith.constant 64 : index
        %swap3A_510 = tpu.vector_load %arg8[%swap3A_508, %swap3A_509] {strides = array<i32>} : memref<8x128xf32, #tpu.memory_space<vmem>>, vector<16xf32>,
        tpu.vector_store %arg8[%swap3A_508, %swap3A_509], %add3A_506 {strides = array<i32>} : memref<8x128xf32, #tpu.memory_space<vmem>>, vector<16xf32>,
        %get3A_511 = arith.constant 4 : i32
        %get3A_512 = arith.index_cast %get3A_511 : i32 to index
        %get3A_513 = arith.constant 80 : index
        %get3A_514 = tpu.vector_load %arg8[%get3A_512, %get3A_513] {strides = array<i32>} : memref<8x128xf32, #tpu.memory_space<vmem>>, vector<16xf32>,
        %get3A_515 = arith.constant 4 : i32
        %get3A_516 = arith.index_cast %get3A_515 : i32 to index
        %get3A_517 = arith.constant 80 : index
        %get3A_518 = tpu.vector_load %arg9[%get3A_516, %get3A_517] {strides = array<i32>} : memref<8x128xf32, #tpu.memory_space<vmem>>, vector<16xf32>,
        %add3A_519 = arith.addf %get3A_514, %get3A_518 : vector<16xf32>
        %swap3A_520 = arith.constant 4 : i32
        %swap3A_521 = arith.index_cast %swap3A_520 : i32 to index
        %swap3A_522 = arith.constant 80 : index
        %swap3A_523 = tpu.vector_load %arg8[%swap3A_521, %swap3A_522] {strides = array<i32>} : memref<8x128xf32, #tpu.memory_space<vmem>>, vector<16xf32>,
        tpu.vector_store %arg8[%swap3A_521, %swap3A_522], %add3A_519 {strides = array<i32>} : memref<8x128xf32, #tpu.memory_space<vmem>>, vector<16xf32>,
        %get3A_524 = arith.constant 4 : i32
        %get3A_525 = arith.index_cast %get3A_524 : i32 to index
        %get3A_526 = arith.constant 96 : index
        %get3A_527 = tpu.vector_load %arg8[%get3A_525, %get3A_526] {strides = array<i32>} : memref<8x128xf32, #tpu.memory_space<vmem>>, vector<16xf32>,
        %get3A_528 = arith.constant 4 : i32
        %get3A_529 = arith.index_cast %get3A_528 : i32 to index
        %get3A_530 = arith.constant 96 : index
        %get3A_531 = tpu.vector_load %arg9[%get3A_529, %get3A_530] {strides = array<i32>} : memref<8x128xf32, #tpu.memory_space<vmem>>, vector<16xf32>,
        %add3A_532 = arith.addf %get3A_527, %get3A_531 : vector<16xf32>
        %swap3A_533 = arith.constant 4 : i32
        %swap3A_534 = arith.index_cast %swap3A_533 : i32 to index
        %swap3A_535 = arith.constant 96 : index
        %swap3A_536 = tpu.vector_load %arg8[%swap3A_534, %swap3A_535] {strides = array<i32>} : memref<8x128xf32, #tpu.memory_space<vmem>>, vector<16xf32>,
        tpu.vector_store %arg8[%swap3A_534, %swap3A_535], %add3A_532 {strides = array<i32>} : memref<8x128xf32, #tpu.memory_space<vmem>>, vector<16xf32>,
        %get3A_537 = arith.constant 4 : i32
        %get3A_538 = arith.index_cast %get3A_537 : i32 to index
        %get3A_539 = arith.constant 112 : index
        %get3A_540 = tpu.vector_load %arg8[%get3A_538, %get3A_539] {strides = array<i32>} : memref<8x128xf32, #tpu.memory_space<vmem>>, vector<16xf32>,
        %get3A_541 = arith.constant 4 : i32
        %get3A_542 = arith.index_cast %get3A_541 : i32 to index
        %get3A_543 = arith.constant 112 : index
        %get3A_544 = tpu.vector_load %arg9[%get3A_542, %get3A_543] {strides = array<i32>} : memref<8x128xf32, #tpu.memory_space<vmem>>, vector<16xf32>,
        %add3A_545 = arith.addf %get3A_540, %get3A_544 : vector<16xf32>
        %swap3A_546 = arith.constant 4 : i32
        %swap3A_547 = arith.index_cast %swap3A_546 : i32 to index
        %swap3A_548 = arith.constant 112 : index
        %swap3A_549 = tpu.vector_load %arg8[%swap3A_547, %swap3A_548] {strides = array<i32>} : memref<8x128xf32, #tpu.memory_space<vmem>>, vector<16xf32>,
        tpu.vector_store %arg8[%swap3A_547, %swap3A_548], %add3A_545 {strides = array<i32>} : memref<8x128xf32, #tpu.memory_space<vmem>>, vector<16xf32>,
        %get3A_550 = arith.constant 5 : i32
        %get3A_551 = arith.index_cast %get3A_550 : i32 to index
        %get3A_552 = arith.constant 0 : index
        %get3A_553 = tpu.vector_load %arg8[%get3A_551, %get3A_552] {strides = array<i32>} : memref<8x128xf32, #tpu.memory_space<vmem>>, vector<16xf32>,
        %get3A_554 = arith.constant 5 : i32
        %get3A_555 = arith.index_cast %get3A_554 : i32 to index
        %get3A_556 = arith.constant 0 : index
        %get3A_557 = tpu.vector_load %arg9[%get3A_555, %get3A_556] {strides = array<i32>} : memref<8x128xf32, #tpu.memory_space<vmem>>, vector<16xf32>,
        %add3A_558 = arith.addf %get3A_553, %get3A_557 : vector<16xf32>
        %swap3A_559 = arith.constant 5 : i32
        %swap3A_560 = arith.index_cast %swap3A_559 : i32 to index
        %swap3A_561 = arith.constant 0 : index
        %swap3A_562 = tpu.vector_load %arg8[%swap3A_560, %swap3A_561] {strides = array<i32>} : memref<8x128xf32, #tpu.memory_space<vmem>>, vector<16xf32>,
        tpu.vector_store %arg8[%swap3A_560, %swap3A_561], %add3A_558 {strides = array<i32>} : memref<8x128xf32, #tpu.memory_space<vmem>>, vector<16xf32>,
        %get3A_563 = arith.constant 5 : i32
        %get3A_564 = arith.index_cast %get3A_563 : i32 to index
        %get3A_565 = arith.constant 16 : index
        %get3A_566 = tpu.vector_load %arg8[%get3A_564, %get3A_565] {strides = array<i32>} : memref<8x128xf32, #tpu.memory_space<vmem>>, vector<16xf32>,
        %get3A_567 = arith.constant 5 : i32
        %get3A_568 = arith.index_cast %get3A_567 : i32 to index
        %get3A_569 = arith.constant 16 : index
        %get3A_570 = tpu.vector_load %arg9[%get3A_568, %get3A_569] {strides = array<i32>} : memref<8x128xf32, #tpu.memory_space<vmem>>, vector<16xf32>,
        %add3A_571 = arith.addf %get3A_566, %get3A_570 : vector<16xf32>
        %swap3A_572 = arith.constant 5 : i32
        %swap3A_573 = arith.index_cast %swap3A_572 : i32 to index
        %swap3A_574 = arith.constant 16 : index
        %swap3A_575 = tpu.vector_load %arg8[%swap3A_573, %swap3A_574] {strides = array<i32>} : memref<8x128xf32, #tpu.memory_space<vmem>>, vector<16xf32>,
        tpu.vector_store %arg8[%swap3A_573, %swap3A_574], %add3A_571 {strides = array<i32>} : memref<8x128xf32, #tpu.memory_space<vmem>>, vector<16xf32>,
        %get3A_576 = arith.constant 5 : i32
        %get3A_577 = arith.index_cast %get3A_576 : i32 to index
        %get3A_578 = arith.constant 32 : index
        %get3A_579 = tpu.vector_load %arg8[%get3A_577, %get3A_578] {strides = array<i32>} : memref<8x128xf32, #tpu.memory_space<vmem>>, vector<16xf32>,
        %get3A_580 = arith.constant 5 : i32
        %get3A_581 = arith.index_cast %get3A_580 : i32 to index
        %get3A_582 = arith.constant 32 : index
        %get3A_583 = tpu.vector_load %arg9[%get3A_581, %get3A_582] {strides = array<i32>} : memref<8x128xf32, #tpu.memory_space<vmem>>, vector<16xf32>,
        %add3A_584 = arith.addf %get3A_579, %get3A_583 : vector<16xf32>
        %swap3A_585 = arith.constant 5 : i32
        %swap3A_586 = arith.index_cast %swap3A_585 : i32 to index
        %swap3A_587 = arith.constant 32 : index
        %swap3A_588 = tpu.vector_load %arg8[%swap3A_586, %swap3A_587] {strides = array<i32>} : memref<8x128xf32, #tpu.memory_space<vmem>>, vector<16xf32>,
        tpu.vector_store %arg8[%swap3A_586, %swap3A_587], %add3A_584 {strides = array<i32>} : memref<8x128xf32, #tpu.memory_space<vmem>>, vector<16xf32>,
        %get3A_589 = arith.constant 5 : i32
        %get3A_590 = arith.index_cast %get3A_589 : i32 to index
        %get3A_591 = arith.constant 48 : index
        %get3A_592 = tpu.vector_load %arg8[%get3A_590, %get3A_591] {strides = array<i32>} : memref<8x128xf32, #tpu.memory_space<vmem>>, vector<16xf32>,
        %get3A_593 = arith.constant 5 : i32
        %get3A_594 = arith.index_cast %get3A_593 : i32 to index
        %get3A_595 = arith.constant 48 : index
        %get3A_596 = tpu.vector_load %arg9[%get3A_594, %get3A_595] {strides = array<i32>} : memref<8x128xf32, #tpu.memory_space<vmem>>, vector<16xf32>,
        %add3A_597 = arith.addf %get3A_592, %get3A_596 : vector<16xf32>
        %swap3A_598 = arith.constant 5 : i32
        %swap3A_599 = arith.index_cast %swap3A_598 : i32 to index
        %swap3A_600 = arith.constant 48 : index
        %swap3A_601 = tpu.vector_load %arg8[%swap3A_599, %swap3A_600] {strides = array<i32>} : memref<8x128xf32, #tpu.memory_space<vmem>>, vector<16xf32>,
        tpu.vector_store %arg8[%swap3A_599, %swap3A_600], %add3A_597 {strides = array<i32>} : memref<8x128xf32, #tpu.memory_space<vmem>>, vector<16xf32>,
        %get3A_602 = arith.constant 5 : i32
        %get3A_603 = arith.index_cast %get3A_602 : i32 to index
        %get3A_604 = arith.constant 64 : index
        %get3A_605 = tpu.vector_load %arg8[%get3A_603, %get3A_604] {strides = array<i32>} : memref<8x128xf32, #tpu.memory_space<vmem>>, vector<16xf32>,
        %get3A_606 = arith.constant 5 : i32
        %get3A_607 = arith.index_cast %get3A_606 : i32 to index
        %get3A_608 = arith.constant 64 : index
        %get3A_609 = tpu.vector_load %arg9[%get3A_607, %get3A_608] {strides = array<i32>} : memref<8x128xf32, #tpu.memory_space<vmem>>, vector<16xf32>,
        %add3A_610 = arith.addf %get3A_605, %get3A_609 : vector<16xf32>
        %swap3A_611 = arith.constant 5 : i32
        %swap3A_612 = arith.index_cast %swap3A_611 : i32 to index
        %swap3A_613 = arith.constant 64 : index
        %swap3A_614 = tpu.vector_load %arg8[%swap3A_612, %swap3A_613] {strides = array<i32>} : memref<8x128xf32, #tpu.memory_space<vmem>>, vector<16xf32>,
        tpu.vector_store %arg8[%swap3A_612, %swap3A_613], %add3A_610 {strides = array<i32>} : memref<8x128xf32, #tpu.memory_space<vmem>>, vector<16xf32>,
        %get3A_615 = arith.constant 5 : i32
        %get3A_616 = arith.index_cast %get3A_615 : i32 to index
        %get3A_617 = arith.constant 80 : index
        %get3A_618 = tpu.vector_load %arg8[%get3A_616, %get3A_617] {strides = array<i32>} : memref<8x128xf32, #tpu.memory_space<vmem>>, vector<16xf32>,
        %get3A_619 = arith.constant 5 : i32
        %get3A_620 = arith.index_cast %get3A_619 : i32 to index
        %get3A_621 = arith.constant 80 : index
        %get3A_622 = tpu.vector_load %arg9[%get3A_620, %get3A_621] {strides = array<i32>} : memref<8x128xf32, #tpu.memory_space<vmem>>, vector<16xf32>,
        %add3A_623 = arith.addf %get3A_618, %get3A_622 : vector<16xf32>
        %swap3A_624 = arith.constant 5 : i32
        %swap3A_625 = arith.index_cast %swap3A_624 : i32 to index
        %swap3A_626 = arith.constant 80 : index
        %swap3A_627 = tpu.vector_load %arg8[%swap3A_625, %swap3A_626] {strides = array<i32>} : memref<8x128xf32, #tpu.memory_space<vmem>>, vector<16xf32>,
        tpu.vector_store %arg8[%swap3A_625, %swap3A_626], %add3A_623 {strides = array<i32>} : memref<8x128xf32, #tpu.memory_space<vmem>>, vector<16xf32>,
        %get3A_628 = arith.constant 5 : i32
        %get3A_629 = arith.index_cast %get3A_628 : i32 to index
        %get3A_630 = arith.constant 96 : index
        %get3A_631 = tpu.vector_load %arg8[%get3A_629, %get3A_630] {strides = array<i32>} : memref<8x128xf32, #tpu.memory_space<vmem>>, vector<16xf32>,
        %get3A_632 = arith.constant 5 : i32
        %get3A_633 = arith.index_cast %get3A_632 : i32 to index
        %get3A_634 = arith.constant 96 : index
        %get3A_635 = tpu.vector_load %arg9[%get3A_633, %get3A_634] {strides = array<i32>} : memref<8x128xf32, #tpu.memory_space<vmem>>, vector<16xf32>,
        %add3A_636 = arith.addf %get3A_631, %get3A_635 : vector<16xf32>
        %swap3A_637 = arith.constant 5 : i32
        %swap3A_638 = arith.index_cast %swap3A_637 : i32 to index
        %swap3A_639 = arith.constant 96 : index
        %swap3A_640 = tpu.vector_load %arg8[%swap3A_638, %swap3A_639] {strides = array<i32>} : memref<8x128xf32, #tpu.memory_space<vmem>>, vector<16xf32>,
        tpu.vector_store %arg8[%swap3A_638, %swap3A_639], %add3A_636 {strides = array<i32>} : memref<8x128xf32, #tpu.memory_space<vmem>>, vector<16xf32>,
        %get3A_641 = arith.constant 5 : i32
        %get3A_642 = arith.index_cast %get3A_641 : i32 to index
        %get3A_643 = arith.constant 112 : index
        %get3A_644 = tpu.vector_load %arg8[%get3A_642, %get3A_643] {strides = array<i32>} : memref<8x128xf32, #tpu.memory_space<vmem>>, vector<16xf32>,
        %get3A_645 = arith.constant 5 : i32
        %get3A_646 = arith.index_cast %get3A_645 : i32 to index
        %get3A_647 = arith.constant 112 : index
        %get3A_648 = tpu.vector_load %arg9[%get3A_646, %get3A_647] {strides = array<i32>} : memref<8x128xf32, #tpu.memory_space<vmem>>, vector<16xf32>,
        %add3A_649 = arith.addf %get3A_644, %get3A_648 : vector<16xf32>
        %swap3A_650 = arith.constant 5 : i32
        %swap3A_651 = arith.index_cast %swap3A_650 : i32 to index
        %swap3A_652 = arith.constant 112 : index
        %swap3A_653 = tpu.vector_load %arg8[%swap3A_651, %swap3A_652] {strides = array<i32>} : memref<8x128xf32, #tpu.memory_space<vmem>>, vector<16xf32>,
        tpu.vector_store %arg8[%swap3A_651, %swap3A_652], %add3A_649 {strides = array<i32>} : memref<8x128xf32, #tpu.memory_space<vmem>>, vector<16xf32>,
        %get3A_654 = arith.constant 6 : i32
        %get3A_655 = arith.index_cast %get3A_654 : i32 to index
        %get3A_656 = arith.constant 0 : index
        %get3A_657 = tpu.vector_load %arg8[%get3A_655, %get3A_656] {strides = array<i32>} : memref<8x128xf32, #tpu.memory_space<vmem>>, vector<16xf32>,
        %get3A_658 = arith.constant 6 : i32
        %get3A_659 = arith.index_cast %get3A_658 : i32 to index
        %get3A_660 = arith.constant 0 : index
        %get3A_661 = tpu.vector_load %arg9[%get3A_659, %get3A_660] {strides = array<i32>} : memref<8x128xf32, #tpu.memory_space<vmem>>, vector<16xf32>,
        %add3A_662 = arith.addf %get3A_657, %get3A_661 : vector<16xf32>
        %swap3A_663 = arith.constant 6 : i32
        %swap3A_664 = arith.index_cast %swap3A_663 : i32 to index
        %swap3A_665 = arith.constant 0 : index
        %swap3A_666 = tpu.vector_load %arg8[%swap3A_664, %swap3A_665] {strides = array<i32>} : memref<8x128xf32, #tpu.memory_space<vmem>>, vector<16xf32>,
        tpu.vector_store %arg8[%swap3A_664, %swap3A_665], %add3A_662 {strides = array<i32>} : memref<8x128xf32, #tpu.memory_space<vmem>>, vector<16xf32>,
        %get3A_667 = arith.constant 6 : i32
        %get3A_668 = arith.index_cast %get3A_667 : i32 to index
        %get3A_669 = arith.constant 16 : index
        %get3A_670 = tpu.vector_load %arg8[%get3A_668, %get3A_669] {strides = array<i32>} : memref<8x128xf32, #tpu.memory_space<vmem>>, vector<16xf32>,
        %get3A_671 = arith.constant 6 : i32
        %get3A_672 = arith.index_cast %get3A_671 : i32 to index
        %get3A_673 = arith.constant 16 : index
        %get3A_674 = tpu.vector_load %arg9[%get3A_672, %get3A_673] {strides = array<i32>} : memref<8x128xf32, #tpu.memory_space<vmem>>, vector<16xf32>,
        %add3A_675 = arith.addf %get3A_670, %get3A_674 : vector<16xf32>
        %swap3A_676 = arith.constant 6 : i32
        %swap3A_677 = arith.index_cast %swap3A_676 : i32 to index
        %swap3A_678 = arith.constant 16 : index
        %swap3A_679 = tpu.vector_load %arg8[%swap3A_677, %swap3A_678] {strides = array<i32>} : memref<8x128xf32, #tpu.memory_space<vmem>>, vector<16xf32>,
        tpu.vector_store %arg8[%swap3A_677, %swap3A_678], %add3A_675 {strides = array<i32>} : memref<8x128xf32, #tpu.memory_space<vmem>>, vector<16xf32>,
        %get3A_680 = arith.constant 6 : i32
        %get3A_681 = arith.index_cast %get3A_680 : i32 to index
        %get3A_682 = arith.constant 32 : index
        %get3A_683 = tpu.vector_load %arg8[%get3A_681, %get3A_682] {strides = array<i32>} : memref<8x128xf32, #tpu.memory_space<vmem>>, vector<16xf32>,
        %get3A_684 = arith.constant 6 : i32
        %get3A_685 = arith.index_cast %get3A_684 : i32 to index
        %get3A_686 = arith.constant 32 : index
        %get3A_687 = tpu.vector_load %arg9[%get3A_685, %get3A_686] {strides = array<i32>} : memref<8x128xf32, #tpu.memory_space<vmem>>, vector<16xf32>,
        %add3A_688 = arith.addf %get3A_683, %get3A_687 : vector<16xf32>
        %swap3A_689 = arith.constant 6 : i32
        %swap3A_690 = arith.index_cast %swap3A_689 : i32 to index
        %swap3A_691 = arith.constant 32 : index
        %swap3A_692 = tpu.vector_load %arg8[%swap3A_690, %swap3A_691] {strides = array<i32>} : memref<8x128xf32, #tpu.memory_space<vmem>>, vector<16xf32>,
        tpu.vector_store %arg8[%swap3A_690, %swap3A_691], %add3A_688 {strides = array<i32>} : memref<8x128xf32, #tpu.memory_space<vmem>>, vector<16xf32>,
        %get3A_693 = arith.constant 6 : i32
        %get3A_694 = arith.index_cast %get3A_693 : i32 to index
        %get3A_695 = arith.constant 48 : index
        %get3A_696 = tpu.vector_load %arg8[%get3A_694, %get3A_695] {strides = array<i32>} : memref<8x128xf32, #tpu.memory_space<vmem>>, vector<16xf32>,
        %get3A_697 = arith.constant 6 : i32
        %get3A_698 = arith.index_cast %get3A_697 : i32 to index
        %get3A_699 = arith.constant 48 : index
        %get3A_700 = tpu.vector_load %arg9[%get3A_698, %get3A_699] {strides = array<i32>} : memref<8x128xf32, #tpu.memory_space<vmem>>, vector<16xf32>,
        %add3A_701 = arith.addf %get3A_696, %get3A_700 : vector<16xf32>
        %swap3A_702 = arith.constant 6 : i32
        %swap3A_703 = arith.index_cast %swap3A_702 : i32 to index
        %swap3A_704 = arith.constant 48 : index
        %swap3A_705 = tpu.vector_load %arg8[%swap3A_703, %swap3A_704] {strides = array<i32>} : memref<8x128xf32, #tpu.memory_space<vmem>>, vector<16xf32>,
        tpu.vector_store %arg8[%swap3A_703, %swap3A_704], %add3A_701 {strides = array<i32>} : memref<8x128xf32, #tpu.memory_space<vmem>>, vector<16xf32>,
        %get3A_706 = arith.constant 6 : i32
        %get3A_707 = arith.index_cast %get3A_706 : i32 to index
        %get3A_708 = arith.constant 64 : index
        %get3A_709 = tpu.vector_load %arg8[%get3A_707, %get3A_708] {strides = array<i32>} : memref<8x128xf32, #tpu.memory_space<vmem>>, vector<16xf32>,
        %get3A_710 = arith.constant 6 : i32
        %get3A_711 = arith.index_cast %get3A_710 : i32 to index
        %get3A_712 = arith.constant 64 : index
        %get3A_713 = tpu.vector_load %arg9[%get3A_711, %get3A_712] {strides = array<i32>} : memref<8x128xf32, #tpu.memory_space<vmem>>, vector<16xf32>,
        %add3A_714 = arith.addf %get3A_709, %get3A_713 : vector<16xf32>
        %swap3A_715 = arith.constant 6 : i32
        %swap3A_716 = arith.index_cast %swap3A_715 : i32 to index
        %swap3A_717 = arith.constant 64 : index
        %swap3A_718 = tpu.vector_load %arg8[%swap3A_716, %swap3A_717] {strides = array<i32>} : memref<8x128xf32, #tpu.memory_space<vmem>>, vector<16xf32>,
        tpu.vector_store %arg8[%swap3A_716, %swap3A_717], %add3A_714 {strides = array<i32>} : memref<8x128xf32, #tpu.memory_space<vmem>>, vector<16xf32>,
        %get3A_719 = arith.constant 6 : i32
        %get3A_720 = arith.index_cast %get3A_719 : i32 to index
        %get3A_721 = arith.constant 80 : index
        %get3A_722 = tpu.vector_load %arg8[%get3A_720, %get3A_721] {strides = array<i32>} : memref<8x128xf32, #tpu.memory_space<vmem>>, vector<16xf32>,
        %get3A_723 = arith.constant 6 : i32
        %get3A_724 = arith.index_cast %get3A_723 : i32 to index
        %get3A_725 = arith.constant 80 : index
        %get3A_726 = tpu.vector_load %arg9[%get3A_724, %get3A_725] {strides = array<i32>} : memref<8x128xf32, #tpu.memory_space<vmem>>, vector<16xf32>,
        %add3A_727 = arith.addf %get3A_722, %get3A_726 : vector<16xf32>
        %swap3A_728 = arith.constant 6 : i32
        %swap3A_729 = arith.index_cast %swap3A_728 : i32 to index
        %swap3A_730 = arith.constant 80 : index
        %swap3A_731 = tpu.vector_load %arg8[%swap3A_729, %swap3A_730] {strides = array<i32>} : memref<8x128xf32, #tpu.memory_space<vmem>>, vector<16xf32>,
        tpu.vector_store %arg8[%swap3A_729, %swap3A_730], %add3A_727 {strides = array<i32>} : memref<8x128xf32, #tpu.memory_space<vmem>>, vector<16xf32>,
        %get3A_732 = arith.constant 6 : i32
        %get3A_733 = arith.index_cast %get3A_732 : i32 to index
        %get3A_734 = arith.constant 96 : index
        %get3A_735 = tpu.vector_load %arg8[%get3A_733, %get3A_734] {strides = array<i32>} : memref<8x128xf32, #tpu.memory_space<vmem>>, vector<16xf32>,
        %get3A_736 = arith.constant 6 : i32
        %get3A_737 = arith.index_cast %get3A_736 : i32 to index
        %get3A_738 = arith.constant 96 : index
        %get3A_739 = tpu.vector_load %arg9[%get3A_737, %get3A_738] {strides = array<i32>} : memref<8x128xf32, #tpu.memory_space<vmem>>, vector<16xf32>,
        %add3A_740 = arith.addf %get3A_735, %get3A_739 : vector<16xf32>
        %swap3A_741 = arith.constant 6 : i32
        %swap3A_742 = arith.index_cast %swap3A_741 : i32 to index
        %swap3A_743 = arith.constant 96 : index
        %swap3A_744 = tpu.vector_load %arg8[%swap3A_742, %swap3A_743] {strides = array<i32>} : memref<8x128xf32, #tpu.memory_space<vmem>>, vector<16xf32>,
        tpu.vector_store %arg8[%swap3A_742, %swap3A_743], %add3A_740 {strides = array<i32>} : memref<8x128xf32, #tpu.memory_space<vmem>>, vector<16xf32>,
        %get3A_745 = arith.constant 6 : i32
        %get3A_746 = arith.index_cast %get3A_745 : i32 to index
        %get3A_747 = arith.constant 112 : index
        %get3A_748 = tpu.vector_load %arg8[%get3A_746, %get3A_747] {strides = array<i32>} : memref<8x128xf32, #tpu.memory_space<vmem>>, vector<16xf32>,
        %get3A_749 = arith.constant 6 : i32
        %get3A_750 = arith.index_cast %get3A_749 : i32 to index
        %get3A_751 = arith.constant 112 : index
        %get3A_752 = tpu.vector_load %arg9[%get3A_750, %get3A_751] {strides = array<i32>} : memref<8x128xf32, #tpu.memory_space<vmem>>, vector<16xf32>,
        %add3A_753 = arith.addf %get3A_748, %get3A_752 : vector<16xf32>
        %swap3A_754 = arith.constant 6 : i32
        %swap3A_755 = arith.index_cast %swap3A_754 : i32 to index
        %swap3A_756 = arith.constant 112 : index
        %swap3A_757 = tpu.vector_load %arg8[%swap3A_755, %swap3A_756] {strides = array<i32>} : memref<8x128xf32, #tpu.memory_space<vmem>>, vector<16xf32>,
        tpu.vector_store %arg8[%swap3A_755, %swap3A_756], %add3A_753 {strides = array<i32>} : memref<8x128xf32, #tpu.memory_space<vmem>>, vector<16xf32>,
        %get3A_758 = arith.constant 7 : i32
        %get3A_759 = arith.index_cast %get3A_758 : i32 to index
        %get3A_760 = arith.constant 0 : index
        %get3A_761 = tpu.vector_load %arg8[%get3A_759, %get3A_760] {strides = array<i32>} : memref<8x128xf32, #tpu.memory_space<vmem>>, vector<16xf32>,
        %get3A_762 = arith.constant 7 : i32
        %get3A_763 = arith.index_cast %get3A_762 : i32 to index
        %get3A_764 = arith.constant 0 : index
        %get3A_765 = tpu.vector_load %arg9[%get3A_763, %get3A_764] {strides = array<i32>} : memref<8x128xf32, #tpu.memory_space<vmem>>, vector<16xf32>,
        %add3A_766 = arith.addf %get3A_761, %get3A_765 : vector<16xf32>
        %swap3A_767 = arith.constant 7 : i32
        %swap3A_768 = arith.index_cast %swap3A_767 : i32 to index
        %swap3A_769 = arith.constant 0 : index
        %swap3A_770 = tpu.vector_load %arg8[%swap3A_768, %swap3A_769] {strides = array<i32>} : memref<8x128xf32, #tpu.memory_space<vmem>>, vector<16xf32>,
        tpu.vector_store %arg8[%swap3A_768, %swap3A_769], %add3A_766 {strides = array<i32>} : memref<8x128xf32, #tpu.memory_space<vmem>>, vector<16xf32>,
        %get3A_771 = arith.constant 7 : i32
        %get3A_772 = arith.index_cast %get3A_771 : i32 to index
        %get3A_773 = arith.constant 16 : index
        %get3A_774 = tpu.vector_load %arg8[%get3A_772, %get3A_773] {strides = array<i32>} : memref<8x128xf32, #tpu.memory_space<vmem>>, vector<16xf32>,
        %get3A_775 = arith.constant 7 : i32
        %get3A_776 = arith.index_cast %get3A_775 : i32 to index
        %get3A_777 = arith.constant 16 : index
        %get3A_778 = tpu.vector_load %arg9[%get3A_776, %get3A_777] {strides = array<i32>} : memref<8x128xf32, #tpu.memory_space<vmem>>, vector<16xf32>,
        %add3A_779 = arith.addf %get3A_774, %get3A_778 : vector<16xf32>
        %swap3A_780 = arith.constant 7 : i32
        %swap3A_781 = arith.index_cast %swap3A_780 : i32 to index
        %swap3A_782 = arith.constant 16 : index
        %swap3A_783 = tpu.vector_load %arg8[%swap3A_781, %swap3A_782] {strides = array<i32>} : memref<8x128xf32, #tpu.memory_space<vmem>>, vector<16xf32>,
        tpu.vector_store %arg8[%swap3A_781, %swap3A_782], %add3A_779 {strides = array<i32>} : memref<8x128xf32, #tpu.memory_space<vmem>>, vector<16xf32>,
        %get3A_784 = arith.constant 7 : i32
        %get3A_785 = arith.index_cast %get3A_784 : i32 to index
        %get3A_786 = arith.constant 32 : index
        %get3A_787 = tpu.vector_load %arg8[%get3A_785, %get3A_786] {strides = array<i32>} : memref<8x128xf32, #tpu.memory_space<vmem>>, vector<16xf32>,
        %get3A_788 = arith.constant 7 : i32
        %get3A_789 = arith.index_cast %get3A_788 : i32 to index
        %get3A_790 = arith.constant 32 : index
        %get3A_791 = tpu.vector_load %arg9[%get3A_789, %get3A_790] {strides = array<i32>} : memref<8x128xf32, #tpu.memory_space<vmem>>, vector<16xf32>,
        %add3A_792 = arith.addf %get3A_787, %get3A_791 : vector<16xf32>
        %swap3A_793 = arith.constant 7 : i32
        %swap3A_794 = arith.index_cast %swap3A_793 : i32 to index
        %swap3A_795 = arith.constant 32 : index
        %swap3A_796 = tpu.vector_load %arg8[%swap3A_794, %swap3A_795] {strides = array<i32>} : memref<8x128xf32, #tpu.memory_space<vmem>>, vector<16xf32>,
        tpu.vector_store %arg8[%swap3A_794, %swap3A_795], %add3A_792 {strides = array<i32>} : memref<8x128xf32, #tpu.memory_space<vmem>>, vector<16xf32>,
        %get3A_797 = arith.constant 7 : i32
        %get3A_798 = arith.index_cast %get3A_797 : i32 to index
        %get3A_799 = arith.constant 48 : index
        %get3A_800 = tpu.vector_load %arg8[%get3A_798, %get3A_799] {strides = array<i32>} : memref<8x128xf32, #tpu.memory_space<vmem>>, vector<16xf32>,
        %get3A_801 = arith.constant 7 : i32
        %get3A_802 = arith.index_cast %get3A_801 : i32 to index
        %get3A_803 = arith.constant 48 : index
        %get3A_804 = tpu.vector_load %arg9[%get3A_802, %get3A_803] {strides = array<i32>} : memref<8x128xf32, #tpu.memory_space<vmem>>, vector<16xf32>,
        %add3A_805 = arith.addf %get3A_800, %get3A_804 : vector<16xf32>
        %swap3A_806 = arith.constant 7 : i32
        %swap3A_807 = arith.index_cast %swap3A_806 : i32 to index
        %swap3A_808 = arith.constant 48 : index
        %swap3A_809 = tpu.vector_load %arg8[%swap3A_807, %swap3A_808] {strides = array<i32>} : memref<8x128xf32, #tpu.memory_space<vmem>>, vector<16xf32>,
        tpu.vector_store %arg8[%swap3A_807, %swap3A_808], %add3A_805 {strides = array<i32>} : memref<8x128xf32, #tpu.memory_space<vmem>>, vector<16xf32>,
        %get3A_810 = arith.constant 7 : i32
        %get3A_811 = arith.index_cast %get3A_810 : i32 to index
        %get3A_812 = arith.constant 64 : index
        %get3A_813 = tpu.vector_load %arg8[%get3A_811, %get3A_812] {strides = array<i32>} : memref<8x128xf32, #tpu.memory_space<vmem>>, vector<16xf32>,
        %get3A_814 = arith.constant 7 : i32
        %get3A_815 = arith.index_cast %get3A_814 : i32 to index
        %get3A_816 = arith.constant 64 : index
        %get3A_817 = tpu.vector_load %arg9[%get3A_815, %get3A_816] {strides = array<i32>} : memref<8x128xf32, #tpu.memory_space<vmem>>, vector<16xf32>,
        %add3A_818 = arith.addf %get3A_813, %get3A_817 : vector<16xf32>
        %swap3A_819 = arith.constant 7 : i32
        %swap3A_820 = arith.index_cast %swap3A_819 : i32 to index
        %swap3A_821 = arith.constant 64 : index
        %swap3A_822 = tpu.vector_load %arg8[%swap3A_820, %swap3A_821] {strides = array<i32>} : memref<8x128xf32, #tpu.memory_space<vmem>>, vector<16xf32>,
        tpu.vector_store %arg8[%swap3A_820, %swap3A_821], %add3A_818 {strides = array<i32>} : memref<8x128xf32, #tpu.memory_space<vmem>>, vector<16xf32>,
        %get3A_823 = arith.constant 7 : i32
        %get3A_824 = arith.index_cast %get3A_823 : i32 to index
        %get3A_825 = arith.constant 80 : index
        %get3A_826 = tpu.vector_load %arg8[%get3A_824, %get3A_825] {strides = array<i32>} : memref<8x128xf32, #tpu.memory_space<vmem>>, vector<16xf32>,
        %get3A_827 = arith.constant 7 : i32
        %get3A_828 = arith.index_cast %get3A_827 : i32 to index
        %get3A_829 = arith.constant 80 : index
        %get3A_830 = tpu.vector_load %arg9[%get3A_828, %get3A_829] {strides = array<i32>} : memref<8x128xf32, #tpu.memory_space<vmem>>, vector<16xf32>,
        %add3A_831 = arith.addf %get3A_826, %get3A_830 : vector<16xf32>
        %swap3A_832 = arith.constant 7 : i32
        %swap3A_833 = arith.index_cast %swap3A_832 : i32 to index
        %swap3A_834 = arith.constant 80 : index
        %swap3A_835 = tpu.vector_load %arg8[%swap3A_833, %swap3A_834] {strides = array<i32>} : memref<8x128xf32, #tpu.memory_space<vmem>>, vector<16xf32>,
        tpu.vector_store %arg8[%swap3A_833, %swap3A_834], %add3A_831 {strides = array<i32>} : memref<8x128xf32, #tpu.memory_space<vmem>>, vector<16xf32>,
        %get3A_836 = arith.constant 7 : i32
        %get3A_837 = arith.index_cast %get3A_836 : i32 to index
        %get3A_838 = arith.constant 96 : index
        %get3A_839 = tpu.vector_load %arg8[%get3A_837, %get3A_838] {strides = array<i32>} : memref<8x128xf32, #tpu.memory_space<vmem>>, vector<16xf32>,
        %get3A_840 = arith.constant 7 : i32
        %get3A_841 = arith.index_cast %get3A_840 : i32 to index
        %get3A_842 = arith.constant 96 : index
        %get3A_843 = tpu.vector_load %arg9[%get3A_841, %get3A_842] {strides = array<i32>} : memref<8x128xf32, #tpu.memory_space<vmem>>, vector<16xf32>,
        %add3A_844 = arith.addf %get3A_839, %get3A_843 : vector<16xf32>
        %swap3A_845 = arith.constant 7 : i32
        %swap3A_846 = arith.index_cast %swap3A_845 : i32 to index
        %swap3A_847 = arith.constant 96 : index
        %swap3A_848 = tpu.vector_load %arg8[%swap3A_846, %swap3A_847] {strides = array<i32>} : memref<8x128xf32, #tpu.memory_space<vmem>>, vector<16xf32>,
        tpu.vector_store %arg8[%swap3A_846, %swap3A_847], %add3A_844 {strides = array<i32>} : memref<8x128xf32, #tpu.memory_space<vmem>>, vector<16xf32>,
        %get3A_849 = arith.constant 7 : i32
        %get3A_850 = arith.index_cast %get3A_849 : i32 to index
        %get3A_851 = arith.constant 112 : index
        %get3A_852 = tpu.vector_load %arg8[%get3A_850, %get3A_851] {strides = array<i32>} : memref<8x128xf32, #tpu.memory_space<vmem>>, vector<16xf32>,
        %get3A_853 = arith.constant 7 : i32
        %get3A_854 = arith.index_cast %get3A_853 : i32 to index
        %get3A_855 = arith.constant 112 : index
        %get3A_856 = tpu.vector_load %arg9[%get3A_854, %get3A_855] {strides = array<i32>} : memref<8x128xf32, #tpu.memory_space<vmem>>, vector<16xf32>,
        %add3A_857 = arith.addf %get3A_852, %get3A_856 : vector<16xf32>
        %swap3A_858 = arith.constant 7 : i32
        %swap3A_859 = arith.index_cast %swap3A_858 : i32 to index
        %swap3A_860 = arith.constant 112 : index
        %swap3A_861 = tpu.vector_load %arg8[%swap3A_859, %swap3A_860] {strides = array<i32>} : memref<8x128xf32, #tpu.memory_space<vmem>>, vector<16xf32>,
        tpu.vector_store %arg8[%swap3A_859, %swap3A_860], %add3A_857 {strides = array<i32>} : memref<8x128xf32, #tpu.memory_space<vmem>>, vector<16xf32>,
      }
      %scan3A_18 = arith.constant 15 : i32
      %mul3A_19 = arith.constant 8 : i32
      %mul3A_20 = arith.muli %arg1, %mul3A_19 : i32
      "tpu.region"() ({
        %run_scoped3A_21 = tpu.sem_alloc : memref<!tpu.dma_semaphore, #tpu.memory_space<semaphore_mem>>
        %dma_start3A = arith.constant 0 : i32
        %dma_start3A_22 = tpu.memref_slice %arg5[%arg0, %mul3A_20, %dma_start3A] : memref<2x80x128xf32, #tpu.memory_space<hbm>> -> memref<1x8x128xf32, #tpu.memory_space<hbm>>
        %dma_start3A_23 = tpu.memref_squeeze %dma_start3A_22 : memref<1x8x128xf32, #tpu.memory_space<hbm>> -> memref<8x128xf32, #tpu.memory_space<hbm>>
        %dma_start3A_24 = arith.constant 0 : i32
        %dma_start3A_25 = tpu.memref_slice %arg5[%arg0, %mul3A_20, %dma_start3A_24] : memref<2x80x128xf32, #tpu.memory_space<hbm>> -> memref<1x8x128xf32, #tpu.memory_space<hbm>>
        %dma_start3A_26 = tpu.memref_squeeze %dma_start3A_25 : memref<1x8x128xf32, #tpu.memory_space<hbm>> -> memref<8x128xf32, #tpu.memory_space<hbm>>
        tpu.enqueue_dma source(%arg8 : memref<8x128xf32, #tpu.memory_space<vmem>>) target(%dma_start3A_26 : memref<8x128xf32, #tpu.memory_space<hbm>>) target_semaphore(%run_scoped3A_21 : memref<!tpu.dma_semaphore, #tpu.memory_space<semaphore_mem>>)
        %dma_wait3A = arith.constant 0 : i32
        %dma_wait3A_27 = tpu.memref_slice %arg5[%arg0, %mul3A_20, %dma_wait3A] : memref<2x80x128xf32, #tpu.memory_space<hbm>> -> memref<1x8x128xf32, #tpu.memory_space<hbm>>
        %dma_wait3A_28 = tpu.memref_squeeze %dma_wait3A_27 : memref<1x8x128xf32, #tpu.memory_space<hbm>> -> memref<8x128xf32, #tpu.memory_space<hbm>>
        %dma_wait3A_29 = arith.constant 0 : i32
        %dma_wait3A_30 = tpu.memref_slice %arg5[%arg0, %mul3A_20, %dma_wait3A_29] : memref<2x80x128xf32, #tpu.memory_space<hbm>> -> memref<1x8x128xf32, #tpu.memory_space<hbm>>
        %dma_wait3A_31 = tpu.memref_squeeze %dma_wait3A_30 : memref<1x8x128xf32, #tpu.memory_space<hbm>> -> memref<8x128xf32, #tpu.memory_space<hbm>>
        tpu.wait_dma2 semaphore(%run_scoped3A_21 : memref<!tpu.dma_semaphore, #tpu.memory_space<semaphore_mem>>) src(%arg8 : memref<8x128xf32, #tpu.memory_space<vmem>>) dst(%dma_wait3A_31 : memref<8x128xf32, #tpu.memory_space<hbm>>)
        tpu.yield
      }) : () -> ()
    } else {
    }
    return
  }
}

#map = affine_map<(d0, d1) -> (0, 0)>
#map1 = affine_map<(d0, d1) -> (0, 0, 0)>
module attributes {stable_mosaic.version = 14 : i64} {
  func.func @_mp_body(%arg0: i32, %arg1: i32, %arg2: memref<10240x128xf32, #tpu.memory_space<hbm>>, %arg3: memref<5120x128xi32, #tpu.memory_space<hbm>>, %arg4: memref<640x128xf32, #tpu.memory_space<hbm>>, %arg5: memref<2x10240x128xf32, #tpu.memory_space<hbm>>, %arg6: memref<8x128xi32, #tpu.memory_space<vmem>>, %arg7: memref<8x128xi32, #tpu.memory_space<vmem>>, %arg8: memref<8x128xi32, #tpu.memory_space<vmem>>, %arg9: memref<8x128xi32, #tpu.memory_space<vmem>>, %arg10: memref<128x128xf32, #tpu.memory_space<vmem>>, %arg11: memref<128x128xf32, #tpu.memory_space<vmem>>, %arg12: memref<10240x128xf32, #tpu.memory_space<vmem_shared>>, %arg13: memref<!tpu.dma_semaphore, #tpu.memory_space<semaphore_mem>>, %arg14: memref<!tpu.dma_semaphore, #tpu.memory_space<semaphore_mem>>, %arg15: memref<!tpu.dma_semaphore, #tpu.memory_space<semaphore_mem>>, %arg16: memref<!tpu.dma_semaphore, #tpu.memory_space<semaphore_mem>>) attributes {dimension_semantics = [#tpu.dimension_semantics<core_parallel>, #tpu.dimension_semantics<subcore_parallel>], iteration_bounds = array<i64: 2, 16>, scalar_prefetch = 0 : i64, scratch_operands = 11 : i64, tpu.core_type = #tpu.core_type<sc_vector_subcore>, window_params = [{transform_indices = #map}, {transform_indices = #map}, {transform_indices = #map}, {transform_indices = #map1}]} {
    %mul3A = arith.constant 640 : i32
    %mul3A_0 = arith.muli %arg1, %mul3A : i32
    "tpu.region"() ({
      %run_scoped3A = tpu.sem_alloc : memref<!tpu.dma_semaphore, #tpu.memory_space<semaphore_mem>>
      %dma_start3A_43 = arith.constant 0 : i32
      %dma_start3A_44 = tpu.memref_slice %arg12[%mul3A_0, %dma_start3A_43] : memref<10240x128xf32, #tpu.memory_space<vmem_shared>> -> memref<640x128xf32, #tpu.memory_space<vmem_shared>>
      tpu.enqueue_dma source(%arg4 : memref<640x128xf32, #tpu.memory_space<hbm>>) target(%dma_start3A_44 : memref<640x128xf32, #tpu.memory_space<vmem_shared>>) target_semaphore(%run_scoped3A : memref<!tpu.dma_semaphore, #tpu.memory_space<semaphore_mem>>)
      %dma_wait3A_45 = arith.constant 0 : i32
      %dma_wait3A_46 = tpu.memref_slice %arg12[%mul3A_0, %dma_wait3A_45] : memref<10240x128xf32, #tpu.memory_space<vmem_shared>> -> memref<640x128xf32, #tpu.memory_space<vmem_shared>>
      tpu.wait_dma2 semaphore(%run_scoped3A : memref<!tpu.dma_semaphore, #tpu.memory_space<semaphore_mem>>) src(%arg4 : memref<640x128xf32, #tpu.memory_space<hbm>>) dst(%dma_wait3A_46 : memref<640x128xf32, #tpu.memory_space<vmem_shared>>)
      tpu.yield
    }) : () -> ()
    %barrier3A = arith.constant 0 : index
    tpu.barrier barrier_id(%barrier3A)
    %mul3A_1 = arith.constant 1280 : i32
    %mul3A_2 = arith.muli %arg0, %mul3A_1 : i32
    %mul3A_3 = arith.constant 80 : i32
    %mul3A_4 = arith.muli %arg1, %mul3A_3 : i32
    %add3A = arith.addi %mul3A_2, %mul3A_4 : i32
    %add3A_5 = arith.constant 0 : i32
    %add3A_6 = arith.addi %add3A, %add3A_5 : i32
    %dma_start3A = arith.constant 0 : i32
    %dma_start3A_7 = tpu.memref_slice %arg3[%add3A_6, %dma_start3A] : memref<5120x128xi32, #tpu.memory_space<hbm>> -> memref<8x128xi32, #tpu.memory_space<hbm>>
    %dma_start3A_8 = arith.constant 0 : i32
    %dma_start3A_9 = tpu.memref_slice %arg3[%add3A_6, %dma_start3A_8] : memref<5120x128xi32, #tpu.memory_space<hbm>> -> memref<8x128xi32, #tpu.memory_space<hbm>>
    tpu.enqueue_dma source(%dma_start3A_9 : memref<8x128xi32, #tpu.memory_space<hbm>>) target(%arg6 : memref<8x128xi32, #tpu.memory_space<vmem>>) target_semaphore(%arg13 : memref<!tpu.dma_semaphore, #tpu.memory_space<semaphore_mem>>)
    %add3A_10 = arith.constant 2560 : i32
    %add3A_11 = arith.addi %add3A_10, %add3A_6 : i32
    %dma_start3A_12 = arith.constant 0 : i32
    %dma_start3A_13 = tpu.memref_slice %arg3[%add3A_11, %dma_start3A_12] : memref<5120x128xi32, #tpu.memory_space<hbm>> -> memref<8x128xi32, #tpu.memory_space<hbm>>
    %dma_start3A_14 = arith.constant 0 : i32
    %dma_start3A_15 = tpu.memref_slice %arg3[%add3A_11, %dma_start3A_14] : memref<5120x128xi32, #tpu.memory_space<hbm>> -> memref<8x128xi32, #tpu.memory_space<hbm>>
    tpu.enqueue_dma source(%dma_start3A_15 : memref<8x128xi32, #tpu.memory_space<hbm>>) target(%arg7 : memref<8x128xi32, #tpu.memory_space<vmem>>) target_semaphore(%arg13 : memref<!tpu.dma_semaphore, #tpu.memory_space<semaphore_mem>>)
    %dma_wait3A = arith.constant 0 : i32
    %dma_wait3A_16 = arith.constant 0 : i32
    %dma_wait3A_17 = tpu.memref_slice %arg3[%dma_wait3A, %dma_wait3A_16] : memref<5120x128xi32, #tpu.memory_space<hbm>> -> memref<8x128xi32, #tpu.memory_space<hbm>>
    %dma_wait3A_18 = arith.constant 0 : i32
    %dma_wait3A_19 = arith.constant 0 : i32
    %dma_wait3A_20 = tpu.memref_slice %arg3[%dma_wait3A_18, %dma_wait3A_19] : memref<5120x128xi32, #tpu.memory_space<hbm>> -> memref<8x128xi32, #tpu.memory_space<hbm>>
    tpu.wait_dma2 semaphore(%arg13 : memref<!tpu.dma_semaphore, #tpu.memory_space<semaphore_mem>>) src(%dma_wait3A_20 : memref<8x128xi32, #tpu.memory_space<hbm>>) dst(%arg6 : memref<8x128xi32, #tpu.memory_space<vmem>>)
    %dma_wait3A_21 = arith.constant 0 : i32
    %dma_wait3A_22 = arith.constant 0 : i32
    %dma_wait3A_23 = tpu.memref_slice %arg3[%dma_wait3A_21, %dma_wait3A_22] : memref<5120x128xi32, #tpu.memory_space<hbm>> -> memref<8x128xi32, #tpu.memory_space<hbm>>
    %dma_wait3A_24 = arith.constant 0 : i32
    %dma_wait3A_25 = arith.constant 0 : i32
    %dma_wait3A_26 = tpu.memref_slice %arg3[%dma_wait3A_24, %dma_wait3A_25] : memref<5120x128xi32, #tpu.memory_space<hbm>> -> memref<8x128xi32, #tpu.memory_space<hbm>>
    tpu.wait_dma2 semaphore(%arg13 : memref<!tpu.dma_semaphore, #tpu.memory_space<semaphore_mem>>) src(%dma_wait3A_26 : memref<8x128xi32, #tpu.memory_space<hbm>>) dst(%arg7 : memref<8x128xi32, #tpu.memory_space<vmem>>)
    %dma_start3A_27 = arith.constant 0 : i32
    %dma_start3A_28 = arith.constant 0 : i32
    %dma_start3A_29 = tpu.memref_slice %arg6[%dma_start3A_27, %dma_start3A_28] : memref<8x128xi32, #tpu.memory_space<vmem>> -> memref<1x128xi32, #tpu.memory_space<vmem>>
    %dma_start3A_30 = tpu.memref_squeeze %dma_start3A_29 : memref<1x128xi32, #tpu.memory_space<vmem>> -> memref<128xi32, #tpu.memory_space<vmem>>
    %dma_start3A_31 = arith.constant 0 : i32
    %dma_start3A_32 = arith.constant 0 : i32
    %dma_start3A_33 = tpu.memref_slice %arg2[%dma_start3A_31, %dma_start3A_32] : memref<10240x128xf32, #tpu.memory_space<hbm>> -> memref<10240x128xf32, #tpu.memory_space<hbm>>
    tpu.enqueue_indirect_dma source(%dma_start3A_33 : memref<10240x128xf32, #tpu.memory_space<hbm>>) target(%arg10 : memref<128x128xf32, #tpu.memory_space<vmem>>) offsets(%dma_start3A_30 : memref<128xi32, #tpu.memory_space<vmem>>) semaphore(%arg15 : memref<!tpu.dma_semaphore, #tpu.memory_space<semaphore_mem>>)
    %scan3A = arith.constant 0 : i32
    %scan3A_34 = arith.constant 5 : i32
    %scan3A_35 = arith.addi %scan3A, %scan3A_34 : i32
    %scan3A_36 = arith.constant 1 : i32
    scf.for %scan3A_43 = %scan3A to %scan3A_35 step %scan3A_36  : i32 {
      %mul3A_44 = arith.constant 2 : i32
      %mul3A_45 = arith.muli %scan3A_43, %mul3A_44 : i32
      %add3A_46 = arith.constant 0 : i32
      %add3A_47 = arith.addi %add3A_46, %mul3A_45 : i32
      %add3A_48 = arith.constant 1 : i32
      %add3A_49 = arith.addi %add3A_47, %add3A_48 : i32
      %lt3A = arith.constant 10 : i32
      %lt3A_50 = arith.cmpi slt, %add3A_49, %lt3A : i32
      %convert_element_type3A = arith.extui %lt3A_50 : i1 to i32
      %cond3A = arith.constant 0 : i32
      %cond3A_51 = arith.cmpi ne, %convert_element_type3A, %cond3A : i32
      scf.if %cond3A_51 {
        %add3A_300 = arith.constant 1 : i32
        %add3A_301 = arith.addi %add3A_47, %add3A_300 : i32
        %mul3A_302 = arith.constant 8 : i32
        %mul3A_303 = arith.muli %mul3A_302, %add3A_301 : i32
        %add3A_304 = arith.addi %add3A, %mul3A_303 : i32
        %dma_start3A_305 = arith.constant 0 : i32
        %dma_start3A_306 = tpu.memref_slice %arg3[%add3A_304, %dma_start3A_305] : memref<5120x128xi32, #tpu.memory_space<hbm>> -> memref<8x128xi32, #tpu.memory_space<hbm>>
        %dma_start3A_307 = arith.constant 0 : i32
        %dma_start3A_308 = tpu.memref_slice %arg3[%add3A_304, %dma_start3A_307] : memref<5120x128xi32, #tpu.memory_space<hbm>> -> memref<8x128xi32, #tpu.memory_space<hbm>>
        tpu.enqueue_dma source(%dma_start3A_308 : memref<8x128xi32, #tpu.memory_space<hbm>>) target(%arg8 : memref<8x128xi32, #tpu.memory_space<vmem>>) target_semaphore(%arg14 : memref<!tpu.dma_semaphore, #tpu.memory_space<semaphore_mem>>)
        %add3A_309 = arith.constant 2560 : i32
        %add3A_310 = arith.addi %add3A_309, %add3A_304 : i32
        %dma_start3A_311 = arith.constant 0 : i32
        %dma_start3A_312 = tpu.memref_slice %arg3[%add3A_310, %dma_start3A_311] : memref<5120x128xi32, #tpu.memory_space<hbm>> -> memref<8x128xi32, #tpu.memory_space<hbm>>
        %dma_start3A_313 = arith.constant 0 : i32
        %dma_start3A_314 = tpu.memref_slice %arg3[%add3A_310, %dma_start3A_313] : memref<5120x128xi32, #tpu.memory_space<hbm>> -> memref<8x128xi32, #tpu.memory_space<hbm>>
        tpu.enqueue_dma source(%dma_start3A_314 : memref<8x128xi32, #tpu.memory_space<hbm>>) target(%arg9 : memref<8x128xi32, #tpu.memory_space<vmem>>) target_semaphore(%arg14 : memref<!tpu.dma_semaphore, #tpu.memory_space<semaphore_mem>>)
      } else {
      }
      %dma_wait3A_52 = arith.constant 0 : i32
      %dma_wait3A_53 = arith.constant 0 : i32
      %dma_wait3A_54 = tpu.memref_slice %arg6[%dma_wait3A_52, %dma_wait3A_53] : memref<8x128xi32, #tpu.memory_space<vmem>> -> memref<1x128xi32, #tpu.memory_space<vmem>>
      %dma_wait3A_55 = tpu.memref_squeeze %dma_wait3A_54 : memref<1x128xi32, #tpu.memory_space<vmem>> -> memref<128xi32, #tpu.memory_space<vmem>>
      %dma_wait3A_56 = arith.constant 0 : i32
      %dma_wait3A_57 = arith.constant 0 : i32
      %dma_wait3A_58 = tpu.memref_slice %arg2[%dma_wait3A_56, %dma_wait3A_57] : memref<10240x128xf32, #tpu.memory_space<hbm>> -> memref<10240x128xf32, #tpu.memory_space<hbm>>
      tpu.wait_indirect_dma semaphore(%arg15 : memref<!tpu.dma_semaphore, #tpu.memory_space<semaphore_mem>>) src(%dma_wait3A_58 : memref<10240x128xf32, #tpu.memory_space<hbm>>) dst(%arg10 : memref<128x128xf32, #tpu.memory_space<vmem>>)
      %dma_start3A_59 = arith.constant 1 : i32
      %dma_start3A_60 = arith.constant 0 : i32
      %dma_start3A_61 = tpu.memref_slice %arg6[%dma_start3A_59, %dma_start3A_60] : memref<8x128xi32, #tpu.memory_space<vmem>> -> memref<1x128xi32, #tpu.memory_space<vmem>>
      %dma_start3A_62 = tpu.memref_squeeze %dma_start3A_61 : memref<1x128xi32, #tpu.memory_space<vmem>> -> memref<128xi32, #tpu.memory_space<vmem>>
      %dma_start3A_63 = arith.constant 0 : i32
      %dma_start3A_64 = arith.constant 0 : i32
      %dma_start3A_65 = tpu.memref_slice %arg2[%dma_start3A_63, %dma_start3A_64] : memref<10240x128xf32, #tpu.memory_space<hbm>> -> memref<10240x128xf32, #tpu.memory_space<hbm>>
      tpu.enqueue_indirect_dma source(%dma_start3A_65 : memref<10240x128xf32, #tpu.memory_space<hbm>>) target(%arg11 : memref<128x128xf32, #tpu.memory_space<vmem>>) offsets(%dma_start3A_62 : memref<128xi32, #tpu.memory_space<vmem>>) semaphore(%arg16 : memref<!tpu.dma_semaphore, #tpu.memory_space<semaphore_mem>>)
      %run_scoped3A = arith.constant 0 : i32
      "tpu.region"() ({
        %run_scoped3A_300 = tpu.sem_alloc : memref<!tpu.dma_semaphore, #tpu.memory_space<semaphore_mem>>
        %dma_start3A_301 = arith.constant 0 : i32
        %dma_start3A_302 = tpu.memref_slice %arg7[%run_scoped3A, %dma_start3A_301] : memref<8x128xi32, #tpu.memory_space<vmem>> -> memref<1x128xi32, #tpu.memory_space<vmem>>
        %dma_start3A_303 = tpu.memref_squeeze %dma_start3A_302 : memref<1x128xi32, #tpu.memory_space<vmem>> -> memref<128xi32, #tpu.memory_space<vmem>>
        %dma_start3A_304 = arith.constant 0 : i32
        %dma_start3A_305 = arith.constant 0 : i32
        %dma_start3A_306 = tpu.memref_slice %arg12[%dma_start3A_304, %dma_start3A_305] : memref<10240x128xf32, #tpu.memory_space<vmem_shared>> -> memref<10240x128xf32, #tpu.memory_space<vmem_shared>>
        tpu.enqueue_indirect_dma source(%arg10 : memref<128x128xf32, #tpu.memory_space<vmem>>) target(%dma_start3A_306 : memref<10240x128xf32, #tpu.memory_space<vmem_shared>>) offsets(%dma_start3A_303 : memref<128xi32, #tpu.memory_space<vmem>>) semaphore(%run_scoped3A_300 : memref<!tpu.dma_semaphore, #tpu.memory_space<semaphore_mem>>) {add = true}
        %dma_wait3A_307 = arith.constant 0 : i32
        %dma_wait3A_308 = tpu.memref_slice %arg7[%run_scoped3A, %dma_wait3A_307] : memref<8x128xi32, #tpu.memory_space<vmem>> -> memref<1x128xi32, #tpu.memory_space<vmem>>
        %dma_wait3A_309 = tpu.memref_squeeze %dma_wait3A_308 : memref<1x128xi32, #tpu.memory_space<vmem>> -> memref<128xi32, #tpu.memory_space<vmem>>
        %dma_wait3A_310 = arith.constant 0 : i32
        %dma_wait3A_311 = arith.constant 0 : i32
        %dma_wait3A_312 = tpu.memref_slice %arg12[%dma_wait3A_310, %dma_wait3A_311] : memref<10240x128xf32, #tpu.memory_space<vmem_shared>> -> memref<10240x128xf32, #tpu.memory_space<vmem_shared>>
        tpu.wait_indirect_dma semaphore(%run_scoped3A_300 : memref<!tpu.dma_semaphore, #tpu.memory_space<semaphore_mem>>) src(%arg10 : memref<128x128xf32, #tpu.memory_space<vmem>>) dst(%dma_wait3A_312 : memref<10240x128xf32, #tpu.memory_space<vmem_shared>>)
        tpu.yield
      }) : () -> ()
      %dma_wait3A_66 = arith.constant 1 : i32
      %dma_wait3A_67 = arith.constant 0 : i32
      %dma_wait3A_68 = tpu.memref_slice %arg6[%dma_wait3A_66, %dma_wait3A_67] : memref<8x128xi32, #tpu.memory_space<vmem>> -> memref<1x128xi32, #tpu.memory_space<vmem>>
      %dma_wait3A_69 = tpu.memref_squeeze %dma_wait3A_68 : memref<1x128xi32, #tpu.memory_space<vmem>> -> memref<128xi32, #tpu.memory_space<vmem>>
      %dma_wait3A_70 = arith.constant 0 : i32
      %dma_wait3A_71 = arith.constant 0 : i32
      %dma_wait3A_72 = tpu.memref_slice %arg2[%dma_wait3A_70, %dma_wait3A_71] : memref<10240x128xf32, #tpu.memory_space<hbm>> -> memref<10240x128xf32, #tpu.memory_space<hbm>>
      tpu.wait_indirect_dma semaphore(%arg16 : memref<!tpu.dma_semaphore, #tpu.memory_space<semaphore_mem>>) src(%dma_wait3A_72 : memref<10240x128xf32, #tpu.memory_space<hbm>>) dst(%arg11 : memref<128x128xf32, #tpu.memory_space<vmem>>)
      %dma_start3A_73 = arith.constant 2 : i32
      %dma_start3A_74 = arith.constant 0 : i32
      %dma_start3A_75 = tpu.memref_slice %arg6[%dma_start3A_73, %dma_start3A_74] : memref<8x128xi32, #tpu.memory_space<vmem>> -> memref<1x128xi32, #tpu.memory_space<vmem>>
      %dma_start3A_76 = tpu.memref_squeeze %dma_start3A_75 : memref<1x128xi32, #tpu.memory_space<vmem>> -> memref<128xi32, #tpu.memory_space<vmem>>
      %dma_start3A_77 = arith.constant 0 : i32
      %dma_start3A_78 = arith.constant 0 : i32
      %dma_start3A_79 = tpu.memref_slice %arg2[%dma_start3A_77, %dma_start3A_78] : memref<10240x128xf32, #tpu.memory_space<hbm>> -> memref<10240x128xf32, #tpu.memory_space<hbm>>
      tpu.enqueue_indirect_dma source(%dma_start3A_79 : memref<10240x128xf32, #tpu.memory_space<hbm>>) target(%arg10 : memref<128x128xf32, #tpu.memory_space<vmem>>) offsets(%dma_start3A_76 : memref<128xi32, #tpu.memory_space<vmem>>) semaphore(%arg15 : memref<!tpu.dma_semaphore, #tpu.memory_space<semaphore_mem>>)
      %run_scoped3A_80 = arith.constant 1 : i32
      "tpu.region"() ({
        %run_scoped3A_300 = tpu.sem_alloc : memref<!tpu.dma_semaphore, #tpu.memory_space<semaphore_mem>>
        %dma_start3A_301 = arith.constant 0 : i32
        %dma_start3A_302 = tpu.memref_slice %arg7[%run_scoped3A_80, %dma_start3A_301] : memref<8x128xi32, #tpu.memory_space<vmem>> -> memref<1x128xi32, #tpu.memory_space<vmem>>
        %dma_start3A_303 = tpu.memref_squeeze %dma_start3A_302 : memref<1x128xi32, #tpu.memory_space<vmem>> -> memref<128xi32, #tpu.memory_space<vmem>>
        %dma_start3A_304 = arith.constant 0 : i32
        %dma_start3A_305 = arith.constant 0 : i32
        %dma_start3A_306 = tpu.memref_slice %arg12[%dma_start3A_304, %dma_start3A_305] : memref<10240x128xf32, #tpu.memory_space<vmem_shared>> -> memref<10240x128xf32, #tpu.memory_space<vmem_shared>>
        tpu.enqueue_indirect_dma source(%arg11 : memref<128x128xf32, #tpu.memory_space<vmem>>) target(%dma_start3A_306 : memref<10240x128xf32, #tpu.memory_space<vmem_shared>>) offsets(%dma_start3A_303 : memref<128xi32, #tpu.memory_space<vmem>>) semaphore(%run_scoped3A_300 : memref<!tpu.dma_semaphore, #tpu.memory_space<semaphore_mem>>) {add = true}
        %dma_wait3A_307 = arith.constant 0 : i32
        %dma_wait3A_308 = tpu.memref_slice %arg7[%run_scoped3A_80, %dma_wait3A_307] : memref<8x128xi32, #tpu.memory_space<vmem>> -> memref<1x128xi32, #tpu.memory_space<vmem>>
        %dma_wait3A_309 = tpu.memref_squeeze %dma_wait3A_308 : memref<1x128xi32, #tpu.memory_space<vmem>> -> memref<128xi32, #tpu.memory_space<vmem>>
        %dma_wait3A_310 = arith.constant 0 : i32
        %dma_wait3A_311 = arith.constant 0 : i32
        %dma_wait3A_312 = tpu.memref_slice %arg12[%dma_wait3A_310, %dma_wait3A_311] : memref<10240x128xf32, #tpu.memory_space<vmem_shared>> -> memref<10240x128xf32, #tpu.memory_space<vmem_shared>>
        tpu.wait_indirect_dma semaphore(%run_scoped3A_300 : memref<!tpu.dma_semaphore, #tpu.memory_space<semaphore_mem>>) src(%arg11 : memref<128x128xf32, #tpu.memory_space<vmem>>) dst(%dma_wait3A_312 : memref<10240x128xf32, #tpu.memory_space<vmem_shared>>)
        tpu.yield
      }) : () -> ()
      %dma_wait3A_81 = arith.constant 2 : i32
      %dma_wait3A_82 = arith.constant 0 : i32
      %dma_wait3A_83 = tpu.memref_slice %arg6[%dma_wait3A_81, %dma_wait3A_82] : memref<8x128xi32, #tpu.memory_space<vmem>> -> memref<1x128xi32, #tpu.memory_space<vmem>>
      %dma_wait3A_84 = tpu.memref_squeeze %dma_wait3A_83 : memref<1x128xi32, #tpu.memory_space<vmem>> -> memref<128xi32, #tpu.memory_space<vmem>>
      %dma_wait3A_85 = arith.constant 0 : i32
      %dma_wait3A_86 = arith.constant 0 : i32
      %dma_wait3A_87 = tpu.memref_slice %arg2[%dma_wait3A_85, %dma_wait3A_86] : memref<10240x128xf32, #tpu.memory_space<hbm>> -> memref<10240x128xf32, #tpu.memory_space<hbm>>
      tpu.wait_indirect_dma semaphore(%arg15 : memref<!tpu.dma_semaphore, #tpu.memory_space<semaphore_mem>>) src(%dma_wait3A_87 : memref<10240x128xf32, #tpu.memory_space<hbm>>) dst(%arg10 : memref<128x128xf32, #tpu.memory_space<vmem>>)
      %dma_start3A_88 = arith.constant 3 : i32
      %dma_start3A_89 = arith.constant 0 : i32
      %dma_start3A_90 = tpu.memref_slice %arg6[%dma_start3A_88, %dma_start3A_89] : memref<8x128xi32, #tpu.memory_space<vmem>> -> memref<1x128xi32, #tpu.memory_space<vmem>>
      %dma_start3A_91 = tpu.memref_squeeze %dma_start3A_90 : memref<1x128xi32, #tpu.memory_space<vmem>> -> memref<128xi32, #tpu.memory_space<vmem>>
      %dma_start3A_92 = arith.constant 0 : i32
      %dma_start3A_93 = arith.constant 0 : i32
      %dma_start3A_94 = tpu.memref_slice %arg2[%dma_start3A_92, %dma_start3A_93] : memref<10240x128xf32, #tpu.memory_space<hbm>> -> memref<10240x128xf32, #tpu.memory_space<hbm>>
      tpu.enqueue_indirect_dma source(%dma_start3A_94 : memref<10240x128xf32, #tpu.memory_space<hbm>>) target(%arg11 : memref<128x128xf32, #tpu.memory_space<vmem>>) offsets(%dma_start3A_91 : memref<128xi32, #tpu.memory_space<vmem>>) semaphore(%arg16 : memref<!tpu.dma_semaphore, #tpu.memory_space<semaphore_mem>>)
      %run_scoped3A_95 = arith.constant 2 : i32
      "tpu.region"() ({
        %run_scoped3A_300 = tpu.sem_alloc : memref<!tpu.dma_semaphore, #tpu.memory_space<semaphore_mem>>
        %dma_start3A_301 = arith.constant 0 : i32
        %dma_start3A_302 = tpu.memref_slice %arg7[%run_scoped3A_95, %dma_start3A_301] : memref<8x128xi32, #tpu.memory_space<vmem>> -> memref<1x128xi32, #tpu.memory_space<vmem>>
        %dma_start3A_303 = tpu.memref_squeeze %dma_start3A_302 : memref<1x128xi32, #tpu.memory_space<vmem>> -> memref<128xi32, #tpu.memory_space<vmem>>
        %dma_start3A_304 = arith.constant 0 : i32
        %dma_start3A_305 = arith.constant 0 : i32
        %dma_start3A_306 = tpu.memref_slice %arg12[%dma_start3A_304, %dma_start3A_305] : memref<10240x128xf32, #tpu.memory_space<vmem_shared>> -> memref<10240x128xf32, #tpu.memory_space<vmem_shared>>
        tpu.enqueue_indirect_dma source(%arg10 : memref<128x128xf32, #tpu.memory_space<vmem>>) target(%dma_start3A_306 : memref<10240x128xf32, #tpu.memory_space<vmem_shared>>) offsets(%dma_start3A_303 : memref<128xi32, #tpu.memory_space<vmem>>) semaphore(%run_scoped3A_300 : memref<!tpu.dma_semaphore, #tpu.memory_space<semaphore_mem>>) {add = true}
        %dma_wait3A_307 = arith.constant 0 : i32
        %dma_wait3A_308 = tpu.memref_slice %arg7[%run_scoped3A_95, %dma_wait3A_307] : memref<8x128xi32, #tpu.memory_space<vmem>> -> memref<1x128xi32, #tpu.memory_space<vmem>>
        %dma_wait3A_309 = tpu.memref_squeeze %dma_wait3A_308 : memref<1x128xi32, #tpu.memory_space<vmem>> -> memref<128xi32, #tpu.memory_space<vmem>>
        %dma_wait3A_310 = arith.constant 0 : i32
        %dma_wait3A_311 = arith.constant 0 : i32
        %dma_wait3A_312 = tpu.memref_slice %arg12[%dma_wait3A_310, %dma_wait3A_311] : memref<10240x128xf32, #tpu.memory_space<vmem_shared>> -> memref<10240x128xf32, #tpu.memory_space<vmem_shared>>
        tpu.wait_indirect_dma semaphore(%run_scoped3A_300 : memref<!tpu.dma_semaphore, #tpu.memory_space<semaphore_mem>>) src(%arg10 : memref<128x128xf32, #tpu.memory_space<vmem>>) dst(%dma_wait3A_312 : memref<10240x128xf32, #tpu.memory_space<vmem_shared>>)
        tpu.yield
      }) : () -> ()
      %dma_wait3A_96 = arith.constant 3 : i32
      %dma_wait3A_97 = arith.constant 0 : i32
      %dma_wait3A_98 = tpu.memref_slice %arg6[%dma_wait3A_96, %dma_wait3A_97] : memref<8x128xi32, #tpu.memory_space<vmem>> -> memref<1x128xi32, #tpu.memory_space<vmem>>
      %dma_wait3A_99 = tpu.memref_squeeze %dma_wait3A_98 : memref<1x128xi32, #tpu.memory_space<vmem>> -> memref<128xi32, #tpu.memory_space<vmem>>
      %dma_wait3A_100 = arith.constant 0 : i32
      %dma_wait3A_101 = arith.constant 0 : i32
      %dma_wait3A_102 = tpu.memref_slice %arg2[%dma_wait3A_100, %dma_wait3A_101] : memref<10240x128xf32, #tpu.memory_space<hbm>> -> memref<10240x128xf32, #tpu.memory_space<hbm>>
      tpu.wait_indirect_dma semaphore(%arg16 : memref<!tpu.dma_semaphore, #tpu.memory_space<semaphore_mem>>) src(%dma_wait3A_102 : memref<10240x128xf32, #tpu.memory_space<hbm>>) dst(%arg11 : memref<128x128xf32, #tpu.memory_space<vmem>>)
      %dma_start3A_103 = arith.constant 4 : i32
      %dma_start3A_104 = arith.constant 0 : i32
      %dma_start3A_105 = tpu.memref_slice %arg6[%dma_start3A_103, %dma_start3A_104] : memref<8x128xi32, #tpu.memory_space<vmem>> -> memref<1x128xi32, #tpu.memory_space<vmem>>
      %dma_start3A_106 = tpu.memref_squeeze %dma_start3A_105 : memref<1x128xi32, #tpu.memory_space<vmem>> -> memref<128xi32, #tpu.memory_space<vmem>>
      %dma_start3A_107 = arith.constant 0 : i32
      %dma_start3A_108 = arith.constant 0 : i32
      %dma_start3A_109 = tpu.memref_slice %arg2[%dma_start3A_107, %dma_start3A_108] : memref<10240x128xf32, #tpu.memory_space<hbm>> -> memref<10240x128xf32, #tpu.memory_space<hbm>>
      tpu.enqueue_indirect_dma source(%dma_start3A_109 : memref<10240x128xf32, #tpu.memory_space<hbm>>) target(%arg10 : memref<128x128xf32, #tpu.memory_space<vmem>>) offsets(%dma_start3A_106 : memref<128xi32, #tpu.memory_space<vmem>>) semaphore(%arg15 : memref<!tpu.dma_semaphore, #tpu.memory_space<semaphore_mem>>)
      %run_scoped3A_110 = arith.constant 3 : i32
      "tpu.region"() ({
        %run_scoped3A_300 = tpu.sem_alloc : memref<!tpu.dma_semaphore, #tpu.memory_space<semaphore_mem>>
        %dma_start3A_301 = arith.constant 0 : i32
        %dma_start3A_302 = tpu.memref_slice %arg7[%run_scoped3A_110, %dma_start3A_301] : memref<8x128xi32, #tpu.memory_space<vmem>> -> memref<1x128xi32, #tpu.memory_space<vmem>>
        %dma_start3A_303 = tpu.memref_squeeze %dma_start3A_302 : memref<1x128xi32, #tpu.memory_space<vmem>> -> memref<128xi32, #tpu.memory_space<vmem>>
        %dma_start3A_304 = arith.constant 0 : i32
        %dma_start3A_305 = arith.constant 0 : i32
        %dma_start3A_306 = tpu.memref_slice %arg12[%dma_start3A_304, %dma_start3A_305] : memref<10240x128xf32, #tpu.memory_space<vmem_shared>> -> memref<10240x128xf32, #tpu.memory_space<vmem_shared>>
        tpu.enqueue_indirect_dma source(%arg11 : memref<128x128xf32, #tpu.memory_space<vmem>>) target(%dma_start3A_306 : memref<10240x128xf32, #tpu.memory_space<vmem_shared>>) offsets(%dma_start3A_303 : memref<128xi32, #tpu.memory_space<vmem>>) semaphore(%run_scoped3A_300 : memref<!tpu.dma_semaphore, #tpu.memory_space<semaphore_mem>>) {add = true}
        %dma_wait3A_307 = arith.constant 0 : i32
        %dma_wait3A_308 = tpu.memref_slice %arg7[%run_scoped3A_110, %dma_wait3A_307] : memref<8x128xi32, #tpu.memory_space<vmem>> -> memref<1x128xi32, #tpu.memory_space<vmem>>
        %dma_wait3A_309 = tpu.memref_squeeze %dma_wait3A_308 : memref<1x128xi32, #tpu.memory_space<vmem>> -> memref<128xi32, #tpu.memory_space<vmem>>
        %dma_wait3A_310 = arith.constant 0 : i32
        %dma_wait3A_311 = arith.constant 0 : i32
        %dma_wait3A_312 = tpu.memref_slice %arg12[%dma_wait3A_310, %dma_wait3A_311] : memref<10240x128xf32, #tpu.memory_space<vmem_shared>> -> memref<10240x128xf32, #tpu.memory_space<vmem_shared>>
        tpu.wait_indirect_dma semaphore(%run_scoped3A_300 : memref<!tpu.dma_semaphore, #tpu.memory_space<semaphore_mem>>) src(%arg11 : memref<128x128xf32, #tpu.memory_space<vmem>>) dst(%dma_wait3A_312 : memref<10240x128xf32, #tpu.memory_space<vmem_shared>>)
        tpu.yield
      }) : () -> ()
      %dma_wait3A_111 = arith.constant 4 : i32
      %dma_wait3A_112 = arith.constant 0 : i32
      %dma_wait3A_113 = tpu.memref_slice %arg6[%dma_wait3A_111, %dma_wait3A_112] : memref<8x128xi32, #tpu.memory_space<vmem>> -> memref<1x128xi32, #tpu.memory_space<vmem>>
      %dma_wait3A_114 = tpu.memref_squeeze %dma_wait3A_113 : memref<1x128xi32, #tpu.memory_space<vmem>> -> memref<128xi32, #tpu.memory_space<vmem>>
      %dma_wait3A_115 = arith.constant 0 : i32
      %dma_wait3A_116 = arith.constant 0 : i32
      %dma_wait3A_117 = tpu.memref_slice %arg2[%dma_wait3A_115, %dma_wait3A_116] : memref<10240x128xf32, #tpu.memory_space<hbm>> -> memref<10240x128xf32, #tpu.memory_space<hbm>>
      tpu.wait_indirect_dma semaphore(%arg15 : memref<!tpu.dma_semaphore, #tpu.memory_space<semaphore_mem>>) src(%dma_wait3A_117 : memref<10240x128xf32, #tpu.memory_space<hbm>>) dst(%arg10 : memref<128x128xf32, #tpu.memory_space<vmem>>)
      %dma_start3A_118 = arith.constant 5 : i32
      %dma_start3A_119 = arith.constant 0 : i32
      %dma_start3A_120 = tpu.memref_slice %arg6[%dma_start3A_118, %dma_start3A_119] : memref<8x128xi32, #tpu.memory_space<vmem>> -> memref<1x128xi32, #tpu.memory_space<vmem>>
      %dma_start3A_121 = tpu.memref_squeeze %dma_start3A_120 : memref<1x128xi32, #tpu.memory_space<vmem>> -> memref<128xi32, #tpu.memory_space<vmem>>
      %dma_start3A_122 = arith.constant 0 : i32
      %dma_start3A_123 = arith.constant 0 : i32
      %dma_start3A_124 = tpu.memref_slice %arg2[%dma_start3A_122, %dma_start3A_123] : memref<10240x128xf32, #tpu.memory_space<hbm>> -> memref<10240x128xf32, #tpu.memory_space<hbm>>
      tpu.enqueue_indirect_dma source(%dma_start3A_124 : memref<10240x128xf32, #tpu.memory_space<hbm>>) target(%arg11 : memref<128x128xf32, #tpu.memory_space<vmem>>) offsets(%dma_start3A_121 : memref<128xi32, #tpu.memory_space<vmem>>) semaphore(%arg16 : memref<!tpu.dma_semaphore, #tpu.memory_space<semaphore_mem>>)
      %run_scoped3A_125 = arith.constant 4 : i32
      "tpu.region"() ({
        %run_scoped3A_300 = tpu.sem_alloc : memref<!tpu.dma_semaphore, #tpu.memory_space<semaphore_mem>>
        %dma_start3A_301 = arith.constant 0 : i32
        %dma_start3A_302 = tpu.memref_slice %arg7[%run_scoped3A_125, %dma_start3A_301] : memref<8x128xi32, #tpu.memory_space<vmem>> -> memref<1x128xi32, #tpu.memory_space<vmem>>
        %dma_start3A_303 = tpu.memref_squeeze %dma_start3A_302 : memref<1x128xi32, #tpu.memory_space<vmem>> -> memref<128xi32, #tpu.memory_space<vmem>>
        %dma_start3A_304 = arith.constant 0 : i32
        %dma_start3A_305 = arith.constant 0 : i32
        %dma_start3A_306 = tpu.memref_slice %arg12[%dma_start3A_304, %dma_start3A_305] : memref<10240x128xf32, #tpu.memory_space<vmem_shared>> -> memref<10240x128xf32, #tpu.memory_space<vmem_shared>>
        tpu.enqueue_indirect_dma source(%arg10 : memref<128x128xf32, #tpu.memory_space<vmem>>) target(%dma_start3A_306 : memref<10240x128xf32, #tpu.memory_space<vmem_shared>>) offsets(%dma_start3A_303 : memref<128xi32, #tpu.memory_space<vmem>>) semaphore(%run_scoped3A_300 : memref<!tpu.dma_semaphore, #tpu.memory_space<semaphore_mem>>) {add = true}
        %dma_wait3A_307 = arith.constant 0 : i32
        %dma_wait3A_308 = tpu.memref_slice %arg7[%run_scoped3A_125, %dma_wait3A_307] : memref<8x128xi32, #tpu.memory_space<vmem>> -> memref<1x128xi32, #tpu.memory_space<vmem>>
        %dma_wait3A_309 = tpu.memref_squeeze %dma_wait3A_308 : memref<1x128xi32, #tpu.memory_space<vmem>> -> memref<128xi32, #tpu.memory_space<vmem>>
        %dma_wait3A_310 = arith.constant 0 : i32
        %dma_wait3A_311 = arith.constant 0 : i32
        %dma_wait3A_312 = tpu.memref_slice %arg12[%dma_wait3A_310, %dma_wait3A_311] : memref<10240x128xf32, #tpu.memory_space<vmem_shared>> -> memref<10240x128xf32, #tpu.memory_space<vmem_shared>>
        tpu.wait_indirect_dma semaphore(%run_scoped3A_300 : memref<!tpu.dma_semaphore, #tpu.memory_space<semaphore_mem>>) src(%arg10 : memref<128x128xf32, #tpu.memory_space<vmem>>) dst(%dma_wait3A_312 : memref<10240x128xf32, #tpu.memory_space<vmem_shared>>)
        tpu.yield
      }) : () -> ()
      %dma_wait3A_126 = arith.constant 5 : i32
      %dma_wait3A_127 = arith.constant 0 : i32
      %dma_wait3A_128 = tpu.memref_slice %arg6[%dma_wait3A_126, %dma_wait3A_127] : memref<8x128xi32, #tpu.memory_space<vmem>> -> memref<1x128xi32, #tpu.memory_space<vmem>>
      %dma_wait3A_129 = tpu.memref_squeeze %dma_wait3A_128 : memref<1x128xi32, #tpu.memory_space<vmem>> -> memref<128xi32, #tpu.memory_space<vmem>>
      %dma_wait3A_130 = arith.constant 0 : i32
      %dma_wait3A_131 = arith.constant 0 : i32
      %dma_wait3A_132 = tpu.memref_slice %arg2[%dma_wait3A_130, %dma_wait3A_131] : memref<10240x128xf32, #tpu.memory_space<hbm>> -> memref<10240x128xf32, #tpu.memory_space<hbm>>
      tpu.wait_indirect_dma semaphore(%arg16 : memref<!tpu.dma_semaphore, #tpu.memory_space<semaphore_mem>>) src(%dma_wait3A_132 : memref<10240x128xf32, #tpu.memory_space<hbm>>) dst(%arg11 : memref<128x128xf32, #tpu.memory_space<vmem>>)
      %dma_start3A_133 = arith.constant 6 : i32
      %dma_start3A_134 = arith.constant 0 : i32
      %dma_start3A_135 = tpu.memref_slice %arg6[%dma_start3A_133, %dma_start3A_134] : memref<8x128xi32, #tpu.memory_space<vmem>> -> memref<1x128xi32, #tpu.memory_space<vmem>>
      %dma_start3A_136 = tpu.memref_squeeze %dma_start3A_135 : memref<1x128xi32, #tpu.memory_space<vmem>> -> memref<128xi32, #tpu.memory_space<vmem>>
      %dma_start3A_137 = arith.constant 0 : i32
      %dma_start3A_138 = arith.constant 0 : i32
      %dma_start3A_139 = tpu.memref_slice %arg2[%dma_start3A_137, %dma_start3A_138] : memref<10240x128xf32, #tpu.memory_space<hbm>> -> memref<10240x128xf32, #tpu.memory_space<hbm>>
      tpu.enqueue_indirect_dma source(%dma_start3A_139 : memref<10240x128xf32, #tpu.memory_space<hbm>>) target(%arg10 : memref<128x128xf32, #tpu.memory_space<vmem>>) offsets(%dma_start3A_136 : memref<128xi32, #tpu.memory_space<vmem>>) semaphore(%arg15 : memref<!tpu.dma_semaphore, #tpu.memory_space<semaphore_mem>>)
      %run_scoped3A_140 = arith.constant 5 : i32
      "tpu.region"() ({
        %run_scoped3A_300 = tpu.sem_alloc : memref<!tpu.dma_semaphore, #tpu.memory_space<semaphore_mem>>
        %dma_start3A_301 = arith.constant 0 : i32
        %dma_start3A_302 = tpu.memref_slice %arg7[%run_scoped3A_140, %dma_start3A_301] : memref<8x128xi32, #tpu.memory_space<vmem>> -> memref<1x128xi32, #tpu.memory_space<vmem>>
        %dma_start3A_303 = tpu.memref_squeeze %dma_start3A_302 : memref<1x128xi32, #tpu.memory_space<vmem>> -> memref<128xi32, #tpu.memory_space<vmem>>
        %dma_start3A_304 = arith.constant 0 : i32
        %dma_start3A_305 = arith.constant 0 : i32
        %dma_start3A_306 = tpu.memref_slice %arg12[%dma_start3A_304, %dma_start3A_305] : memref<10240x128xf32, #tpu.memory_space<vmem_shared>> -> memref<10240x128xf32, #tpu.memory_space<vmem_shared>>
        tpu.enqueue_indirect_dma source(%arg11 : memref<128x128xf32, #tpu.memory_space<vmem>>) target(%dma_start3A_306 : memref<10240x128xf32, #tpu.memory_space<vmem_shared>>) offsets(%dma_start3A_303 : memref<128xi32, #tpu.memory_space<vmem>>) semaphore(%run_scoped3A_300 : memref<!tpu.dma_semaphore, #tpu.memory_space<semaphore_mem>>) {add = true}
        %dma_wait3A_307 = arith.constant 0 : i32
        %dma_wait3A_308 = tpu.memref_slice %arg7[%run_scoped3A_140, %dma_wait3A_307] : memref<8x128xi32, #tpu.memory_space<vmem>> -> memref<1x128xi32, #tpu.memory_space<vmem>>
        %dma_wait3A_309 = tpu.memref_squeeze %dma_wait3A_308 : memref<1x128xi32, #tpu.memory_space<vmem>> -> memref<128xi32, #tpu.memory_space<vmem>>
        %dma_wait3A_310 = arith.constant 0 : i32
        %dma_wait3A_311 = arith.constant 0 : i32
        %dma_wait3A_312 = tpu.memref_slice %arg12[%dma_wait3A_310, %dma_wait3A_311] : memref<10240x128xf32, #tpu.memory_space<vmem_shared>> -> memref<10240x128xf32, #tpu.memory_space<vmem_shared>>
        tpu.wait_indirect_dma semaphore(%run_scoped3A_300 : memref<!tpu.dma_semaphore, #tpu.memory_space<semaphore_mem>>) src(%arg11 : memref<128x128xf32, #tpu.memory_space<vmem>>) dst(%dma_wait3A_312 : memref<10240x128xf32, #tpu.memory_space<vmem_shared>>)
        tpu.yield
      }) : () -> ()
      %dma_wait3A_141 = arith.constant 6 : i32
      %dma_wait3A_142 = arith.constant 0 : i32
      %dma_wait3A_143 = tpu.memref_slice %arg6[%dma_wait3A_141, %dma_wait3A_142] : memref<8x128xi32, #tpu.memory_space<vmem>> -> memref<1x128xi32, #tpu.memory_space<vmem>>
      %dma_wait3A_144 = tpu.memref_squeeze %dma_wait3A_143 : memref<1x128xi32, #tpu.memory_space<vmem>> -> memref<128xi32, #tpu.memory_space<vmem>>
      %dma_wait3A_145 = arith.constant 0 : i32
      %dma_wait3A_146 = arith.constant 0 : i32
      %dma_wait3A_147 = tpu.memref_slice %arg2[%dma_wait3A_145, %dma_wait3A_146] : memref<10240x128xf32, #tpu.memory_space<hbm>> -> memref<10240x128xf32, #tpu.memory_space<hbm>>
      tpu.wait_indirect_dma semaphore(%arg15 : memref<!tpu.dma_semaphore, #tpu.memory_space<semaphore_mem>>) src(%dma_wait3A_147 : memref<10240x128xf32, #tpu.memory_space<hbm>>) dst(%arg10 : memref<128x128xf32, #tpu.memory_space<vmem>>)
      %dma_start3A_148 = arith.constant 7 : i32
      %dma_start3A_149 = arith.constant 0 : i32
      %dma_start3A_150 = tpu.memref_slice %arg6[%dma_start3A_148, %dma_start3A_149] : memref<8x128xi32, #tpu.memory_space<vmem>> -> memref<1x128xi32, #tpu.memory_space<vmem>>
      %dma_start3A_151 = tpu.memref_squeeze %dma_start3A_150 : memref<1x128xi32, #tpu.memory_space<vmem>> -> memref<128xi32, #tpu.memory_space<vmem>>
      %dma_start3A_152 = arith.constant 0 : i32
      %dma_start3A_153 = arith.constant 0 : i32
      %dma_start3A_154 = tpu.memref_slice %arg2[%dma_start3A_152, %dma_start3A_153] : memref<10240x128xf32, #tpu.memory_space<hbm>> -> memref<10240x128xf32, #tpu.memory_space<hbm>>
      tpu.enqueue_indirect_dma source(%dma_start3A_154 : memref<10240x128xf32, #tpu.memory_space<hbm>>) target(%arg11 : memref<128x128xf32, #tpu.memory_space<vmem>>) offsets(%dma_start3A_151 : memref<128xi32, #tpu.memory_space<vmem>>) semaphore(%arg16 : memref<!tpu.dma_semaphore, #tpu.memory_space<semaphore_mem>>)
      %run_scoped3A_155 = arith.constant 6 : i32
      "tpu.region"() ({
        %run_scoped3A_300 = tpu.sem_alloc : memref<!tpu.dma_semaphore, #tpu.memory_space<semaphore_mem>>
        %dma_start3A_301 = arith.constant 0 : i32
        %dma_start3A_302 = tpu.memref_slice %arg7[%run_scoped3A_155, %dma_start3A_301] : memref<8x128xi32, #tpu.memory_space<vmem>> -> memref<1x128xi32, #tpu.memory_space<vmem>>
        %dma_start3A_303 = tpu.memref_squeeze %dma_start3A_302 : memref<1x128xi32, #tpu.memory_space<vmem>> -> memref<128xi32, #tpu.memory_space<vmem>>
        %dma_start3A_304 = arith.constant 0 : i32
        %dma_start3A_305 = arith.constant 0 : i32
        %dma_start3A_306 = tpu.memref_slice %arg12[%dma_start3A_304, %dma_start3A_305] : memref<10240x128xf32, #tpu.memory_space<vmem_shared>> -> memref<10240x128xf32, #tpu.memory_space<vmem_shared>>
        tpu.enqueue_indirect_dma source(%arg10 : memref<128x128xf32, #tpu.memory_space<vmem>>) target(%dma_start3A_306 : memref<10240x128xf32, #tpu.memory_space<vmem_shared>>) offsets(%dma_start3A_303 : memref<128xi32, #tpu.memory_space<vmem>>) semaphore(%run_scoped3A_300 : memref<!tpu.dma_semaphore, #tpu.memory_space<semaphore_mem>>) {add = true}
        %dma_wait3A_307 = arith.constant 0 : i32
        %dma_wait3A_308 = tpu.memref_slice %arg7[%run_scoped3A_155, %dma_wait3A_307] : memref<8x128xi32, #tpu.memory_space<vmem>> -> memref<1x128xi32, #tpu.memory_space<vmem>>
        %dma_wait3A_309 = tpu.memref_squeeze %dma_wait3A_308 : memref<1x128xi32, #tpu.memory_space<vmem>> -> memref<128xi32, #tpu.memory_space<vmem>>
        %dma_wait3A_310 = arith.constant 0 : i32
        %dma_wait3A_311 = arith.constant 0 : i32
        %dma_wait3A_312 = tpu.memref_slice %arg12[%dma_wait3A_310, %dma_wait3A_311] : memref<10240x128xf32, #tpu.memory_space<vmem_shared>> -> memref<10240x128xf32, #tpu.memory_space<vmem_shared>>
        tpu.wait_indirect_dma semaphore(%run_scoped3A_300 : memref<!tpu.dma_semaphore, #tpu.memory_space<semaphore_mem>>) src(%arg10 : memref<128x128xf32, #tpu.memory_space<vmem>>) dst(%dma_wait3A_312 : memref<10240x128xf32, #tpu.memory_space<vmem_shared>>)
        tpu.yield
      }) : () -> ()
      %dma_wait3A_156 = arith.constant 7 : i32
      %dma_wait3A_157 = arith.constant 0 : i32
      %dma_wait3A_158 = tpu.memref_slice %arg6[%dma_wait3A_156, %dma_wait3A_157] : memref<8x128xi32, #tpu.memory_space<vmem>> -> memref<1x128xi32, #tpu.memory_space<vmem>>
      %dma_wait3A_159 = tpu.memref_squeeze %dma_wait3A_158 : memref<1x128xi32, #tpu.memory_space<vmem>> -> memref<128xi32, #tpu.memory_space<vmem>>
      %dma_wait3A_160 = arith.constant 0 : i32
      %dma_wait3A_161 = arith.constant 0 : i32
      %dma_wait3A_162 = tpu.memref_slice %arg2[%dma_wait3A_160, %dma_wait3A_161] : memref<10240x128xf32, #tpu.memory_space<hbm>> -> memref<10240x128xf32, #tpu.memory_space<hbm>>
      tpu.wait_indirect_dma semaphore(%arg16 : memref<!tpu.dma_semaphore, #tpu.memory_space<semaphore_mem>>) src(%dma_wait3A_162 : memref<10240x128xf32, #tpu.memory_space<hbm>>) dst(%arg11 : memref<128x128xf32, #tpu.memory_space<vmem>>)
      %add3A_163 = arith.constant 1 : i32
      %add3A_164 = arith.addi %add3A_47, %add3A_163 : i32
      %lt3A_165 = arith.constant 10 : i32
      %lt3A_166 = arith.cmpi slt, %add3A_164, %lt3A_165 : i32
      %convert_element_type3A_167 = arith.extui %lt3A_166 : i1 to i32
      %cond3A_168 = arith.constant 0 : i32
      %cond3A_169 = arith.cmpi ne, %convert_element_type3A_167, %cond3A_168 : i32
      scf.if %cond3A_169 {
        %dma_wait3A_300 = arith.constant 0 : i32
        %dma_wait3A_301 = arith.constant 0 : i32
        %dma_wait3A_302 = tpu.memref_slice %arg3[%dma_wait3A_300, %dma_wait3A_301] : memref<5120x128xi32, #tpu.memory_space<hbm>> -> memref<8x128xi32, #tpu.memory_space<hbm>>
        %dma_wait3A_303 = arith.constant 0 : i32
        %dma_wait3A_304 = arith.constant 0 : i32
        %dma_wait3A_305 = tpu.memref_slice %arg3[%dma_wait3A_303, %dma_wait3A_304] : memref<5120x128xi32, #tpu.memory_space<hbm>> -> memref<8x128xi32, #tpu.memory_space<hbm>>
        tpu.wait_dma2 semaphore(%arg14 : memref<!tpu.dma_semaphore, #tpu.memory_space<semaphore_mem>>) src(%dma_wait3A_305 : memref<8x128xi32, #tpu.memory_space<hbm>>) dst(%arg8 : memref<8x128xi32, #tpu.memory_space<vmem>>)
        %dma_wait3A_306 = arith.constant 0 : i32
        %dma_wait3A_307 = arith.constant 0 : i32
        %dma_wait3A_308 = tpu.memref_slice %arg3[%dma_wait3A_306, %dma_wait3A_307] : memref<5120x128xi32, #tpu.memory_space<hbm>> -> memref<8x128xi32, #tpu.memory_space<hbm>>
        %dma_wait3A_309 = arith.constant 0 : i32
        %dma_wait3A_310 = arith.constant 0 : i32
        %dma_wait3A_311 = tpu.memref_slice %arg3[%dma_wait3A_309, %dma_wait3A_310] : memref<5120x128xi32, #tpu.memory_space<hbm>> -> memref<8x128xi32, #tpu.memory_space<hbm>>
        tpu.wait_dma2 semaphore(%arg14 : memref<!tpu.dma_semaphore, #tpu.memory_space<semaphore_mem>>) src(%dma_wait3A_311 : memref<8x128xi32, #tpu.memory_space<hbm>>) dst(%arg9 : memref<8x128xi32, #tpu.memory_space<vmem>>)
        %dma_start3A_312 = arith.constant 0 : i32
        %dma_start3A_313 = arith.constant 0 : i32
        %dma_start3A_314 = tpu.memref_slice %arg8[%dma_start3A_312, %dma_start3A_313] : memref<8x128xi32, #tpu.memory_space<vmem>> -> memref<1x128xi32, #tpu.memory_space<vmem>>
        %dma_start3A_315 = tpu.memref_squeeze %dma_start3A_314 : memref<1x128xi32, #tpu.memory_space<vmem>> -> memref<128xi32, #tpu.memory_space<vmem>>
        %dma_start3A_316 = arith.constant 0 : i32
        %dma_start3A_317 = arith.constant 0 : i32
        %dma_start3A_318 = tpu.memref_slice %arg2[%dma_start3A_316, %dma_start3A_317] : memref<10240x128xf32, #tpu.memory_space<hbm>> -> memref<10240x128xf32, #tpu.memory_space<hbm>>
        tpu.enqueue_indirect_dma source(%dma_start3A_318 : memref<10240x128xf32, #tpu.memory_space<hbm>>) target(%arg10 : memref<128x128xf32, #tpu.memory_space<vmem>>) offsets(%dma_start3A_315 : memref<128xi32, #tpu.memory_space<vmem>>) semaphore(%arg15 : memref<!tpu.dma_semaphore, #tpu.memory_space<semaphore_mem>>)
      } else {
      }
      %run_scoped3A_170 = arith.constant 7 : i32
      "tpu.region"() ({
        %run_scoped3A_300 = tpu.sem_alloc : memref<!tpu.dma_semaphore, #tpu.memory_space<semaphore_mem>>
        %dma_start3A_301 = arith.constant 0 : i32
        %dma_start3A_302 = tpu.memref_slice %arg7[%run_scoped3A_170, %dma_start3A_301] : memref<8x128xi32, #tpu.memory_space<vmem>> -> memref<1x128xi32, #tpu.memory_space<vmem>>
        %dma_start3A_303 = tpu.memref_squeeze %dma_start3A_302 : memref<1x128xi32, #tpu.memory_space<vmem>> -> memref<128xi32, #tpu.memory_space<vmem>>
        %dma_start3A_304 = arith.constant 0 : i32
        %dma_start3A_305 = arith.constant 0 : i32
        %dma_start3A_306 = tpu.memref_slice %arg12[%dma_start3A_304, %dma_start3A_305] : memref<10240x128xf32, #tpu.memory_space<vmem_shared>> -> memref<10240x128xf32, #tpu.memory_space<vmem_shared>>
        tpu.enqueue_indirect_dma source(%arg11 : memref<128x128xf32, #tpu.memory_space<vmem>>) target(%dma_start3A_306 : memref<10240x128xf32, #tpu.memory_space<vmem_shared>>) offsets(%dma_start3A_303 : memref<128xi32, #tpu.memory_space<vmem>>) semaphore(%run_scoped3A_300 : memref<!tpu.dma_semaphore, #tpu.memory_space<semaphore_mem>>) {add = true}
        %dma_wait3A_307 = arith.constant 0 : i32
        %dma_wait3A_308 = tpu.memref_slice %arg7[%run_scoped3A_170, %dma_wait3A_307] : memref<8x128xi32, #tpu.memory_space<vmem>> -> memref<1x128xi32, #tpu.memory_space<vmem>>
        %dma_wait3A_309 = tpu.memref_squeeze %dma_wait3A_308 : memref<1x128xi32, #tpu.memory_space<vmem>> -> memref<128xi32, #tpu.memory_space<vmem>>
        %dma_wait3A_310 = arith.constant 0 : i32
        %dma_wait3A_311 = arith.constant 0 : i32
        %dma_wait3A_312 = tpu.memref_slice %arg12[%dma_wait3A_310, %dma_wait3A_311] : memref<10240x128xf32, #tpu.memory_space<vmem_shared>> -> memref<10240x128xf32, #tpu.memory_space<vmem_shared>>
        tpu.wait_indirect_dma semaphore(%run_scoped3A_300 : memref<!tpu.dma_semaphore, #tpu.memory_space<semaphore_mem>>) src(%arg11 : memref<128x128xf32, #tpu.memory_space<vmem>>) dst(%dma_wait3A_312 : memref<10240x128xf32, #tpu.memory_space<vmem_shared>>)
        tpu.yield
      }) : () -> ()
      %add3A_171 = arith.constant 1 : i32
      %add3A_172 = arith.addi %add3A_47, %add3A_171 : i32
      %add3A_173 = arith.constant 1 : i32
      %add3A_174 = arith.addi %add3A_172, %add3A_173 : i32
      %lt3A_175 = arith.constant 10 : i32
      %lt3A_176 = arith.cmpi slt, %add3A_174, %lt3A_175 : i32
      %convert_element_type3A_177 = arith.extui %lt3A_176 : i1 to i32
      %cond3A_178 = arith.constant 0 : i32
      %cond3A_179 = arith.cmpi ne, %convert_element_type3A_177, %cond3A_178 : i32
      scf.if %cond3A_179 {
        %add3A_300 = arith.constant 1 : i32
        %add3A_301 = arith.addi %add3A_172, %add3A_300 : i32
        %mul3A_302 = arith.constant 8 : i32
        %mul3A_303 = arith.muli %mul3A_302, %add3A_301 : i32
        %add3A_304 = arith.addi %add3A, %mul3A_303 : i32
        %dma_start3A_305 = arith.constant 0 : i32
        %dma_start3A_306 = tpu.memref_slice %arg3[%add3A_304, %dma_start3A_305] : memref<5120x128xi32, #tpu.memory_space<hbm>> -> memref<8x128xi32, #tpu.memory_space<hbm>>
        %dma_start3A_307 = arith.constant 0 : i32
        %dma_start3A_308 = tpu.memref_slice %arg3[%add3A_304, %dma_start3A_307] : memref<5120x128xi32, #tpu.memory_space<hbm>> -> memref<8x128xi32, #tpu.memory_space<hbm>>
        tpu.enqueue_dma source(%dma_start3A_308 : memref<8x128xi32, #tpu.memory_space<hbm>>) target(%arg6 : memref<8x128xi32, #tpu.memory_space<vmem>>) target_semaphore(%arg13 : memref<!tpu.dma_semaphore, #tpu.memory_space<semaphore_mem>>)
        %add3A_309 = arith.constant 2560 : i32
        %add3A_310 = arith.addi %add3A_309, %add3A_304 : i32
        %dma_start3A_311 = arith.constant 0 : i32
        %dma_start3A_312 = tpu.memref_slice %arg3[%add3A_310, %dma_start3A_311] : memref<5120x128xi32, #tpu.memory_space<hbm>> -> memref<8x128xi32, #tpu.memory_space<hbm>>
        %dma_start3A_313 = arith.constant 0 : i32
        %dma_start3A_314 = tpu.memref_slice %arg3[%add3A_310, %dma_start3A_313] : memref<5120x128xi32, #tpu.memory_space<hbm>> -> memref<8x128xi32, #tpu.memory_space<hbm>>
        tpu.enqueue_dma source(%dma_start3A_314 : memref<8x128xi32, #tpu.memory_space<hbm>>) target(%arg7 : memref<8x128xi32, #tpu.memory_space<vmem>>) target_semaphore(%arg13 : memref<!tpu.dma_semaphore, #tpu.memory_space<semaphore_mem>>)
      } else {
      }
      %dma_wait3A_180 = arith.constant 0 : i32
      %dma_wait3A_181 = arith.constant 0 : i32
      %dma_wait3A_182 = tpu.memref_slice %arg8[%dma_wait3A_180, %dma_wait3A_181] : memref<8x128xi32, #tpu.memory_space<vmem>> -> memref<1x128xi32, #tpu.memory_space<vmem>>
      %dma_wait3A_183 = tpu.memref_squeeze %dma_wait3A_182 : memref<1x128xi32, #tpu.memory_space<vmem>> -> memref<128xi32, #tpu.memory_space<vmem>>
      %dma_wait3A_184 = arith.constant 0 : i32
      %dma_wait3A_185 = arith.constant 0 : i32
      %dma_wait3A_186 = tpu.memref_slice %arg2[%dma_wait3A_184, %dma_wait3A_185] : memref<10240x128xf32, #tpu.memory_space<hbm>> -> memref<10240x128xf32, #tpu.memory_space<hbm>>
      tpu.wait_indirect_dma semaphore(%arg15 : memref<!tpu.dma_semaphore, #tpu.memory_space<semaphore_mem>>) src(%dma_wait3A_186 : memref<10240x128xf32, #tpu.memory_space<hbm>>) dst(%arg10 : memref<128x128xf32, #tpu.memory_space<vmem>>)
      %dma_start3A_187 = arith.constant 1 : i32
      %dma_start3A_188 = arith.constant 0 : i32
      %dma_start3A_189 = tpu.memref_slice %arg8[%dma_start3A_187, %dma_start3A_188] : memref<8x128xi32, #tpu.memory_space<vmem>> -> memref<1x128xi32, #tpu.memory_space<vmem>>
      %dma_start3A_190 = tpu.memref_squeeze %dma_start3A_189 : memref<1x128xi32, #tpu.memory_space<vmem>> -> memref<128xi32, #tpu.memory_space<vmem>>
      %dma_start3A_191 = arith.constant 0 : i32
      %dma_start3A_192 = arith.constant 0 : i32
      %dma_start3A_193 = tpu.memref_slice %arg2[%dma_start3A_191, %dma_start3A_192] : memref<10240x128xf32, #tpu.memory_space<hbm>> -> memref<10240x128xf32, #tpu.memory_space<hbm>>
      tpu.enqueue_indirect_dma source(%dma_start3A_193 : memref<10240x128xf32, #tpu.memory_space<hbm>>) target(%arg11 : memref<128x128xf32, #tpu.memory_space<vmem>>) offsets(%dma_start3A_190 : memref<128xi32, #tpu.memory_space<vmem>>) semaphore(%arg16 : memref<!tpu.dma_semaphore, #tpu.memory_space<semaphore_mem>>)
      %run_scoped3A_194 = arith.constant 0 : i32
      "tpu.region"() ({
        %run_scoped3A_300 = tpu.sem_alloc : memref<!tpu.dma_semaphore, #tpu.memory_space<semaphore_mem>>
        %dma_start3A_301 = arith.constant 0 : i32
        %dma_start3A_302 = tpu.memref_slice %arg9[%run_scoped3A_194, %dma_start3A_301] : memref<8x128xi32, #tpu.memory_space<vmem>> -> memref<1x128xi32, #tpu.memory_space<vmem>>
        %dma_start3A_303 = tpu.memref_squeeze %dma_start3A_302 : memref<1x128xi32, #tpu.memory_space<vmem>> -> memref<128xi32, #tpu.memory_space<vmem>>
        %dma_start3A_304 = arith.constant 0 : i32
        %dma_start3A_305 = arith.constant 0 : i32
        %dma_start3A_306 = tpu.memref_slice %arg12[%dma_start3A_304, %dma_start3A_305] : memref<10240x128xf32, #tpu.memory_space<vmem_shared>> -> memref<10240x128xf32, #tpu.memory_space<vmem_shared>>
        tpu.enqueue_indirect_dma source(%arg10 : memref<128x128xf32, #tpu.memory_space<vmem>>) target(%dma_start3A_306 : memref<10240x128xf32, #tpu.memory_space<vmem_shared>>) offsets(%dma_start3A_303 : memref<128xi32, #tpu.memory_space<vmem>>) semaphore(%run_scoped3A_300 : memref<!tpu.dma_semaphore, #tpu.memory_space<semaphore_mem>>) {add = true}
        %dma_wait3A_307 = arith.constant 0 : i32
        %dma_wait3A_308 = tpu.memref_slice %arg9[%run_scoped3A_194, %dma_wait3A_307] : memref<8x128xi32, #tpu.memory_space<vmem>> -> memref<1x128xi32, #tpu.memory_space<vmem>>
        %dma_wait3A_309 = tpu.memref_squeeze %dma_wait3A_308 : memref<1x128xi32, #tpu.memory_space<vmem>> -> memref<128xi32, #tpu.memory_space<vmem>>
        %dma_wait3A_310 = arith.constant 0 : i32
        %dma_wait3A_311 = arith.constant 0 : i32
        %dma_wait3A_312 = tpu.memref_slice %arg12[%dma_wait3A_310, %dma_wait3A_311] : memref<10240x128xf32, #tpu.memory_space<vmem_shared>> -> memref<10240x128xf32, #tpu.memory_space<vmem_shared>>
        tpu.wait_indirect_dma semaphore(%run_scoped3A_300 : memref<!tpu.dma_semaphore, #tpu.memory_space<semaphore_mem>>) src(%arg10 : memref<128x128xf32, #tpu.memory_space<vmem>>) dst(%dma_wait3A_312 : memref<10240x128xf32, #tpu.memory_space<vmem_shared>>)
        tpu.yield
      }) : () -> ()
      %dma_wait3A_195 = arith.constant 1 : i32
      %dma_wait3A_196 = arith.constant 0 : i32
      %dma_wait3A_197 = tpu.memref_slice %arg8[%dma_wait3A_195, %dma_wait3A_196] : memref<8x128xi32, #tpu.memory_space<vmem>> -> memref<1x128xi32, #tpu.memory_space<vmem>>
      %dma_wait3A_198 = tpu.memref_squeeze %dma_wait3A_197 : memref<1x128xi32, #tpu.memory_space<vmem>> -> memref<128xi32, #tpu.memory_space<vmem>>
      %dma_wait3A_199 = arith.constant 0 : i32
      %dma_wait3A_200 = arith.constant 0 : i32
      %dma_wait3A_201 = tpu.memref_slice %arg2[%dma_wait3A_199, %dma_wait3A_200] : memref<10240x128xf32, #tpu.memory_space<hbm>> -> memref<10240x128xf32, #tpu.memory_space<hbm>>
      tpu.wait_indirect_dma semaphore(%arg16 : memref<!tpu.dma_semaphore, #tpu.memory_space<semaphore_mem>>) src(%dma_wait3A_201 : memref<10240x128xf32, #tpu.memory_space<hbm>>) dst(%arg11 : memref<128x128xf32, #tpu.memory_space<vmem>>)
      %dma_start3A_202 = arith.constant 2 : i32
      %dma_start3A_203 = arith.constant 0 : i32
      %dma_start3A_204 = tpu.memref_slice %arg8[%dma_start3A_202, %dma_start3A_203] : memref<8x128xi32, #tpu.memory_space<vmem>> -> memref<1x128xi32, #tpu.memory_space<vmem>>
      %dma_start3A_205 = tpu.memref_squeeze %dma_start3A_204 : memref<1x128xi32, #tpu.memory_space<vmem>> -> memref<128xi32, #tpu.memory_space<vmem>>
      %dma_start3A_206 = arith.constant 0 : i32
      %dma_start3A_207 = arith.constant 0 : i32
      %dma_start3A_208 = tpu.memref_slice %arg2[%dma_start3A_206, %dma_start3A_207] : memref<10240x128xf32, #tpu.memory_space<hbm>> -> memref<10240x128xf32, #tpu.memory_space<hbm>>
      tpu.enqueue_indirect_dma source(%dma_start3A_208 : memref<10240x128xf32, #tpu.memory_space<hbm>>) target(%arg10 : memref<128x128xf32, #tpu.memory_space<vmem>>) offsets(%dma_start3A_205 : memref<128xi32, #tpu.memory_space<vmem>>) semaphore(%arg15 : memref<!tpu.dma_semaphore, #tpu.memory_space<semaphore_mem>>)
      %run_scoped3A_209 = arith.constant 1 : i32
      "tpu.region"() ({
        %run_scoped3A_300 = tpu.sem_alloc : memref<!tpu.dma_semaphore, #tpu.memory_space<semaphore_mem>>
        %dma_start3A_301 = arith.constant 0 : i32
        %dma_start3A_302 = tpu.memref_slice %arg9[%run_scoped3A_209, %dma_start3A_301] : memref<8x128xi32, #tpu.memory_space<vmem>> -> memref<1x128xi32, #tpu.memory_space<vmem>>
        %dma_start3A_303 = tpu.memref_squeeze %dma_start3A_302 : memref<1x128xi32, #tpu.memory_space<vmem>> -> memref<128xi32, #tpu.memory_space<vmem>>
        %dma_start3A_304 = arith.constant 0 : i32
        %dma_start3A_305 = arith.constant 0 : i32
        %dma_start3A_306 = tpu.memref_slice %arg12[%dma_start3A_304, %dma_start3A_305] : memref<10240x128xf32, #tpu.memory_space<vmem_shared>> -> memref<10240x128xf32, #tpu.memory_space<vmem_shared>>
        tpu.enqueue_indirect_dma source(%arg11 : memref<128x128xf32, #tpu.memory_space<vmem>>) target(%dma_start3A_306 : memref<10240x128xf32, #tpu.memory_space<vmem_shared>>) offsets(%dma_start3A_303 : memref<128xi32, #tpu.memory_space<vmem>>) semaphore(%run_scoped3A_300 : memref<!tpu.dma_semaphore, #tpu.memory_space<semaphore_mem>>) {add = true}
        %dma_wait3A_307 = arith.constant 0 : i32
        %dma_wait3A_308 = tpu.memref_slice %arg9[%run_scoped3A_209, %dma_wait3A_307] : memref<8x128xi32, #tpu.memory_space<vmem>> -> memref<1x128xi32, #tpu.memory_space<vmem>>
        %dma_wait3A_309 = tpu.memref_squeeze %dma_wait3A_308 : memref<1x128xi32, #tpu.memory_space<vmem>> -> memref<128xi32, #tpu.memory_space<vmem>>
        %dma_wait3A_310 = arith.constant 0 : i32
        %dma_wait3A_311 = arith.constant 0 : i32
        %dma_wait3A_312 = tpu.memref_slice %arg12[%dma_wait3A_310, %dma_wait3A_311] : memref<10240x128xf32, #tpu.memory_space<vmem_shared>> -> memref<10240x128xf32, #tpu.memory_space<vmem_shared>>
        tpu.wait_indirect_dma semaphore(%run_scoped3A_300 : memref<!tpu.dma_semaphore, #tpu.memory_space<semaphore_mem>>) src(%arg11 : memref<128x128xf32, #tpu.memory_space<vmem>>) dst(%dma_wait3A_312 : memref<10240x128xf32, #tpu.memory_space<vmem_shared>>)
        tpu.yield
      }) : () -> ()
      %dma_wait3A_210 = arith.constant 2 : i32
      %dma_wait3A_211 = arith.constant 0 : i32
      %dma_wait3A_212 = tpu.memref_slice %arg8[%dma_wait3A_210, %dma_wait3A_211] : memref<8x128xi32, #tpu.memory_space<vmem>> -> memref<1x128xi32, #tpu.memory_space<vmem>>
      %dma_wait3A_213 = tpu.memref_squeeze %dma_wait3A_212 : memref<1x128xi32, #tpu.memory_space<vmem>> -> memref<128xi32, #tpu.memory_space<vmem>>
      %dma_wait3A_214 = arith.constant 0 : i32
      %dma_wait3A_215 = arith.constant 0 : i32
      %dma_wait3A_216 = tpu.memref_slice %arg2[%dma_wait3A_214, %dma_wait3A_215] : memref<10240x128xf32, #tpu.memory_space<hbm>> -> memref<10240x128xf32, #tpu.memory_space<hbm>>
      tpu.wait_indirect_dma semaphore(%arg15 : memref<!tpu.dma_semaphore, #tpu.memory_space<semaphore_mem>>) src(%dma_wait3A_216 : memref<10240x128xf32, #tpu.memory_space<hbm>>) dst(%arg10 : memref<128x128xf32, #tpu.memory_space<vmem>>)
      %dma_start3A_217 = arith.constant 3 : i32
      %dma_start3A_218 = arith.constant 0 : i32
      %dma_start3A_219 = tpu.memref_slice %arg8[%dma_start3A_217, %dma_start3A_218] : memref<8x128xi32, #tpu.memory_space<vmem>> -> memref<1x128xi32, #tpu.memory_space<vmem>>
      %dma_start3A_220 = tpu.memref_squeeze %dma_start3A_219 : memref<1x128xi32, #tpu.memory_space<vmem>> -> memref<128xi32, #tpu.memory_space<vmem>>
      %dma_start3A_221 = arith.constant 0 : i32
      %dma_start3A_222 = arith.constant 0 : i32
      %dma_start3A_223 = tpu.memref_slice %arg2[%dma_start3A_221, %dma_start3A_222] : memref<10240x128xf32, #tpu.memory_space<hbm>> -> memref<10240x128xf32, #tpu.memory_space<hbm>>
      tpu.enqueue_indirect_dma source(%dma_start3A_223 : memref<10240x128xf32, #tpu.memory_space<hbm>>) target(%arg11 : memref<128x128xf32, #tpu.memory_space<vmem>>) offsets(%dma_start3A_220 : memref<128xi32, #tpu.memory_space<vmem>>) semaphore(%arg16 : memref<!tpu.dma_semaphore, #tpu.memory_space<semaphore_mem>>)
      %run_scoped3A_224 = arith.constant 2 : i32
      "tpu.region"() ({
        %run_scoped3A_300 = tpu.sem_alloc : memref<!tpu.dma_semaphore, #tpu.memory_space<semaphore_mem>>
        %dma_start3A_301 = arith.constant 0 : i32
        %dma_start3A_302 = tpu.memref_slice %arg9[%run_scoped3A_224, %dma_start3A_301] : memref<8x128xi32, #tpu.memory_space<vmem>> -> memref<1x128xi32, #tpu.memory_space<vmem>>
        %dma_start3A_303 = tpu.memref_squeeze %dma_start3A_302 : memref<1x128xi32, #tpu.memory_space<vmem>> -> memref<128xi32, #tpu.memory_space<vmem>>
        %dma_start3A_304 = arith.constant 0 : i32
        %dma_start3A_305 = arith.constant 0 : i32
        %dma_start3A_306 = tpu.memref_slice %arg12[%dma_start3A_304, %dma_start3A_305] : memref<10240x128xf32, #tpu.memory_space<vmem_shared>> -> memref<10240x128xf32, #tpu.memory_space<vmem_shared>>
        tpu.enqueue_indirect_dma source(%arg10 : memref<128x128xf32, #tpu.memory_space<vmem>>) target(%dma_start3A_306 : memref<10240x128xf32, #tpu.memory_space<vmem_shared>>) offsets(%dma_start3A_303 : memref<128xi32, #tpu.memory_space<vmem>>) semaphore(%run_scoped3A_300 : memref<!tpu.dma_semaphore, #tpu.memory_space<semaphore_mem>>) {add = true}
        %dma_wait3A_307 = arith.constant 0 : i32
        %dma_wait3A_308 = tpu.memref_slice %arg9[%run_scoped3A_224, %dma_wait3A_307] : memref<8x128xi32, #tpu.memory_space<vmem>> -> memref<1x128xi32, #tpu.memory_space<vmem>>
        %dma_wait3A_309 = tpu.memref_squeeze %dma_wait3A_308 : memref<1x128xi32, #tpu.memory_space<vmem>> -> memref<128xi32, #tpu.memory_space<vmem>>
        %dma_wait3A_310 = arith.constant 0 : i32
        %dma_wait3A_311 = arith.constant 0 : i32
        %dma_wait3A_312 = tpu.memref_slice %arg12[%dma_wait3A_310, %dma_wait3A_311] : memref<10240x128xf32, #tpu.memory_space<vmem_shared>> -> memref<10240x128xf32, #tpu.memory_space<vmem_shared>>
        tpu.wait_indirect_dma semaphore(%run_scoped3A_300 : memref<!tpu.dma_semaphore, #tpu.memory_space<semaphore_mem>>) src(%arg10 : memref<128x128xf32, #tpu.memory_space<vmem>>) dst(%dma_wait3A_312 : memref<10240x128xf32, #tpu.memory_space<vmem_shared>>)
        tpu.yield
      }) : () -> ()
      %dma_wait3A_225 = arith.constant 3 : i32
      %dma_wait3A_226 = arith.constant 0 : i32
      %dma_wait3A_227 = tpu.memref_slice %arg8[%dma_wait3A_225, %dma_wait3A_226] : memref<8x128xi32, #tpu.memory_space<vmem>> -> memref<1x128xi32, #tpu.memory_space<vmem>>
      %dma_wait3A_228 = tpu.memref_squeeze %dma_wait3A_227 : memref<1x128xi32, #tpu.memory_space<vmem>> -> memref<128xi32, #tpu.memory_space<vmem>>
      %dma_wait3A_229 = arith.constant 0 : i32
      %dma_wait3A_230 = arith.constant 0 : i32
      %dma_wait3A_231 = tpu.memref_slice %arg2[%dma_wait3A_229, %dma_wait3A_230] : memref<10240x128xf32, #tpu.memory_space<hbm>> -> memref<10240x128xf32, #tpu.memory_space<hbm>>
      tpu.wait_indirect_dma semaphore(%arg16 : memref<!tpu.dma_semaphore, #tpu.memory_space<semaphore_mem>>) src(%dma_wait3A_231 : memref<10240x128xf32, #tpu.memory_space<hbm>>) dst(%arg11 : memref<128x128xf32, #tpu.memory_space<vmem>>)
      %dma_start3A_232 = arith.constant 4 : i32
      %dma_start3A_233 = arith.constant 0 : i32
      %dma_start3A_234 = tpu.memref_slice %arg8[%dma_start3A_232, %dma_start3A_233] : memref<8x128xi32, #tpu.memory_space<vmem>> -> memref<1x128xi32, #tpu.memory_space<vmem>>
      %dma_start3A_235 = tpu.memref_squeeze %dma_start3A_234 : memref<1x128xi32, #tpu.memory_space<vmem>> -> memref<128xi32, #tpu.memory_space<vmem>>
      %dma_start3A_236 = arith.constant 0 : i32
      %dma_start3A_237 = arith.constant 0 : i32
      %dma_start3A_238 = tpu.memref_slice %arg2[%dma_start3A_236, %dma_start3A_237] : memref<10240x128xf32, #tpu.memory_space<hbm>> -> memref<10240x128xf32, #tpu.memory_space<hbm>>
      tpu.enqueue_indirect_dma source(%dma_start3A_238 : memref<10240x128xf32, #tpu.memory_space<hbm>>) target(%arg10 : memref<128x128xf32, #tpu.memory_space<vmem>>) offsets(%dma_start3A_235 : memref<128xi32, #tpu.memory_space<vmem>>) semaphore(%arg15 : memref<!tpu.dma_semaphore, #tpu.memory_space<semaphore_mem>>)
      %run_scoped3A_239 = arith.constant 3 : i32
      "tpu.region"() ({
        %run_scoped3A_300 = tpu.sem_alloc : memref<!tpu.dma_semaphore, #tpu.memory_space<semaphore_mem>>
        %dma_start3A_301 = arith.constant 0 : i32
        %dma_start3A_302 = tpu.memref_slice %arg9[%run_scoped3A_239, %dma_start3A_301] : memref<8x128xi32, #tpu.memory_space<vmem>> -> memref<1x128xi32, #tpu.memory_space<vmem>>
        %dma_start3A_303 = tpu.memref_squeeze %dma_start3A_302 : memref<1x128xi32, #tpu.memory_space<vmem>> -> memref<128xi32, #tpu.memory_space<vmem>>
        %dma_start3A_304 = arith.constant 0 : i32
        %dma_start3A_305 = arith.constant 0 : i32
        %dma_start3A_306 = tpu.memref_slice %arg12[%dma_start3A_304, %dma_start3A_305] : memref<10240x128xf32, #tpu.memory_space<vmem_shared>> -> memref<10240x128xf32, #tpu.memory_space<vmem_shared>>
        tpu.enqueue_indirect_dma source(%arg11 : memref<128x128xf32, #tpu.memory_space<vmem>>) target(%dma_start3A_306 : memref<10240x128xf32, #tpu.memory_space<vmem_shared>>) offsets(%dma_start3A_303 : memref<128xi32, #tpu.memory_space<vmem>>) semaphore(%run_scoped3A_300 : memref<!tpu.dma_semaphore, #tpu.memory_space<semaphore_mem>>) {add = true}
        %dma_wait3A_307 = arith.constant 0 : i32
        %dma_wait3A_308 = tpu.memref_slice %arg9[%run_scoped3A_239, %dma_wait3A_307] : memref<8x128xi32, #tpu.memory_space<vmem>> -> memref<1x128xi32, #tpu.memory_space<vmem>>
        %dma_wait3A_309 = tpu.memref_squeeze %dma_wait3A_308 : memref<1x128xi32, #tpu.memory_space<vmem>> -> memref<128xi32, #tpu.memory_space<vmem>>
        %dma_wait3A_310 = arith.constant 0 : i32
        %dma_wait3A_311 = arith.constant 0 : i32
        %dma_wait3A_312 = tpu.memref_slice %arg12[%dma_wait3A_310, %dma_wait3A_311] : memref<10240x128xf32, #tpu.memory_space<vmem_shared>> -> memref<10240x128xf32, #tpu.memory_space<vmem_shared>>
        tpu.wait_indirect_dma semaphore(%run_scoped3A_300 : memref<!tpu.dma_semaphore, #tpu.memory_space<semaphore_mem>>) src(%arg11 : memref<128x128xf32, #tpu.memory_space<vmem>>) dst(%dma_wait3A_312 : memref<10240x128xf32, #tpu.memory_space<vmem_shared>>)
        tpu.yield
      }) : () -> ()
      %dma_wait3A_240 = arith.constant 4 : i32
      %dma_wait3A_241 = arith.constant 0 : i32
      %dma_wait3A_242 = tpu.memref_slice %arg8[%dma_wait3A_240, %dma_wait3A_241] : memref<8x128xi32, #tpu.memory_space<vmem>> -> memref<1x128xi32, #tpu.memory_space<vmem>>
      %dma_wait3A_243 = tpu.memref_squeeze %dma_wait3A_242 : memref<1x128xi32, #tpu.memory_space<vmem>> -> memref<128xi32, #tpu.memory_space<vmem>>
      %dma_wait3A_244 = arith.constant 0 : i32
      %dma_wait3A_245 = arith.constant 0 : i32
      %dma_wait3A_246 = tpu.memref_slice %arg2[%dma_wait3A_244, %dma_wait3A_245] : memref<10240x128xf32, #tpu.memory_space<hbm>> -> memref<10240x128xf32, #tpu.memory_space<hbm>>
      tpu.wait_indirect_dma semaphore(%arg15 : memref<!tpu.dma_semaphore, #tpu.memory_space<semaphore_mem>>) src(%dma_wait3A_246 : memref<10240x128xf32, #tpu.memory_space<hbm>>) dst(%arg10 : memref<128x128xf32, #tpu.memory_space<vmem>>)
      %dma_start3A_247 = arith.constant 5 : i32
      %dma_start3A_248 = arith.constant 0 : i32
      %dma_start3A_249 = tpu.memref_slice %arg8[%dma_start3A_247, %dma_start3A_248] : memref<8x128xi32, #tpu.memory_space<vmem>> -> memref<1x128xi32, #tpu.memory_space<vmem>>
      %dma_start3A_250 = tpu.memref_squeeze %dma_start3A_249 : memref<1x128xi32, #tpu.memory_space<vmem>> -> memref<128xi32, #tpu.memory_space<vmem>>
      %dma_start3A_251 = arith.constant 0 : i32
      %dma_start3A_252 = arith.constant 0 : i32
      %dma_start3A_253 = tpu.memref_slice %arg2[%dma_start3A_251, %dma_start3A_252] : memref<10240x128xf32, #tpu.memory_space<hbm>> -> memref<10240x128xf32, #tpu.memory_space<hbm>>
      tpu.enqueue_indirect_dma source(%dma_start3A_253 : memref<10240x128xf32, #tpu.memory_space<hbm>>) target(%arg11 : memref<128x128xf32, #tpu.memory_space<vmem>>) offsets(%dma_start3A_250 : memref<128xi32, #tpu.memory_space<vmem>>) semaphore(%arg16 : memref<!tpu.dma_semaphore, #tpu.memory_space<semaphore_mem>>)
      %run_scoped3A_254 = arith.constant 4 : i32
      "tpu.region"() ({
        %run_scoped3A_300 = tpu.sem_alloc : memref<!tpu.dma_semaphore, #tpu.memory_space<semaphore_mem>>
        %dma_start3A_301 = arith.constant 0 : i32
        %dma_start3A_302 = tpu.memref_slice %arg9[%run_scoped3A_254, %dma_start3A_301] : memref<8x128xi32, #tpu.memory_space<vmem>> -> memref<1x128xi32, #tpu.memory_space<vmem>>
        %dma_start3A_303 = tpu.memref_squeeze %dma_start3A_302 : memref<1x128xi32, #tpu.memory_space<vmem>> -> memref<128xi32, #tpu.memory_space<vmem>>
        %dma_start3A_304 = arith.constant 0 : i32
        %dma_start3A_305 = arith.constant 0 : i32
        %dma_start3A_306 = tpu.memref_slice %arg12[%dma_start3A_304, %dma_start3A_305] : memref<10240x128xf32, #tpu.memory_space<vmem_shared>> -> memref<10240x128xf32, #tpu.memory_space<vmem_shared>>
        tpu.enqueue_indirect_dma source(%arg10 : memref<128x128xf32, #tpu.memory_space<vmem>>) target(%dma_start3A_306 : memref<10240x128xf32, #tpu.memory_space<vmem_shared>>) offsets(%dma_start3A_303 : memref<128xi32, #tpu.memory_space<vmem>>) semaphore(%run_scoped3A_300 : memref<!tpu.dma_semaphore, #tpu.memory_space<semaphore_mem>>) {add = true}
        %dma_wait3A_307 = arith.constant 0 : i32
        %dma_wait3A_308 = tpu.memref_slice %arg9[%run_scoped3A_254, %dma_wait3A_307] : memref<8x128xi32, #tpu.memory_space<vmem>> -> memref<1x128xi32, #tpu.memory_space<vmem>>
        %dma_wait3A_309 = tpu.memref_squeeze %dma_wait3A_308 : memref<1x128xi32, #tpu.memory_space<vmem>> -> memref<128xi32, #tpu.memory_space<vmem>>
        %dma_wait3A_310 = arith.constant 0 : i32
        %dma_wait3A_311 = arith.constant 0 : i32
        %dma_wait3A_312 = tpu.memref_slice %arg12[%dma_wait3A_310, %dma_wait3A_311] : memref<10240x128xf32, #tpu.memory_space<vmem_shared>> -> memref<10240x128xf32, #tpu.memory_space<vmem_shared>>
        tpu.wait_indirect_dma semaphore(%run_scoped3A_300 : memref<!tpu.dma_semaphore, #tpu.memory_space<semaphore_mem>>) src(%arg10 : memref<128x128xf32, #tpu.memory_space<vmem>>) dst(%dma_wait3A_312 : memref<10240x128xf32, #tpu.memory_space<vmem_shared>>)
        tpu.yield
      }) : () -> ()
      %dma_wait3A_255 = arith.constant 5 : i32
      %dma_wait3A_256 = arith.constant 0 : i32
      %dma_wait3A_257 = tpu.memref_slice %arg8[%dma_wait3A_255, %dma_wait3A_256] : memref<8x128xi32, #tpu.memory_space<vmem>> -> memref<1x128xi32, #tpu.memory_space<vmem>>
      %dma_wait3A_258 = tpu.memref_squeeze %dma_wait3A_257 : memref<1x128xi32, #tpu.memory_space<vmem>> -> memref<128xi32, #tpu.memory_space<vmem>>
      %dma_wait3A_259 = arith.constant 0 : i32
      %dma_wait3A_260 = arith.constant 0 : i32
      %dma_wait3A_261 = tpu.memref_slice %arg2[%dma_wait3A_259, %dma_wait3A_260] : memref<10240x128xf32, #tpu.memory_space<hbm>> -> memref<10240x128xf32, #tpu.memory_space<hbm>>
      tpu.wait_indirect_dma semaphore(%arg16 : memref<!tpu.dma_semaphore, #tpu.memory_space<semaphore_mem>>) src(%dma_wait3A_261 : memref<10240x128xf32, #tpu.memory_space<hbm>>) dst(%arg11 : memref<128x128xf32, #tpu.memory_space<vmem>>)
      %dma_start3A_262 = arith.constant 6 : i32
      %dma_start3A_263 = arith.constant 0 : i32
      %dma_start3A_264 = tpu.memref_slice %arg8[%dma_start3A_262, %dma_start3A_263] : memref<8x128xi32, #tpu.memory_space<vmem>> -> memref<1x128xi32, #tpu.memory_space<vmem>>
      %dma_start3A_265 = tpu.memref_squeeze %dma_start3A_264 : memref<1x128xi32, #tpu.memory_space<vmem>> -> memref<128xi32, #tpu.memory_space<vmem>>
      %dma_start3A_266 = arith.constant 0 : i32
      %dma_start3A_267 = arith.constant 0 : i32
      %dma_start3A_268 = tpu.memref_slice %arg2[%dma_start3A_266, %dma_start3A_267] : memref<10240x128xf32, #tpu.memory_space<hbm>> -> memref<10240x128xf32, #tpu.memory_space<hbm>>
      tpu.enqueue_indirect_dma source(%dma_start3A_268 : memref<10240x128xf32, #tpu.memory_space<hbm>>) target(%arg10 : memref<128x128xf32, #tpu.memory_space<vmem>>) offsets(%dma_start3A_265 : memref<128xi32, #tpu.memory_space<vmem>>) semaphore(%arg15 : memref<!tpu.dma_semaphore, #tpu.memory_space<semaphore_mem>>)
      %run_scoped3A_269 = arith.constant 5 : i32
      "tpu.region"() ({
        %run_scoped3A_300 = tpu.sem_alloc : memref<!tpu.dma_semaphore, #tpu.memory_space<semaphore_mem>>
        %dma_start3A_301 = arith.constant 0 : i32
        %dma_start3A_302 = tpu.memref_slice %arg9[%run_scoped3A_269, %dma_start3A_301] : memref<8x128xi32, #tpu.memory_space<vmem>> -> memref<1x128xi32, #tpu.memory_space<vmem>>
        %dma_start3A_303 = tpu.memref_squeeze %dma_start3A_302 : memref<1x128xi32, #tpu.memory_space<vmem>> -> memref<128xi32, #tpu.memory_space<vmem>>
        %dma_start3A_304 = arith.constant 0 : i32
        %dma_start3A_305 = arith.constant 0 : i32
        %dma_start3A_306 = tpu.memref_slice %arg12[%dma_start3A_304, %dma_start3A_305] : memref<10240x128xf32, #tpu.memory_space<vmem_shared>> -> memref<10240x128xf32, #tpu.memory_space<vmem_shared>>
        tpu.enqueue_indirect_dma source(%arg11 : memref<128x128xf32, #tpu.memory_space<vmem>>) target(%dma_start3A_306 : memref<10240x128xf32, #tpu.memory_space<vmem_shared>>) offsets(%dma_start3A_303 : memref<128xi32, #tpu.memory_space<vmem>>) semaphore(%run_scoped3A_300 : memref<!tpu.dma_semaphore, #tpu.memory_space<semaphore_mem>>) {add = true}
        %dma_wait3A_307 = arith.constant 0 : i32
        %dma_wait3A_308 = tpu.memref_slice %arg9[%run_scoped3A_269, %dma_wait3A_307] : memref<8x128xi32, #tpu.memory_space<vmem>> -> memref<1x128xi32, #tpu.memory_space<vmem>>
        %dma_wait3A_309 = tpu.memref_squeeze %dma_wait3A_308 : memref<1x128xi32, #tpu.memory_space<vmem>> -> memref<128xi32, #tpu.memory_space<vmem>>
        %dma_wait3A_310 = arith.constant 0 : i32
        %dma_wait3A_311 = arith.constant 0 : i32
        %dma_wait3A_312 = tpu.memref_slice %arg12[%dma_wait3A_310, %dma_wait3A_311] : memref<10240x128xf32, #tpu.memory_space<vmem_shared>> -> memref<10240x128xf32, #tpu.memory_space<vmem_shared>>
        tpu.wait_indirect_dma semaphore(%run_scoped3A_300 : memref<!tpu.dma_semaphore, #tpu.memory_space<semaphore_mem>>) src(%arg11 : memref<128x128xf32, #tpu.memory_space<vmem>>) dst(%dma_wait3A_312 : memref<10240x128xf32, #tpu.memory_space<vmem_shared>>)
        tpu.yield
      }) : () -> ()
      %dma_wait3A_270 = arith.constant 6 : i32
      %dma_wait3A_271 = arith.constant 0 : i32
      %dma_wait3A_272 = tpu.memref_slice %arg8[%dma_wait3A_270, %dma_wait3A_271] : memref<8x128xi32, #tpu.memory_space<vmem>> -> memref<1x128xi32, #tpu.memory_space<vmem>>
      %dma_wait3A_273 = tpu.memref_squeeze %dma_wait3A_272 : memref<1x128xi32, #tpu.memory_space<vmem>> -> memref<128xi32, #tpu.memory_space<vmem>>
      %dma_wait3A_274 = arith.constant 0 : i32
      %dma_wait3A_275 = arith.constant 0 : i32
      %dma_wait3A_276 = tpu.memref_slice %arg2[%dma_wait3A_274, %dma_wait3A_275] : memref<10240x128xf32, #tpu.memory_space<hbm>> -> memref<10240x128xf32, #tpu.memory_space<hbm>>
      tpu.wait_indirect_dma semaphore(%arg15 : memref<!tpu.dma_semaphore, #tpu.memory_space<semaphore_mem>>) src(%dma_wait3A_276 : memref<10240x128xf32, #tpu.memory_space<hbm>>) dst(%arg10 : memref<128x128xf32, #tpu.memory_space<vmem>>)
      %dma_start3A_277 = arith.constant 7 : i32
      %dma_start3A_278 = arith.constant 0 : i32
      %dma_start3A_279 = tpu.memref_slice %arg8[%dma_start3A_277, %dma_start3A_278] : memref<8x128xi32, #tpu.memory_space<vmem>> -> memref<1x128xi32, #tpu.memory_space<vmem>>
      %dma_start3A_280 = tpu.memref_squeeze %dma_start3A_279 : memref<1x128xi32, #tpu.memory_space<vmem>> -> memref<128xi32, #tpu.memory_space<vmem>>
      %dma_start3A_281 = arith.constant 0 : i32
      %dma_start3A_282 = arith.constant 0 : i32
      %dma_start3A_283 = tpu.memref_slice %arg2[%dma_start3A_281, %dma_start3A_282] : memref<10240x128xf32, #tpu.memory_space<hbm>> -> memref<10240x128xf32, #tpu.memory_space<hbm>>
      tpu.enqueue_indirect_dma source(%dma_start3A_283 : memref<10240x128xf32, #tpu.memory_space<hbm>>) target(%arg11 : memref<128x128xf32, #tpu.memory_space<vmem>>) offsets(%dma_start3A_280 : memref<128xi32, #tpu.memory_space<vmem>>) semaphore(%arg16 : memref<!tpu.dma_semaphore, #tpu.memory_space<semaphore_mem>>)
      %run_scoped3A_284 = arith.constant 6 : i32
      "tpu.region"() ({
        %run_scoped3A_300 = tpu.sem_alloc : memref<!tpu.dma_semaphore, #tpu.memory_space<semaphore_mem>>
        %dma_start3A_301 = arith.constant 0 : i32
        %dma_start3A_302 = tpu.memref_slice %arg9[%run_scoped3A_284, %dma_start3A_301] : memref<8x128xi32, #tpu.memory_space<vmem>> -> memref<1x128xi32, #tpu.memory_space<vmem>>
        %dma_start3A_303 = tpu.memref_squeeze %dma_start3A_302 : memref<1x128xi32, #tpu.memory_space<vmem>> -> memref<128xi32, #tpu.memory_space<vmem>>
        %dma_start3A_304 = arith.constant 0 : i32
        %dma_start3A_305 = arith.constant 0 : i32
        %dma_start3A_306 = tpu.memref_slice %arg12[%dma_start3A_304, %dma_start3A_305] : memref<10240x128xf32, #tpu.memory_space<vmem_shared>> -> memref<10240x128xf32, #tpu.memory_space<vmem_shared>>
        tpu.enqueue_indirect_dma source(%arg10 : memref<128x128xf32, #tpu.memory_space<vmem>>) target(%dma_start3A_306 : memref<10240x128xf32, #tpu.memory_space<vmem_shared>>) offsets(%dma_start3A_303 : memref<128xi32, #tpu.memory_space<vmem>>) semaphore(%run_scoped3A_300 : memref<!tpu.dma_semaphore, #tpu.memory_space<semaphore_mem>>) {add = true}
        %dma_wait3A_307 = arith.constant 0 : i32
        %dma_wait3A_308 = tpu.memref_slice %arg9[%run_scoped3A_284, %dma_wait3A_307] : memref<8x128xi32, #tpu.memory_space<vmem>> -> memref<1x128xi32, #tpu.memory_space<vmem>>
        %dma_wait3A_309 = tpu.memref_squeeze %dma_wait3A_308 : memref<1x128xi32, #tpu.memory_space<vmem>> -> memref<128xi32, #tpu.memory_space<vmem>>
        %dma_wait3A_310 = arith.constant 0 : i32
        %dma_wait3A_311 = arith.constant 0 : i32
        %dma_wait3A_312 = tpu.memref_slice %arg12[%dma_wait3A_310, %dma_wait3A_311] : memref<10240x128xf32, #tpu.memory_space<vmem_shared>> -> memref<10240x128xf32, #tpu.memory_space<vmem_shared>>
        tpu.wait_indirect_dma semaphore(%run_scoped3A_300 : memref<!tpu.dma_semaphore, #tpu.memory_space<semaphore_mem>>) src(%arg10 : memref<128x128xf32, #tpu.memory_space<vmem>>) dst(%dma_wait3A_312 : memref<10240x128xf32, #tpu.memory_space<vmem_shared>>)
        tpu.yield
      }) : () -> ()
      %dma_wait3A_285 = arith.constant 7 : i32
      %dma_wait3A_286 = arith.constant 0 : i32
      %dma_wait3A_287 = tpu.memref_slice %arg8[%dma_wait3A_285, %dma_wait3A_286] : memref<8x128xi32, #tpu.memory_space<vmem>> -> memref<1x128xi32, #tpu.memory_space<vmem>>
      %dma_wait3A_288 = tpu.memref_squeeze %dma_wait3A_287 : memref<1x128xi32, #tpu.memory_space<vmem>> -> memref<128xi32, #tpu.memory_space<vmem>>
      %dma_wait3A_289 = arith.constant 0 : i32
      %dma_wait3A_290 = arith.constant 0 : i32
      %dma_wait3A_291 = tpu.memref_slice %arg2[%dma_wait3A_289, %dma_wait3A_290] : memref<10240x128xf32, #tpu.memory_space<hbm>> -> memref<10240x128xf32, #tpu.memory_space<hbm>>
      tpu.wait_indirect_dma semaphore(%arg16 : memref<!tpu.dma_semaphore, #tpu.memory_space<semaphore_mem>>) src(%dma_wait3A_291 : memref<10240x128xf32, #tpu.memory_space<hbm>>) dst(%arg11 : memref<128x128xf32, #tpu.memory_space<vmem>>)
      %add3A_292 = arith.constant 1 : i32
      %add3A_293 = arith.addi %add3A_172, %add3A_292 : i32
      %lt3A_294 = arith.constant 10 : i32
      %lt3A_295 = arith.cmpi slt, %add3A_293, %lt3A_294 : i32
      %convert_element_type3A_296 = arith.extui %lt3A_295 : i1 to i32
      %cond3A_297 = arith.constant 0 : i32
      %cond3A_298 = arith.cmpi ne, %convert_element_type3A_296, %cond3A_297 : i32
      scf.if %cond3A_298 {
        %dma_wait3A_300 = arith.constant 0 : i32
        %dma_wait3A_301 = arith.constant 0 : i32
        %dma_wait3A_302 = tpu.memref_slice %arg3[%dma_wait3A_300, %dma_wait3A_301] : memref<5120x128xi32, #tpu.memory_space<hbm>> -> memref<8x128xi32, #tpu.memory_space<hbm>>
        %dma_wait3A_303 = arith.constant 0 : i32
        %dma_wait3A_304 = arith.constant 0 : i32
        %dma_wait3A_305 = tpu.memref_slice %arg3[%dma_wait3A_303, %dma_wait3A_304] : memref<5120x128xi32, #tpu.memory_space<hbm>> -> memref<8x128xi32, #tpu.memory_space<hbm>>
        tpu.wait_dma2 semaphore(%arg13 : memref<!tpu.dma_semaphore, #tpu.memory_space<semaphore_mem>>) src(%dma_wait3A_305 : memref<8x128xi32, #tpu.memory_space<hbm>>) dst(%arg6 : memref<8x128xi32, #tpu.memory_space<vmem>>)
        %dma_wait3A_306 = arith.constant 0 : i32
        %dma_wait3A_307 = arith.constant 0 : i32
        %dma_wait3A_308 = tpu.memref_slice %arg3[%dma_wait3A_306, %dma_wait3A_307] : memref<5120x128xi32, #tpu.memory_space<hbm>> -> memref<8x128xi32, #tpu.memory_space<hbm>>
        %dma_wait3A_309 = arith.constant 0 : i32
        %dma_wait3A_310 = arith.constant 0 : i32
        %dma_wait3A_311 = tpu.memref_slice %arg3[%dma_wait3A_309, %dma_wait3A_310] : memref<5120x128xi32, #tpu.memory_space<hbm>> -> memref<8x128xi32, #tpu.memory_space<hbm>>
        tpu.wait_dma2 semaphore(%arg13 : memref<!tpu.dma_semaphore, #tpu.memory_space<semaphore_mem>>) src(%dma_wait3A_311 : memref<8x128xi32, #tpu.memory_space<hbm>>) dst(%arg7 : memref<8x128xi32, #tpu.memory_space<vmem>>)
        %dma_start3A_312 = arith.constant 0 : i32
        %dma_start3A_313 = arith.constant 0 : i32
        %dma_start3A_314 = tpu.memref_slice %arg6[%dma_start3A_312, %dma_start3A_313] : memref<8x128xi32, #tpu.memory_space<vmem>> -> memref<1x128xi32, #tpu.memory_space<vmem>>
        %dma_start3A_315 = tpu.memref_squeeze %dma_start3A_314 : memref<1x128xi32, #tpu.memory_space<vmem>> -> memref<128xi32, #tpu.memory_space<vmem>>
        %dma_start3A_316 = arith.constant 0 : i32
        %dma_start3A_317 = arith.constant 0 : i32
        %dma_start3A_318 = tpu.memref_slice %arg2[%dma_start3A_316, %dma_start3A_317] : memref<10240x128xf32, #tpu.memory_space<hbm>> -> memref<10240x128xf32, #tpu.memory_space<hbm>>
        tpu.enqueue_indirect_dma source(%dma_start3A_318 : memref<10240x128xf32, #tpu.memory_space<hbm>>) target(%arg10 : memref<128x128xf32, #tpu.memory_space<vmem>>) offsets(%dma_start3A_315 : memref<128xi32, #tpu.memory_space<vmem>>) semaphore(%arg15 : memref<!tpu.dma_semaphore, #tpu.memory_space<semaphore_mem>>)
      } else {
      }
      %run_scoped3A_299 = arith.constant 7 : i32
      "tpu.region"() ({
        %run_scoped3A_300 = tpu.sem_alloc : memref<!tpu.dma_semaphore, #tpu.memory_space<semaphore_mem>>
        %dma_start3A_301 = arith.constant 0 : i32
        %dma_start3A_302 = tpu.memref_slice %arg9[%run_scoped3A_299, %dma_start3A_301] : memref<8x128xi32, #tpu.memory_space<vmem>> -> memref<1x128xi32, #tpu.memory_space<vmem>>
        %dma_start3A_303 = tpu.memref_squeeze %dma_start3A_302 : memref<1x128xi32, #tpu.memory_space<vmem>> -> memref<128xi32, #tpu.memory_space<vmem>>
        %dma_start3A_304 = arith.constant 0 : i32
        %dma_start3A_305 = arith.constant 0 : i32
        %dma_start3A_306 = tpu.memref_slice %arg12[%dma_start3A_304, %dma_start3A_305] : memref<10240x128xf32, #tpu.memory_space<vmem_shared>> -> memref<10240x128xf32, #tpu.memory_space<vmem_shared>>
        tpu.enqueue_indirect_dma source(%arg11 : memref<128x128xf32, #tpu.memory_space<vmem>>) target(%dma_start3A_306 : memref<10240x128xf32, #tpu.memory_space<vmem_shared>>) offsets(%dma_start3A_303 : memref<128xi32, #tpu.memory_space<vmem>>) semaphore(%run_scoped3A_300 : memref<!tpu.dma_semaphore, #tpu.memory_space<semaphore_mem>>) {add = true}
        %dma_wait3A_307 = arith.constant 0 : i32
        %dma_wait3A_308 = tpu.memref_slice %arg9[%run_scoped3A_299, %dma_wait3A_307] : memref<8x128xi32, #tpu.memory_space<vmem>> -> memref<1x128xi32, #tpu.memory_space<vmem>>
        %dma_wait3A_309 = tpu.memref_squeeze %dma_wait3A_308 : memref<1x128xi32, #tpu.memory_space<vmem>> -> memref<128xi32, #tpu.memory_space<vmem>>
        %dma_wait3A_310 = arith.constant 0 : i32
        %dma_wait3A_311 = arith.constant 0 : i32
        %dma_wait3A_312 = tpu.memref_slice %arg12[%dma_wait3A_310, %dma_wait3A_311] : memref<10240x128xf32, #tpu.memory_space<vmem_shared>> -> memref<10240x128xf32, #tpu.memory_space<vmem_shared>>
        tpu.wait_indirect_dma semaphore(%run_scoped3A_300 : memref<!tpu.dma_semaphore, #tpu.memory_space<semaphore_mem>>) src(%arg11 : memref<128x128xf32, #tpu.memory_space<vmem>>) dst(%dma_wait3A_312 : memref<10240x128xf32, #tpu.memory_space<vmem_shared>>)
        tpu.yield
      }) : () -> ()
    }
    %scan3A_37 = arith.constant 5 : i32
    %barrier3A_38 = arith.constant 0 : index
    tpu.barrier barrier_id(%barrier3A_38)
    %mul3A_39 = arith.constant 640 : i32
    %mul3A_40 = arith.muli %arg1, %mul3A_39 : i32
    %mul3A_41 = arith.constant 640 : i32
    %mul3A_42 = arith.muli %arg1, %mul3A_41 : i32
    "tpu.region"() ({
      %run_scoped3A = tpu.sem_alloc : memref<!tpu.dma_semaphore, #tpu.memory_space<semaphore_mem>>
      %dma_start3A_43 = arith.constant 0 : i32
      %dma_start3A_44 = tpu.memref_slice %arg5[%arg0, %mul3A_42, %dma_start3A_43] : memref<2x10240x128xf32, #tpu.memory_space<hbm>> -> memref<1x640x128xf32, #tpu.memory_space<hbm>>
      %dma_start3A_45 = tpu.memref_squeeze %dma_start3A_44 : memref<1x640x128xf32, #tpu.memory_space<hbm>> -> memref<640x128xf32, #tpu.memory_space<hbm>>
      %dma_start3A_46 = arith.constant 0 : i32
      %dma_start3A_47 = tpu.memref_slice %arg12[%mul3A_40, %dma_start3A_46] : memref<10240x128xf32, #tpu.memory_space<vmem_shared>> -> memref<640x128xf32, #tpu.memory_space<vmem_shared>>
      tpu.enqueue_dma source(%dma_start3A_47 : memref<640x128xf32, #tpu.memory_space<vmem_shared>>) target(%dma_start3A_45 : memref<640x128xf32, #tpu.memory_space<hbm>>) target_semaphore(%run_scoped3A : memref<!tpu.dma_semaphore, #tpu.memory_space<semaphore_mem>>)
      %dma_wait3A_48 = arith.constant 0 : i32
      %dma_wait3A_49 = tpu.memref_slice %arg5[%arg0, %mul3A_42, %dma_wait3A_48] : memref<2x10240x128xf32, #tpu.memory_space<hbm>> -> memref<1x640x128xf32, #tpu.memory_space<hbm>>
      %dma_wait3A_50 = tpu.memref_squeeze %dma_wait3A_49 : memref<1x640x128xf32, #tpu.memory_space<hbm>> -> memref<640x128xf32, #tpu.memory_space<hbm>>
      %dma_wait3A_51 = arith.constant 0 : i32
      %dma_wait3A_52 = tpu.memref_slice %arg12[%mul3A_40, %dma_wait3A_51] : memref<10240x128xf32, #tpu.memory_space<vmem_shared>> -> memref<640x128xf32, #tpu.memory_space<vmem_shared>>
      tpu.wait_dma2 semaphore(%run_scoped3A : memref<!tpu.dma_semaphore, #tpu.memory_space<semaphore_mem>>) src(%dma_wait3A_52 : memref<640x128xf32, #tpu.memory_space<vmem_shared>>) dst(%dma_wait3A_50 : memref<640x128xf32, #tpu.memory_space<hbm>>)
      tpu.yield
    }) : () -> ()
    return
  }
}

#map = affine_map<(d0, d1) -> (0, 0)>
#map1 = affine_map<(d0, d1) -> (0, 0, 0)>
module attributes {stable_mosaic.version = 14 : i64} {
  func.func @_mp_body(%arg0: i32, %arg1: i32, %arg2: memref<10240x128xf32, #tpu.memory_space<hbm>>, %arg3: memref<5120x128xi32, #tpu.memory_space<hbm>>, %arg4: memref<640x128xf32, #tpu.memory_space<hbm>>, %arg5: memref<2x10240x128xf32, #tpu.memory_space<hbm>>, %arg6: memref<8x128xi32, #tpu.memory_space<vmem>>, %arg7: memref<8x128xi32, #tpu.memory_space<vmem>>, %arg8: memref<8x128xi32, #tpu.memory_space<vmem>>, %arg9: memref<8x128xi32, #tpu.memory_space<vmem>>, %arg10: memref<128x128xf32, #tpu.memory_space<vmem>>, %arg11: memref<128x128xf32, #tpu.memory_space<vmem>>, %arg12: memref<10240x128xf32, #tpu.memory_space<vmem_shared>>, %arg13: memref<!tpu.dma_semaphore, #tpu.memory_space<semaphore_mem>>, %arg14: memref<!tpu.dma_semaphore, #tpu.memory_space<semaphore_mem>>, %arg15: memref<!tpu.dma_semaphore, #tpu.memory_space<semaphore_mem>>, %arg16: memref<!tpu.dma_semaphore, #tpu.memory_space<semaphore_mem>>) attributes {dimension_semantics = [#tpu.dimension_semantics<core_parallel>, #tpu.dimension_semantics<subcore_parallel>], iteration_bounds = array<i64: 2, 16>, scalar_prefetch = 0 : i64, scratch_operands = 11 : i64, tpu.core_type = #tpu.core_type<sc_vector_subcore>, window_params = [{transform_indices = #map}, {transform_indices = #map}, {transform_indices = #map}, {transform_indices = #map1}]} {
    %mul3A = arith.constant 640 : i32
    %mul3A_0 = arith.muli %arg1, %mul3A : i32
    "tpu.region"() ({
      %run_scoped3A = tpu.sem_alloc : memref<!tpu.dma_semaphore, #tpu.memory_space<semaphore_mem>>
      %dma_start3A_43 = arith.constant 0 : i32
      %dma_start3A_44 = tpu.memref_slice %arg12[%mul3A_0, %dma_start3A_43] : memref<10240x128xf32, #tpu.memory_space<vmem_shared>> -> memref<640x128xf32, #tpu.memory_space<vmem_shared>>
      tpu.enqueue_dma source(%arg4 : memref<640x128xf32, #tpu.memory_space<hbm>>) target(%dma_start3A_44 : memref<640x128xf32, #tpu.memory_space<vmem_shared>>) target_semaphore(%run_scoped3A : memref<!tpu.dma_semaphore, #tpu.memory_space<semaphore_mem>>)
      %dma_wait3A_45 = arith.constant 0 : i32
      %dma_wait3A_46 = tpu.memref_slice %arg12[%mul3A_0, %dma_wait3A_45] : memref<10240x128xf32, #tpu.memory_space<vmem_shared>> -> memref<640x128xf32, #tpu.memory_space<vmem_shared>>
      tpu.wait_dma2 semaphore(%run_scoped3A : memref<!tpu.dma_semaphore, #tpu.memory_space<semaphore_mem>>) src(%arg4 : memref<640x128xf32, #tpu.memory_space<hbm>>) dst(%dma_wait3A_46 : memref<640x128xf32, #tpu.memory_space<vmem_shared>>)
      tpu.yield
    }) : () -> ()
    %barrier3A = arith.constant 0 : index
    tpu.barrier barrier_id(%barrier3A)
    %mul3A_1 = arith.constant 1280 : i32
    %mul3A_2 = arith.muli %arg0, %mul3A_1 : i32
    %mul3A_3 = arith.constant 80 : i32
    %mul3A_4 = arith.muli %arg1, %mul3A_3 : i32
    %add3A = arith.addi %mul3A_2, %mul3A_4 : i32
    %add3A_5 = arith.constant 0 : i32
    %add3A_6 = arith.addi %add3A, %add3A_5 : i32
    %dma_start3A = arith.constant 0 : i32
    %dma_start3A_7 = tpu.memref_slice %arg3[%add3A_6, %dma_start3A] : memref<5120x128xi32, #tpu.memory_space<hbm>> -> memref<8x128xi32, #tpu.memory_space<hbm>>
    %dma_start3A_8 = arith.constant 0 : i32
    %dma_start3A_9 = tpu.memref_slice %arg3[%add3A_6, %dma_start3A_8] : memref<5120x128xi32, #tpu.memory_space<hbm>> -> memref<8x128xi32, #tpu.memory_space<hbm>>
    tpu.enqueue_dma source(%dma_start3A_9 : memref<8x128xi32, #tpu.memory_space<hbm>>) target(%arg6 : memref<8x128xi32, #tpu.memory_space<vmem>>) target_semaphore(%arg13 : memref<!tpu.dma_semaphore, #tpu.memory_space<semaphore_mem>>)
    %add3A_10 = arith.constant 2560 : i32
    %add3A_11 = arith.addi %add3A_10, %add3A_6 : i32
    %dma_start3A_12 = arith.constant 0 : i32
    %dma_start3A_13 = tpu.memref_slice %arg3[%add3A_11, %dma_start3A_12] : memref<5120x128xi32, #tpu.memory_space<hbm>> -> memref<8x128xi32, #tpu.memory_space<hbm>>
    %dma_start3A_14 = arith.constant 0 : i32
    %dma_start3A_15 = tpu.memref_slice %arg3[%add3A_11, %dma_start3A_14] : memref<5120x128xi32, #tpu.memory_space<hbm>> -> memref<8x128xi32, #tpu.memory_space<hbm>>
    tpu.enqueue_dma source(%dma_start3A_15 : memref<8x128xi32, #tpu.memory_space<hbm>>) target(%arg7 : memref<8x128xi32, #tpu.memory_space<vmem>>) target_semaphore(%arg13 : memref<!tpu.dma_semaphore, #tpu.memory_space<semaphore_mem>>)
    %dma_wait3A = arith.constant 0 : i32
    %dma_wait3A_16 = arith.constant 0 : i32
    %dma_wait3A_17 = tpu.memref_slice %arg3[%dma_wait3A, %dma_wait3A_16] : memref<5120x128xi32, #tpu.memory_space<hbm>> -> memref<8x128xi32, #tpu.memory_space<hbm>>
    %dma_wait3A_18 = arith.constant 0 : i32
    %dma_wait3A_19 = arith.constant 0 : i32
    %dma_wait3A_20 = tpu.memref_slice %arg3[%dma_wait3A_18, %dma_wait3A_19] : memref<5120x128xi32, #tpu.memory_space<hbm>> -> memref<8x128xi32, #tpu.memory_space<hbm>>
    tpu.wait_dma2 semaphore(%arg13 : memref<!tpu.dma_semaphore, #tpu.memory_space<semaphore_mem>>) src(%dma_wait3A_20 : memref<8x128xi32, #tpu.memory_space<hbm>>) dst(%arg6 : memref<8x128xi32, #tpu.memory_space<vmem>>)
    %dma_wait3A_21 = arith.constant 0 : i32
    %dma_wait3A_22 = arith.constant 0 : i32
    %dma_wait3A_23 = tpu.memref_slice %arg3[%dma_wait3A_21, %dma_wait3A_22] : memref<5120x128xi32, #tpu.memory_space<hbm>> -> memref<8x128xi32, #tpu.memory_space<hbm>>
    %dma_wait3A_24 = arith.constant 0 : i32
    %dma_wait3A_25 = arith.constant 0 : i32
    %dma_wait3A_26 = tpu.memref_slice %arg3[%dma_wait3A_24, %dma_wait3A_25] : memref<5120x128xi32, #tpu.memory_space<hbm>> -> memref<8x128xi32, #tpu.memory_space<hbm>>
    tpu.wait_dma2 semaphore(%arg13 : memref<!tpu.dma_semaphore, #tpu.memory_space<semaphore_mem>>) src(%dma_wait3A_26 : memref<8x128xi32, #tpu.memory_space<hbm>>) dst(%arg7 : memref<8x128xi32, #tpu.memory_space<vmem>>)
    %dma_start3A_27 = arith.constant 0 : i32
    %dma_start3A_28 = arith.constant 0 : i32
    %dma_start3A_29 = tpu.memref_slice %arg6[%dma_start3A_27, %dma_start3A_28] : memref<8x128xi32, #tpu.memory_space<vmem>> -> memref<1x128xi32, #tpu.memory_space<vmem>>
    %dma_start3A_30 = tpu.memref_squeeze %dma_start3A_29 : memref<1x128xi32, #tpu.memory_space<vmem>> -> memref<128xi32, #tpu.memory_space<vmem>>
    %dma_start3A_31 = arith.constant 0 : i32
    %dma_start3A_32 = arith.constant 0 : i32
    %dma_start3A_33 = tpu.memref_slice %arg2[%dma_start3A_31, %dma_start3A_32] : memref<10240x128xf32, #tpu.memory_space<hbm>> -> memref<10240x128xf32, #tpu.memory_space<hbm>>
    tpu.enqueue_indirect_dma source(%dma_start3A_33 : memref<10240x128xf32, #tpu.memory_space<hbm>>) target(%arg10 : memref<128x128xf32, #tpu.memory_space<vmem>>) offsets(%dma_start3A_30 : memref<128xi32, #tpu.memory_space<vmem>>) semaphore(%arg15 : memref<!tpu.dma_semaphore, #tpu.memory_space<semaphore_mem>>)
    %scan3A = arith.constant 0 : i32
    %scan3A_34 = arith.constant 5 : i32
    %scan3A_35 = arith.addi %scan3A, %scan3A_34 : i32
    %scan3A_36 = arith.constant 1 : i32
    scf.for %scan3A_43 = %scan3A to %scan3A_35 step %scan3A_36  : i32 {
      %mul3A_44 = arith.constant 2 : i32
      %mul3A_45 = arith.muli %scan3A_43, %mul3A_44 : i32
      %add3A_46 = arith.constant 0 : i32
      %add3A_47 = arith.addi %add3A_46, %mul3A_45 : i32
      %add3A_48 = arith.constant 1 : i32
      %add3A_49 = arith.addi %add3A_47, %add3A_48 : i32
      %lt3A = arith.constant 10 : i32
      %lt3A_50 = arith.cmpi slt, %add3A_49, %lt3A : i32
      %convert_element_type3A = arith.extui %lt3A_50 : i1 to i32
      %cond3A = arith.constant 0 : i32
      %cond3A_51 = arith.cmpi ne, %convert_element_type3A, %cond3A : i32
      scf.if %cond3A_51 {
        %add3A_300 = arith.constant 1 : i32
        %add3A_301 = arith.addi %add3A_47, %add3A_300 : i32
        %mul3A_302 = arith.constant 8 : i32
        %mul3A_303 = arith.muli %mul3A_302, %add3A_301 : i32
        %add3A_304 = arith.addi %add3A, %mul3A_303 : i32
        %dma_start3A_305 = arith.constant 0 : i32
        %dma_start3A_306 = tpu.memref_slice %arg3[%add3A_304, %dma_start3A_305] : memref<5120x128xi32, #tpu.memory_space<hbm>> -> memref<8x128xi32, #tpu.memory_space<hbm>>
        %dma_start3A_307 = arith.constant 0 : i32
        %dma_start3A_308 = tpu.memref_slice %arg3[%add3A_304, %dma_start3A_307] : memref<5120x128xi32, #tpu.memory_space<hbm>> -> memref<8x128xi32, #tpu.memory_space<hbm>>
        tpu.enqueue_dma source(%dma_start3A_308 : memref<8x128xi32, #tpu.memory_space<hbm>>) target(%arg8 : memref<8x128xi32, #tpu.memory_space<vmem>>) target_semaphore(%arg14 : memref<!tpu.dma_semaphore, #tpu.memory_space<semaphore_mem>>)
        %add3A_309 = arith.constant 2560 : i32
        %add3A_310 = arith.addi %add3A_309, %add3A_304 : i32
        %dma_start3A_311 = arith.constant 0 : i32
        %dma_start3A_312 = tpu.memref_slice %arg3[%add3A_310, %dma_start3A_311] : memref<5120x128xi32, #tpu.memory_space<hbm>> -> memref<8x128xi32, #tpu.memory_space<hbm>>
        %dma_start3A_313 = arith.constant 0 : i32
        %dma_start3A_314 = tpu.memref_slice %arg3[%add3A_310, %dma_start3A_313] : memref<5120x128xi32, #tpu.memory_space<hbm>> -> memref<8x128xi32, #tpu.memory_space<hbm>>
        tpu.enqueue_dma source(%dma_start3A_314 : memref<8x128xi32, #tpu.memory_space<hbm>>) target(%arg9 : memref<8x128xi32, #tpu.memory_space<vmem>>) target_semaphore(%arg14 : memref<!tpu.dma_semaphore, #tpu.memory_space<semaphore_mem>>)
      } else {
      }
      %dma_wait3A_52 = arith.constant 0 : i32
      %dma_wait3A_53 = arith.constant 0 : i32
      %dma_wait3A_54 = tpu.memref_slice %arg6[%dma_wait3A_52, %dma_wait3A_53] : memref<8x128xi32, #tpu.memory_space<vmem>> -> memref<1x128xi32, #tpu.memory_space<vmem>>
      %dma_wait3A_55 = tpu.memref_squeeze %dma_wait3A_54 : memref<1x128xi32, #tpu.memory_space<vmem>> -> memref<128xi32, #tpu.memory_space<vmem>>
      %dma_wait3A_56 = arith.constant 0 : i32
      %dma_wait3A_57 = arith.constant 0 : i32
      %dma_wait3A_58 = tpu.memref_slice %arg2[%dma_wait3A_56, %dma_wait3A_57] : memref<10240x128xf32, #tpu.memory_space<hbm>> -> memref<10240x128xf32, #tpu.memory_space<hbm>>
      tpu.wait_indirect_dma semaphore(%arg15 : memref<!tpu.dma_semaphore, #tpu.memory_space<semaphore_mem>>) src(%dma_wait3A_58 : memref<10240x128xf32, #tpu.memory_space<hbm>>) dst(%arg10 : memref<128x128xf32, #tpu.memory_space<vmem>>)
      %dma_start3A_59 = arith.constant 1 : i32
      %dma_start3A_60 = arith.constant 0 : i32
      %dma_start3A_61 = tpu.memref_slice %arg6[%dma_start3A_59, %dma_start3A_60] : memref<8x128xi32, #tpu.memory_space<vmem>> -> memref<1x128xi32, #tpu.memory_space<vmem>>
      %dma_start3A_62 = tpu.memref_squeeze %dma_start3A_61 : memref<1x128xi32, #tpu.memory_space<vmem>> -> memref<128xi32, #tpu.memory_space<vmem>>
      %dma_start3A_63 = arith.constant 0 : i32
      %dma_start3A_64 = arith.constant 0 : i32
      %dma_start3A_65 = tpu.memref_slice %arg2[%dma_start3A_63, %dma_start3A_64] : memref<10240x128xf32, #tpu.memory_space<hbm>> -> memref<10240x128xf32, #tpu.memory_space<hbm>>
      tpu.enqueue_indirect_dma source(%dma_start3A_65 : memref<10240x128xf32, #tpu.memory_space<hbm>>) target(%arg11 : memref<128x128xf32, #tpu.memory_space<vmem>>) offsets(%dma_start3A_62 : memref<128xi32, #tpu.memory_space<vmem>>) semaphore(%arg16 : memref<!tpu.dma_semaphore, #tpu.memory_space<semaphore_mem>>)
      %run_scoped3A = arith.constant 0 : i32
      "tpu.region"() ({
        %run_scoped3A_300 = tpu.sem_alloc : memref<!tpu.dma_semaphore, #tpu.memory_space<semaphore_mem>>
        %dma_start3A_301 = arith.constant 0 : i32
        %dma_start3A_302 = tpu.memref_slice %arg7[%run_scoped3A, %dma_start3A_301] : memref<8x128xi32, #tpu.memory_space<vmem>> -> memref<1x128xi32, #tpu.memory_space<vmem>>
        %dma_start3A_303 = tpu.memref_squeeze %dma_start3A_302 : memref<1x128xi32, #tpu.memory_space<vmem>> -> memref<128xi32, #tpu.memory_space<vmem>>
        %dma_start3A_304 = arith.constant 0 : i32
        %dma_start3A_305 = arith.constant 0 : i32
        %dma_start3A_306 = tpu.memref_slice %arg12[%dma_start3A_304, %dma_start3A_305] : memref<10240x128xf32, #tpu.memory_space<vmem_shared>> -> memref<10240x128xf32, #tpu.memory_space<vmem_shared>>
        tpu.enqueue_indirect_dma source(%arg10 : memref<128x128xf32, #tpu.memory_space<vmem>>) target(%dma_start3A_306 : memref<10240x128xf32, #tpu.memory_space<vmem_shared>>) offsets(%dma_start3A_303 : memref<128xi32, #tpu.memory_space<vmem>>) semaphore(%run_scoped3A_300 : memref<!tpu.dma_semaphore, #tpu.memory_space<semaphore_mem>>) {add = true}
        %dma_wait3A_307 = arith.constant 0 : i32
        %dma_wait3A_308 = tpu.memref_slice %arg7[%run_scoped3A, %dma_wait3A_307] : memref<8x128xi32, #tpu.memory_space<vmem>> -> memref<1x128xi32, #tpu.memory_space<vmem>>
        %dma_wait3A_309 = tpu.memref_squeeze %dma_wait3A_308 : memref<1x128xi32, #tpu.memory_space<vmem>> -> memref<128xi32, #tpu.memory_space<vmem>>
        %dma_wait3A_310 = arith.constant 0 : i32
        %dma_wait3A_311 = arith.constant 0 : i32
        %dma_wait3A_312 = tpu.memref_slice %arg12[%dma_wait3A_310, %dma_wait3A_311] : memref<10240x128xf32, #tpu.memory_space<vmem_shared>> -> memref<10240x128xf32, #tpu.memory_space<vmem_shared>>
        tpu.wait_indirect_dma semaphore(%run_scoped3A_300 : memref<!tpu.dma_semaphore, #tpu.memory_space<semaphore_mem>>) src(%arg10 : memref<128x128xf32, #tpu.memory_space<vmem>>) dst(%dma_wait3A_312 : memref<10240x128xf32, #tpu.memory_space<vmem_shared>>)
        tpu.yield
      }) : () -> ()
      %dma_wait3A_66 = arith.constant 1 : i32
      %dma_wait3A_67 = arith.constant 0 : i32
      %dma_wait3A_68 = tpu.memref_slice %arg6[%dma_wait3A_66, %dma_wait3A_67] : memref<8x128xi32, #tpu.memory_space<vmem>> -> memref<1x128xi32, #tpu.memory_space<vmem>>
      %dma_wait3A_69 = tpu.memref_squeeze %dma_wait3A_68 : memref<1x128xi32, #tpu.memory_space<vmem>> -> memref<128xi32, #tpu.memory_space<vmem>>
      %dma_wait3A_70 = arith.constant 0 : i32
      %dma_wait3A_71 = arith.constant 0 : i32
      %dma_wait3A_72 = tpu.memref_slice %arg2[%dma_wait3A_70, %dma_wait3A_71] : memref<10240x128xf32, #tpu.memory_space<hbm>> -> memref<10240x128xf32, #tpu.memory_space<hbm>>
      tpu.wait_indirect_dma semaphore(%arg16 : memref<!tpu.dma_semaphore, #tpu.memory_space<semaphore_mem>>) src(%dma_wait3A_72 : memref<10240x128xf32, #tpu.memory_space<hbm>>) dst(%arg11 : memref<128x128xf32, #tpu.memory_space<vmem>>)
      %dma_start3A_73 = arith.constant 2 : i32
      %dma_start3A_74 = arith.constant 0 : i32
      %dma_start3A_75 = tpu.memref_slice %arg6[%dma_start3A_73, %dma_start3A_74] : memref<8x128xi32, #tpu.memory_space<vmem>> -> memref<1x128xi32, #tpu.memory_space<vmem>>
      %dma_start3A_76 = tpu.memref_squeeze %dma_start3A_75 : memref<1x128xi32, #tpu.memory_space<vmem>> -> memref<128xi32, #tpu.memory_space<vmem>>
      %dma_start3A_77 = arith.constant 0 : i32
      %dma_start3A_78 = arith.constant 0 : i32
      %dma_start3A_79 = tpu.memref_slice %arg2[%dma_start3A_77, %dma_start3A_78] : memref<10240x128xf32, #tpu.memory_space<hbm>> -> memref<10240x128xf32, #tpu.memory_space<hbm>>
      tpu.enqueue_indirect_dma source(%dma_start3A_79 : memref<10240x128xf32, #tpu.memory_space<hbm>>) target(%arg10 : memref<128x128xf32, #tpu.memory_space<vmem>>) offsets(%dma_start3A_76 : memref<128xi32, #tpu.memory_space<vmem>>) semaphore(%arg15 : memref<!tpu.dma_semaphore, #tpu.memory_space<semaphore_mem>>)
      %run_scoped3A_80 = arith.constant 1 : i32
      "tpu.region"() ({
        %run_scoped3A_300 = tpu.sem_alloc : memref<!tpu.dma_semaphore, #tpu.memory_space<semaphore_mem>>
        %dma_start3A_301 = arith.constant 0 : i32
        %dma_start3A_302 = tpu.memref_slice %arg7[%run_scoped3A_80, %dma_start3A_301] : memref<8x128xi32, #tpu.memory_space<vmem>> -> memref<1x128xi32, #tpu.memory_space<vmem>>
        %dma_start3A_303 = tpu.memref_squeeze %dma_start3A_302 : memref<1x128xi32, #tpu.memory_space<vmem>> -> memref<128xi32, #tpu.memory_space<vmem>>
        %dma_start3A_304 = arith.constant 0 : i32
        %dma_start3A_305 = arith.constant 0 : i32
        %dma_start3A_306 = tpu.memref_slice %arg12[%dma_start3A_304, %dma_start3A_305] : memref<10240x128xf32, #tpu.memory_space<vmem_shared>> -> memref<10240x128xf32, #tpu.memory_space<vmem_shared>>
        tpu.enqueue_indirect_dma source(%arg11 : memref<128x128xf32, #tpu.memory_space<vmem>>) target(%dma_start3A_306 : memref<10240x128xf32, #tpu.memory_space<vmem_shared>>) offsets(%dma_start3A_303 : memref<128xi32, #tpu.memory_space<vmem>>) semaphore(%run_scoped3A_300 : memref<!tpu.dma_semaphore, #tpu.memory_space<semaphore_mem>>) {add = true}
        %dma_wait3A_307 = arith.constant 0 : i32
        %dma_wait3A_308 = tpu.memref_slice %arg7[%run_scoped3A_80, %dma_wait3A_307] : memref<8x128xi32, #tpu.memory_space<vmem>> -> memref<1x128xi32, #tpu.memory_space<vmem>>
        %dma_wait3A_309 = tpu.memref_squeeze %dma_wait3A_308 : memref<1x128xi32, #tpu.memory_space<vmem>> -> memref<128xi32, #tpu.memory_space<vmem>>
        %dma_wait3A_310 = arith.constant 0 : i32
        %dma_wait3A_311 = arith.constant 0 : i32
        %dma_wait3A_312 = tpu.memref_slice %arg12[%dma_wait3A_310, %dma_wait3A_311] : memref<10240x128xf32, #tpu.memory_space<vmem_shared>> -> memref<10240x128xf32, #tpu.memory_space<vmem_shared>>
        tpu.wait_indirect_dma semaphore(%run_scoped3A_300 : memref<!tpu.dma_semaphore, #tpu.memory_space<semaphore_mem>>) src(%arg11 : memref<128x128xf32, #tpu.memory_space<vmem>>) dst(%dma_wait3A_312 : memref<10240x128xf32, #tpu.memory_space<vmem_shared>>)
        tpu.yield
      }) : () -> ()
      %dma_wait3A_81 = arith.constant 2 : i32
      %dma_wait3A_82 = arith.constant 0 : i32
      %dma_wait3A_83 = tpu.memref_slice %arg6[%dma_wait3A_81, %dma_wait3A_82] : memref<8x128xi32, #tpu.memory_space<vmem>> -> memref<1x128xi32, #tpu.memory_space<vmem>>
      %dma_wait3A_84 = tpu.memref_squeeze %dma_wait3A_83 : memref<1x128xi32, #tpu.memory_space<vmem>> -> memref<128xi32, #tpu.memory_space<vmem>>
      %dma_wait3A_85 = arith.constant 0 : i32
      %dma_wait3A_86 = arith.constant 0 : i32
      %dma_wait3A_87 = tpu.memref_slice %arg2[%dma_wait3A_85, %dma_wait3A_86] : memref<10240x128xf32, #tpu.memory_space<hbm>> -> memref<10240x128xf32, #tpu.memory_space<hbm>>
      tpu.wait_indirect_dma semaphore(%arg15 : memref<!tpu.dma_semaphore, #tpu.memory_space<semaphore_mem>>) src(%dma_wait3A_87 : memref<10240x128xf32, #tpu.memory_space<hbm>>) dst(%arg10 : memref<128x128xf32, #tpu.memory_space<vmem>>)
      %dma_start3A_88 = arith.constant 3 : i32
      %dma_start3A_89 = arith.constant 0 : i32
      %dma_start3A_90 = tpu.memref_slice %arg6[%dma_start3A_88, %dma_start3A_89] : memref<8x128xi32, #tpu.memory_space<vmem>> -> memref<1x128xi32, #tpu.memory_space<vmem>>
      %dma_start3A_91 = tpu.memref_squeeze %dma_start3A_90 : memref<1x128xi32, #tpu.memory_space<vmem>> -> memref<128xi32, #tpu.memory_space<vmem>>
      %dma_start3A_92 = arith.constant 0 : i32
      %dma_start3A_93 = arith.constant 0 : i32
      %dma_start3A_94 = tpu.memref_slice %arg2[%dma_start3A_92, %dma_start3A_93] : memref<10240x128xf32, #tpu.memory_space<hbm>> -> memref<10240x128xf32, #tpu.memory_space<hbm>>
      tpu.enqueue_indirect_dma source(%dma_start3A_94 : memref<10240x128xf32, #tpu.memory_space<hbm>>) target(%arg11 : memref<128x128xf32, #tpu.memory_space<vmem>>) offsets(%dma_start3A_91 : memref<128xi32, #tpu.memory_space<vmem>>) semaphore(%arg16 : memref<!tpu.dma_semaphore, #tpu.memory_space<semaphore_mem>>)
      %run_scoped3A_95 = arith.constant 2 : i32
      "tpu.region"() ({
        %run_scoped3A_300 = tpu.sem_alloc : memref<!tpu.dma_semaphore, #tpu.memory_space<semaphore_mem>>
        %dma_start3A_301 = arith.constant 0 : i32
        %dma_start3A_302 = tpu.memref_slice %arg7[%run_scoped3A_95, %dma_start3A_301] : memref<8x128xi32, #tpu.memory_space<vmem>> -> memref<1x128xi32, #tpu.memory_space<vmem>>
        %dma_start3A_303 = tpu.memref_squeeze %dma_start3A_302 : memref<1x128xi32, #tpu.memory_space<vmem>> -> memref<128xi32, #tpu.memory_space<vmem>>
        %dma_start3A_304 = arith.constant 0 : i32
        %dma_start3A_305 = arith.constant 0 : i32
        %dma_start3A_306 = tpu.memref_slice %arg12[%dma_start3A_304, %dma_start3A_305] : memref<10240x128xf32, #tpu.memory_space<vmem_shared>> -> memref<10240x128xf32, #tpu.memory_space<vmem_shared>>
        tpu.enqueue_indirect_dma source(%arg10 : memref<128x128xf32, #tpu.memory_space<vmem>>) target(%dma_start3A_306 : memref<10240x128xf32, #tpu.memory_space<vmem_shared>>) offsets(%dma_start3A_303 : memref<128xi32, #tpu.memory_space<vmem>>) semaphore(%run_scoped3A_300 : memref<!tpu.dma_semaphore, #tpu.memory_space<semaphore_mem>>) {add = true}
        %dma_wait3A_307 = arith.constant 0 : i32
        %dma_wait3A_308 = tpu.memref_slice %arg7[%run_scoped3A_95, %dma_wait3A_307] : memref<8x128xi32, #tpu.memory_space<vmem>> -> memref<1x128xi32, #tpu.memory_space<vmem>>
        %dma_wait3A_309 = tpu.memref_squeeze %dma_wait3A_308 : memref<1x128xi32, #tpu.memory_space<vmem>> -> memref<128xi32, #tpu.memory_space<vmem>>
        %dma_wait3A_310 = arith.constant 0 : i32
        %dma_wait3A_311 = arith.constant 0 : i32
        %dma_wait3A_312 = tpu.memref_slice %arg12[%dma_wait3A_310, %dma_wait3A_311] : memref<10240x128xf32, #tpu.memory_space<vmem_shared>> -> memref<10240x128xf32, #tpu.memory_space<vmem_shared>>
        tpu.wait_indirect_dma semaphore(%run_scoped3A_300 : memref<!tpu.dma_semaphore, #tpu.memory_space<semaphore_mem>>) src(%arg10 : memref<128x128xf32, #tpu.memory_space<vmem>>) dst(%dma_wait3A_312 : memref<10240x128xf32, #tpu.memory_space<vmem_shared>>)
        tpu.yield
      }) : () -> ()
      %dma_wait3A_96 = arith.constant 3 : i32
      %dma_wait3A_97 = arith.constant 0 : i32
      %dma_wait3A_98 = tpu.memref_slice %arg6[%dma_wait3A_96, %dma_wait3A_97] : memref<8x128xi32, #tpu.memory_space<vmem>> -> memref<1x128xi32, #tpu.memory_space<vmem>>
      %dma_wait3A_99 = tpu.memref_squeeze %dma_wait3A_98 : memref<1x128xi32, #tpu.memory_space<vmem>> -> memref<128xi32, #tpu.memory_space<vmem>>
      %dma_wait3A_100 = arith.constant 0 : i32
      %dma_wait3A_101 = arith.constant 0 : i32
      %dma_wait3A_102 = tpu.memref_slice %arg2[%dma_wait3A_100, %dma_wait3A_101] : memref<10240x128xf32, #tpu.memory_space<hbm>> -> memref<10240x128xf32, #tpu.memory_space<hbm>>
      tpu.wait_indirect_dma semaphore(%arg16 : memref<!tpu.dma_semaphore, #tpu.memory_space<semaphore_mem>>) src(%dma_wait3A_102 : memref<10240x128xf32, #tpu.memory_space<hbm>>) dst(%arg11 : memref<128x128xf32, #tpu.memory_space<vmem>>)
      %dma_start3A_103 = arith.constant 4 : i32
      %dma_start3A_104 = arith.constant 0 : i32
      %dma_start3A_105 = tpu.memref_slice %arg6[%dma_start3A_103, %dma_start3A_104] : memref<8x128xi32, #tpu.memory_space<vmem>> -> memref<1x128xi32, #tpu.memory_space<vmem>>
      %dma_start3A_106 = tpu.memref_squeeze %dma_start3A_105 : memref<1x128xi32, #tpu.memory_space<vmem>> -> memref<128xi32, #tpu.memory_space<vmem>>
      %dma_start3A_107 = arith.constant 0 : i32
      %dma_start3A_108 = arith.constant 0 : i32
      %dma_start3A_109 = tpu.memref_slice %arg2[%dma_start3A_107, %dma_start3A_108] : memref<10240x128xf32, #tpu.memory_space<hbm>> -> memref<10240x128xf32, #tpu.memory_space<hbm>>
      tpu.enqueue_indirect_dma source(%dma_start3A_109 : memref<10240x128xf32, #tpu.memory_space<hbm>>) target(%arg10 : memref<128x128xf32, #tpu.memory_space<vmem>>) offsets(%dma_start3A_106 : memref<128xi32, #tpu.memory_space<vmem>>) semaphore(%arg15 : memref<!tpu.dma_semaphore, #tpu.memory_space<semaphore_mem>>)
      %run_scoped3A_110 = arith.constant 3 : i32
      "tpu.region"() ({
        %run_scoped3A_300 = tpu.sem_alloc : memref<!tpu.dma_semaphore, #tpu.memory_space<semaphore_mem>>
        %dma_start3A_301 = arith.constant 0 : i32
        %dma_start3A_302 = tpu.memref_slice %arg7[%run_scoped3A_110, %dma_start3A_301] : memref<8x128xi32, #tpu.memory_space<vmem>> -> memref<1x128xi32, #tpu.memory_space<vmem>>
        %dma_start3A_303 = tpu.memref_squeeze %dma_start3A_302 : memref<1x128xi32, #tpu.memory_space<vmem>> -> memref<128xi32, #tpu.memory_space<vmem>>
        %dma_start3A_304 = arith.constant 0 : i32
        %dma_start3A_305 = arith.constant 0 : i32
        %dma_start3A_306 = tpu.memref_slice %arg12[%dma_start3A_304, %dma_start3A_305] : memref<10240x128xf32, #tpu.memory_space<vmem_shared>> -> memref<10240x128xf32, #tpu.memory_space<vmem_shared>>
        tpu.enqueue_indirect_dma source(%arg11 : memref<128x128xf32, #tpu.memory_space<vmem>>) target(%dma_start3A_306 : memref<10240x128xf32, #tpu.memory_space<vmem_shared>>) offsets(%dma_start3A_303 : memref<128xi32, #tpu.memory_space<vmem>>) semaphore(%run_scoped3A_300 : memref<!tpu.dma_semaphore, #tpu.memory_space<semaphore_mem>>) {add = true}
        %dma_wait3A_307 = arith.constant 0 : i32
        %dma_wait3A_308 = tpu.memref_slice %arg7[%run_scoped3A_110, %dma_wait3A_307] : memref<8x128xi32, #tpu.memory_space<vmem>> -> memref<1x128xi32, #tpu.memory_space<vmem>>
        %dma_wait3A_309 = tpu.memref_squeeze %dma_wait3A_308 : memref<1x128xi32, #tpu.memory_space<vmem>> -> memref<128xi32, #tpu.memory_space<vmem>>
        %dma_wait3A_310 = arith.constant 0 : i32
        %dma_wait3A_311 = arith.constant 0 : i32
        %dma_wait3A_312 = tpu.memref_slice %arg12[%dma_wait3A_310, %dma_wait3A_311] : memref<10240x128xf32, #tpu.memory_space<vmem_shared>> -> memref<10240x128xf32, #tpu.memory_space<vmem_shared>>
        tpu.wait_indirect_dma semaphore(%run_scoped3A_300 : memref<!tpu.dma_semaphore, #tpu.memory_space<semaphore_mem>>) src(%arg11 : memref<128x128xf32, #tpu.memory_space<vmem>>) dst(%dma_wait3A_312 : memref<10240x128xf32, #tpu.memory_space<vmem_shared>>)
        tpu.yield
      }) : () -> ()
      %dma_wait3A_111 = arith.constant 4 : i32
      %dma_wait3A_112 = arith.constant 0 : i32
      %dma_wait3A_113 = tpu.memref_slice %arg6[%dma_wait3A_111, %dma_wait3A_112] : memref<8x128xi32, #tpu.memory_space<vmem>> -> memref<1x128xi32, #tpu.memory_space<vmem>>
      %dma_wait3A_114 = tpu.memref_squeeze %dma_wait3A_113 : memref<1x128xi32, #tpu.memory_space<vmem>> -> memref<128xi32, #tpu.memory_space<vmem>>
      %dma_wait3A_115 = arith.constant 0 : i32
      %dma_wait3A_116 = arith.constant 0 : i32
      %dma_wait3A_117 = tpu.memref_slice %arg2[%dma_wait3A_115, %dma_wait3A_116] : memref<10240x128xf32, #tpu.memory_space<hbm>> -> memref<10240x128xf32, #tpu.memory_space<hbm>>
      tpu.wait_indirect_dma semaphore(%arg15 : memref<!tpu.dma_semaphore, #tpu.memory_space<semaphore_mem>>) src(%dma_wait3A_117 : memref<10240x128xf32, #tpu.memory_space<hbm>>) dst(%arg10 : memref<128x128xf32, #tpu.memory_space<vmem>>)
      %dma_start3A_118 = arith.constant 5 : i32
      %dma_start3A_119 = arith.constant 0 : i32
      %dma_start3A_120 = tpu.memref_slice %arg6[%dma_start3A_118, %dma_start3A_119] : memref<8x128xi32, #tpu.memory_space<vmem>> -> memref<1x128xi32, #tpu.memory_space<vmem>>
      %dma_start3A_121 = tpu.memref_squeeze %dma_start3A_120 : memref<1x128xi32, #tpu.memory_space<vmem>> -> memref<128xi32, #tpu.memory_space<vmem>>
      %dma_start3A_122 = arith.constant 0 : i32
      %dma_start3A_123 = arith.constant 0 : i32
      %dma_start3A_124 = tpu.memref_slice %arg2[%dma_start3A_122, %dma_start3A_123] : memref<10240x128xf32, #tpu.memory_space<hbm>> -> memref<10240x128xf32, #tpu.memory_space<hbm>>
      tpu.enqueue_indirect_dma source(%dma_start3A_124 : memref<10240x128xf32, #tpu.memory_space<hbm>>) target(%arg11 : memref<128x128xf32, #tpu.memory_space<vmem>>) offsets(%dma_start3A_121 : memref<128xi32, #tpu.memory_space<vmem>>) semaphore(%arg16 : memref<!tpu.dma_semaphore, #tpu.memory_space<semaphore_mem>>)
      %run_scoped3A_125 = arith.constant 4 : i32
      "tpu.region"() ({
        %run_scoped3A_300 = tpu.sem_alloc : memref<!tpu.dma_semaphore, #tpu.memory_space<semaphore_mem>>
        %dma_start3A_301 = arith.constant 0 : i32
        %dma_start3A_302 = tpu.memref_slice %arg7[%run_scoped3A_125, %dma_start3A_301] : memref<8x128xi32, #tpu.memory_space<vmem>> -> memref<1x128xi32, #tpu.memory_space<vmem>>
        %dma_start3A_303 = tpu.memref_squeeze %dma_start3A_302 : memref<1x128xi32, #tpu.memory_space<vmem>> -> memref<128xi32, #tpu.memory_space<vmem>>
        %dma_start3A_304 = arith.constant 0 : i32
        %dma_start3A_305 = arith.constant 0 : i32
        %dma_start3A_306 = tpu.memref_slice %arg12[%dma_start3A_304, %dma_start3A_305] : memref<10240x128xf32, #tpu.memory_space<vmem_shared>> -> memref<10240x128xf32, #tpu.memory_space<vmem_shared>>
        tpu.enqueue_indirect_dma source(%arg10 : memref<128x128xf32, #tpu.memory_space<vmem>>) target(%dma_start3A_306 : memref<10240x128xf32, #tpu.memory_space<vmem_shared>>) offsets(%dma_start3A_303 : memref<128xi32, #tpu.memory_space<vmem>>) semaphore(%run_scoped3A_300 : memref<!tpu.dma_semaphore, #tpu.memory_space<semaphore_mem>>) {add = true}
        %dma_wait3A_307 = arith.constant 0 : i32
        %dma_wait3A_308 = tpu.memref_slice %arg7[%run_scoped3A_125, %dma_wait3A_307] : memref<8x128xi32, #tpu.memory_space<vmem>> -> memref<1x128xi32, #tpu.memory_space<vmem>>
        %dma_wait3A_309 = tpu.memref_squeeze %dma_wait3A_308 : memref<1x128xi32, #tpu.memory_space<vmem>> -> memref<128xi32, #tpu.memory_space<vmem>>
        %dma_wait3A_310 = arith.constant 0 : i32
        %dma_wait3A_311 = arith.constant 0 : i32
        %dma_wait3A_312 = tpu.memref_slice %arg12[%dma_wait3A_310, %dma_wait3A_311] : memref<10240x128xf32, #tpu.memory_space<vmem_shared>> -> memref<10240x128xf32, #tpu.memory_space<vmem_shared>>
        tpu.wait_indirect_dma semaphore(%run_scoped3A_300 : memref<!tpu.dma_semaphore, #tpu.memory_space<semaphore_mem>>) src(%arg10 : memref<128x128xf32, #tpu.memory_space<vmem>>) dst(%dma_wait3A_312 : memref<10240x128xf32, #tpu.memory_space<vmem_shared>>)
        tpu.yield
      }) : () -> ()
      %dma_wait3A_126 = arith.constant 5 : i32
      %dma_wait3A_127 = arith.constant 0 : i32
      %dma_wait3A_128 = tpu.memref_slice %arg6[%dma_wait3A_126, %dma_wait3A_127] : memref<8x128xi32, #tpu.memory_space<vmem>> -> memref<1x128xi32, #tpu.memory_space<vmem>>
      %dma_wait3A_129 = tpu.memref_squeeze %dma_wait3A_128 : memref<1x128xi32, #tpu.memory_space<vmem>> -> memref<128xi32, #tpu.memory_space<vmem>>
      %dma_wait3A_130 = arith.constant 0 : i32
      %dma_wait3A_131 = arith.constant 0 : i32
      %dma_wait3A_132 = tpu.memref_slice %arg2[%dma_wait3A_130, %dma_wait3A_131] : memref<10240x128xf32, #tpu.memory_space<hbm>> -> memref<10240x128xf32, #tpu.memory_space<hbm>>
      tpu.wait_indirect_dma semaphore(%arg16 : memref<!tpu.dma_semaphore, #tpu.memory_space<semaphore_mem>>) src(%dma_wait3A_132 : memref<10240x128xf32, #tpu.memory_space<hbm>>) dst(%arg11 : memref<128x128xf32, #tpu.memory_space<vmem>>)
      %dma_start3A_133 = arith.constant 6 : i32
      %dma_start3A_134 = arith.constant 0 : i32
      %dma_start3A_135 = tpu.memref_slice %arg6[%dma_start3A_133, %dma_start3A_134] : memref<8x128xi32, #tpu.memory_space<vmem>> -> memref<1x128xi32, #tpu.memory_space<vmem>>
      %dma_start3A_136 = tpu.memref_squeeze %dma_start3A_135 : memref<1x128xi32, #tpu.memory_space<vmem>> -> memref<128xi32, #tpu.memory_space<vmem>>
      %dma_start3A_137 = arith.constant 0 : i32
      %dma_start3A_138 = arith.constant 0 : i32
      %dma_start3A_139 = tpu.memref_slice %arg2[%dma_start3A_137, %dma_start3A_138] : memref<10240x128xf32, #tpu.memory_space<hbm>> -> memref<10240x128xf32, #tpu.memory_space<hbm>>
      tpu.enqueue_indirect_dma source(%dma_start3A_139 : memref<10240x128xf32, #tpu.memory_space<hbm>>) target(%arg10 : memref<128x128xf32, #tpu.memory_space<vmem>>) offsets(%dma_start3A_136 : memref<128xi32, #tpu.memory_space<vmem>>) semaphore(%arg15 : memref<!tpu.dma_semaphore, #tpu.memory_space<semaphore_mem>>)
      %run_scoped3A_140 = arith.constant 5 : i32
      "tpu.region"() ({
        %run_scoped3A_300 = tpu.sem_alloc : memref<!tpu.dma_semaphore, #tpu.memory_space<semaphore_mem>>
        %dma_start3A_301 = arith.constant 0 : i32
        %dma_start3A_302 = tpu.memref_slice %arg7[%run_scoped3A_140, %dma_start3A_301] : memref<8x128xi32, #tpu.memory_space<vmem>> -> memref<1x128xi32, #tpu.memory_space<vmem>>
        %dma_start3A_303 = tpu.memref_squeeze %dma_start3A_302 : memref<1x128xi32, #tpu.memory_space<vmem>> -> memref<128xi32, #tpu.memory_space<vmem>>
        %dma_start3A_304 = arith.constant 0 : i32
        %dma_start3A_305 = arith.constant 0 : i32
        %dma_start3A_306 = tpu.memref_slice %arg12[%dma_start3A_304, %dma_start3A_305] : memref<10240x128xf32, #tpu.memory_space<vmem_shared>> -> memref<10240x128xf32, #tpu.memory_space<vmem_shared>>
        tpu.enqueue_indirect_dma source(%arg11 : memref<128x128xf32, #tpu.memory_space<vmem>>) target(%dma_start3A_306 : memref<10240x128xf32, #tpu.memory_space<vmem_shared>>) offsets(%dma_start3A_303 : memref<128xi32, #tpu.memory_space<vmem>>) semaphore(%run_scoped3A_300 : memref<!tpu.dma_semaphore, #tpu.memory_space<semaphore_mem>>) {add = true}
        %dma_wait3A_307 = arith.constant 0 : i32
        %dma_wait3A_308 = tpu.memref_slice %arg7[%run_scoped3A_140, %dma_wait3A_307] : memref<8x128xi32, #tpu.memory_space<vmem>> -> memref<1x128xi32, #tpu.memory_space<vmem>>
        %dma_wait3A_309 = tpu.memref_squeeze %dma_wait3A_308 : memref<1x128xi32, #tpu.memory_space<vmem>> -> memref<128xi32, #tpu.memory_space<vmem>>
        %dma_wait3A_310 = arith.constant 0 : i32
        %dma_wait3A_311 = arith.constant 0 : i32
        %dma_wait3A_312 = tpu.memref_slice %arg12[%dma_wait3A_310, %dma_wait3A_311] : memref<10240x128xf32, #tpu.memory_space<vmem_shared>> -> memref<10240x128xf32, #tpu.memory_space<vmem_shared>>
        tpu.wait_indirect_dma semaphore(%run_scoped3A_300 : memref<!tpu.dma_semaphore, #tpu.memory_space<semaphore_mem>>) src(%arg11 : memref<128x128xf32, #tpu.memory_space<vmem>>) dst(%dma_wait3A_312 : memref<10240x128xf32, #tpu.memory_space<vmem_shared>>)
        tpu.yield
      }) : () -> ()
      %dma_wait3A_141 = arith.constant 6 : i32
      %dma_wait3A_142 = arith.constant 0 : i32
      %dma_wait3A_143 = tpu.memref_slice %arg6[%dma_wait3A_141, %dma_wait3A_142] : memref<8x128xi32, #tpu.memory_space<vmem>> -> memref<1x128xi32, #tpu.memory_space<vmem>>
      %dma_wait3A_144 = tpu.memref_squeeze %dma_wait3A_143 : memref<1x128xi32, #tpu.memory_space<vmem>> -> memref<128xi32, #tpu.memory_space<vmem>>
      %dma_wait3A_145 = arith.constant 0 : i32
      %dma_wait3A_146 = arith.constant 0 : i32
      %dma_wait3A_147 = tpu.memref_slice %arg2[%dma_wait3A_145, %dma_wait3A_146] : memref<10240x128xf32, #tpu.memory_space<hbm>> -> memref<10240x128xf32, #tpu.memory_space<hbm>>
      tpu.wait_indirect_dma semaphore(%arg15 : memref<!tpu.dma_semaphore, #tpu.memory_space<semaphore_mem>>) src(%dma_wait3A_147 : memref<10240x128xf32, #tpu.memory_space<hbm>>) dst(%arg10 : memref<128x128xf32, #tpu.memory_space<vmem>>)
      %dma_start3A_148 = arith.constant 7 : i32
      %dma_start3A_149 = arith.constant 0 : i32
      %dma_start3A_150 = tpu.memref_slice %arg6[%dma_start3A_148, %dma_start3A_149] : memref<8x128xi32, #tpu.memory_space<vmem>> -> memref<1x128xi32, #tpu.memory_space<vmem>>
      %dma_start3A_151 = tpu.memref_squeeze %dma_start3A_150 : memref<1x128xi32, #tpu.memory_space<vmem>> -> memref<128xi32, #tpu.memory_space<vmem>>
      %dma_start3A_152 = arith.constant 0 : i32
      %dma_start3A_153 = arith.constant 0 : i32
      %dma_start3A_154 = tpu.memref_slice %arg2[%dma_start3A_152, %dma_start3A_153] : memref<10240x128xf32, #tpu.memory_space<hbm>> -> memref<10240x128xf32, #tpu.memory_space<hbm>>
      tpu.enqueue_indirect_dma source(%dma_start3A_154 : memref<10240x128xf32, #tpu.memory_space<hbm>>) target(%arg11 : memref<128x128xf32, #tpu.memory_space<vmem>>) offsets(%dma_start3A_151 : memref<128xi32, #tpu.memory_space<vmem>>) semaphore(%arg16 : memref<!tpu.dma_semaphore, #tpu.memory_space<semaphore_mem>>)
      %run_scoped3A_155 = arith.constant 6 : i32
      "tpu.region"() ({
        %run_scoped3A_300 = tpu.sem_alloc : memref<!tpu.dma_semaphore, #tpu.memory_space<semaphore_mem>>
        %dma_start3A_301 = arith.constant 0 : i32
        %dma_start3A_302 = tpu.memref_slice %arg7[%run_scoped3A_155, %dma_start3A_301] : memref<8x128xi32, #tpu.memory_space<vmem>> -> memref<1x128xi32, #tpu.memory_space<vmem>>
        %dma_start3A_303 = tpu.memref_squeeze %dma_start3A_302 : memref<1x128xi32, #tpu.memory_space<vmem>> -> memref<128xi32, #tpu.memory_space<vmem>>
        %dma_start3A_304 = arith.constant 0 : i32
        %dma_start3A_305 = arith.constant 0 : i32
        %dma_start3A_306 = tpu.memref_slice %arg12[%dma_start3A_304, %dma_start3A_305] : memref<10240x128xf32, #tpu.memory_space<vmem_shared>> -> memref<10240x128xf32, #tpu.memory_space<vmem_shared>>
        tpu.enqueue_indirect_dma source(%arg10 : memref<128x128xf32, #tpu.memory_space<vmem>>) target(%dma_start3A_306 : memref<10240x128xf32, #tpu.memory_space<vmem_shared>>) offsets(%dma_start3A_303 : memref<128xi32, #tpu.memory_space<vmem>>) semaphore(%run_scoped3A_300 : memref<!tpu.dma_semaphore, #tpu.memory_space<semaphore_mem>>) {add = true}
        %dma_wait3A_307 = arith.constant 0 : i32
        %dma_wait3A_308 = tpu.memref_slice %arg7[%run_scoped3A_155, %dma_wait3A_307] : memref<8x128xi32, #tpu.memory_space<vmem>> -> memref<1x128xi32, #tpu.memory_space<vmem>>
        %dma_wait3A_309 = tpu.memref_squeeze %dma_wait3A_308 : memref<1x128xi32, #tpu.memory_space<vmem>> -> memref<128xi32, #tpu.memory_space<vmem>>
        %dma_wait3A_310 = arith.constant 0 : i32
        %dma_wait3A_311 = arith.constant 0 : i32
        %dma_wait3A_312 = tpu.memref_slice %arg12[%dma_wait3A_310, %dma_wait3A_311] : memref<10240x128xf32, #tpu.memory_space<vmem_shared>> -> memref<10240x128xf32, #tpu.memory_space<vmem_shared>>
        tpu.wait_indirect_dma semaphore(%run_scoped3A_300 : memref<!tpu.dma_semaphore, #tpu.memory_space<semaphore_mem>>) src(%arg10 : memref<128x128xf32, #tpu.memory_space<vmem>>) dst(%dma_wait3A_312 : memref<10240x128xf32, #tpu.memory_space<vmem_shared>>)
        tpu.yield
      }) : () -> ()
      %dma_wait3A_156 = arith.constant 7 : i32
      %dma_wait3A_157 = arith.constant 0 : i32
      %dma_wait3A_158 = tpu.memref_slice %arg6[%dma_wait3A_156, %dma_wait3A_157] : memref<8x128xi32, #tpu.memory_space<vmem>> -> memref<1x128xi32, #tpu.memory_space<vmem>>
      %dma_wait3A_159 = tpu.memref_squeeze %dma_wait3A_158 : memref<1x128xi32, #tpu.memory_space<vmem>> -> memref<128xi32, #tpu.memory_space<vmem>>
      %dma_wait3A_160 = arith.constant 0 : i32
      %dma_wait3A_161 = arith.constant 0 : i32
      %dma_wait3A_162 = tpu.memref_slice %arg2[%dma_wait3A_160, %dma_wait3A_161] : memref<10240x128xf32, #tpu.memory_space<hbm>> -> memref<10240x128xf32, #tpu.memory_space<hbm>>
      tpu.wait_indirect_dma semaphore(%arg16 : memref<!tpu.dma_semaphore, #tpu.memory_space<semaphore_mem>>) src(%dma_wait3A_162 : memref<10240x128xf32, #tpu.memory_space<hbm>>) dst(%arg11 : memref<128x128xf32, #tpu.memory_space<vmem>>)
      %add3A_163 = arith.constant 1 : i32
      %add3A_164 = arith.addi %add3A_47, %add3A_163 : i32
      %lt3A_165 = arith.constant 10 : i32
      %lt3A_166 = arith.cmpi slt, %add3A_164, %lt3A_165 : i32
      %convert_element_type3A_167 = arith.extui %lt3A_166 : i1 to i32
      %cond3A_168 = arith.constant 0 : i32
      %cond3A_169 = arith.cmpi ne, %convert_element_type3A_167, %cond3A_168 : i32
      scf.if %cond3A_169 {
        %dma_wait3A_300 = arith.constant 0 : i32
        %dma_wait3A_301 = arith.constant 0 : i32
        %dma_wait3A_302 = tpu.memref_slice %arg3[%dma_wait3A_300, %dma_wait3A_301] : memref<5120x128xi32, #tpu.memory_space<hbm>> -> memref<8x128xi32, #tpu.memory_space<hbm>>
        %dma_wait3A_303 = arith.constant 0 : i32
        %dma_wait3A_304 = arith.constant 0 : i32
        %dma_wait3A_305 = tpu.memref_slice %arg3[%dma_wait3A_303, %dma_wait3A_304] : memref<5120x128xi32, #tpu.memory_space<hbm>> -> memref<8x128xi32, #tpu.memory_space<hbm>>
        tpu.wait_dma2 semaphore(%arg14 : memref<!tpu.dma_semaphore, #tpu.memory_space<semaphore_mem>>) src(%dma_wait3A_305 : memref<8x128xi32, #tpu.memory_space<hbm>>) dst(%arg8 : memref<8x128xi32, #tpu.memory_space<vmem>>)
        %dma_wait3A_306 = arith.constant 0 : i32
        %dma_wait3A_307 = arith.constant 0 : i32
        %dma_wait3A_308 = tpu.memref_slice %arg3[%dma_wait3A_306, %dma_wait3A_307] : memref<5120x128xi32, #tpu.memory_space<hbm>> -> memref<8x128xi32, #tpu.memory_space<hbm>>
        %dma_wait3A_309 = arith.constant 0 : i32
        %dma_wait3A_310 = arith.constant 0 : i32
        %dma_wait3A_311 = tpu.memref_slice %arg3[%dma_wait3A_309, %dma_wait3A_310] : memref<5120x128xi32, #tpu.memory_space<hbm>> -> memref<8x128xi32, #tpu.memory_space<hbm>>
        tpu.wait_dma2 semaphore(%arg14 : memref<!tpu.dma_semaphore, #tpu.memory_space<semaphore_mem>>) src(%dma_wait3A_311 : memref<8x128xi32, #tpu.memory_space<hbm>>) dst(%arg9 : memref<8x128xi32, #tpu.memory_space<vmem>>)
        %dma_start3A_312 = arith.constant 0 : i32
        %dma_start3A_313 = arith.constant 0 : i32
        %dma_start3A_314 = tpu.memref_slice %arg8[%dma_start3A_312, %dma_start3A_313] : memref<8x128xi32, #tpu.memory_space<vmem>> -> memref<1x128xi32, #tpu.memory_space<vmem>>
        %dma_start3A_315 = tpu.memref_squeeze %dma_start3A_314 : memref<1x128xi32, #tpu.memory_space<vmem>> -> memref<128xi32, #tpu.memory_space<vmem>>
        %dma_start3A_316 = arith.constant 0 : i32
        %dma_start3A_317 = arith.constant 0 : i32
        %dma_start3A_318 = tpu.memref_slice %arg2[%dma_start3A_316, %dma_start3A_317] : memref<10240x128xf32, #tpu.memory_space<hbm>> -> memref<10240x128xf32, #tpu.memory_space<hbm>>
        tpu.enqueue_indirect_dma source(%dma_start3A_318 : memref<10240x128xf32, #tpu.memory_space<hbm>>) target(%arg10 : memref<128x128xf32, #tpu.memory_space<vmem>>) offsets(%dma_start3A_315 : memref<128xi32, #tpu.memory_space<vmem>>) semaphore(%arg15 : memref<!tpu.dma_semaphore, #tpu.memory_space<semaphore_mem>>)
      } else {
      }
      %run_scoped3A_170 = arith.constant 7 : i32
      "tpu.region"() ({
        %run_scoped3A_300 = tpu.sem_alloc : memref<!tpu.dma_semaphore, #tpu.memory_space<semaphore_mem>>
        %dma_start3A_301 = arith.constant 0 : i32
        %dma_start3A_302 = tpu.memref_slice %arg7[%run_scoped3A_170, %dma_start3A_301] : memref<8x128xi32, #tpu.memory_space<vmem>> -> memref<1x128xi32, #tpu.memory_space<vmem>>
        %dma_start3A_303 = tpu.memref_squeeze %dma_start3A_302 : memref<1x128xi32, #tpu.memory_space<vmem>> -> memref<128xi32, #tpu.memory_space<vmem>>
        %dma_start3A_304 = arith.constant 0 : i32
        %dma_start3A_305 = arith.constant 0 : i32
        %dma_start3A_306 = tpu.memref_slice %arg12[%dma_start3A_304, %dma_start3A_305] : memref<10240x128xf32, #tpu.memory_space<vmem_shared>> -> memref<10240x128xf32, #tpu.memory_space<vmem_shared>>
        tpu.enqueue_indirect_dma source(%arg11 : memref<128x128xf32, #tpu.memory_space<vmem>>) target(%dma_start3A_306 : memref<10240x128xf32, #tpu.memory_space<vmem_shared>>) offsets(%dma_start3A_303 : memref<128xi32, #tpu.memory_space<vmem>>) semaphore(%run_scoped3A_300 : memref<!tpu.dma_semaphore, #tpu.memory_space<semaphore_mem>>) {add = true}
        %dma_wait3A_307 = arith.constant 0 : i32
        %dma_wait3A_308 = tpu.memref_slice %arg7[%run_scoped3A_170, %dma_wait3A_307] : memref<8x128xi32, #tpu.memory_space<vmem>> -> memref<1x128xi32, #tpu.memory_space<vmem>>
        %dma_wait3A_309 = tpu.memref_squeeze %dma_wait3A_308 : memref<1x128xi32, #tpu.memory_space<vmem>> -> memref<128xi32, #tpu.memory_space<vmem>>
        %dma_wait3A_310 = arith.constant 0 : i32
        %dma_wait3A_311 = arith.constant 0 : i32
        %dma_wait3A_312 = tpu.memref_slice %arg12[%dma_wait3A_310, %dma_wait3A_311] : memref<10240x128xf32, #tpu.memory_space<vmem_shared>> -> memref<10240x128xf32, #tpu.memory_space<vmem_shared>>
        tpu.wait_indirect_dma semaphore(%run_scoped3A_300 : memref<!tpu.dma_semaphore, #tpu.memory_space<semaphore_mem>>) src(%arg11 : memref<128x128xf32, #tpu.memory_space<vmem>>) dst(%dma_wait3A_312 : memref<10240x128xf32, #tpu.memory_space<vmem_shared>>)
        tpu.yield
      }) : () -> ()
      %add3A_171 = arith.constant 1 : i32
      %add3A_172 = arith.addi %add3A_47, %add3A_171 : i32
      %add3A_173 = arith.constant 1 : i32
      %add3A_174 = arith.addi %add3A_172, %add3A_173 : i32
      %lt3A_175 = arith.constant 10 : i32
      %lt3A_176 = arith.cmpi slt, %add3A_174, %lt3A_175 : i32
      %convert_element_type3A_177 = arith.extui %lt3A_176 : i1 to i32
      %cond3A_178 = arith.constant 0 : i32
      %cond3A_179 = arith.cmpi ne, %convert_element_type3A_177, %cond3A_178 : i32
      scf.if %cond3A_179 {
        %add3A_300 = arith.constant 1 : i32
        %add3A_301 = arith.addi %add3A_172, %add3A_300 : i32
        %mul3A_302 = arith.constant 8 : i32
        %mul3A_303 = arith.muli %mul3A_302, %add3A_301 : i32
        %add3A_304 = arith.addi %add3A, %mul3A_303 : i32
        %dma_start3A_305 = arith.constant 0 : i32
        %dma_start3A_306 = tpu.memref_slice %arg3[%add3A_304, %dma_start3A_305] : memref<5120x128xi32, #tpu.memory_space<hbm>> -> memref<8x128xi32, #tpu.memory_space<hbm>>
        %dma_start3A_307 = arith.constant 0 : i32
        %dma_start3A_308 = tpu.memref_slice %arg3[%add3A_304, %dma_start3A_307] : memref<5120x128xi32, #tpu.memory_space<hbm>> -> memref<8x128xi32, #tpu.memory_space<hbm>>
        tpu.enqueue_dma source(%dma_start3A_308 : memref<8x128xi32, #tpu.memory_space<hbm>>) target(%arg6 : memref<8x128xi32, #tpu.memory_space<vmem>>) target_semaphore(%arg13 : memref<!tpu.dma_semaphore, #tpu.memory_space<semaphore_mem>>)
        %add3A_309 = arith.constant 2560 : i32
        %add3A_310 = arith.addi %add3A_309, %add3A_304 : i32
        %dma_start3A_311 = arith.constant 0 : i32
        %dma_start3A_312 = tpu.memref_slice %arg3[%add3A_310, %dma_start3A_311] : memref<5120x128xi32, #tpu.memory_space<hbm>> -> memref<8x128xi32, #tpu.memory_space<hbm>>
        %dma_start3A_313 = arith.constant 0 : i32
        %dma_start3A_314 = tpu.memref_slice %arg3[%add3A_310, %dma_start3A_313] : memref<5120x128xi32, #tpu.memory_space<hbm>> -> memref<8x128xi32, #tpu.memory_space<hbm>>
        tpu.enqueue_dma source(%dma_start3A_314 : memref<8x128xi32, #tpu.memory_space<hbm>>) target(%arg7 : memref<8x128xi32, #tpu.memory_space<vmem>>) target_semaphore(%arg13 : memref<!tpu.dma_semaphore, #tpu.memory_space<semaphore_mem>>)
      } else {
      }
      %dma_wait3A_180 = arith.constant 0 : i32
      %dma_wait3A_181 = arith.constant 0 : i32
      %dma_wait3A_182 = tpu.memref_slice %arg8[%dma_wait3A_180, %dma_wait3A_181] : memref<8x128xi32, #tpu.memory_space<vmem>> -> memref<1x128xi32, #tpu.memory_space<vmem>>
      %dma_wait3A_183 = tpu.memref_squeeze %dma_wait3A_182 : memref<1x128xi32, #tpu.memory_space<vmem>> -> memref<128xi32, #tpu.memory_space<vmem>>
      %dma_wait3A_184 = arith.constant 0 : i32
      %dma_wait3A_185 = arith.constant 0 : i32
      %dma_wait3A_186 = tpu.memref_slice %arg2[%dma_wait3A_184, %dma_wait3A_185] : memref<10240x128xf32, #tpu.memory_space<hbm>> -> memref<10240x128xf32, #tpu.memory_space<hbm>>
      tpu.wait_indirect_dma semaphore(%arg15 : memref<!tpu.dma_semaphore, #tpu.memory_space<semaphore_mem>>) src(%dma_wait3A_186 : memref<10240x128xf32, #tpu.memory_space<hbm>>) dst(%arg10 : memref<128x128xf32, #tpu.memory_space<vmem>>)
      %dma_start3A_187 = arith.constant 1 : i32
      %dma_start3A_188 = arith.constant 0 : i32
      %dma_start3A_189 = tpu.memref_slice %arg8[%dma_start3A_187, %dma_start3A_188] : memref<8x128xi32, #tpu.memory_space<vmem>> -> memref<1x128xi32, #tpu.memory_space<vmem>>
      %dma_start3A_190 = tpu.memref_squeeze %dma_start3A_189 : memref<1x128xi32, #tpu.memory_space<vmem>> -> memref<128xi32, #tpu.memory_space<vmem>>
      %dma_start3A_191 = arith.constant 0 : i32
      %dma_start3A_192 = arith.constant 0 : i32
      %dma_start3A_193 = tpu.memref_slice %arg2[%dma_start3A_191, %dma_start3A_192] : memref<10240x128xf32, #tpu.memory_space<hbm>> -> memref<10240x128xf32, #tpu.memory_space<hbm>>
      tpu.enqueue_indirect_dma source(%dma_start3A_193 : memref<10240x128xf32, #tpu.memory_space<hbm>>) target(%arg11 : memref<128x128xf32, #tpu.memory_space<vmem>>) offsets(%dma_start3A_190 : memref<128xi32, #tpu.memory_space<vmem>>) semaphore(%arg16 : memref<!tpu.dma_semaphore, #tpu.memory_space<semaphore_mem>>)
      %run_scoped3A_194 = arith.constant 0 : i32
      "tpu.region"() ({
        %run_scoped3A_300 = tpu.sem_alloc : memref<!tpu.dma_semaphore, #tpu.memory_space<semaphore_mem>>
        %dma_start3A_301 = arith.constant 0 : i32
        %dma_start3A_302 = tpu.memref_slice %arg9[%run_scoped3A_194, %dma_start3A_301] : memref<8x128xi32, #tpu.memory_space<vmem>> -> memref<1x128xi32, #tpu.memory_space<vmem>>
        %dma_start3A_303 = tpu.memref_squeeze %dma_start3A_302 : memref<1x128xi32, #tpu.memory_space<vmem>> -> memref<128xi32, #tpu.memory_space<vmem>>
        %dma_start3A_304 = arith.constant 0 : i32
        %dma_start3A_305 = arith.constant 0 : i32
        %dma_start3A_306 = tpu.memref_slice %arg12[%dma_start3A_304, %dma_start3A_305] : memref<10240x128xf32, #tpu.memory_space<vmem_shared>> -> memref<10240x128xf32, #tpu.memory_space<vmem_shared>>
        tpu.enqueue_indirect_dma source(%arg10 : memref<128x128xf32, #tpu.memory_space<vmem>>) target(%dma_start3A_306 : memref<10240x128xf32, #tpu.memory_space<vmem_shared>>) offsets(%dma_start3A_303 : memref<128xi32, #tpu.memory_space<vmem>>) semaphore(%run_scoped3A_300 : memref<!tpu.dma_semaphore, #tpu.memory_space<semaphore_mem>>) {add = true}
        %dma_wait3A_307 = arith.constant 0 : i32
        %dma_wait3A_308 = tpu.memref_slice %arg9[%run_scoped3A_194, %dma_wait3A_307] : memref<8x128xi32, #tpu.memory_space<vmem>> -> memref<1x128xi32, #tpu.memory_space<vmem>>
        %dma_wait3A_309 = tpu.memref_squeeze %dma_wait3A_308 : memref<1x128xi32, #tpu.memory_space<vmem>> -> memref<128xi32, #tpu.memory_space<vmem>>
        %dma_wait3A_310 = arith.constant 0 : i32
        %dma_wait3A_311 = arith.constant 0 : i32
        %dma_wait3A_312 = tpu.memref_slice %arg12[%dma_wait3A_310, %dma_wait3A_311] : memref<10240x128xf32, #tpu.memory_space<vmem_shared>> -> memref<10240x128xf32, #tpu.memory_space<vmem_shared>>
        tpu.wait_indirect_dma semaphore(%run_scoped3A_300 : memref<!tpu.dma_semaphore, #tpu.memory_space<semaphore_mem>>) src(%arg10 : memref<128x128xf32, #tpu.memory_space<vmem>>) dst(%dma_wait3A_312 : memref<10240x128xf32, #tpu.memory_space<vmem_shared>>)
        tpu.yield
      }) : () -> ()
      %dma_wait3A_195 = arith.constant 1 : i32
      %dma_wait3A_196 = arith.constant 0 : i32
      %dma_wait3A_197 = tpu.memref_slice %arg8[%dma_wait3A_195, %dma_wait3A_196] : memref<8x128xi32, #tpu.memory_space<vmem>> -> memref<1x128xi32, #tpu.memory_space<vmem>>
      %dma_wait3A_198 = tpu.memref_squeeze %dma_wait3A_197 : memref<1x128xi32, #tpu.memory_space<vmem>> -> memref<128xi32, #tpu.memory_space<vmem>>
      %dma_wait3A_199 = arith.constant 0 : i32
      %dma_wait3A_200 = arith.constant 0 : i32
      %dma_wait3A_201 = tpu.memref_slice %arg2[%dma_wait3A_199, %dma_wait3A_200] : memref<10240x128xf32, #tpu.memory_space<hbm>> -> memref<10240x128xf32, #tpu.memory_space<hbm>>
      tpu.wait_indirect_dma semaphore(%arg16 : memref<!tpu.dma_semaphore, #tpu.memory_space<semaphore_mem>>) src(%dma_wait3A_201 : memref<10240x128xf32, #tpu.memory_space<hbm>>) dst(%arg11 : memref<128x128xf32, #tpu.memory_space<vmem>>)
      %dma_start3A_202 = arith.constant 2 : i32
      %dma_start3A_203 = arith.constant 0 : i32
      %dma_start3A_204 = tpu.memref_slice %arg8[%dma_start3A_202, %dma_start3A_203] : memref<8x128xi32, #tpu.memory_space<vmem>> -> memref<1x128xi32, #tpu.memory_space<vmem>>
      %dma_start3A_205 = tpu.memref_squeeze %dma_start3A_204 : memref<1x128xi32, #tpu.memory_space<vmem>> -> memref<128xi32, #tpu.memory_space<vmem>>
      %dma_start3A_206 = arith.constant 0 : i32
      %dma_start3A_207 = arith.constant 0 : i32
      %dma_start3A_208 = tpu.memref_slice %arg2[%dma_start3A_206, %dma_start3A_207] : memref<10240x128xf32, #tpu.memory_space<hbm>> -> memref<10240x128xf32, #tpu.memory_space<hbm>>
      tpu.enqueue_indirect_dma source(%dma_start3A_208 : memref<10240x128xf32, #tpu.memory_space<hbm>>) target(%arg10 : memref<128x128xf32, #tpu.memory_space<vmem>>) offsets(%dma_start3A_205 : memref<128xi32, #tpu.memory_space<vmem>>) semaphore(%arg15 : memref<!tpu.dma_semaphore, #tpu.memory_space<semaphore_mem>>)
      %run_scoped3A_209 = arith.constant 1 : i32
      "tpu.region"() ({
        %run_scoped3A_300 = tpu.sem_alloc : memref<!tpu.dma_semaphore, #tpu.memory_space<semaphore_mem>>
        %dma_start3A_301 = arith.constant 0 : i32
        %dma_start3A_302 = tpu.memref_slice %arg9[%run_scoped3A_209, %dma_start3A_301] : memref<8x128xi32, #tpu.memory_space<vmem>> -> memref<1x128xi32, #tpu.memory_space<vmem>>
        %dma_start3A_303 = tpu.memref_squeeze %dma_start3A_302 : memref<1x128xi32, #tpu.memory_space<vmem>> -> memref<128xi32, #tpu.memory_space<vmem>>
        %dma_start3A_304 = arith.constant 0 : i32
        %dma_start3A_305 = arith.constant 0 : i32
        %dma_start3A_306 = tpu.memref_slice %arg12[%dma_start3A_304, %dma_start3A_305] : memref<10240x128xf32, #tpu.memory_space<vmem_shared>> -> memref<10240x128xf32, #tpu.memory_space<vmem_shared>>
        tpu.enqueue_indirect_dma source(%arg11 : memref<128x128xf32, #tpu.memory_space<vmem>>) target(%dma_start3A_306 : memref<10240x128xf32, #tpu.memory_space<vmem_shared>>) offsets(%dma_start3A_303 : memref<128xi32, #tpu.memory_space<vmem>>) semaphore(%run_scoped3A_300 : memref<!tpu.dma_semaphore, #tpu.memory_space<semaphore_mem>>) {add = true}
        %dma_wait3A_307 = arith.constant 0 : i32
        %dma_wait3A_308 = tpu.memref_slice %arg9[%run_scoped3A_209, %dma_wait3A_307] : memref<8x128xi32, #tpu.memory_space<vmem>> -> memref<1x128xi32, #tpu.memory_space<vmem>>
        %dma_wait3A_309 = tpu.memref_squeeze %dma_wait3A_308 : memref<1x128xi32, #tpu.memory_space<vmem>> -> memref<128xi32, #tpu.memory_space<vmem>>
        %dma_wait3A_310 = arith.constant 0 : i32
        %dma_wait3A_311 = arith.constant 0 : i32
        %dma_wait3A_312 = tpu.memref_slice %arg12[%dma_wait3A_310, %dma_wait3A_311] : memref<10240x128xf32, #tpu.memory_space<vmem_shared>> -> memref<10240x128xf32, #tpu.memory_space<vmem_shared>>
        tpu.wait_indirect_dma semaphore(%run_scoped3A_300 : memref<!tpu.dma_semaphore, #tpu.memory_space<semaphore_mem>>) src(%arg11 : memref<128x128xf32, #tpu.memory_space<vmem>>) dst(%dma_wait3A_312 : memref<10240x128xf32, #tpu.memory_space<vmem_shared>>)
        tpu.yield
      }) : () -> ()
      %dma_wait3A_210 = arith.constant 2 : i32
      %dma_wait3A_211 = arith.constant 0 : i32
      %dma_wait3A_212 = tpu.memref_slice %arg8[%dma_wait3A_210, %dma_wait3A_211] : memref<8x128xi32, #tpu.memory_space<vmem>> -> memref<1x128xi32, #tpu.memory_space<vmem>>
      %dma_wait3A_213 = tpu.memref_squeeze %dma_wait3A_212 : memref<1x128xi32, #tpu.memory_space<vmem>> -> memref<128xi32, #tpu.memory_space<vmem>>
      %dma_wait3A_214 = arith.constant 0 : i32
      %dma_wait3A_215 = arith.constant 0 : i32
      %dma_wait3A_216 = tpu.memref_slice %arg2[%dma_wait3A_214, %dma_wait3A_215] : memref<10240x128xf32, #tpu.memory_space<hbm>> -> memref<10240x128xf32, #tpu.memory_space<hbm>>
      tpu.wait_indirect_dma semaphore(%arg15 : memref<!tpu.dma_semaphore, #tpu.memory_space<semaphore_mem>>) src(%dma_wait3A_216 : memref<10240x128xf32, #tpu.memory_space<hbm>>) dst(%arg10 : memref<128x128xf32, #tpu.memory_space<vmem>>)
      %dma_start3A_217 = arith.constant 3 : i32
      %dma_start3A_218 = arith.constant 0 : i32
      %dma_start3A_219 = tpu.memref_slice %arg8[%dma_start3A_217, %dma_start3A_218] : memref<8x128xi32, #tpu.memory_space<vmem>> -> memref<1x128xi32, #tpu.memory_space<vmem>>
      %dma_start3A_220 = tpu.memref_squeeze %dma_start3A_219 : memref<1x128xi32, #tpu.memory_space<vmem>> -> memref<128xi32, #tpu.memory_space<vmem>>
      %dma_start3A_221 = arith.constant 0 : i32
      %dma_start3A_222 = arith.constant 0 : i32
      %dma_start3A_223 = tpu.memref_slice %arg2[%dma_start3A_221, %dma_start3A_222] : memref<10240x128xf32, #tpu.memory_space<hbm>> -> memref<10240x128xf32, #tpu.memory_space<hbm>>
      tpu.enqueue_indirect_dma source(%dma_start3A_223 : memref<10240x128xf32, #tpu.memory_space<hbm>>) target(%arg11 : memref<128x128xf32, #tpu.memory_space<vmem>>) offsets(%dma_start3A_220 : memref<128xi32, #tpu.memory_space<vmem>>) semaphore(%arg16 : memref<!tpu.dma_semaphore, #tpu.memory_space<semaphore_mem>>)
      %run_scoped3A_224 = arith.constant 2 : i32
      "tpu.region"() ({
        %run_scoped3A_300 = tpu.sem_alloc : memref<!tpu.dma_semaphore, #tpu.memory_space<semaphore_mem>>
        %dma_start3A_301 = arith.constant 0 : i32
        %dma_start3A_302 = tpu.memref_slice %arg9[%run_scoped3A_224, %dma_start3A_301] : memref<8x128xi32, #tpu.memory_space<vmem>> -> memref<1x128xi32, #tpu.memory_space<vmem>>
        %dma_start3A_303 = tpu.memref_squeeze %dma_start3A_302 : memref<1x128xi32, #tpu.memory_space<vmem>> -> memref<128xi32, #tpu.memory_space<vmem>>
        %dma_start3A_304 = arith.constant 0 : i32
        %dma_start3A_305 = arith.constant 0 : i32
        %dma_start3A_306 = tpu.memref_slice %arg12[%dma_start3A_304, %dma_start3A_305] : memref<10240x128xf32, #tpu.memory_space<vmem_shared>> -> memref<10240x128xf32, #tpu.memory_space<vmem_shared>>
        tpu.enqueue_indirect_dma source(%arg10 : memref<128x128xf32, #tpu.memory_space<vmem>>) target(%dma_start3A_306 : memref<10240x128xf32, #tpu.memory_space<vmem_shared>>) offsets(%dma_start3A_303 : memref<128xi32, #tpu.memory_space<vmem>>) semaphore(%run_scoped3A_300 : memref<!tpu.dma_semaphore, #tpu.memory_space<semaphore_mem>>) {add = true}
        %dma_wait3A_307 = arith.constant 0 : i32
        %dma_wait3A_308 = tpu.memref_slice %arg9[%run_scoped3A_224, %dma_wait3A_307] : memref<8x128xi32, #tpu.memory_space<vmem>> -> memref<1x128xi32, #tpu.memory_space<vmem>>
        %dma_wait3A_309 = tpu.memref_squeeze %dma_wait3A_308 : memref<1x128xi32, #tpu.memory_space<vmem>> -> memref<128xi32, #tpu.memory_space<vmem>>
        %dma_wait3A_310 = arith.constant 0 : i32
        %dma_wait3A_311 = arith.constant 0 : i32
        %dma_wait3A_312 = tpu.memref_slice %arg12[%dma_wait3A_310, %dma_wait3A_311] : memref<10240x128xf32, #tpu.memory_space<vmem_shared>> -> memref<10240x128xf32, #tpu.memory_space<vmem_shared>>
        tpu.wait_indirect_dma semaphore(%run_scoped3A_300 : memref<!tpu.dma_semaphore, #tpu.memory_space<semaphore_mem>>) src(%arg10 : memref<128x128xf32, #tpu.memory_space<vmem>>) dst(%dma_wait3A_312 : memref<10240x128xf32, #tpu.memory_space<vmem_shared>>)
        tpu.yield
      }) : () -> ()
      %dma_wait3A_225 = arith.constant 3 : i32
      %dma_wait3A_226 = arith.constant 0 : i32
      %dma_wait3A_227 = tpu.memref_slice %arg8[%dma_wait3A_225, %dma_wait3A_226] : memref<8x128xi32, #tpu.memory_space<vmem>> -> memref<1x128xi32, #tpu.memory_space<vmem>>
      %dma_wait3A_228 = tpu.memref_squeeze %dma_wait3A_227 : memref<1x128xi32, #tpu.memory_space<vmem>> -> memref<128xi32, #tpu.memory_space<vmem>>
      %dma_wait3A_229 = arith.constant 0 : i32
      %dma_wait3A_230 = arith.constant 0 : i32
      %dma_wait3A_231 = tpu.memref_slice %arg2[%dma_wait3A_229, %dma_wait3A_230] : memref<10240x128xf32, #tpu.memory_space<hbm>> -> memref<10240x128xf32, #tpu.memory_space<hbm>>
      tpu.wait_indirect_dma semaphore(%arg16 : memref<!tpu.dma_semaphore, #tpu.memory_space<semaphore_mem>>) src(%dma_wait3A_231 : memref<10240x128xf32, #tpu.memory_space<hbm>>) dst(%arg11 : memref<128x128xf32, #tpu.memory_space<vmem>>)
      %dma_start3A_232 = arith.constant 4 : i32
      %dma_start3A_233 = arith.constant 0 : i32
      %dma_start3A_234 = tpu.memref_slice %arg8[%dma_start3A_232, %dma_start3A_233] : memref<8x128xi32, #tpu.memory_space<vmem>> -> memref<1x128xi32, #tpu.memory_space<vmem>>
      %dma_start3A_235 = tpu.memref_squeeze %dma_start3A_234 : memref<1x128xi32, #tpu.memory_space<vmem>> -> memref<128xi32, #tpu.memory_space<vmem>>
      %dma_start3A_236 = arith.constant 0 : i32
      %dma_start3A_237 = arith.constant 0 : i32
      %dma_start3A_238 = tpu.memref_slice %arg2[%dma_start3A_236, %dma_start3A_237] : memref<10240x128xf32, #tpu.memory_space<hbm>> -> memref<10240x128xf32, #tpu.memory_space<hbm>>
      tpu.enqueue_indirect_dma source(%dma_start3A_238 : memref<10240x128xf32, #tpu.memory_space<hbm>>) target(%arg10 : memref<128x128xf32, #tpu.memory_space<vmem>>) offsets(%dma_start3A_235 : memref<128xi32, #tpu.memory_space<vmem>>) semaphore(%arg15 : memref<!tpu.dma_semaphore, #tpu.memory_space<semaphore_mem>>)
      %run_scoped3A_239 = arith.constant 3 : i32
      "tpu.region"() ({
        %run_scoped3A_300 = tpu.sem_alloc : memref<!tpu.dma_semaphore, #tpu.memory_space<semaphore_mem>>
        %dma_start3A_301 = arith.constant 0 : i32
        %dma_start3A_302 = tpu.memref_slice %arg9[%run_scoped3A_239, %dma_start3A_301] : memref<8x128xi32, #tpu.memory_space<vmem>> -> memref<1x128xi32, #tpu.memory_space<vmem>>
        %dma_start3A_303 = tpu.memref_squeeze %dma_start3A_302 : memref<1x128xi32, #tpu.memory_space<vmem>> -> memref<128xi32, #tpu.memory_space<vmem>>
        %dma_start3A_304 = arith.constant 0 : i32
        %dma_start3A_305 = arith.constant 0 : i32
        %dma_start3A_306 = tpu.memref_slice %arg12[%dma_start3A_304, %dma_start3A_305] : memref<10240x128xf32, #tpu.memory_space<vmem_shared>> -> memref<10240x128xf32, #tpu.memory_space<vmem_shared>>
        tpu.enqueue_indirect_dma source(%arg11 : memref<128x128xf32, #tpu.memory_space<vmem>>) target(%dma_start3A_306 : memref<10240x128xf32, #tpu.memory_space<vmem_shared>>) offsets(%dma_start3A_303 : memref<128xi32, #tpu.memory_space<vmem>>) semaphore(%run_scoped3A_300 : memref<!tpu.dma_semaphore, #tpu.memory_space<semaphore_mem>>) {add = true}
        %dma_wait3A_307 = arith.constant 0 : i32
        %dma_wait3A_308 = tpu.memref_slice %arg9[%run_scoped3A_239, %dma_wait3A_307] : memref<8x128xi32, #tpu.memory_space<vmem>> -> memref<1x128xi32, #tpu.memory_space<vmem>>
        %dma_wait3A_309 = tpu.memref_squeeze %dma_wait3A_308 : memref<1x128xi32, #tpu.memory_space<vmem>> -> memref<128xi32, #tpu.memory_space<vmem>>
        %dma_wait3A_310 = arith.constant 0 : i32
        %dma_wait3A_311 = arith.constant 0 : i32
        %dma_wait3A_312 = tpu.memref_slice %arg12[%dma_wait3A_310, %dma_wait3A_311] : memref<10240x128xf32, #tpu.memory_space<vmem_shared>> -> memref<10240x128xf32, #tpu.memory_space<vmem_shared>>
        tpu.wait_indirect_dma semaphore(%run_scoped3A_300 : memref<!tpu.dma_semaphore, #tpu.memory_space<semaphore_mem>>) src(%arg11 : memref<128x128xf32, #tpu.memory_space<vmem>>) dst(%dma_wait3A_312 : memref<10240x128xf32, #tpu.memory_space<vmem_shared>>)
        tpu.yield
      }) : () -> ()
      %dma_wait3A_240 = arith.constant 4 : i32
      %dma_wait3A_241 = arith.constant 0 : i32
      %dma_wait3A_242 = tpu.memref_slice %arg8[%dma_wait3A_240, %dma_wait3A_241] : memref<8x128xi32, #tpu.memory_space<vmem>> -> memref<1x128xi32, #tpu.memory_space<vmem>>
      %dma_wait3A_243 = tpu.memref_squeeze %dma_wait3A_242 : memref<1x128xi32, #tpu.memory_space<vmem>> -> memref<128xi32, #tpu.memory_space<vmem>>
      %dma_wait3A_244 = arith.constant 0 : i32
      %dma_wait3A_245 = arith.constant 0 : i32
      %dma_wait3A_246 = tpu.memref_slice %arg2[%dma_wait3A_244, %dma_wait3A_245] : memref<10240x128xf32, #tpu.memory_space<hbm>> -> memref<10240x128xf32, #tpu.memory_space<hbm>>
      tpu.wait_indirect_dma semaphore(%arg15 : memref<!tpu.dma_semaphore, #tpu.memory_space<semaphore_mem>>) src(%dma_wait3A_246 : memref<10240x128xf32, #tpu.memory_space<hbm>>) dst(%arg10 : memref<128x128xf32, #tpu.memory_space<vmem>>)
      %dma_start3A_247 = arith.constant 5 : i32
      %dma_start3A_248 = arith.constant 0 : i32
      %dma_start3A_249 = tpu.memref_slice %arg8[%dma_start3A_247, %dma_start3A_248] : memref<8x128xi32, #tpu.memory_space<vmem>> -> memref<1x128xi32, #tpu.memory_space<vmem>>
      %dma_start3A_250 = tpu.memref_squeeze %dma_start3A_249 : memref<1x128xi32, #tpu.memory_space<vmem>> -> memref<128xi32, #tpu.memory_space<vmem>>
      %dma_start3A_251 = arith.constant 0 : i32
      %dma_start3A_252 = arith.constant 0 : i32
      %dma_start3A_253 = tpu.memref_slice %arg2[%dma_start3A_251, %dma_start3A_252] : memref<10240x128xf32, #tpu.memory_space<hbm>> -> memref<10240x128xf32, #tpu.memory_space<hbm>>
      tpu.enqueue_indirect_dma source(%dma_start3A_253 : memref<10240x128xf32, #tpu.memory_space<hbm>>) target(%arg11 : memref<128x128xf32, #tpu.memory_space<vmem>>) offsets(%dma_start3A_250 : memref<128xi32, #tpu.memory_space<vmem>>) semaphore(%arg16 : memref<!tpu.dma_semaphore, #tpu.memory_space<semaphore_mem>>)
      %run_scoped3A_254 = arith.constant 4 : i32
      "tpu.region"() ({
        %run_scoped3A_300 = tpu.sem_alloc : memref<!tpu.dma_semaphore, #tpu.memory_space<semaphore_mem>>
        %dma_start3A_301 = arith.constant 0 : i32
        %dma_start3A_302 = tpu.memref_slice %arg9[%run_scoped3A_254, %dma_start3A_301] : memref<8x128xi32, #tpu.memory_space<vmem>> -> memref<1x128xi32, #tpu.memory_space<vmem>>
        %dma_start3A_303 = tpu.memref_squeeze %dma_start3A_302 : memref<1x128xi32, #tpu.memory_space<vmem>> -> memref<128xi32, #tpu.memory_space<vmem>>
        %dma_start3A_304 = arith.constant 0 : i32
        %dma_start3A_305 = arith.constant 0 : i32
        %dma_start3A_306 = tpu.memref_slice %arg12[%dma_start3A_304, %dma_start3A_305] : memref<10240x128xf32, #tpu.memory_space<vmem_shared>> -> memref<10240x128xf32, #tpu.memory_space<vmem_shared>>
        tpu.enqueue_indirect_dma source(%arg10 : memref<128x128xf32, #tpu.memory_space<vmem>>) target(%dma_start3A_306 : memref<10240x128xf32, #tpu.memory_space<vmem_shared>>) offsets(%dma_start3A_303 : memref<128xi32, #tpu.memory_space<vmem>>) semaphore(%run_scoped3A_300 : memref<!tpu.dma_semaphore, #tpu.memory_space<semaphore_mem>>) {add = true}
        %dma_wait3A_307 = arith.constant 0 : i32
        %dma_wait3A_308 = tpu.memref_slice %arg9[%run_scoped3A_254, %dma_wait3A_307] : memref<8x128xi32, #tpu.memory_space<vmem>> -> memref<1x128xi32, #tpu.memory_space<vmem>>
        %dma_wait3A_309 = tpu.memref_squeeze %dma_wait3A_308 : memref<1x128xi32, #tpu.memory_space<vmem>> -> memref<128xi32, #tpu.memory_space<vmem>>
        %dma_wait3A_310 = arith.constant 0 : i32
        %dma_wait3A_311 = arith.constant 0 : i32
        %dma_wait3A_312 = tpu.memref_slice %arg12[%dma_wait3A_310, %dma_wait3A_311] : memref<10240x128xf32, #tpu.memory_space<vmem_shared>> -> memref<10240x128xf32, #tpu.memory_space<vmem_shared>>
        tpu.wait_indirect_dma semaphore(%run_scoped3A_300 : memref<!tpu.dma_semaphore, #tpu.memory_space<semaphore_mem>>) src(%arg10 : memref<128x128xf32, #tpu.memory_space<vmem>>) dst(%dma_wait3A_312 : memref<10240x128xf32, #tpu.memory_space<vmem_shared>>)
        tpu.yield
      }) : () -> ()
      %dma_wait3A_255 = arith.constant 5 : i32
      %dma_wait3A_256 = arith.constant 0 : i32
      %dma_wait3A_257 = tpu.memref_slice %arg8[%dma_wait3A_255, %dma_wait3A_256] : memref<8x128xi32, #tpu.memory_space<vmem>> -> memref<1x128xi32, #tpu.memory_space<vmem>>
      %dma_wait3A_258 = tpu.memref_squeeze %dma_wait3A_257 : memref<1x128xi32, #tpu.memory_space<vmem>> -> memref<128xi32, #tpu.memory_space<vmem>>
      %dma_wait3A_259 = arith.constant 0 : i32
      %dma_wait3A_260 = arith.constant 0 : i32
      %dma_wait3A_261 = tpu.memref_slice %arg2[%dma_wait3A_259, %dma_wait3A_260] : memref<10240x128xf32, #tpu.memory_space<hbm>> -> memref<10240x128xf32, #tpu.memory_space<hbm>>
      tpu.wait_indirect_dma semaphore(%arg16 : memref<!tpu.dma_semaphore, #tpu.memory_space<semaphore_mem>>) src(%dma_wait3A_261 : memref<10240x128xf32, #tpu.memory_space<hbm>>) dst(%arg11 : memref<128x128xf32, #tpu.memory_space<vmem>>)
      %dma_start3A_262 = arith.constant 6 : i32
      %dma_start3A_263 = arith.constant 0 : i32
      %dma_start3A_264 = tpu.memref_slice %arg8[%dma_start3A_262, %dma_start3A_263] : memref<8x128xi32, #tpu.memory_space<vmem>> -> memref<1x128xi32, #tpu.memory_space<vmem>>
      %dma_start3A_265 = tpu.memref_squeeze %dma_start3A_264 : memref<1x128xi32, #tpu.memory_space<vmem>> -> memref<128xi32, #tpu.memory_space<vmem>>
      %dma_start3A_266 = arith.constant 0 : i32
      %dma_start3A_267 = arith.constant 0 : i32
      %dma_start3A_268 = tpu.memref_slice %arg2[%dma_start3A_266, %dma_start3A_267] : memref<10240x128xf32, #tpu.memory_space<hbm>> -> memref<10240x128xf32, #tpu.memory_space<hbm>>
      tpu.enqueue_indirect_dma source(%dma_start3A_268 : memref<10240x128xf32, #tpu.memory_space<hbm>>) target(%arg10 : memref<128x128xf32, #tpu.memory_space<vmem>>) offsets(%dma_start3A_265 : memref<128xi32, #tpu.memory_space<vmem>>) semaphore(%arg15 : memref<!tpu.dma_semaphore, #tpu.memory_space<semaphore_mem>>)
      %run_scoped3A_269 = arith.constant 5 : i32
      "tpu.region"() ({
        %run_scoped3A_300 = tpu.sem_alloc : memref<!tpu.dma_semaphore, #tpu.memory_space<semaphore_mem>>
        %dma_start3A_301 = arith.constant 0 : i32
        %dma_start3A_302 = tpu.memref_slice %arg9[%run_scoped3A_269, %dma_start3A_301] : memref<8x128xi32, #tpu.memory_space<vmem>> -> memref<1x128xi32, #tpu.memory_space<vmem>>
        %dma_start3A_303 = tpu.memref_squeeze %dma_start3A_302 : memref<1x128xi32, #tpu.memory_space<vmem>> -> memref<128xi32, #tpu.memory_space<vmem>>
        %dma_start3A_304 = arith.constant 0 : i32
        %dma_start3A_305 = arith.constant 0 : i32
        %dma_start3A_306 = tpu.memref_slice %arg12[%dma_start3A_304, %dma_start3A_305] : memref<10240x128xf32, #tpu.memory_space<vmem_shared>> -> memref<10240x128xf32, #tpu.memory_space<vmem_shared>>
        tpu.enqueue_indirect_dma source(%arg11 : memref<128x128xf32, #tpu.memory_space<vmem>>) target(%dma_start3A_306 : memref<10240x128xf32, #tpu.memory_space<vmem_shared>>) offsets(%dma_start3A_303 : memref<128xi32, #tpu.memory_space<vmem>>) semaphore(%run_scoped3A_300 : memref<!tpu.dma_semaphore, #tpu.memory_space<semaphore_mem>>) {add = true}
        %dma_wait3A_307 = arith.constant 0 : i32
        %dma_wait3A_308 = tpu.memref_slice %arg9[%run_scoped3A_269, %dma_wait3A_307] : memref<8x128xi32, #tpu.memory_space<vmem>> -> memref<1x128xi32, #tpu.memory_space<vmem>>
        %dma_wait3A_309 = tpu.memref_squeeze %dma_wait3A_308 : memref<1x128xi32, #tpu.memory_space<vmem>> -> memref<128xi32, #tpu.memory_space<vmem>>
        %dma_wait3A_310 = arith.constant 0 : i32
        %dma_wait3A_311 = arith.constant 0 : i32
        %dma_wait3A_312 = tpu.memref_slice %arg12[%dma_wait3A_310, %dma_wait3A_311] : memref<10240x128xf32, #tpu.memory_space<vmem_shared>> -> memref<10240x128xf32, #tpu.memory_space<vmem_shared>>
        tpu.wait_indirect_dma semaphore(%run_scoped3A_300 : memref<!tpu.dma_semaphore, #tpu.memory_space<semaphore_mem>>) src(%arg11 : memref<128x128xf32, #tpu.memory_space<vmem>>) dst(%dma_wait3A_312 : memref<10240x128xf32, #tpu.memory_space<vmem_shared>>)
        tpu.yield
      }) : () -> ()
      %dma_wait3A_270 = arith.constant 6 : i32
      %dma_wait3A_271 = arith.constant 0 : i32
      %dma_wait3A_272 = tpu.memref_slice %arg8[%dma_wait3A_270, %dma_wait3A_271] : memref<8x128xi32, #tpu.memory_space<vmem>> -> memref<1x128xi32, #tpu.memory_space<vmem>>
      %dma_wait3A_273 = tpu.memref_squeeze %dma_wait3A_272 : memref<1x128xi32, #tpu.memory_space<vmem>> -> memref<128xi32, #tpu.memory_space<vmem>>
      %dma_wait3A_274 = arith.constant 0 : i32
      %dma_wait3A_275 = arith.constant 0 : i32
      %dma_wait3A_276 = tpu.memref_slice %arg2[%dma_wait3A_274, %dma_wait3A_275] : memref<10240x128xf32, #tpu.memory_space<hbm>> -> memref<10240x128xf32, #tpu.memory_space<hbm>>
      tpu.wait_indirect_dma semaphore(%arg15 : memref<!tpu.dma_semaphore, #tpu.memory_space<semaphore_mem>>) src(%dma_wait3A_276 : memref<10240x128xf32, #tpu.memory_space<hbm>>) dst(%arg10 : memref<128x128xf32, #tpu.memory_space<vmem>>)
      %dma_start3A_277 = arith.constant 7 : i32
      %dma_start3A_278 = arith.constant 0 : i32
      %dma_start3A_279 = tpu.memref_slice %arg8[%dma_start3A_277, %dma_start3A_278] : memref<8x128xi32, #tpu.memory_space<vmem>> -> memref<1x128xi32, #tpu.memory_space<vmem>>
      %dma_start3A_280 = tpu.memref_squeeze %dma_start3A_279 : memref<1x128xi32, #tpu.memory_space<vmem>> -> memref<128xi32, #tpu.memory_space<vmem>>
      %dma_start3A_281 = arith.constant 0 : i32
      %dma_start3A_282 = arith.constant 0 : i32
      %dma_start3A_283 = tpu.memref_slice %arg2[%dma_start3A_281, %dma_start3A_282] : memref<10240x128xf32, #tpu.memory_space<hbm>> -> memref<10240x128xf32, #tpu.memory_space<hbm>>
      tpu.enqueue_indirect_dma source(%dma_start3A_283 : memref<10240x128xf32, #tpu.memory_space<hbm>>) target(%arg11 : memref<128x128xf32, #tpu.memory_space<vmem>>) offsets(%dma_start3A_280 : memref<128xi32, #tpu.memory_space<vmem>>) semaphore(%arg16 : memref<!tpu.dma_semaphore, #tpu.memory_space<semaphore_mem>>)
      %run_scoped3A_284 = arith.constant 6 : i32
      "tpu.region"() ({
        %run_scoped3A_300 = tpu.sem_alloc : memref<!tpu.dma_semaphore, #tpu.memory_space<semaphore_mem>>
        %dma_start3A_301 = arith.constant 0 : i32
        %dma_start3A_302 = tpu.memref_slice %arg9[%run_scoped3A_284, %dma_start3A_301] : memref<8x128xi32, #tpu.memory_space<vmem>> -> memref<1x128xi32, #tpu.memory_space<vmem>>
        %dma_start3A_303 = tpu.memref_squeeze %dma_start3A_302 : memref<1x128xi32, #tpu.memory_space<vmem>> -> memref<128xi32, #tpu.memory_space<vmem>>
        %dma_start3A_304 = arith.constant 0 : i32
        %dma_start3A_305 = arith.constant 0 : i32
        %dma_start3A_306 = tpu.memref_slice %arg12[%dma_start3A_304, %dma_start3A_305] : memref<10240x128xf32, #tpu.memory_space<vmem_shared>> -> memref<10240x128xf32, #tpu.memory_space<vmem_shared>>
        tpu.enqueue_indirect_dma source(%arg10 : memref<128x128xf32, #tpu.memory_space<vmem>>) target(%dma_start3A_306 : memref<10240x128xf32, #tpu.memory_space<vmem_shared>>) offsets(%dma_start3A_303 : memref<128xi32, #tpu.memory_space<vmem>>) semaphore(%run_scoped3A_300 : memref<!tpu.dma_semaphore, #tpu.memory_space<semaphore_mem>>) {add = true}
        %dma_wait3A_307 = arith.constant 0 : i32
        %dma_wait3A_308 = tpu.memref_slice %arg9[%run_scoped3A_284, %dma_wait3A_307] : memref<8x128xi32, #tpu.memory_space<vmem>> -> memref<1x128xi32, #tpu.memory_space<vmem>>
        %dma_wait3A_309 = tpu.memref_squeeze %dma_wait3A_308 : memref<1x128xi32, #tpu.memory_space<vmem>> -> memref<128xi32, #tpu.memory_space<vmem>>
        %dma_wait3A_310 = arith.constant 0 : i32
        %dma_wait3A_311 = arith.constant 0 : i32
        %dma_wait3A_312 = tpu.memref_slice %arg12[%dma_wait3A_310, %dma_wait3A_311] : memref<10240x128xf32, #tpu.memory_space<vmem_shared>> -> memref<10240x128xf32, #tpu.memory_space<vmem_shared>>
        tpu.wait_indirect_dma semaphore(%run_scoped3A_300 : memref<!tpu.dma_semaphore, #tpu.memory_space<semaphore_mem>>) src(%arg10 : memref<128x128xf32, #tpu.memory_space<vmem>>) dst(%dma_wait3A_312 : memref<10240x128xf32, #tpu.memory_space<vmem_shared>>)
        tpu.yield
      }) : () -> ()
      %dma_wait3A_285 = arith.constant 7 : i32
      %dma_wait3A_286 = arith.constant 0 : i32
      %dma_wait3A_287 = tpu.memref_slice %arg8[%dma_wait3A_285, %dma_wait3A_286] : memref<8x128xi32, #tpu.memory_space<vmem>> -> memref<1x128xi32, #tpu.memory_space<vmem>>
      %dma_wait3A_288 = tpu.memref_squeeze %dma_wait3A_287 : memref<1x128xi32, #tpu.memory_space<vmem>> -> memref<128xi32, #tpu.memory_space<vmem>>
      %dma_wait3A_289 = arith.constant 0 : i32
      %dma_wait3A_290 = arith.constant 0 : i32
      %dma_wait3A_291 = tpu.memref_slice %arg2[%dma_wait3A_289, %dma_wait3A_290] : memref<10240x128xf32, #tpu.memory_space<hbm>> -> memref<10240x128xf32, #tpu.memory_space<hbm>>
      tpu.wait_indirect_dma semaphore(%arg16 : memref<!tpu.dma_semaphore, #tpu.memory_space<semaphore_mem>>) src(%dma_wait3A_291 : memref<10240x128xf32, #tpu.memory_space<hbm>>) dst(%arg11 : memref<128x128xf32, #tpu.memory_space<vmem>>)
      %add3A_292 = arith.constant 1 : i32
      %add3A_293 = arith.addi %add3A_172, %add3A_292 : i32
      %lt3A_294 = arith.constant 10 : i32
      %lt3A_295 = arith.cmpi slt, %add3A_293, %lt3A_294 : i32
      %convert_element_type3A_296 = arith.extui %lt3A_295 : i1 to i32
      %cond3A_297 = arith.constant 0 : i32
      %cond3A_298 = arith.cmpi ne, %convert_element_type3A_296, %cond3A_297 : i32
      scf.if %cond3A_298 {
        %dma_wait3A_300 = arith.constant 0 : i32
        %dma_wait3A_301 = arith.constant 0 : i32
        %dma_wait3A_302 = tpu.memref_slice %arg3[%dma_wait3A_300, %dma_wait3A_301] : memref<5120x128xi32, #tpu.memory_space<hbm>> -> memref<8x128xi32, #tpu.memory_space<hbm>>
        %dma_wait3A_303 = arith.constant 0 : i32
        %dma_wait3A_304 = arith.constant 0 : i32
        %dma_wait3A_305 = tpu.memref_slice %arg3[%dma_wait3A_303, %dma_wait3A_304] : memref<5120x128xi32, #tpu.memory_space<hbm>> -> memref<8x128xi32, #tpu.memory_space<hbm>>
        tpu.wait_dma2 semaphore(%arg13 : memref<!tpu.dma_semaphore, #tpu.memory_space<semaphore_mem>>) src(%dma_wait3A_305 : memref<8x128xi32, #tpu.memory_space<hbm>>) dst(%arg6 : memref<8x128xi32, #tpu.memory_space<vmem>>)
        %dma_wait3A_306 = arith.constant 0 : i32
        %dma_wait3A_307 = arith.constant 0 : i32
        %dma_wait3A_308 = tpu.memref_slice %arg3[%dma_wait3A_306, %dma_wait3A_307] : memref<5120x128xi32, #tpu.memory_space<hbm>> -> memref<8x128xi32, #tpu.memory_space<hbm>>
        %dma_wait3A_309 = arith.constant 0 : i32
        %dma_wait3A_310 = arith.constant 0 : i32
        %dma_wait3A_311 = tpu.memref_slice %arg3[%dma_wait3A_309, %dma_wait3A_310] : memref<5120x128xi32, #tpu.memory_space<hbm>> -> memref<8x128xi32, #tpu.memory_space<hbm>>
        tpu.wait_dma2 semaphore(%arg13 : memref<!tpu.dma_semaphore, #tpu.memory_space<semaphore_mem>>) src(%dma_wait3A_311 : memref<8x128xi32, #tpu.memory_space<hbm>>) dst(%arg7 : memref<8x128xi32, #tpu.memory_space<vmem>>)
        %dma_start3A_312 = arith.constant 0 : i32
        %dma_start3A_313 = arith.constant 0 : i32
        %dma_start3A_314 = tpu.memref_slice %arg6[%dma_start3A_312, %dma_start3A_313] : memref<8x128xi32, #tpu.memory_space<vmem>> -> memref<1x128xi32, #tpu.memory_space<vmem>>
        %dma_start3A_315 = tpu.memref_squeeze %dma_start3A_314 : memref<1x128xi32, #tpu.memory_space<vmem>> -> memref<128xi32, #tpu.memory_space<vmem>>
        %dma_start3A_316 = arith.constant 0 : i32
        %dma_start3A_317 = arith.constant 0 : i32
        %dma_start3A_318 = tpu.memref_slice %arg2[%dma_start3A_316, %dma_start3A_317] : memref<10240x128xf32, #tpu.memory_space<hbm>> -> memref<10240x128xf32, #tpu.memory_space<hbm>>
        tpu.enqueue_indirect_dma source(%dma_start3A_318 : memref<10240x128xf32, #tpu.memory_space<hbm>>) target(%arg10 : memref<128x128xf32, #tpu.memory_space<vmem>>) offsets(%dma_start3A_315 : memref<128xi32, #tpu.memory_space<vmem>>) semaphore(%arg15 : memref<!tpu.dma_semaphore, #tpu.memory_space<semaphore_mem>>)
      } else {
      }
      %run_scoped3A_299 = arith.constant 7 : i32
      "tpu.region"() ({
        %run_scoped3A_300 = tpu.sem_alloc : memref<!tpu.dma_semaphore, #tpu.memory_space<semaphore_mem>>
        %dma_start3A_301 = arith.constant 0 : i32
        %dma_start3A_302 = tpu.memref_slice %arg9[%run_scoped3A_299, %dma_start3A_301] : memref<8x128xi32, #tpu.memory_space<vmem>> -> memref<1x128xi32, #tpu.memory_space<vmem>>
        %dma_start3A_303 = tpu.memref_squeeze %dma_start3A_302 : memref<1x128xi32, #tpu.memory_space<vmem>> -> memref<128xi32, #tpu.memory_space<vmem>>
        %dma_start3A_304 = arith.constant 0 : i32
        %dma_start3A_305 = arith.constant 0 : i32
        %dma_start3A_306 = tpu.memref_slice %arg12[%dma_start3A_304, %dma_start3A_305] : memref<10240x128xf32, #tpu.memory_space<vmem_shared>> -> memref<10240x128xf32, #tpu.memory_space<vmem_shared>>
        tpu.enqueue_indirect_dma source(%arg11 : memref<128x128xf32, #tpu.memory_space<vmem>>) target(%dma_start3A_306 : memref<10240x128xf32, #tpu.memory_space<vmem_shared>>) offsets(%dma_start3A_303 : memref<128xi32, #tpu.memory_space<vmem>>) semaphore(%run_scoped3A_300 : memref<!tpu.dma_semaphore, #tpu.memory_space<semaphore_mem>>) {add = true}
        %dma_wait3A_307 = arith.constant 0 : i32
        %dma_wait3A_308 = tpu.memref_slice %arg9[%run_scoped3A_299, %dma_wait3A_307] : memref<8x128xi32, #tpu.memory_space<vmem>> -> memref<1x128xi32, #tpu.memory_space<vmem>>
        %dma_wait3A_309 = tpu.memref_squeeze %dma_wait3A_308 : memref<1x128xi32, #tpu.memory_space<vmem>> -> memref<128xi32, #tpu.memory_space<vmem>>
        %dma_wait3A_310 = arith.constant 0 : i32
        %dma_wait3A_311 = arith.constant 0 : i32
        %dma_wait3A_312 = tpu.memref_slice %arg12[%dma_wait3A_310, %dma_wait3A_311] : memref<10240x128xf32, #tpu.memory_space<vmem_shared>> -> memref<10240x128xf32, #tpu.memory_space<vmem_shared>>
        tpu.wait_indirect_dma semaphore(%run_scoped3A_300 : memref<!tpu.dma_semaphore, #tpu.memory_space<semaphore_mem>>) src(%arg11 : memref<128x128xf32, #tpu.memory_space<vmem>>) dst(%dma_wait3A_312 : memref<10240x128xf32, #tpu.memory_space<vmem_shared>>)
        tpu.yield
      }) : () -> ()
    }
    %scan3A_37 = arith.constant 5 : i32
    %barrier3A_38 = arith.constant 0 : index
    tpu.barrier barrier_id(%barrier3A_38)
    %mul3A_39 = arith.constant 640 : i32
    %mul3A_40 = arith.muli %arg1, %mul3A_39 : i32
    %mul3A_41 = arith.constant 640 : i32
    %mul3A_42 = arith.muli %arg1, %mul3A_41 : i32
    "tpu.region"() ({
      %run_scoped3A = tpu.sem_alloc : memref<!tpu.dma_semaphore, #tpu.memory_space<semaphore_mem>>
      %dma_start3A_43 = arith.constant 0 : i32
      %dma_start3A_44 = tpu.memref_slice %arg5[%arg0, %mul3A_42, %dma_start3A_43] : memref<2x10240x128xf32, #tpu.memory_space<hbm>> -> memref<1x640x128xf32, #tpu.memory_space<hbm>>
      %dma_start3A_45 = tpu.memref_squeeze %dma_start3A_44 : memref<1x640x128xf32, #tpu.memory_space<hbm>> -> memref<640x128xf32, #tpu.memory_space<hbm>>
      %dma_start3A_46 = arith.constant 0 : i32
      %dma_start3A_47 = tpu.memref_slice %arg12[%mul3A_40, %dma_start3A_46] : memref<10240x128xf32, #tpu.memory_space<vmem_shared>> -> memref<640x128xf32, #tpu.memory_space<vmem_shared>>
      tpu.enqueue_dma source(%dma_start3A_47 : memref<640x128xf32, #tpu.memory_space<vmem_shared>>) target(%dma_start3A_45 : memref<640x128xf32, #tpu.memory_space<hbm>>) target_semaphore(%run_scoped3A : memref<!tpu.dma_semaphore, #tpu.memory_space<semaphore_mem>>)
      %dma_wait3A_48 = arith.constant 0 : i32
      %dma_wait3A_49 = tpu.memref_slice %arg5[%arg0, %mul3A_42, %dma_wait3A_48] : memref<2x10240x128xf32, #tpu.memory_space<hbm>> -> memref<1x640x128xf32, #tpu.memory_space<hbm>>
      %dma_wait3A_50 = tpu.memref_squeeze %dma_wait3A_49 : memref<1x640x128xf32, #tpu.memory_space<hbm>> -> memref<640x128xf32, #tpu.memory_space<hbm>>
      %dma_wait3A_51 = arith.constant 0 : i32
      %dma_wait3A_52 = tpu.memref_slice %arg12[%mul3A_40, %dma_wait3A_51] : memref<10240x128xf32, #tpu.memory_space<vmem_shared>> -> memref<640x128xf32, #tpu.memory_space<vmem_shared>>
      tpu.wait_dma2 semaphore(%run_scoped3A : memref<!tpu.dma_semaphore, #tpu.memory_space<semaphore_mem>>) src(%dma_wait3A_52 : memref<640x128xf32, #tpu.memory_space<vmem_shared>>) dst(%dma_wait3A_50 : memref<640x128xf32, #tpu.memory_space<hbm>>)
      tpu.yield
    }) : () -> ()
    return
  }
}

module attributes {stable_mosaic.version = 14 : i64} {
  func.func @_tc1_body(%arg0: memref<2x10240x1xf32, #tpu.memory_space<vmem>>, %arg1: memref<10000x128xf32, #tpu.memory_space<vmem>>, %arg2: memref<128x128xf32, #tpu.memory_space<vmem>>, %arg3: memref<1x128xf32, #tpu.memory_space<vmem>>, %arg4: memref<128x128xf32, #tpu.memory_space<vmem>>, %arg5: memref<10000x128xf32, #tpu.memory_space<vmem>>, %arg6: memref<10240x128xf32, #tpu.memory_space<vmem>>) attributes {dimension_semantics = [], scalar_prefetch = 0 : i64, scratch_operands = 0 : i64, tpu.core_type = #tpu.core_type<tc>} {
    %get3A = arith.constant 0 : index
    %get3A_0 = arith.constant 0 : index
    %get3A_1 = arith.constant 0 : index
    %get3A_2 = vector.load %arg0[%get3A, %get3A_0, %get3A_1] : memref<2x10240x1xf32, #tpu.memory_space<vmem>>, vector<1x10240x1xf32>
    %get3A_3 = vector.shape_cast %get3A_2 : vector<1x10240x1xf32> to vector<10240x1xf32>
    %slice3A = vector.extract_strided_slice %get3A_3 {offsets = [0, 0], sizes = [10000, 1], strides = [1, 1]} : vector<10240x1xf32> to vector<10000x1xf32>
    %max3A = arith.constant 1.000000e+00 : f32
    %max3A_4 = vector.broadcast %max3A : f32 to vector<10000x1xf32>
    %max3A_5 = arith.maximumf %slice3A, %max3A_4 : vector<10000x1xf32>
    %rsqrt3A = math.rsqrt %max3A_5 : vector<10000x1xf32>
    %get3A_6 = arith.constant 0 : index
    %get3A_7 = arith.constant 0 : index
    %get3A_8 = vector.load %arg1[%get3A_6, %get3A_7] : memref<10000x128xf32, #tpu.memory_space<vmem>>, vector<10000x128xf32>
    %get3A_9 = arith.constant 0 : index
    %get3A_10 = arith.constant 0 : index
    %get3A_11 = vector.load %arg2[%get3A_9, %get3A_10] : memref<128x128xf32, #tpu.memory_space<vmem>>, vector<128x128xf32>
    %dot_general3A = arith.constant dense<0.000000e+00> : vector<10000x128xf32>
    %dot_general3A_12 = tpu.matmul %get3A_8, %get3A_11, %dot_general3A {dimension_numbers = #tpu.dot_dimension_numbers<[1], [0], [0], [1], [0, 0, 1, 1], [], []>, transpose_lhs_hint = false} : vector<10000x128xf32>, vector<128x128xf32>, vector<10000x128xf32> -> vector<10000x128xf32>
    %get3A_13 = arith.constant 0 : index
    %get3A_14 = arith.constant 0 : index
    %get3A_15 = vector.load %arg3[%get3A_13, %get3A_14] : memref<1x128xf32, #tpu.memory_space<vmem>>, vector<1x128xf32>
    %add3A = vector.broadcast %get3A_15 : vector<1x128xf32> to vector<10000x128xf32>
    %add3A_16 = arith.addf %dot_general3A_12, %add3A : vector<10000x128xf32>
    %swap3A = arith.constant 0 : index
    %swap3A_17 = arith.constant 0 : index
    %swap3A_18 = vector.load %arg5[%swap3A, %swap3A_17] : memref<10000x128xf32, #tpu.memory_space<vmem>>, vector<10000x128xf32>
    tpu.vector_store %arg5[%swap3A, %swap3A_17], %add3A_16 {strides = array<i32>} : memref<10000x128xf32, #tpu.memory_space<vmem>>, vector<10000x128xf32>,
    %get3A_19 = arith.constant 0 : index
    %get3A_20 = arith.constant 0 : index
    %get3A_21 = vector.load %arg4[%get3A_19, %get3A_20] : memref<128x128xf32, #tpu.memory_space<vmem>>, vector<128x128xf32>
    %dot_general3A_22 = arith.constant dense<0.000000e+00> : vector<10000x128xf32>
    %dot_general3A_23 = tpu.matmul %add3A_16, %get3A_21, %dot_general3A_22 {dimension_numbers = #tpu.dot_dimension_numbers<[1], [0], [0], [1], [0, 0, 1, 1], [], []>, transpose_lhs_hint = false} : vector<10000x128xf32>, vector<128x128xf32>, vector<10000x128xf32> -> vector<10000x128xf32>
    %mul3A = vector.broadcast %rsqrt3A : vector<10000x1xf32> to vector<10000x128xf32>
    %mul3A_24 = arith.mulf %dot_general3A_23, %mul3A : vector<10000x128xf32>
    %swap3A_25 = arith.constant 0 : index
    %swap3A_26 = arith.constant 0 : index
    %swap3A_27 = vector.load %arg6[%swap3A_25, %swap3A_26] : memref<10240x128xf32, #tpu.memory_space<vmem>>, vector<10000x128xf32>
    tpu.vector_store %arg6[%swap3A_25, %swap3A_26], %mul3A_24 {strides = array<i32>} : memref<10240x128xf32, #tpu.memory_space<vmem>>, vector<10000x128xf32>,
    %broadcast_in_dim3A = arith.constant 0.000000e+00 : f32
    %broadcast_in_dim3A_28 = vector.broadcast %broadcast_in_dim3A : f32 to vector<240x128xf32>
    %swap3A_29 = arith.constant 10000 : index
    %swap3A_30 = arith.constant 0 : index
    %swap3A_31 = vector.load %arg6[%swap3A_29, %swap3A_30] : memref<10240x128xf32, #tpu.memory_space<vmem>>, vector<240x128xf32>
    tpu.vector_store %arg6[%swap3A_29, %swap3A_30], %broadcast_in_dim3A_28 {strides = array<i32>} : memref<10240x128xf32, #tpu.memory_space<vmem>>, vector<240x128xf32>,
    return
  }
}

module attributes {stable_mosaic.version = 14 : i64} {
  func.func @_tc2_body(%arg0: memref<2x10240x128xf32, #tpu.memory_space<vmem>>, %arg1: memref<2x10240x1xf32, #tpu.memory_space<vmem>>, %arg2: memref<1x128xf32, #tpu.memory_space<vmem>>, %arg3: memref<1x128xf32, #tpu.memory_space<vmem>>, %arg4: memref<1x128xf32, #tpu.memory_space<vmem>>, %arg5: memref<1x128xf32, #tpu.memory_space<vmem>>, %arg6: memref<1x128xf32, #tpu.memory_space<vmem>>, %arg7: memref<10000x128xf32, #tpu.memory_space<vmem>>, %arg8: memref<128x128xf32, #tpu.memory_space<vmem>>, %arg9: memref<10000x128xf32, #tpu.memory_space<vmem>>, %arg10: memref<10240x128xf32, #tpu.memory_space<vmem>>) attributes {dimension_semantics = [], scalar_prefetch = 0 : i64, scratch_operands = 0 : i64, tpu.core_type = #tpu.core_type<tc>} {
    %get3A = arith.constant 0 : index
    %get3A_0 = arith.constant 0 : index
    %get3A_1 = arith.constant 0 : index
    %get3A_2 = vector.load %arg1[%get3A, %get3A_0, %get3A_1] : memref<2x10240x1xf32, #tpu.memory_space<vmem>>, vector<1x10240x1xf32>
    %get3A_3 = vector.shape_cast %get3A_2 : vector<1x10240x1xf32> to vector<10240x1xf32>
    %slice3A = vector.extract_strided_slice %get3A_3 {offsets = [0, 0], sizes = [10000, 1], strides = [1, 1]} : vector<10240x1xf32> to vector<10000x1xf32>
    %max3A = arith.constant 1.000000e+00 : f32
    %max3A_4 = vector.broadcast %max3A : f32 to vector<10000x1xf32>
    %max3A_5 = arith.maximumf %slice3A, %max3A_4 : vector<10000x1xf32>
    %rsqrt3A = math.rsqrt %max3A_5 : vector<10000x1xf32>
    %get3A_6 = arith.constant 1 : index
    %get3A_7 = arith.constant 0 : index
    %get3A_8 = arith.constant 0 : index
    %get3A_9 = vector.load %arg1[%get3A_6, %get3A_7, %get3A_8] : memref<2x10240x1xf32, #tpu.memory_space<vmem>>, vector<1x10240x1xf32>
    %get3A_10 = vector.shape_cast %get3A_9 : vector<1x10240x1xf32> to vector<10240x1xf32>
    %slice3A_11 = vector.extract_strided_slice %get3A_10 {offsets = [0, 0], sizes = [10000, 1], strides = [1, 1]} : vector<10240x1xf32> to vector<10000x1xf32>
    %max3A_12 = arith.constant 1.000000e+00 : f32
    %max3A_13 = vector.broadcast %max3A_12 : f32 to vector<10000x1xf32>
    %max3A_14 = arith.maximumf %slice3A_11, %max3A_13 : vector<10000x1xf32>
    %rsqrt3A_15 = math.rsqrt %max3A_14 : vector<10000x1xf32>
    %get3A_16 = arith.constant 0 : index
    %get3A_17 = arith.constant 0 : index
    %get3A_18 = arith.constant 0 : index
    %get3A_19 = vector.load %arg0[%get3A_16, %get3A_17, %get3A_18] : memref<2x10240x128xf32, #tpu.memory_space<vmem>>, vector<1x10240x128xf32>
    %get3A_20 = vector.shape_cast %get3A_19 : vector<1x10240x128xf32> to vector<10240x128xf32>
    %slice3A_21 = vector.extract_strided_slice %get3A_20 {offsets = [0, 0], sizes = [10000, 128], strides = [1, 1]} : vector<10240x128xf32> to vector<10000x128xf32>
    %get3A_22 = arith.constant 1 : index
    %get3A_23 = arith.constant 0 : index
    %get3A_24 = arith.constant 0 : index
    %get3A_25 = vector.load %arg0[%get3A_22, %get3A_23, %get3A_24] : memref<2x10240x128xf32, #tpu.memory_space<vmem>>, vector<1x10240x128xf32>
    %get3A_26 = vector.shape_cast %get3A_25 : vector<1x10240x128xf32> to vector<10240x128xf32>
    %slice3A_27 = vector.extract_strided_slice %get3A_26 {offsets = [0, 0], sizes = [10000, 128], strides = [1, 1]} : vector<10240x128xf32> to vector<10000x128xf32>
    %add3A = arith.addf %slice3A_21, %slice3A_27 : vector<10000x128xf32>
    %mul3A = vector.broadcast %rsqrt3A_15 : vector<10000x1xf32> to vector<10000x128xf32>
    %mul3A_28 = arith.mulf %add3A, %mul3A : vector<10000x128xf32>
    %get3A_29 = arith.constant 0 : index
    %get3A_30 = arith.constant 0 : index
    %get3A_31 = vector.load %arg2[%get3A_29, %get3A_30] : memref<1x128xf32, #tpu.memory_space<vmem>>, vector<1x128xf32>
    %add3A_32 = vector.broadcast %get3A_31 : vector<1x128xf32> to vector<10000x128xf32>
    %add3A_33 = arith.addf %mul3A_28, %add3A_32 : vector<10000x128xf32>
    %get3A_34 = arith.constant 0 : index
    %get3A_35 = arith.constant 0 : index
    %get3A_36 = vector.load %arg3[%get3A_34, %get3A_35] : memref<1x128xf32, #tpu.memory_space<vmem>>, vector<1x128xf32>
    %get3A_37 = arith.constant 0 : index
    %get3A_38 = arith.constant 0 : index
    %get3A_39 = vector.load %arg4[%get3A_37, %get3A_38] : memref<1x128xf32, #tpu.memory_space<vmem>>, vector<1x128xf32>
    %reduce_sum3A = arith.constant dense<0.000000e+00> : vector<128xf32>
    %reduce_sum3A_40 = vector.multi_reduction <add>, %add3A_33, %reduce_sum3A [0] : vector<10000x128xf32> to vector<128xf32>
    %broadcast_in_dim3A = vector.shape_cast %reduce_sum3A_40 : vector<128xf32> to vector<1x128xf32>
    %div3A = arith.constant 1.000000e+04 : f32
    %div3A_41 = vector.broadcast %div3A : f32 to vector<1x128xf32>
    %div3A_42 = arith.divf %broadcast_in_dim3A, %div3A_41 : vector<1x128xf32>
    %jit3A = arith.constant 0 : i32
    %reduce_sum3A_43 = arith.constant dense<0.000000e+00> : vector<128xf32>
    %reduce_sum3A_44 = vector.multi_reduction <add>, %add3A_33, %reduce_sum3A_43 [0] : vector<10000x128xf32> to vector<128xf32>
    %broadcast_in_dim3A_45 = vector.shape_cast %reduce_sum3A_44 : vector<128xf32> to vector<1x128xf32>
    %div3A_46 = arith.constant 1.000000e+04 : f32
    %div3A_47 = vector.broadcast %div3A_46 : f32 to vector<1x128xf32>
    %div3A_48 = arith.divf %broadcast_in_dim3A_45, %div3A_47 : vector<1x128xf32>
    %sub3A = vector.broadcast %div3A_48 : vector<1x128xf32> to vector<10000x128xf32>
    %sub3A_49 = arith.subf %add3A_33, %sub3A : vector<10000x128xf32>
    %square3A = arith.mulf %sub3A_49, %sub3A_49 : vector<10000x128xf32>
    %convert_element_type3A = arith.sitofp %jit3A : i32 to f32
    %sub3A_50 = arith.constant 1.000000e+04 : f32
    %sub3A_51 = arith.subf %sub3A_50, %convert_element_type3A : f32
    %reduce_sum3A_52 = arith.constant dense<0.000000e+00> : vector<128xf32>
    %reduce_sum3A_53 = vector.multi_reduction <add>, %square3A, %reduce_sum3A_52 [0] : vector<10000x128xf32> to vector<128xf32>
    %broadcast_in_dim3A_54 = vector.shape_cast %reduce_sum3A_53 : vector<128xf32> to vector<1x128xf32>
    %div3A_55 = vector.broadcast %sub3A_51 : f32 to vector<1x128xf32>
    %div3A_56 = arith.divf %broadcast_in_dim3A_54, %div3A_55 : vector<1x128xf32>
    %gt3A = arith.constant 0.000000e+00 : f32
    %gt3A_57 = arith.cmpf ogt, %sub3A_51, %gt3A : f32
    %jit3A_58 = arith.constant 0x7FC00000 : f32
    %broadcast_in_dim3A_59 = vector.broadcast %jit3A_58 : f32 to vector<1x128xf32>
    %select_n3A = arith.select %gt3A_57, %div3A_56, %broadcast_in_dim3A_59 : vector<1x128xf32>
    %sub3A_60 = vector.broadcast %div3A_42 : vector<1x128xf32> to vector<10000x128xf32>
    %sub3A_61 = arith.subf %add3A_33, %sub3A_60 : vector<10000x128xf32>
    %mul3A_62 = vector.broadcast %get3A_36 : vector<1x128xf32> to vector<10000x128xf32>
    %mul3A_63 = arith.mulf %mul3A_62, %sub3A_61 : vector<10000x128xf32>
    %add3A_64 = arith.constant 9.99999974E-6 : f32
    %add3A_65 = vector.broadcast %add3A_64 : f32 to vector<1x128xf32>
    %add3A_66 = arith.addf %select_n3A, %add3A_65 : vector<1x128xf32>
    %sqrt3A = math.sqrt %add3A_66 : vector<1x128xf32>
    %div3A_67 = vector.broadcast %sqrt3A : vector<1x128xf32> to vector<10000x128xf32>
    %div3A_68 = arith.divf %mul3A_63, %div3A_67 : vector<10000x128xf32>
    %add3A_69 = vector.broadcast %get3A_39 : vector<1x128xf32> to vector<10000x128xf32>
    %add3A_70 = arith.addf %div3A_68, %add3A_69 : vector<10000x128xf32>
    %max3A_71 = arith.constant 0.000000e+00 : f32
    %max3A_72 = vector.broadcast %max3A_71 : f32 to vector<10000x128xf32>
    %max3A_73 = arith.maximumf %add3A_70, %max3A_72 : vector<10000x128xf32>
    %get3A_74 = arith.constant 0 : index
    %get3A_75 = arith.constant 0 : index
    %get3A_76 = vector.load %arg5[%get3A_74, %get3A_75] : memref<1x128xf32, #tpu.memory_space<vmem>>, vector<1x128xf32>
    %get3A_77 = arith.constant 0 : index
    %get3A_78 = arith.constant 0 : index
    %get3A_79 = vector.load %arg6[%get3A_77, %get3A_78] : memref<1x128xf32, #tpu.memory_space<vmem>>, vector<1x128xf32>
    %reduce_sum3A_80 = arith.constant dense<0.000000e+00> : vector<128xf32>
    %reduce_sum3A_81 = vector.multi_reduction <add>, %max3A_73, %reduce_sum3A_80 [0] : vector<10000x128xf32> to vector<128xf32>
    %broadcast_in_dim3A_82 = vector.shape_cast %reduce_sum3A_81 : vector<128xf32> to vector<1x128xf32>
    %div3A_83 = arith.constant 1.000000e+04 : f32
    %div3A_84 = vector.broadcast %div3A_83 : f32 to vector<1x128xf32>
    %div3A_85 = arith.divf %broadcast_in_dim3A_82, %div3A_84 : vector<1x128xf32>
    %jit3A_86 = arith.constant 0 : i32
    %reduce_sum3A_87 = arith.constant dense<0.000000e+00> : vector<128xf32>
    %reduce_sum3A_88 = vector.multi_reduction <add>, %max3A_73, %reduce_sum3A_87 [0] : vector<10000x128xf32> to vector<128xf32>
    %broadcast_in_dim3A_89 = vector.shape_cast %reduce_sum3A_88 : vector<128xf32> to vector<1x128xf32>
    %div3A_90 = arith.constant 1.000000e+04 : f32
    %div3A_91 = vector.broadcast %div3A_90 : f32 to vector<1x128xf32>
    %div3A_92 = arith.divf %broadcast_in_dim3A_89, %div3A_91 : vector<1x128xf32>
    %sub3A_93 = vector.broadcast %div3A_92 : vector<1x128xf32> to vector<10000x128xf32>
    %sub3A_94 = arith.subf %max3A_73, %sub3A_93 : vector<10000x128xf32>
    %square3A_95 = arith.mulf %sub3A_94, %sub3A_94 : vector<10000x128xf32>
    %convert_element_type3A_96 = arith.sitofp %jit3A_86 : i32 to f32
    %sub3A_97 = arith.constant 1.000000e+04 : f32
    %sub3A_98 = arith.subf %sub3A_97, %convert_element_type3A_96 : f32
    %reduce_sum3A_99 = arith.constant dense<0.000000e+00> : vector<128xf32>
    %reduce_sum3A_100 = vector.multi_reduction <add>, %square3A_95, %reduce_sum3A_99 [0] : vector<10000x128xf32> to vector<128xf32>
    %broadcast_in_dim3A_101 = vector.shape_cast %reduce_sum3A_100 : vector<128xf32> to vector<1x128xf32>
    %div3A_102 = vector.broadcast %sub3A_98 : f32 to vector<1x128xf32>
    %div3A_103 = arith.divf %broadcast_in_dim3A_101, %div3A_102 : vector<1x128xf32>
    %gt3A_104 = arith.constant 0.000000e+00 : f32
    %gt3A_105 = arith.cmpf ogt, %sub3A_98, %gt3A_104 : f32
    %jit3A_106 = arith.constant 0x7FC00000 : f32
    %broadcast_in_dim3A_107 = vector.broadcast %jit3A_106 : f32 to vector<1x128xf32>
    %select_n3A_108 = arith.select %gt3A_105, %div3A_103, %broadcast_in_dim3A_107 : vector<1x128xf32>
    %sub3A_109 = vector.broadcast %div3A_85 : vector<1x128xf32> to vector<10000x128xf32>
    %sub3A_110 = arith.subf %max3A_73, %sub3A_109 : vector<10000x128xf32>
    %mul3A_111 = vector.broadcast %get3A_76 : vector<1x128xf32> to vector<10000x128xf32>
    %mul3A_112 = arith.mulf %mul3A_111, %sub3A_110 : vector<10000x128xf32>
    %add3A_113 = arith.constant 9.99999974E-6 : f32
    %add3A_114 = vector.broadcast %add3A_113 : f32 to vector<1x128xf32>
    %add3A_115 = arith.addf %select_n3A_108, %add3A_114 : vector<1x128xf32>
    %sqrt3A_116 = math.sqrt %add3A_115 : vector<1x128xf32>
    %div3A_117 = vector.broadcast %sqrt3A_116 : vector<1x128xf32> to vector<10000x128xf32>
    %div3A_118 = arith.divf %mul3A_112, %div3A_117 : vector<10000x128xf32>
    %add3A_119 = vector.broadcast %get3A_79 : vector<1x128xf32> to vector<10000x128xf32>
    %add3A_120 = arith.addf %div3A_118, %add3A_119 : vector<10000x128xf32>
    %max3A_121 = arith.constant 0.000000e+00 : f32
    %max3A_122 = vector.broadcast %max3A_121 : f32 to vector<10000x128xf32>
    %max3A_123 = arith.maximumf %add3A_120, %max3A_122 : vector<10000x128xf32>
    %get3A_124 = arith.constant 0 : index
    %get3A_125 = arith.constant 0 : index
    %get3A_126 = vector.load %arg7[%get3A_124, %get3A_125] : memref<10000x128xf32, #tpu.memory_space<vmem>>, vector<10000x128xf32>
    %add3A_127 = arith.addf %get3A_126, %max3A_123 : vector<10000x128xf32>
    %swap3A = arith.constant 0 : index
    %swap3A_128 = arith.constant 0 : index
    %swap3A_129 = vector.load %arg9[%swap3A, %swap3A_128] : memref<10000x128xf32, #tpu.memory_space<vmem>>, vector<10000x128xf32>
    tpu.vector_store %arg9[%swap3A, %swap3A_128], %add3A_127 {strides = array<i32>} : memref<10000x128xf32, #tpu.memory_space<vmem>>, vector<10000x128xf32>,
    %get3A_130 = arith.constant 0 : index
    %get3A_131 = arith.constant 0 : index
    %get3A_132 = vector.load %arg8[%get3A_130, %get3A_131] : memref<128x128xf32, #tpu.memory_space<vmem>>, vector<128x128xf32>
    %dot_general3A = arith.constant dense<0.000000e+00> : vector<10000x128xf32>
    %dot_general3A_133 = tpu.matmul %add3A_127, %get3A_132, %dot_general3A {dimension_numbers = #tpu.dot_dimension_numbers<[1], [0], [0], [1], [0, 0, 1, 1], [], []>, transpose_lhs_hint = false} : vector<10000x128xf32>, vector<128x128xf32>, vector<10000x128xf32> -> vector<10000x128xf32>
    %mul3A_134 = vector.broadcast %rsqrt3A : vector<10000x1xf32> to vector<10000x128xf32>
    %mul3A_135 = arith.mulf %dot_general3A_133, %mul3A_134 : vector<10000x128xf32>
    %swap3A_136 = arith.constant 0 : index
    %swap3A_137 = arith.constant 0 : index
    %swap3A_138 = vector.load %arg10[%swap3A_136, %swap3A_137] : memref<10240x128xf32, #tpu.memory_space<vmem>>, vector<10000x128xf32>
    tpu.vector_store %arg10[%swap3A_136, %swap3A_137], %mul3A_135 {strides = array<i32>} : memref<10240x128xf32, #tpu.memory_space<vmem>>, vector<10000x128xf32>,
    %broadcast_in_dim3A_139 = arith.constant 0.000000e+00 : f32
    %broadcast_in_dim3A_140 = vector.broadcast %broadcast_in_dim3A_139 : f32 to vector<240x128xf32>
    %swap3A_141 = arith.constant 10000 : index
    %swap3A_142 = arith.constant 0 : index
    %swap3A_143 = vector.load %arg10[%swap3A_141, %swap3A_142] : memref<10240x128xf32, #tpu.memory_space<vmem>>, vector<240x128xf32>
    tpu.vector_store %arg10[%swap3A_141, %swap3A_142], %broadcast_in_dim3A_140 {strides = array<i32>} : memref<10240x128xf32, #tpu.memory_space<vmem>>, vector<240x128xf32>,
    return
  }
}

module attributes {stable_mosaic.version = 14 : i64} {
  func.func @_tc3_body(%arg0: memref<2x10240x128xf32, #tpu.memory_space<vmem>>, %arg1: memref<2x10240x1xf32, #tpu.memory_space<vmem>>, %arg2: memref<1x128xf32, #tpu.memory_space<vmem>>, %arg3: memref<1x128xf32, #tpu.memory_space<vmem>>, %arg4: memref<1x128xf32, #tpu.memory_space<vmem>>, %arg5: memref<1x128xf32, #tpu.memory_space<vmem>>, %arg6: memref<1x128xf32, #tpu.memory_space<vmem>>, %arg7: memref<10000x128xf32, #tpu.memory_space<vmem>>, %arg8: memref<128x3xf32, #tpu.memory_space<vmem>>, %arg9: memref<1x3xf32, #tpu.memory_space<vmem>>, %arg10: memref<3x128xf32, #tpu.memory_space<vmem>>, %arg11: memref<1x128xf32, #tpu.memory_space<vmem>>, %arg12: memref<128x128xf32, #tpu.memory_space<vmem>>, %arg13: memref<1x128xf32, #tpu.memory_space<vmem>>, %arg14: memref<1x128xf32, #tpu.memory_space<vmem>>, %arg15: memref<1x128xf32, #tpu.memory_space<vmem>>, %arg16: memref<128x128xf32, #tpu.memory_space<vmem>>, %arg17: memref<1x128xf32, #tpu.memory_space<vmem>>, %arg18: memref<1x128xf32, #tpu.memory_space<vmem>>, %arg19: memref<1x128xf32, #tpu.memory_space<vmem>>, %arg20: memref<128x60xf32, #tpu.memory_space<vmem>>, %arg21: memref<1x60xf32, #tpu.memory_space<vmem>>, %arg22: memref<10000x3xf32, #tpu.memory_space<vmem>>, %arg23: memref<1x60xf32, #tpu.memory_space<vmem>>) attributes {dimension_semantics = [], scalar_prefetch = 0 : i64, scratch_operands = 0 : i64, tpu.core_type = #tpu.core_type<tc>} {
    %get3A = arith.constant 1 : index
    %get3A_0 = arith.constant 0 : index
    %get3A_1 = arith.constant 0 : index
    %get3A_2 = vector.load %arg1[%get3A, %get3A_0, %get3A_1] : memref<2x10240x1xf32, #tpu.memory_space<vmem>>, vector<1x10240x1xf32>
    %get3A_3 = vector.shape_cast %get3A_2 : vector<1x10240x1xf32> to vector<10240x1xf32>
    %slice3A = vector.extract_strided_slice %get3A_3 {offsets = [0, 0], sizes = [10000, 1], strides = [1, 1]} : vector<10240x1xf32> to vector<10000x1xf32>
    %max3A = arith.constant 1.000000e+00 : f32
    %max3A_4 = vector.broadcast %max3A : f32 to vector<10000x1xf32>
    %max3A_5 = arith.maximumf %slice3A, %max3A_4 : vector<10000x1xf32>
    %rsqrt3A = math.rsqrt %max3A_5 : vector<10000x1xf32>
    %get3A_6 = arith.constant 0 : index
    %get3A_7 = arith.constant 0 : index
    %get3A_8 = arith.constant 0 : index
    %get3A_9 = vector.load %arg0[%get3A_6, %get3A_7, %get3A_8] : memref<2x10240x128xf32, #tpu.memory_space<vmem>>, vector<1x10240x128xf32>
    %get3A_10 = vector.shape_cast %get3A_9 : vector<1x10240x128xf32> to vector<10240x128xf32>
    %slice3A_11 = vector.extract_strided_slice %get3A_10 {offsets = [0, 0], sizes = [10000, 128], strides = [1, 1]} : vector<10240x128xf32> to vector<10000x128xf32>
    %get3A_12 = arith.constant 1 : index
    %get3A_13 = arith.constant 0 : index
    %get3A_14 = arith.constant 0 : index
    %get3A_15 = vector.load %arg0[%get3A_12, %get3A_13, %get3A_14] : memref<2x10240x128xf32, #tpu.memory_space<vmem>>, vector<1x10240x128xf32>
    %get3A_16 = vector.shape_cast %get3A_15 : vector<1x10240x128xf32> to vector<10240x128xf32>
    %slice3A_17 = vector.extract_strided_slice %get3A_16 {offsets = [0, 0], sizes = [10000, 128], strides = [1, 1]} : vector<10240x128xf32> to vector<10000x128xf32>
    %add3A = arith.addf %slice3A_11, %slice3A_17 : vector<10000x128xf32>
    %mul3A = vector.broadcast %rsqrt3A : vector<10000x1xf32> to vector<10000x128xf32>
    %mul3A_18 = arith.mulf %add3A, %mul3A : vector<10000x128xf32>
    %get3A_19 = arith.constant 0 : index
    %get3A_20 = arith.constant 0 : index
    %get3A_21 = vector.load %arg2[%get3A_19, %get3A_20] : memref<1x128xf32, #tpu.memory_space<vmem>>, vector<1x128xf32>
    %add3A_22 = vector.broadcast %get3A_21 : vector<1x128xf32> to vector<10000x128xf32>
    %add3A_23 = arith.addf %mul3A_18, %add3A_22 : vector<10000x128xf32>
    %get3A_24 = arith.constant 0 : index
    %get3A_25 = arith.constant 0 : index
    %get3A_26 = vector.load %arg3[%get3A_24, %get3A_25] : memref<1x128xf32, #tpu.memory_space<vmem>>, vector<1x128xf32>
    %get3A_27 = arith.constant 0 : index
    %get3A_28 = arith.constant 0 : index
    %get3A_29 = vector.load %arg4[%get3A_27, %get3A_28] : memref<1x128xf32, #tpu.memory_space<vmem>>, vector<1x128xf32>
    %reduce_sum3A = arith.constant dense<0.000000e+00> : vector<128xf32>
    %reduce_sum3A_30 = vector.multi_reduction <add>, %add3A_23, %reduce_sum3A [0] : vector<10000x128xf32> to vector<128xf32>
    %broadcast_in_dim3A = vector.shape_cast %reduce_sum3A_30 : vector<128xf32> to vector<1x128xf32>
    %div3A = arith.constant 1.000000e+04 : f32
    %div3A_31 = vector.broadcast %div3A : f32 to vector<1x128xf32>
    %div3A_32 = arith.divf %broadcast_in_dim3A, %div3A_31 : vector<1x128xf32>
    %jit3A = arith.constant 0 : i32
    %reduce_sum3A_33 = arith.constant dense<0.000000e+00> : vector<128xf32>
    %reduce_sum3A_34 = vector.multi_reduction <add>, %add3A_23, %reduce_sum3A_33 [0] : vector<10000x128xf32> to vector<128xf32>
    %broadcast_in_dim3A_35 = vector.shape_cast %reduce_sum3A_34 : vector<128xf32> to vector<1x128xf32>
    %div3A_36 = arith.constant 1.000000e+04 : f32
    %div3A_37 = vector.broadcast %div3A_36 : f32 to vector<1x128xf32>
    %div3A_38 = arith.divf %broadcast_in_dim3A_35, %div3A_37 : vector<1x128xf32>
    %sub3A = vector.broadcast %div3A_38 : vector<1x128xf32> to vector<10000x128xf32>
    %sub3A_39 = arith.subf %add3A_23, %sub3A : vector<10000x128xf32>
    %square3A = arith.mulf %sub3A_39, %sub3A_39 : vector<10000x128xf32>
    %convert_element_type3A = arith.sitofp %jit3A : i32 to f32
    %sub3A_40 = arith.constant 1.000000e+04 : f32
    %sub3A_41 = arith.subf %sub3A_40, %convert_element_type3A : f32
    %reduce_sum3A_42 = arith.constant dense<0.000000e+00> : vector<128xf32>
    %reduce_sum3A_43 = vector.multi_reduction <add>, %square3A, %reduce_sum3A_42 [0] : vector<10000x128xf32> to vector<128xf32>
    %broadcast_in_dim3A_44 = vector.shape_cast %reduce_sum3A_43 : vector<128xf32> to vector<1x128xf32>
    %div3A_45 = vector.broadcast %sub3A_41 : f32 to vector<1x128xf32>
    %div3A_46 = arith.divf %broadcast_in_dim3A_44, %div3A_45 : vector<1x128xf32>
    %gt3A = arith.constant 0.000000e+00 : f32
    %gt3A_47 = arith.cmpf ogt, %sub3A_41, %gt3A : f32
    %jit3A_48 = arith.constant 0x7FC00000 : f32
    %broadcast_in_dim3A_49 = vector.broadcast %jit3A_48 : f32 to vector<1x128xf32>
    %select_n3A = arith.select %gt3A_47, %div3A_46, %broadcast_in_dim3A_49 : vector<1x128xf32>
    %sub3A_50 = vector.broadcast %div3A_32 : vector<1x128xf32> to vector<10000x128xf32>
    %sub3A_51 = arith.subf %add3A_23, %sub3A_50 : vector<10000x128xf32>
    %mul3A_52 = vector.broadcast %get3A_26 : vector<1x128xf32> to vector<10000x128xf32>
    %mul3A_53 = arith.mulf %mul3A_52, %sub3A_51 : vector<10000x128xf32>
    %add3A_54 = arith.constant 9.99999974E-6 : f32
    %add3A_55 = vector.broadcast %add3A_54 : f32 to vector<1x128xf32>
    %add3A_56 = arith.addf %select_n3A, %add3A_55 : vector<1x128xf32>
    %sqrt3A = math.sqrt %add3A_56 : vector<1x128xf32>
    %div3A_57 = vector.broadcast %sqrt3A : vector<1x128xf32> to vector<10000x128xf32>
    %div3A_58 = arith.divf %mul3A_53, %div3A_57 : vector<10000x128xf32>
    %add3A_59 = vector.broadcast %get3A_29 : vector<1x128xf32> to vector<10000x128xf32>
    %add3A_60 = arith.addf %div3A_58, %add3A_59 : vector<10000x128xf32>
    %max3A_61 = arith.constant 0.000000e+00 : f32
    %max3A_62 = vector.broadcast %max3A_61 : f32 to vector<10000x128xf32>
    %max3A_63 = arith.maximumf %add3A_60, %max3A_62 : vector<10000x128xf32>
    %get3A_64 = arith.constant 0 : index
    %get3A_65 = arith.constant 0 : index
    %get3A_66 = vector.load %arg5[%get3A_64, %get3A_65] : memref<1x128xf32, #tpu.memory_space<vmem>>, vector<1x128xf32>
    %get3A_67 = arith.constant 0 : index
    %get3A_68 = arith.constant 0 : index
    %get3A_69 = vector.load %arg6[%get3A_67, %get3A_68] : memref<1x128xf32, #tpu.memory_space<vmem>>, vector<1x128xf32>
    %reduce_sum3A_70 = arith.constant dense<0.000000e+00> : vector<128xf32>
    %reduce_sum3A_71 = vector.multi_reduction <add>, %max3A_63, %reduce_sum3A_70 [0] : vector<10000x128xf32> to vector<128xf32>
    %broadcast_in_dim3A_72 = vector.shape_cast %reduce_sum3A_71 : vector<128xf32> to vector<1x128xf32>
    %div3A_73 = arith.constant 1.000000e+04 : f32
    %div3A_74 = vector.broadcast %div3A_73 : f32 to vector<1x128xf32>
    %div3A_75 = arith.divf %broadcast_in_dim3A_72, %div3A_74 : vector<1x128xf32>
    %jit3A_76 = arith.constant 0 : i32
    %reduce_sum3A_77 = arith.constant dense<0.000000e+00> : vector<128xf32>
    %reduce_sum3A_78 = vector.multi_reduction <add>, %max3A_63, %reduce_sum3A_77 [0] : vector<10000x128xf32> to vector<128xf32>
    %broadcast_in_dim3A_79 = vector.shape_cast %reduce_sum3A_78 : vector<128xf32> to vector<1x128xf32>
    %div3A_80 = arith.constant 1.000000e+04 : f32
    %div3A_81 = vector.broadcast %div3A_80 : f32 to vector<1x128xf32>
    %div3A_82 = arith.divf %broadcast_in_dim3A_79, %div3A_81 : vector<1x128xf32>
    %sub3A_83 = vector.broadcast %div3A_82 : vector<1x128xf32> to vector<10000x128xf32>
    %sub3A_84 = arith.subf %max3A_63, %sub3A_83 : vector<10000x128xf32>
    %square3A_85 = arith.mulf %sub3A_84, %sub3A_84 : vector<10000x128xf32>
    %convert_element_type3A_86 = arith.sitofp %jit3A_76 : i32 to f32
    %sub3A_87 = arith.constant 1.000000e+04 : f32
    %sub3A_88 = arith.subf %sub3A_87, %convert_element_type3A_86 : f32
    %reduce_sum3A_89 = arith.constant dense<0.000000e+00> : vector<128xf32>
    %reduce_sum3A_90 = vector.multi_reduction <add>, %square3A_85, %reduce_sum3A_89 [0] : vector<10000x128xf32> to vector<128xf32>
    %broadcast_in_dim3A_91 = vector.shape_cast %reduce_sum3A_90 : vector<128xf32> to vector<1x128xf32>
    %div3A_92 = vector.broadcast %sub3A_88 : f32 to vector<1x128xf32>
    %div3A_93 = arith.divf %broadcast_in_dim3A_91, %div3A_92 : vector<1x128xf32>
    %gt3A_94 = arith.constant 0.000000e+00 : f32
    %gt3A_95 = arith.cmpf ogt, %sub3A_88, %gt3A_94 : f32
    %jit3A_96 = arith.constant 0x7FC00000 : f32
    %broadcast_in_dim3A_97 = vector.broadcast %jit3A_96 : f32 to vector<1x128xf32>
    %select_n3A_98 = arith.select %gt3A_95, %div3A_93, %broadcast_in_dim3A_97 : vector<1x128xf32>
    %sub3A_99 = vector.broadcast %div3A_75 : vector<1x128xf32> to vector<10000x128xf32>
    %sub3A_100 = arith.subf %max3A_63, %sub3A_99 : vector<10000x128xf32>
    %mul3A_101 = vector.broadcast %get3A_66 : vector<1x128xf32> to vector<10000x128xf32>
    %mul3A_102 = arith.mulf %mul3A_101, %sub3A_100 : vector<10000x128xf32>
    %add3A_103 = arith.constant 9.99999974E-6 : f32
    %add3A_104 = vector.broadcast %add3A_103 : f32 to vector<1x128xf32>
    %add3A_105 = arith.addf %select_n3A_98, %add3A_104 : vector<1x128xf32>
    %sqrt3A_106 = math.sqrt %add3A_105 : vector<1x128xf32>
    %div3A_107 = vector.broadcast %sqrt3A_106 : vector<1x128xf32> to vector<10000x128xf32>
    %div3A_108 = arith.divf %mul3A_102, %div3A_107 : vector<10000x128xf32>
    %add3A_109 = vector.broadcast %get3A_69 : vector<1x128xf32> to vector<10000x128xf32>
    %add3A_110 = arith.addf %div3A_108, %add3A_109 : vector<10000x128xf32>
    %max3A_111 = arith.constant 0.000000e+00 : f32
    %max3A_112 = vector.broadcast %max3A_111 : f32 to vector<10000x128xf32>
    %max3A_113 = arith.maximumf %add3A_110, %max3A_112 : vector<10000x128xf32>
    %get3A_114 = arith.constant 0 : index
    %get3A_115 = arith.constant 0 : index
    %get3A_116 = vector.load %arg7[%get3A_114, %get3A_115] : memref<10000x128xf32, #tpu.memory_space<vmem>>, vector<10000x128xf32>
    %add3A_117 = arith.addf %get3A_116, %max3A_113 : vector<10000x128xf32>
    %get3A_118 = arith.constant 0 : index
    %get3A_119 = arith.constant 0 : index
    %get3A_120 = vector.load %arg8[%get3A_118, %get3A_119] : memref<128x3xf32, #tpu.memory_space<vmem>>, vector<128x3xf32>
    %dot_general3A = arith.constant dense<0.000000e+00> : vector<10000x3xf32>
    %dot_general3A_121 = tpu.matmul %add3A_117, %get3A_120, %dot_general3A {dimension_numbers = #tpu.dot_dimension_numbers<[1], [0], [0], [1], [0, 0, 1, 1], [], []>, transpose_lhs_hint = false} : vector<10000x128xf32>, vector<128x3xf32>, vector<10000x3xf32> -> vector<10000x3xf32>
    %get3A_122 = arith.constant 0 : index
    %get3A_123 = arith.constant 0 : index
    %get3A_124 = vector.load %arg9[%get3A_122, %get3A_123] : memref<1x3xf32, #tpu.memory_space<vmem>>, vector<1x3xf32>
    %add3A_125 = vector.broadcast %get3A_124 : vector<1x3xf32> to vector<10000x3xf32>
    %add3A_126 = arith.addf %dot_general3A_121, %add3A_125 : vector<10000x3xf32>
    %swap3A = arith.constant 0 : index
    %swap3A_127 = arith.constant 0 : index
    %swap3A_128 = vector.load %arg22[%swap3A, %swap3A_127] : memref<10000x3xf32, #tpu.memory_space<vmem>>, vector<10000x3xf32>
    tpu.vector_store %arg22[%swap3A, %swap3A_127], %add3A_126 {strides = array<i32>} : memref<10000x3xf32, #tpu.memory_space<vmem>>, vector<10000x3xf32>,
    %reduce_sum3A_129 = arith.constant dense<0.000000e+00> : vector<3xf32>
    %reduce_sum3A_130 = vector.multi_reduction <add>, %add3A_126, %reduce_sum3A_129 [0] : vector<10000x3xf32> to vector<3xf32>
    %broadcast_in_dim3A_131 = vector.shape_cast %reduce_sum3A_130 : vector<3xf32> to vector<1x3xf32>
    %div3A_132 = arith.constant 1.000000e+04 : f32
    %div3A_133 = vector.broadcast %div3A_132 : f32 to vector<1x3xf32>
    %div3A_134 = arith.divf %broadcast_in_dim3A_131, %div3A_133 : vector<1x3xf32>
    %get3A_135 = arith.constant 0 : index
    %get3A_136 = arith.constant 0 : index
    %get3A_137 = vector.load %arg10[%get3A_135, %get3A_136] : memref<3x128xf32, #tpu.memory_space<vmem>>, vector<3x128xf32>
    %dot_general3A_138 = arith.constant dense<0.000000e+00> : vector<1x128xf32>
    %dot_general3A_139 = tpu.matmul %div3A_134, %get3A_137, %dot_general3A_138 {dimension_numbers = #tpu.dot_dimension_numbers<[1], [0], [0], [1], [0, 0, 1, 1], [], []>, transpose_lhs_hint = false} : vector<1x3xf32>, vector<3x128xf32>, vector<1x128xf32> -> vector<1x128xf32>
    %get3A_140 = arith.constant 0 : index
    %get3A_141 = arith.constant 0 : index
    %get3A_142 = vector.load %arg11[%get3A_140, %get3A_141] : memref<1x128xf32, #tpu.memory_space<vmem>>, vector<1x128xf32>
    %add3A_143 = arith.addf %dot_general3A_139, %get3A_142 : vector<1x128xf32>
    %get3A_144 = arith.constant 0 : index
    %get3A_145 = arith.constant 0 : index
    %get3A_146 = vector.load %arg12[%get3A_144, %get3A_145] : memref<128x128xf32, #tpu.memory_space<vmem>>, vector<128x128xf32>
    %dot_general3A_147 = arith.constant dense<0.000000e+00> : vector<1x128xf32>
    %dot_general3A_148 = tpu.matmul %add3A_143, %get3A_146, %dot_general3A_147 {dimension_numbers = #tpu.dot_dimension_numbers<[1], [0], [0], [1], [0, 0, 1, 1], [], []>, transpose_lhs_hint = false} : vector<1x128xf32>, vector<128x128xf32>, vector<1x128xf32> -> vector<1x128xf32>
    %get3A_149 = arith.constant 0 : index
    %get3A_150 = arith.constant 0 : index
    %get3A_151 = vector.load %arg13[%get3A_149, %get3A_150] : memref<1x128xf32, #tpu.memory_space<vmem>>, vector<1x128xf32>
    %add3A_152 = arith.addf %dot_general3A_148, %get3A_151 : vector<1x128xf32>
    %get3A_153 = arith.constant 0 : index
    %get3A_154 = arith.constant 0 : index
    %get3A_155 = vector.load %arg14[%get3A_153, %get3A_154] : memref<1x128xf32, #tpu.memory_space<vmem>>, vector<1x128xf32>
    %get3A_156 = arith.constant 0 : index
    %get3A_157 = arith.constant 0 : index
    %get3A_158 = vector.load %arg15[%get3A_156, %get3A_157] : memref<1x128xf32, #tpu.memory_space<vmem>>, vector<1x128xf32>
    %reduce_sum3A_159 = arith.constant dense<0.000000e+00> : vector<128xf32>
    %reduce_sum3A_160 = vector.multi_reduction <add>, %add3A_152, %reduce_sum3A_159 [0] : vector<1x128xf32> to vector<128xf32>
    %broadcast_in_dim3A_161 = vector.shape_cast %reduce_sum3A_160 : vector<128xf32> to vector<1x128xf32>
    %div3A_162 = arith.constant 1.000000e+00 : f32
    %div3A_163 = vector.broadcast %div3A_162 : f32 to vector<1x128xf32>
    %div3A_164 = arith.divf %broadcast_in_dim3A_161, %div3A_163 : vector<1x128xf32>
    %jit3A_165 = arith.constant 0 : i32
    %reduce_sum3A_166 = arith.constant dense<0.000000e+00> : vector<128xf32>
    %reduce_sum3A_167 = vector.multi_reduction <add>, %add3A_152, %reduce_sum3A_166 [0] : vector<1x128xf32> to vector<128xf32>
    %broadcast_in_dim3A_168 = vector.shape_cast %reduce_sum3A_167 : vector<128xf32> to vector<1x128xf32>
    %div3A_169 = arith.constant 1.000000e+00 : f32
    %div3A_170 = vector.broadcast %div3A_169 : f32 to vector<1x128xf32>
    %div3A_171 = arith.divf %broadcast_in_dim3A_168, %div3A_170 : vector<1x128xf32>
    %sub3A_172 = arith.subf %add3A_152, %div3A_171 : vector<1x128xf32>
    %square3A_173 = arith.mulf %sub3A_172, %sub3A_172 : vector<1x128xf32>
    %convert_element_type3A_174 = arith.sitofp %jit3A_165 : i32 to f32
    %sub3A_175 = arith.constant 1.000000e+00 : f32
    %sub3A_176 = arith.subf %sub3A_175, %convert_element_type3A_174 : f32
    %reduce_sum3A_177 = arith.constant dense<0.000000e+00> : vector<128xf32>
    %reduce_sum3A_178 = vector.multi_reduction <add>, %square3A_173, %reduce_sum3A_177 [0] : vector<1x128xf32> to vector<128xf32>
    %broadcast_in_dim3A_179 = vector.shape_cast %reduce_sum3A_178 : vector<128xf32> to vector<1x128xf32>
    %div3A_180 = vector.broadcast %sub3A_176 : f32 to vector<1x128xf32>
    %div3A_181 = arith.divf %broadcast_in_dim3A_179, %div3A_180 : vector<1x128xf32>
    %gt3A_182 = arith.constant 0.000000e+00 : f32
    %gt3A_183 = arith.cmpf ogt, %sub3A_176, %gt3A_182 : f32
    %jit3A_184 = arith.constant 0x7FC00000 : f32
    %broadcast_in_dim3A_185 = vector.broadcast %jit3A_184 : f32 to vector<1x128xf32>
    %select_n3A_186 = arith.select %gt3A_183, %div3A_181, %broadcast_in_dim3A_185 : vector<1x128xf32>
    %sub3A_187 = arith.subf %add3A_152, %div3A_164 : vector<1x128xf32>
    %mul3A_188 = arith.mulf %get3A_155, %sub3A_187 : vector<1x128xf32>
    %add3A_189 = arith.constant 9.99999974E-6 : f32
    %add3A_190 = vector.broadcast %add3A_189 : f32 to vector<1x128xf32>
    %add3A_191 = arith.addf %select_n3A_186, %add3A_190 : vector<1x128xf32>
    %sqrt3A_192 = math.sqrt %add3A_191 : vector<1x128xf32>
    %div3A_193 = arith.divf %mul3A_188, %sqrt3A_192 : vector<1x128xf32>
    %add3A_194 = arith.addf %div3A_193, %get3A_158 : vector<1x128xf32>
    %max3A_195 = arith.constant 0.000000e+00 : f32
    %max3A_196 = vector.broadcast %max3A_195 : f32 to vector<1x128xf32>
    %max3A_197 = arith.maximumf %add3A_194, %max3A_196 : vector<1x128xf32>
    %get3A_198 = arith.constant 0 : index
    %get3A_199 = arith.constant 0 : index
    %get3A_200 = vector.load %arg16[%get3A_198, %get3A_199] : memref<128x128xf32, #tpu.memory_space<vmem>>, vector<128x128xf32>
    %dot_general3A_201 = arith.constant dense<0.000000e+00> : vector<1x128xf32>
    %dot_general3A_202 = tpu.matmul %max3A_197, %get3A_200, %dot_general3A_201 {dimension_numbers = #tpu.dot_dimension_numbers<[1], [0], [0], [1], [0, 0, 1, 1], [], []>, transpose_lhs_hint = false} : vector<1x128xf32>, vector<128x128xf32>, vector<1x128xf32> -> vector<1x128xf32>
    %get3A_203 = arith.constant 0 : index
    %get3A_204 = arith.constant 0 : index
    %get3A_205 = vector.load %arg17[%get3A_203, %get3A_204] : memref<1x128xf32, #tpu.memory_space<vmem>>, vector<1x128xf32>
    %add3A_206 = arith.addf %dot_general3A_202, %get3A_205 : vector<1x128xf32>
    %get3A_207 = arith.constant 0 : index
    %get3A_208 = arith.constant 0 : index
    %get3A_209 = vector.load %arg18[%get3A_207, %get3A_208] : memref<1x128xf32, #tpu.memory_space<vmem>>, vector<1x128xf32>
    %get3A_210 = arith.constant 0 : index
    %get3A_211 = arith.constant 0 : index
    %get3A_212 = vector.load %arg19[%get3A_210, %get3A_211] : memref<1x128xf32, #tpu.memory_space<vmem>>, vector<1x128xf32>
    %reduce_sum3A_213 = arith.constant dense<0.000000e+00> : vector<128xf32>
    %reduce_sum3A_214 = vector.multi_reduction <add>, %add3A_206, %reduce_sum3A_213 [0] : vector<1x128xf32> to vector<128xf32>
    %broadcast_in_dim3A_215 = vector.shape_cast %reduce_sum3A_214 : vector<128xf32> to vector<1x128xf32>
    %div3A_216 = arith.constant 1.000000e+00 : f32
    %div3A_217 = vector.broadcast %div3A_216 : f32 to vector<1x128xf32>
    %div3A_218 = arith.divf %broadcast_in_dim3A_215, %div3A_217 : vector<1x128xf32>
    %jit3A_219 = arith.constant 0 : i32
    %reduce_sum3A_220 = arith.constant dense<0.000000e+00> : vector<128xf32>
    %reduce_sum3A_221 = vector.multi_reduction <add>, %add3A_206, %reduce_sum3A_220 [0] : vector<1x128xf32> to vector<128xf32>
    %broadcast_in_dim3A_222 = vector.shape_cast %reduce_sum3A_221 : vector<128xf32> to vector<1x128xf32>
    %div3A_223 = arith.constant 1.000000e+00 : f32
    %div3A_224 = vector.broadcast %div3A_223 : f32 to vector<1x128xf32>
    %div3A_225 = arith.divf %broadcast_in_dim3A_222, %div3A_224 : vector<1x128xf32>
    %sub3A_226 = arith.subf %add3A_206, %div3A_225 : vector<1x128xf32>
    %square3A_227 = arith.mulf %sub3A_226, %sub3A_226 : vector<1x128xf32>
    %convert_element_type3A_228 = arith.sitofp %jit3A_219 : i32 to f32
    %sub3A_229 = arith.constant 1.000000e+00 : f32
    %sub3A_230 = arith.subf %sub3A_229, %convert_element_type3A_228 : f32
    %reduce_sum3A_231 = arith.constant dense<0.000000e+00> : vector<128xf32>
    %reduce_sum3A_232 = vector.multi_reduction <add>, %square3A_227, %reduce_sum3A_231 [0] : vector<1x128xf32> to vector<128xf32>
    %broadcast_in_dim3A_233 = vector.shape_cast %reduce_sum3A_232 : vector<128xf32> to vector<1x128xf32>
    %div3A_234 = vector.broadcast %sub3A_230 : f32 to vector<1x128xf32>
    %div3A_235 = arith.divf %broadcast_in_dim3A_233, %div3A_234 : vector<1x128xf32>
    %gt3A_236 = arith.constant 0.000000e+00 : f32
    %gt3A_237 = arith.cmpf ogt, %sub3A_230, %gt3A_236 : f32
    %jit3A_238 = arith.constant 0x7FC00000 : f32
    %broadcast_in_dim3A_239 = vector.broadcast %jit3A_238 : f32 to vector<1x128xf32>
    %select_n3A_240 = arith.select %gt3A_237, %div3A_235, %broadcast_in_dim3A_239 : vector<1x128xf32>
    %sub3A_241 = arith.subf %add3A_206, %div3A_218 : vector<1x128xf32>
    %mul3A_242 = arith.mulf %get3A_209, %sub3A_241 : vector<1x128xf32>
    %add3A_243 = arith.constant 9.99999974E-6 : f32
    %add3A_244 = vector.broadcast %add3A_243 : f32 to vector<1x128xf32>
    %add3A_245 = arith.addf %select_n3A_240, %add3A_244 : vector<1x128xf32>
    %sqrt3A_246 = math.sqrt %add3A_245 : vector<1x128xf32>
    %div3A_247 = arith.divf %mul3A_242, %sqrt3A_246 : vector<1x128xf32>
    %add3A_248 = arith.addf %div3A_247, %get3A_212 : vector<1x128xf32>
    %max3A_249 = arith.constant 0.000000e+00 : f32
    %max3A_250 = vector.broadcast %max3A_249 : f32 to vector<1x128xf32>
    %max3A_251 = arith.maximumf %add3A_248, %max3A_250 : vector<1x128xf32>
    %get3A_252 = arith.constant 0 : index
    %get3A_253 = arith.constant 0 : index
    %get3A_254 = vector.load %arg20[%get3A_252, %get3A_253] : memref<128x60xf32, #tpu.memory_space<vmem>>, vector<128x60xf32>
    %dot_general3A_255 = arith.constant dense<0.000000e+00> : vector<1x60xf32>
    %dot_general3A_256 = tpu.matmul %max3A_251, %get3A_254, %dot_general3A_255 {dimension_numbers = #tpu.dot_dimension_numbers<[1], [0], [0], [1], [0, 0, 1, 1], [], []>, transpose_lhs_hint = false} : vector<1x128xf32>, vector<128x60xf32>, vector<1x60xf32> -> vector<1x60xf32>
    %get3A_257 = arith.constant 0 : index
    %get3A_258 = arith.constant 0 : index
    %get3A_259 = vector.load %arg21[%get3A_257, %get3A_258] : memref<1x60xf32, #tpu.memory_space<vmem>>, vector<1x60xf32>
    %add3A_260 = arith.addf %dot_general3A_256, %get3A_259 : vector<1x60xf32>
    %swap3A_261 = arith.constant 0 : index
    %swap3A_262 = arith.constant 0 : index
    %swap3A_263 = vector.load %arg23[%swap3A_261, %swap3A_262] : memref<1x60xf32, #tpu.memory_space<vmem>>, vector<1x60xf32>
    tpu.vector_store %arg23[%swap3A_261, %swap3A_262], %add3A_260 {strides = array<i32>} : memref<1x60xf32, #tpu.memory_space<vmem>>, vector<1x60xf32>,
    return
  }
}

</mosaic_0001>

<sc_bundles>
// kernel: kernel.11.cloned.1.call-start
scs
__scs_entry_jumppad:
0x0: {  	(pc) =	sbr.rel $0x88, $3  }
0x1: {  	(tag) =	ssettag $0x0;
	lr =	simm.s32 $0x1  }
0x2: {  	[smem:$0x3F83] =	sst lr;
	_ =	strace $0xD0000000  }
0x3: {  	_ = 	snop  }
0x4: {  	_ = 	snop  }
0x5: {  	_ = 	snop  }
0x6: {  	_ = 	snop  }
0x7: {  	_ = 	snop  }
__scs_overlays_trampoline_lowered:
0x8: {  	[smem:$0x3F92] =	sst s0  }
0x9: {  	[smem:$0x3F93] =	sst s1  }
0xa: {  	[smem:$0x3F94] =	sst s2  }
0xb: {  	[smem:$0x3F95] =	sst s3  }
0xc: {  	[smem:$0x3F96] =	sst s4  }
0xd: {  	[smem:$0x3F97] =	sst s5  }
0xe: {  	[smem:$0x3F98] =	sst s6  }
0xf: {  	[smem:$0x3F99] =	sst s7  }
0x10: {  	[smem:$0x3F9A] =	sst s8  }
0x11: {  	[smem:$0x3F9B] =	sst s9;
	s0 =	simm.s32 @!p0 $0x0  }
0x12: {  	s1 =	sld [smem:$0x3F81];
	s0 =	simm.s32 @p0 $0x1  }
0x13: {  	[smem:$0x3F9C] =	sst s0;
	s0 =	simm.s32 @!p1 $0x0  }
0x14: {  	s2 =	sld [smem:$0x3F80];
	s0 =	simm.s32 @p1 $0x1  }
0x15: {  	[smem:$0x3F9D] =	sst s0;
	s0 =	simm.s32 @!p2 $0x0  }
0x16: {  	s3 =	sld [smem:$0x3FDB];
	s0 =	simm.s32 @p2 $0x1  }
0x17: {  	s4 =	simm.s32 $0x1BF5;
	[smem:$0x3F9F] =	sst s0  }
0x18: {  	s0 =	sld [smem:$0x3F82];
	_ =	swait.ge [sflag:s4], $0x0  }
0x19: {  	s7 =	sld [smem:$0x3F83]  }
0x1a: {  	s8 =	sadd.s32 $0xFFFFE003, lr  }
0x1b: {  	s9 =	sadd.s32 $0xFFFFFEF7, lr;
	s5 =	simm.s32 $0xFFFFFFFF;
	p2 =	slt.u32 s8, $0xFFFFF086  }
0x1c: {  	p1 =	slt.u32 s9, $0xF7A;
	s5 =	simm.s32 @!p2 $0x0  }
0x1d: {  	s5 =	simm.s32 @p1 $0x1;
	p0 =	seq.s32 s7, s2  }
0x1e: {  	s7 =	smul.u32 @!p0 $0xF7A, s2;
	p2 =	seq.s32 @!p0 s5, $0x0  }
0x1f: {  	s9 =	smul.u32 $0xF7A, s1;
	s8 =	simm.s32 @!p0 $0x1BF5;
	p2 =	por !p2, p0  }
0x20: {  	[sflag:s8] =	ssyncset.s32 @!p0 $0xFFFFF086;
	s6 =	sadd.s32 @!p0 s3, s7;
	s7 =	simm.s32 @!p0 $0x108  }
0x21: {  	s3 =	sadd.s32 s3, s9;
	s6 =	sadd.s32 @!p0 $0x88, s6;
	s7 =	simm.s32 @p2 $0x1082  }
0x22: {  	[simem:s7], [sflag:s8] =	dma.local @!p0 [hbm:s6], $0xF7A  }
0x23: {  	s9 =	sor.u32 $0xD0000000, s2;
	s6 =	simm.s32 $0x108;
	_ =	swait.ge @!p0 [sflag:s8], $0x0  }
0x24: {  	s3 =	sadd.s32 $0x88, s3;
	s6 =	simm.s32 @!p1 $0x1082;
	[sflag:s4] =	ssyncset.s32 $0xFFFFF086  }
0x25: {  	[simem:s6], [sflag:s4] =	dma.local [hbm:s3], $0xF7A  }
0x26: {  	[smem:$0x3F83] =	sst s1;
	(tag) =	ssettag s2;
	_ =	strace s9  }
0x27: {  	s1 =	sld [smem:$0x3F93]  }
0x28: {  	s2 =	sld [smem:$0x3F94]  }
0x29: {  	s4 =	sld [smem:$0x3F96]  }
0x2a: {  	p0 =	seq.s32 s5, $0x0;
	s5 =	sld [smem:$0x3F97]  }
0x2b: {  	s6 =	sld [smem:$0x3F98]  }
0x2c: {  	s7 =	sld [smem:$0x3F99]  }
0x2d: {  	s3 =	simm.s32 $0x108;
	s8 =	sld [smem:$0x3F9A]  }
0x2e: {  	s3 =	simm.s32 @!p0 $0x1082;
	s9 =	sld [smem:$0x3F9B]  }
0x2f: {  	lr =	sadd.s32 s0, s3;
	s0 =	sld [smem:$0x3F92]  }
0x30: {  	s3 =	sld [smem:$0x3F95]  }
0x31: {  	[smem:$0x3F9E] =	sst s10  }
0x32: {  	s10 =	sld [smem:$0x3F9C];
	_ =	sdelay $0x3  }
0x33: {  	p0 =	seq.s32 s10, $0x1;
	s10 =	sld [smem:$0x3F9E];
	_ =	sdelay $0x3  }
0x34: {  	[smem:$0x3F9E] =	sst s10  }
0x35: {  	s10 =	sld [smem:$0x3F9D];
	_ =	sdelay $0x3  }
0x36: {  	p1 =	seq.s32 s10, $0x1;
	s10 =	sld [smem:$0x3F9E];
	_ =	sdelay $0x3  }
0x37: {  	[smem:$0x3F9E] =	sst s10  }
0x38: {  	s10 =	sld [smem:$0x3F9F]  }
0x39: {  	_ = 	snop;
	(pc) =	sbr.ind lr, $3  }
0x3a: {  	_ = 	snop  }
0x3b: {  	_ = 	snop  }
0x3c: {  	p2 =	seq.s32 s10, $0x1;
	s10 =	sld [smem:$0x3F9E]  }
0x3d: {  	_ =	shalt  }
0x3e: {  	_ =	shalt  }
0x3f: {  	_ =	shalt  }
0x40: {  	_ =	shalt  }
0x41: {  	_ =	shalt  }
0x42: {  	_ =	shalt  }
0x43: {  	_ =	shalt  }
0x44: {  	_ =	shalt  }
0x45: {  	_ =	shalt  }
0x46: {  	_ =	shalt  }
0x47: {  	_ =	shalt  }
0x48: {  	_ =	shalt  }
0x49: {  	_ =	shalt  }
0x4a: {  	_ =	shalt  }
0x4b: {  	_ =	shalt  }
0x4c: {  	_ =	shalt  }
0x4d: {  	_ =	shalt  }
0x4e: {  	_ =	shalt  }
0x4f: {  	_ =	shalt  }
0x50: {  	_ =	shalt  }
0x51: {  	_ =	shalt  }
0x52: {  	_ =	shalt  }
0x53: {  	_ =	shalt  }
0x54: {  	_ =	shalt  }
0x55: {  	_ =	shalt  }
0x56: {  	_ =	shalt  }
0x57: {  	_ =	shalt  }
0x58: {  	_ =	shalt  }
0x59: {  	_ =	shalt  }
0x5a: {  	_ =	shalt  }
0x5b: {  	_ =	shalt  }
0x5c: {  	_ =	shalt  }
0x5d: {  	_ =	shalt  }
0x5e: {  	_ =	shalt  }
0x5f: {  	_ =	shalt  }
0x60: {  	_ =	shalt  }
0x61: {  	_ =	shalt  }
0x62: {  	_ =	shalt  }
0x63: {  	_ =	shalt  }
0x64: {  	_ =	shalt  }
0x65: {  	_ =	shalt  }
0x66: {  	_ =	shalt  }
0x67: {  	_ =	shalt  }
0x68: {  	_ =	shalt  }
0x69: {  	_ =	shalt  }
0x6a: {  	_ =	shalt  }
0x6b: {  	_ =	shalt  }
0x6c: {  	_ =	shalt  }
0x6d: {  	_ =	shalt  }
0x6e: {  	_ =	shalt  }
0x6f: {  	_ =	shalt  }
0x70: {  	_ =	shalt  }
0x71: {  	_ =	shalt  }
0x72: {  	_ =	shalt  }
0x73: {  	_ =	shalt  }
0x74: {  	_ =	shalt  }
0x75: {  	_ =	shalt  }
0x76: {  	_ =	shalt  }
0x77: {  	_ =	shalt  }
0x78: {  	_ =	shalt  }
0x79: {  	_ =	shalt  }
0x7a: {  	_ =	shalt  }
0x7b: {  	_ =	shalt  }
0x7c: {  	_ =	shalt  }
0x7d: {  	_ =	shalt  }
0x7e: {  	_ =	shalt  }
0x7f: {  	_ =	shalt  }
0x80: {  	_ =	shalt  }
0x81: {  	_ =	shalt  }
0x82: {  	_ =	shalt  }
0x83: {  	_ =	shalt  }
0x84: {  	_ =	shalt  }
0x85: {  	_ =	shalt  }
0x86: {  	_ =	shalt  }
0x87: {  	_ =	shalt  }
.Lfunc_end0:
.L_simem_size_0:
called_computation.1_lowered:
.L_overlay_start_0:
0x88: {  	s2 =	sld [smem:$0x3FD9]  }
0x89: {  	s3 =	sld [smem:$0x3FFE];
	_ =	sdelay $0x1  }
0x8a: {  	s1 =	srdreg.scid  }
0x8b: {  	s0 =	sand.u32 $0x1, s1  }
0x8c: {  	s16 =	sshll.u32 s0, $0xA;
	s2 =	sadd.s32 s3, s2  }
0x8d: {  	s2 =	sadd.s32 s2, s16  }
0x8e: {  	[smem:$0x3FAA] =	sst s2  }
0x8f: {  	_ = 	snop  }
0x90: {  	(tm) =	ssettm $0x1  }
0x91: {  	s17 =	sld [smem:$0x3FFB];
	_ =	sdelay $0x3  }
0x92: {  	_ =	strace s17  }
0x93: {  	s2 =	sld [smem:$0x3FFC];
	_ =	sdelay $0x3  }
0x94: {  	_ =	strace s2  }
0x95: {  	s2 =	sld [smem:$0x3FFD];
	_ =	sdelay $0x3  }
0x96: {  	_ =	strace s2  }
0x97: {  	_ =	strace $0x8FFFFFFF  }
0x98: {  	s18 =	sld [smem:$0x3FDB];
	_ =	sdelay $0x1  }
0x99: {  	s19 =	simm.s32 $_scs_section_size  }
0x9a: {  	s4 =	simm.s32 $_size__tile_overlayer_lowered;
	s5 =	simm.s32 $_tile_overlayer_lowered  }
0x9b: {  	s22 =	simm.s32 $0x1BFF;
	s21 =	sshll.u32 s5, $0x1;
	s2 =	sadd.s32 s19, s18  }
0x9c: {  	s6 =	simm.s32 $0x0;
	s20 =	sshll.u32 s4, $0x1;
	s4 =	sadd.s32 s21, s2  }
0x9d: {  	[timem:s6], [sflag:s22] =	dma.local [hbm:s4], s20  }
0x9e: {  	_ =	swait.ge [sflag:s22], s20  }
0x9f: {  	s3 =	ssub.s32 $0x0, s20;
	[sflag:s22] =	ssyncset.done $0x0  }
0xa0: {  	[sflag:s22] =	ssyncadd.s32 s3;
	_ =	sdelay $0x1  }
0xa1: {  	s23 =	simm.s32 $0x1B8B  }
0xa2: {  	_ =	swait.ge [sflag:s23], $0x1  }
0xa3: {  	[sflag:s23] =	ssyncset.done $0x0  }
0xa4: {  	s25 =	simm.s32 $0x1B8E;
	s24 =	sld [smem:$0x3FFE];
	[sflag:s23] =	ssyncadd.s32 $0xFFFFFFFF  }
0xa5: {  	s26 =	simm.s32 $execute0_lowered;
	[smem:$0x3FD2] =	sst s25  }
0xa6: {  	s4 =	sshll.u32 s26, $0x1;
	_ =	strace $0x80000049;
	[dreg:$0x1] =	wrdreg $0xFFFFFFFF  }
0xa7: {  	s28 =	simm.s32 $_size_execute0_lowered;
	s2 =	sadd.s32 s2, s4;
	[dreg:$0x0] =	wrdreg $0x0  }
0xa8: {  	s4 =	sshll.u32 s28, $0x1;
	[dreg:$0x2] =	wrdreg s2  }
0xa9: {  	[dreg:$0x3] =	wrdreg s4  }
0xaa: {  	[dreg:$0x4] =	wrdreg $0xC0  }
0xab: {  	_ =	task [dreg:s6], $0x5FFFF  }
0xac: {  	[dreg:$0x1] =	wrdreg $0xFFFFFFFF  }
0xad: {  	[dreg:$0x0] =	wrdreg $0x60  }
0xae: {  	[dreg:$0x2] =	wrdreg s24  }
0xaf: {  	[dreg:$0x3] =	wrdreg $0x90000  }
0xb0: {  	[dreg:$0x4] =	wrdreg $0x9  }
0xb1: {  	_ =	task.clear_ibuf [dreg:s6], $0x5FFFF;
	_ =	strace $0x90000049  }
0xb2: {  	s29 =	simm.s32 $0x9;
	_ =	strace $0x8000004B  }
0xb3: {  	_ =	swait.ge [sflag:s29], $0x1  }
0xb4: {  	[sflag:s29] =	ssyncadd.s32 $0xFFFFFFFF  }
0xb5: {  	_ =	strace $0x9000004B  }
0xb6: {  	_ =	sfence  }
0xb7: {  	s30 =	sld [smem:$0x0];
	_ =	sdelay $0x2  }
0xb8: {  	s31 =	sshll.u32 s1, $0xD;
	s1 =	sshrl.u32 s1, $0x2  }
0xb9: {  	s3 =	sand.u32 $0x4000, s31;
	s1 =	sadd.s32 s1, s30  }
0xba: {  	s0 =	sor.u32 s3, s0;
	s1 =	sshll.u32 s1, $0x11  }
0xbb: {  	s0 =	sor.u32 s1, s0  }
0xbc: {  	s0 =	sadd.s32 $0x8F2B, s0  }
0xbd: {  	[sflag:s0] =	ssyncadd.remote.s32 $0x1  }
0xbe: {  	_ =	sfence.sel $0xFFFF  }
0xbf: {  	[dreg:$0x0] =	wrdreg $0xFFFFFFFF;
	(pc) =	sbr.abs _section_cstart, $3  }
0xc0: {  	[dreg:$0x1] =	wrdreg $0xFFFFFFFF  }
0xc1: {  	_ =	task.clear_ibuf [dreg:s6], $0x2FFFF;
	_ =	strace $0x9FFFFFFF  }
0xc2: {  	(tm) =	ssettm $0x7FFFFFFF  }
0xc3: {  	_ =	shalt  }
tec
execute0_lowered:
.L_overlay_start_1:
0x0: {  	(tag) =	ssettag $0x1  }
0x1: {  	s0 =	rddreg [dreg:$0x0]  }
0x2: {  	s1 =	rddreg [dreg:$0x1];
	s2 =	srdreg.scid;
	s3 =	simm.s32 $0x0  }
0x3: {  	s13 =	stileid.u32;
	s22 =	simm.s32 $0x100;
	s23 =	simm.s32 $0x480  }
0x4: {  	s24 =	simm.s32 $0x180;
	s10 =	simm.s32 $0x500;
	s26 =	simm.s32 $0x200  }
0x5: {  	s14 =	simm.s32 $0x300;
	[smem:$0x7FF] =	sst s3;
	s18 =	sadd.s32 $0x19000, s0  }
0x6: {  	s15 =	simm.s32 $0x680;
	_ =	strace $0x8000004A;
	[dreg:$0x18] =	wrdreg s18  }
0x7: {  	s16 =	simm.s32 $0x380;
	s17 =	simm.s32 $0x700;
	[dreg:$0x3] =	wrdreg s22  }
0x8: {  	s28 =	simm.s32 $0xB80;
	s29 =	simm.s32 $0xF00;
	[dreg:$0x4] =	wrdreg s23  }
0x9: {  	s30 =	simm.s32 $0xF80;
	s31 =	simm.s32 $0x0;
	[dreg:$0x5] =	wrdreg s24  }
0xa: {  	s2 =	sand.u32 $0x1, s2;
	s6 =	smul.u32 $0x14000, s13;
	[dreg:$0x6] =	wrdreg s10  }
0xb: {  	s4 =	sadd.s32 $0x6B800, s0;
	s19 =	smul.u32 $0x50000, s13;
	[dreg:$0x7] =	wrdreg s26  }
0xc: {  	s11 =	sadd.s32 $0x5000, s0;
	s9 =	smul.u32 $0x50, s13;
	[dreg:$0xb] =	wrdreg s14  }
0xd: {  	s21 =	sshll.u32 s13, $0x6;
	s5 =	smul.u32 $0x140000, s2;
	[dreg:$0xc] =	wrdreg s15  }
0xe: {  	s20 =	ssub.s32 $0x2, s2;
	s7 =	smul.u32 $0x500, s2;
	[dreg:$0xd] =	wrdreg s16  }
0xf: {  	s2 =	smul.u32 $0x5000, s2;
	s14 =	simm.s32 $0x400;
	[dreg:$0xe] =	wrdreg s17  }
0x10: {  	s18 =	simm.s32 $0x780;
	s15 =	simm.s32 $0x1;
	s16 =	simm.s32 $0x80  }
0x11: {  	s17 =	simm.s32 $0x1000;
	s22 =	simm.s32 $0x980;
	[dreg:$0xf] =	wrdreg s18  }
0x12: {  	s23 =	simm.s32 $0xD00;
	s24 =	simm.s32 $0xA00;
	[dreg:$0x13] =	wrdreg s22  }
0x13: {  	s26 =	simm.s32 $0xA80;
	s8 =	sshrl.u32 s20, $0x1;
	[dreg:$0x14] =	wrdreg s23  }
0x14: {  	s18 =	simm.s32 $0x800;
	[dreg:$0x15] =	wrdreg s24;
	s22 =	simm.s32 $0x4  }
0x15: {  	s23 =	simm.s32 $0x2;
	[dreg:$0x17] =	wrdreg s26;
	s24 =	simm.s32 $0xE00  }
0x16: {  	s26 =	simm.s32 $0xE80;
	s5 =	sadd.s32 s6, s5;
	s6 =	sshrl.u32 s19, $0x2  }
0x17: {  	s7 =	sadd.s32 s9, s7;
	s9 =	smul.u32 $0x500, s13;
	s13 =	simm.s32 $0x600  }
0x18: {  	s2 =	sadd.s32 s2, s11;
	s19 =	simm.s32 $0x880;
	s5 =	sshrl.u32 s5, $0x3  }
0x19: {  	s12 =	sadd.s32 s6, s1;
	s6 =	sor.u32 $0x1C05, s21;
	[dreg:$0xa] =	wrdreg s13  }
0x1a: {  	s7 =	sshll.u32 s7, $0x4;
	s13 =	simm.s32 $0x5;
	[dreg:$0x10] =	wrdreg s19  }
0x1b: {  	s21 =	simm.s32 $0xC80;
	s19 =	simm.s32 $0xC00;
	s0 =	sadd.s32 s5, s0  }
0x1c: {  	s5 =	ssub.s32 s20, s8;
	s8 =	simm.s32 $0x280;
	[dreg:$0x12] =	wrdreg s21  }
0x1d: {  	s7 =	sadd.s32 s11, s7;
	s20 =	simm.s32 $0x900;
	[dreg:$0x9] =	wrdreg s8  }
0x1e: {  	s11 =	sadd.s32 s9, s2;
	s25 =	sadd.s32 $0xA000, s7;
	[dreg:$0x11] =	wrdreg s20  }
0x1f: {  	s12 =	sshrl.u32 s12, $0x3;
	s0 =	sadd.s32 $0x93800, s0;
	[dreg:$0x19] =	wrdreg s25  }
0x20: {  	s10 =	smax.u32 s5, $0x1;
	s5 =	simm.s32 $0x580;
	[dreg:$0x1a] =	wrdreg s0  }
0x21: {  	s21 =	simm.s32 $0x5000;
	[dreg:$0x8] =	wrdreg s5;
	s25 =	simm.s32 $0xD80  }
0x22: {  	s20 =	simm.s32 $0x3;
	[dreg:$0x16] =	wrdreg s25;
	s25 =	simm.s32 $0xB00  }
.LBB2_1:
0x23: {  	s0 =	rddreg [dreg:$0x18]  }
0x24: {  	[spmem:s12], [sflag:s6] =	dma.local [hbm:s0], $0x2800  }
0x25: {  	_ =	swait.ge [sflag:s13], $0x2800  }
0x26: {  	[sflag:s13] =	ssyncset.done $0x0  }
0x27: {  	[sflag:s13] =	ssyncadd.s32 $0xFFFFD800  }
0x28: {  	[bflag:$0x0] =	sbarrier.arrive $0xFFFF  }
0x29: {  	[tilespmem:s3], [sflag:$0x1] =	stream.linear.gather [hbm4b:s7+s3], $0x400, $0x38;
	[tilespmem:$0x1D000] =	vst v63  }
0x2a: {  	s8 =	rddreg [dreg:$0x19]  }
0x2b: {  	[tilespmem:s14], [sflag:$0x1] =	stream.linear.gather [hbm4b:s8+s3], $0x400, $0x38;
	[tilespmem:$0x1D000] =	vst v63  }
0x2c: {  	_ =	swait.ge [sflag:s15], $0x400  }
0x2d: {  	[sflag:s15] =	ssyncset.done $0x0  }
0x2e: {  	[sflag:s15] =	ssyncadd.s32 $0xFFFFFC00  }
0x2f: {  	_ =	swait.ge [sflag:s15], $0x400  }
0x30: {  	[sflag:s15] =	ssyncset.done $0x0  }
0x31: {  	s9 =	sadd.s32 $0x0, s11;
	[sflag:s15] =	ssyncadd.s32 $0xFFFFFC00  }
0x32: {  	[tilespmem:s17], [sflag:$0x3] =	stream.indirect.gather [hbm4b:s4+s16], $0x80, s3, s16, $0xb8;
	[tilespmem:$0x1D000] =	vst v63  }
0x33: {  	s2 =	sadd.s32 $0x80, s9  }
0x34: {  	[tilespmem:s18], [sflag:$0x2] =	stream.linear.gather [hbm4b:s2+s3], $0x400, $0x38;
	[tilespmem:$0x1D000] =	vst v63  }
0x35: {  	s0 =	sadd.s32 $0xA080, s9  }
0x36: {  	[tilespmem:s19], [sflag:$0x2] =	stream.linear.gather [hbm4b:s0+s3], $0x400, $0x38;
	[tilespmem:$0x1D000] =	vst v63  }
0x37: {  	_ =	swait.ge [sflag:s20], $0x4000  }
0x38: {  	[sflag:s20] =	ssyncset.done $0x0  }
0x39: {  	[sflag:s20] =	ssyncadd.s32 $0xFFFFC000  }
0x3a: {  	[tilespmem:s21], [sflag:$0x4] =	stream.indirect.gather [hbm4b:s4+s16], $0x80, s16, s16, $0xb8;
	[tilespmem:$0x1D000] =	vst v63  }
0x3b: {  	_ = 	snop  }
0x3c: {  	[spmem:s1] =	stream.indirect.scatter.add.f32 [tilespmem:s17], [sflag:$0x5], $0x80, s14, s16, $0xb8;
	[tilespmem:$0x1D000] =	vst v63  }
0x3d: {  	_ =	swait.ge [sflag:s13], $0x4000  }
0x3e: {  	[sflag:s13] =	ssyncset.done $0x0  }
0x3f: {  	[sflag:s13] =	ssyncadd.s32 $0xFFFFC000  }
0x40: {  	_ =	swait.ge [sflag:s22], $0x4000  }
0x41: {  	[sflag:s22] =	ssyncset.done $0x0  }
0x42: {  	s2 =	rddreg [dreg:$0x3];
	[sflag:s22] =	ssyncadd.s32 $0xFFFFC000  }
0x43: {  	[tilespmem:s17], [sflag:$0x3] =	stream.indirect.gather [hbm4b:s4+s16], $0x80, s2, s16, $0xb8;
	[tilespmem:$0x1D000] =	vst v63  }
0x44: {  	s5 =	rddreg [dreg:$0x4]  }
0x45: {  	[spmem:s1] =	stream.indirect.scatter.add.f32 [tilespmem:s21], [sflag:$0x5], $0x80, s5, s16, $0xb8;
	[tilespmem:$0x1D000] =	vst v63  }
0x46: {  	_ =	swait.ge [sflag:s13], $0x4000  }
0x47: {  	[sflag:s13] =	ssyncset.done $0x0  }
0x48: {  	[sflag:s13] =	ssyncadd.s32 $0xFFFFC000  }
0x49: {  	_ =	swait.ge [sflag:s20], $0x4000  }
0x4a: {  	[sflag:s20] =	ssyncset.done $0x0  }
0x4b: {  	s8 =	rddreg [dreg:$0x5];
	[sflag:s20] =	ssyncadd.s32 $0xFFFFC000  }
0x4c: {  	[tilespmem:s21], [sflag:$0x4] =	stream.indirect.gather [hbm4b:s4+s16], $0x80, s8, s16, $0xb8;
	[tilespmem:$0x1D000] =	vst v63  }
0x4d: {  	s9 =	rddreg [dreg:$0x6]  }
0x4e: {  	[spmem:s1] =	stream.indirect.scatter.add.f32 [tilespmem:s17], [sflag:$0x5], $0x80, s9, s16, $0xb8;
	[tilespmem:$0x1D000] =	vst v63  }
0x4f: {  	_ =	swait.ge [sflag:s13], $0x4000  }
0x50: {  	[sflag:s13] =	ssyncset.done $0x0  }
0x51: {  	[sflag:s13] =	ssyncadd.s32 $0xFFFFC000  }
0x52: {  	_ =	swait.ge [sflag:s22], $0x4000  }
0x53: {  	[sflag:s22] =	ssyncset.done $0x0  }
0x54: {  	s2 =	rddreg [dreg:$0x7];
	[sflag:s22] =	ssyncadd.s32 $0xFFFFC000  }
0x55: {  	[tilespmem:s17], [sflag:$0x3] =	stream.indirect.gather [hbm4b:s4+s16], $0x80, s2, s16, $0xb8;
	[tilespmem:$0x1D000] =	vst v63  }
0x56: {  	s5 =	rddreg [dreg:$0x8]  }
0x57: {  	[spmem:s1] =	stream.indirect.scatter.add.f32 [tilespmem:s21], [sflag:$0x5], $0x80, s5, s16, $0xb8;
	[tilespmem:$0x1D000] =	vst v63  }
0x58: {  	_ =	swait.ge [sflag:s13], $0x4000  }
0x59: {  	[sflag:s13] =	ssyncset.done $0x0  }
0x5a: {  	[sflag:s13] =	ssyncadd.s32 $0xFFFFC000  }
0x5b: {  	_ =	swait.ge [sflag:s20], $0x4000  }
0x5c: {  	[sflag:s20] =	ssyncset.done $0x0  }
0x5d: {  	s8 =	rddreg [dreg:$0x9];
	[sflag:s20] =	ssyncadd.s32 $0xFFFFC000  }
0x5e: {  	[tilespmem:s21], [sflag:$0x4] =	stream.indirect.gather [hbm4b:s4+s16], $0x80, s8, s16, $0xb8;
	[tilespmem:$0x1D000] =	vst v63  }
0x5f: {  	s9 =	rddreg [dreg:$0xa]  }
0x60: {  	[spmem:s1] =	stream.indirect.scatter.add.f32 [tilespmem:s17], [sflag:$0x5], $0x80, s9, s16, $0xb8;
	[tilespmem:$0x1D000] =	vst v63  }
0x61: {  	_ =	swait.ge [sflag:s13], $0x4000  }
0x62: {  	[sflag:s13] =	ssyncset.done $0x0  }
0x63: {  	[sflag:s13] =	ssyncadd.s32 $0xFFFFC000  }
0x64: {  	_ =	swait.ge [sflag:s22], $0x4000  }
0x65: {  	[sflag:s22] =	ssyncset.done $0x0  }
0x66: {  	s2 =	rddreg [dreg:$0xb];
	[sflag:s22] =	ssyncadd.s32 $0xFFFFC000  }
0x67: {  	[tilespmem:s17], [sflag:$0x3] =	stream.indirect.gather [hbm4b:s4+s16], $0x80, s2, s16, $0xb8;
	[tilespmem:$0x1D000] =	vst v63  }
0x68: {  	s5 =	rddreg [dreg:$0xc]  }
0x69: {  	[spmem:s1] =	stream.indirect.scatter.add.f32 [tilespmem:s21], [sflag:$0x5], $0x80, s5, s16, $0xb8;
	[tilespmem:$0x1D000] =	vst v63  }
0x6a: {  	_ =	swait.ge [sflag:s13], $0x4000  }
0x6b: {  	[sflag:s13] =	ssyncset.done $0x0  }
0x6c: {  	[sflag:s13] =	ssyncadd.s32 $0xFFFFC000  }
0x6d: {  	_ =	swait.ge [sflag:s20], $0x4000  }
0x6e: {  	[sflag:s20] =	ssyncset.done $0x0  }
0x6f: {  	s8 =	rddreg [dreg:$0xd];
	[sflag:s20] =	ssyncadd.s32 $0xFFFFC000  }
0x70: {  	[tilespmem:s21], [sflag:$0x4] =	stream.indirect.gather [hbm4b:s4+s16], $0x80, s8, s16, $0xb8;
	[tilespmem:$0x1D000] =	vst v63  }
0x71: {  	s9 =	rddreg [dreg:$0xe]  }
0x72: {  	[spmem:s1] =	stream.indirect.scatter.add.f32 [tilespmem:s17], [sflag:$0x5], $0x80, s9, s16, $0xb8;
	[tilespmem:$0x1D000] =	vst v63  }
0x73: {  	_ =	swait.ge [sflag:s13], $0x4000  }
0x74: {  	[sflag:s13] =	ssyncset.done $0x0  }
0x75: {  	[sflag:s13] =	ssyncadd.s32 $0xFFFFC000  }
0x76: {  	_ =	swait.ge [sflag:s22], $0x4000  }
0x77: {  	[sflag:s22] =	ssyncset.done $0x0  }
0x78: {  	[sflag:s22] =	ssyncadd.s32 $0xFFFFC000  }
0x79: {  	_ =	swait.ge [sflag:s23], $0x400  }
0x7a: {  	[sflag:s23] =	ssyncset.done $0x0  }
0x7b: {  	[sflag:s23] =	ssyncadd.s32 $0xFFFFFC00  }
0x7c: {  	_ =	swait.ge [sflag:s23], $0x400  }
0x7d: {  	[sflag:s23] =	ssyncset.done $0x0  }
0x7e: {  	[sflag:s23] =	ssyncadd.s32 $0xFFFFFC00  }
0x7f: {  	[tilespmem:s17], [sflag:$0x3] =	stream.indirect.gather [hbm4b:s4+s16], $0x80, s18, s16, $0xb8;
	[tilespmem:$0x1D000] =	vst v63  }
0x80: {  	s2 =	rddreg [dreg:$0xf]  }
0x81: {  	[spmem:s1] =	stream.indirect.scatter.add.f32 [tilespmem:s21], [sflag:$0x5], $0x80, s2, s16, $0xb8;
	[tilespmem:$0x1D000] =	vst v63  }
0x82: {  	p0 =	por $0x0, $0x0;
	_ =	swait.ge [sflag:s13], $0x4000  }
0x83: {  	s2 =	sadd.s32 @!p0 $0x0, s11;
	[sflag:s13] =	ssyncset.done $0x0  }
0x84: {  	s0 =	simm.s32 @!p0 $0x0;
	s5 =	sadd.s32 @!p0 $0x100, s2;
	[sflag:s13] =	ssyncadd.s32 $0xFFFFC000  }
0x85: {  	[tilespmem:s0], [sflag:$0x1] =	stream.linear.gather @!p0 [hbm4b:s5+s0], $0x400, $0x38;
	[tilespmem:$0x1D000] =	vst v63  }
0x86: {  	s2 =	sadd.s32 @!p0 $0xA100, s2;
	s5 =	simm.s32 @!p0 $0x400  }
0x87: {  	[tilespmem:s5], [sflag:$0x1] =	stream.linear.gather @!p0 [hbm4b:s2+s0], $0x400, $0x38;
	[tilespmem:$0x1D000] =	vst v63  }
0x88: {  	_ =	swait.ge [sflag:s20], $0x4000  }
0x89: {  	[sflag:s20] =	ssyncset.done $0x0  }
0x8a: {  	s5 =	rddreg [dreg:$0x10];
	[sflag:s20] =	ssyncadd.s32 $0xFFFFC000  }
0x8b: {  	[tilespmem:s21], [sflag:$0x4] =	stream.indirect.gather [hbm4b:s4+s16], $0x80, s5, s16, $0xb8;
	[tilespmem:$0x1D000] =	vst v63  }
0x8c: {  	_ = 	snop  }
0x8d: {  	[spmem:s1] =	stream.indirect.scatter.add.f32 [tilespmem:s17], [sflag:$0x5], $0x80, s19, s16, $0xb8;
	[tilespmem:$0x1D000] =	vst v63  }
0x8e: {  	_ =	swait.ge [sflag:s13], $0x4000  }
0x8f: {  	[sflag:s13] =	ssyncset.done $0x0  }
0x90: {  	[sflag:s13] =	ssyncadd.s32 $0xFFFFC000  }
0x91: {  	_ =	swait.ge [sflag:s22], $0x4000  }
0x92: {  	[sflag:s22] =	ssyncset.done $0x0  }
0x93: {  	s8 =	rddreg [dreg:$0x11];
	[sflag:s22] =	ssyncadd.s32 $0xFFFFC000  }
0x94: {  	[tilespmem:s17], [sflag:$0x3] =	stream.indirect.gather [hbm4b:s4+s16], $0x80, s8, s16, $0xb8;
	[tilespmem:$0x1D000] =	vst v63  }
0x95: {  	s9 =	rddreg [dreg:$0x12]  }
0x96: {  	[spmem:s1] =	stream.indirect.scatter.add.f32 [tilespmem:s21], [sflag:$0x5], $0x80, s9, s16, $0xb8;
	[tilespmem:$0x1D000] =	vst v63  }
0x97: {  	_ =	swait.ge [sflag:s13], $0x4000  }
0x98: {  	[sflag:s13] =	ssyncset.done $0x0  }
0x99: {  	[sflag:s13] =	ssyncadd.s32 $0xFFFFC000  }
0x9a: {  	_ =	swait.ge [sflag:s20], $0x4000  }
0x9b: {  	[sflag:s20] =	ssyncset.done $0x0  }
0x9c: {  	s8 =	rddreg [dreg:$0x13];
	[sflag:s20] =	ssyncadd.s32 $0xFFFFC000  }
0x9d: {  	[tilespmem:s21], [sflag:$0x4] =	stream.indirect.gather [hbm4b:s4+s16], $0x80, s8, s16, $0xb8;
	[tilespmem:$0x1D000] =	vst v63  }
0x9e: {  	s9 =	rddreg [dreg:$0x14]  }
0x9f: {  	[spmem:s1] =	stream.indirect.scatter.add.f32 [tilespmem:s17], [sflag:$0x5], $0x80, s9, s16, $0xb8;
	[tilespmem:$0x1D000] =	vst v63  }
0xa0: {  	_ =	swait.ge [sflag:s13], $0x4000  }
0xa1: {  	[sflag:s13] =	ssyncset.done $0x0  }
0xa2: {  	[sflag:s13] =	ssyncadd.s32 $0xFFFFC000  }
0xa3: {  	_ =	swait.ge [sflag:s22], $0x4000  }
0xa4: {  	[sflag:s22] =	ssyncset.done $0x0  }
0xa5: {  	s5 =	rddreg [dreg:$0x15];
	[sflag:s22] =	ssyncadd.s32 $0xFFFFC000  }
0xa6: {  	[tilespmem:s17], [sflag:$0x3] =	stream.indirect.gather [hbm4b:s4+s16], $0x80, s5, s16, $0xb8;
	[tilespmem:$0x1D000] =	vst v63  }
0xa7: {  	s8 =	rddreg [dreg:$0x16]  }
0xa8: {  	[spmem:s1] =	stream.indirect.scatter.add.f32 [tilespmem:s21], [sflag:$0x5], $0x80, s8, s16, $0xb8;
	[tilespmem:$0x1D000] =	vst v63  }
0xa9: {  	_ =	swait.ge [sflag:s13], $0x4000  }
0xaa: {  	[sflag:s13] =	ssyncset.done $0x0  }
0xab: {  	[sflag:s13] =	ssyncadd.s32 $0xFFFFC000  }
0xac: {  	_ =	swait.ge [sflag:s20], $0x4000  }
0xad: {  	[sflag:s20] =	ssyncset.done $0x0  }
0xae: {  	s9 =	rddreg [dreg:$0x17];
	[sflag:s20] =	ssyncadd.s32 $0xFFFFC000  }
0xaf: {  	[tilespmem:s21], [sflag:$0x4] =	stream.indirect.gather [hbm4b:s4+s16], $0x80, s9, s16, $0xb8;
	[tilespmem:$0x1D000] =	vst v63  }
0xb0: {  	_ = 	snop  }
0xb1: {  	[spmem:s1] =	stream.indirect.scatter.add.f32 [tilespmem:s17], [sflag:$0x5], $0x80, s24, s16, $0xb8;
	[tilespmem:$0x1D000] =	vst v63  }
0xb2: {  	_ =	swait.ge [sflag:s13], $0x4000  }
0xb3: {  	[sflag:s13] =	ssyncset.done $0x0  }
0xb4: {  	[sflag:s13] =	ssyncadd.s32 $0xFFFFC000  }
0xb5: {  	_ =	swait.ge [sflag:s22], $0x4000  }
0xb6: {  	[sflag:s22] =	ssyncset.done $0x0  }
0xb7: {  	[sflag:s22] =	ssyncadd.s32 $0xFFFFC000  }
0xb8: {  	[tilespmem:s17], [sflag:$0x3] =	stream.indirect.gather [hbm4b:s4+s16], $0x80, s25, s16, $0xb8;
	[tilespmem:$0x1D000] =	vst v63  }
0xb9: {  	_ = 	snop  }
0xba: {  	[spmem:s1] =	stream.indirect.scatter.add.f32 [tilespmem:s21], [sflag:$0x5], $0x80, s26, s16, $0xb8;
	[tilespmem:$0x1D000] =	vst v63  }
0xbb: {  	_ =	swait.ge [sflag:s13], $0x4000  }
0xbc: {  	[sflag:s13] =	ssyncset.done $0x0  }
0xbd: {  	[sflag:s13] =	ssyncadd.s32 $0xFFFFC000  }
0xbe: {  	_ =	swait.ge [sflag:s20], $0x4000  }
0xbf: {  	[sflag:s20] =	ssyncset.done $0x0  }
0xc0: {  	[sflag:s20] =	ssyncadd.s32 $0xFFFFC000  }
0xc1: {  	[tilespmem:s21], [sflag:$0x4] =	stream.indirect.gather [hbm4b:s4+s16], $0x80, s28, s16, $0xb8;
	[tilespmem:$0x1D000] =	vst v63  }
0xc2: {  	_ = 	snop  }
0xc3: {  	[spmem:s1] =	stream.indirect.scatter.add.f32 [tilespmem:s17], [sflag:$0x5], $0x80, s29, s16, $0xb8;
	[tilespmem:$0x1D000] =	vst v63  }
0xc4: {  	_ =	swait.ge [sflag:s13], $0x4000  }
0xc5: {  	[sflag:s13] =	ssyncset.done $0x0  }
0xc6: {  	[sflag:s13] =	ssyncadd.s32 $0xFFFFC000  }
0xc7: {  	_ =	swait.ge [sflag:s22], $0x4000  }
0xc8: {  	[sflag:s22] =	ssyncset.done $0x0  }
0xc9: {  	s2 =	simm.s32 @!p0 $0x1;
	[sflag:s22] =	ssyncadd.s32 $0xFFFFC000  }
0xca: {  	_ =	swait.ge @!p0 [sflag:s2], $0x400  }
0xcb: {  	[sflag:s2] =	ssyncset.done @!p0 $0x0  }
0xcc: {  	[sflag:s2] =	ssyncadd.s32 @!p0 $0xFFFFFC00  }
0xcd: {  	_ =	swait.ge @!p0 [sflag:s2], $0x400  }
0xce: {  	[sflag:s2] =	ssyncset.done @!p0 $0x0  }
0xcf: {  	s5 =	simm.s32 @!p0 $0x1000;
	[sflag:s2] =	ssyncadd.s32 @!p0 $0xFFFFFC00;
	s2 =	simm.s32 @!p0 $0x80  }
0xd0: {  	[tilespmem:s5], [sflag:$0x3] =	stream.indirect.gather @!p0 [hbm4b:s4+s2], $0x80, s0, s2, $0xb8;
	[tilespmem:$0x1D000] =	vst v63  }
0xd1: {  	_ = 	snop  }
0xd2: {  	[spmem:s1] =	stream.indirect.scatter.add.f32 [tilespmem:s21], [sflag:$0x5], $0x80, s30, s16, $0xb8;
	[tilespmem:$0x1D000] =	vst v63  }
0xd3: {  	_ =	swait.ge [sflag:s13], $0x4000  }
0xd4: {  	s0 =	simm.s32 $0x100;
	s2 =	simm.s32 $0x200;
	[sflag:s13] =	ssyncset.done $0x0  }
.LBB2_2:
0xd5: {  	s8 =	sadd.s32 s0, s11  }
0xd6: {  	[sflag:s13] =	ssyncadd.s32 $0xFFFFC000;
	s9 =	sadd.s32 $0x80, s8  }
0xd7: {  	[tilespmem:s18], [sflag:$0x2] =	stream.linear.gather [hbm4b:s9+s3], $0x400, $0x38;
	[tilespmem:$0x1D000] =	vst v63  }
0xd8: {  	s8 =	sadd.s32 $0xA080, s8  }
0xd9: {  	[tilespmem:s19], [sflag:$0x2] =	stream.linear.gather [hbm4b:s8+s3], $0x400, $0x38;
	[tilespmem:$0x1D000] =	vst v63  }
0xda: {  	_ =	swait.ge [sflag:s20], $0x4000  }
0xdb: {  	[sflag:s20] =	ssyncset.done $0x0  }
0xdc: {  	[sflag:s20] =	ssyncadd.s32 $0xFFFFC000  }
0xdd: {  	[tilespmem:s21], [sflag:$0x4] =	stream.indirect.gather [hbm4b:s4+s16], $0x80, s16, s16, $0xb8;
	[tilespmem:$0x1D000] =	vst v63  }
0xde: {  	_ = 	snop  }
0xdf: {  	[spmem:s1] =	stream.indirect.scatter.add.f32 [tilespmem:s17], [sflag:$0x5], $0x80, s14, s16, $0xb8;
	[tilespmem:$0x1D000] =	vst v63  }
0xe0: {  	_ =	swait.ge [sflag:s13], $0x4000  }
0xe1: {  	[sflag:s13] =	ssyncset.done $0x0  }
0xe2: {  	[sflag:s13] =	ssyncadd.s32 $0xFFFFC000  }
0xe3: {  	_ =	swait.ge [sflag:s22], $0x4000  }
0xe4: {  	[sflag:s22] =	ssyncset.done $0x0  }
0xe5: {  	s8 =	rddreg [dreg:$0x3];
	[sflag:s22] =	ssyncadd.s32 $0xFFFFC000  }
0xe6: {  	[tilespmem:s17], [sflag:$0x3] =	stream.indirect.gather [hbm4b:s4+s16], $0x80, s8, s16, $0xb8;
	[tilespmem:$0x1D000] =	vst v63  }
0xe7: {  	s9 =	rddreg [dreg:$0x4]  }
0xe8: {  	[spmem:s1] =	stream.indirect.scatter.add.f32 [tilespmem:s21], [sflag:$0x5], $0x80, s9, s16, $0xb8;
	[tilespmem:$0x1D000] =	vst v63  }
0xe9: {  	_ =	swait.ge [sflag:s13], $0x4000  }
0xea: {  	[sflag:s13] =	ssyncset.done $0x0  }
0xeb: {  	[sflag:s13] =	ssyncadd.s32 $0xFFFFC000  }
0xec: {  	_ =	swait.ge [sflag:s20], $0x4000  }
0xed: {  	[sflag:s20] =	ssyncset.done $0x0  }
0xee: {  	s8 =	rddreg [dreg:$0x5];
	[sflag:s20] =	ssyncadd.s32 $0xFFFFC000  }
0xef: {  	[tilespmem:s21], [sflag:$0x4] =	stream.indirect.gather [hbm4b:s4+s16], $0x80, s8, s16, $0xb8;
	[tilespmem:$0x1D000] =	vst v63  }
0xf0: {  	s9 =	rddreg [dreg:$0x6]  }
0xf1: {  	[spmem:s1] =	stream.indirect.scatter.add.f32 [tilespmem:s17], [sflag:$0x5], $0x80, s9, s16, $0xb8;
	[tilespmem:$0x1D000] =	vst v63  }
0xf2: {  	_ =	swait.ge [sflag:s13], $0x4000  }
0xf3: {  	[sflag:s13] =	ssyncset.done $0x0  }
0xf4: {  	[sflag:s13] =	ssyncadd.s32 $0xFFFFC000  }
0xf5: {  	_ =	swait.ge [sflag:s22], $0x4000  }
0xf6: {  	[sflag:s22] =	ssyncset.done $0x0  }
0xf7: {  	s8 =	rddreg [dreg:$0x7];
	[sflag:s22] =	ssyncadd.s32 $0xFFFFC000  }
0xf8: {  	[tilespmem:s17], [sflag:$0x3] =	stream.indirect.gather [hbm4b:s4+s16], $0x80, s8, s16, $0xb8;
	[tilespmem:$0x1D000] =	vst v63  }
0xf9: {  	s9 =	rddreg [dreg:$0x8]  }
0xfa: {  	[spmem:s1] =	stream.indirect.scatter.add.f32 [tilespmem:s21], [sflag:$0x5], $0x80, s9, s16, $0xb8;
	[tilespmem:$0x1D000] =	vst v63  }
0xfb: {  	_ =	swait.ge [sflag:s13], $0x4000  }
0xfc: {  	[sflag:s13] =	ssyncset.done $0x0  }
0xfd: {  	[sflag:s13] =	ssyncadd.s32 $0xFFFFC000  }
0xfe: {  	_ =	swait.ge [sflag:s20], $0x4000  }
0xff: {  	[sflag:s20] =	ssyncset.done $0x0  }
0x100: {  	s8 =	rddreg [dreg:$0x9];
	[sflag:s20] =	ssyncadd.s32 $0xFFFFC000  }
0x101: {  	[tilespmem:s21], [sflag:$0x4] =	stream.indirect.gather [hbm4b:s4+s16], $0x80, s8, s16, $0xb8;
	[tilespmem:$0x1D000] =	vst v63  }
0x102: {  	s9 =	rddreg [dreg:$0xa]  }
0x103: {  	[spmem:s1] =	stream.indirect.scatter.add.f32 [tilespmem:s17], [sflag:$0x5], $0x80, s9, s16, $0xb8;
	[tilespmem:$0x1D000] =	vst v63  }
0x104: {  	_ =	swait.ge [sflag:s13], $0x4000  }
0x105: {  	[sflag:s13] =	ssyncset.done $0x0  }
0x106: {  	[sflag:s13] =	ssyncadd.s32 $0xFFFFC000  }
0x107: {  	_ =	swait.ge [sflag:s22], $0x4000  }
0x108: {  	[sflag:s22] =	ssyncset.done $0x0  }
0x109: {  	s8 =	rddreg [dreg:$0xb];
	[sflag:s22] =	ssyncadd.s32 $0xFFFFC000  }
0x10a: {  	[tilespmem:s17], [sflag:$0x3] =	stream.indirect.gather [hbm4b:s4+s16], $0x80, s8, s16, $0xb8;
	[tilespmem:$0x1D000] =	vst v63  }
0x10b: {  	s9 =	rddreg [dreg:$0xc]  }
0x10c: {  	[spmem:s1] =	stream.indirect.scatter.add.f32 [tilespmem:s21], [sflag:$0x5], $0x80, s9, s16, $0xb8;
	[tilespmem:$0x1D000] =	vst v63  }
0x10d: {  	_ =	swait.ge [sflag:s13], $0x4000  }
0x10e: {  	[sflag:s13] =	ssyncset.done $0x0  }
0x10f: {  	[sflag:s13] =	ssyncadd.s32 $0xFFFFC000  }
0x110: {  	_ =	swait.ge [sflag:s20], $0x4000  }
0x111: {  	[sflag:s20] =	ssyncset.done $0x0  }
0x112: {  	s8 =	rddreg [dreg:$0xd];
	[sflag:s20] =	ssyncadd.s32 $0xFFFFC000  }
0x113: {  	[tilespmem:s21], [sflag:$0x4] =	stream.indirect.gather [hbm4b:s4+s16], $0x80, s8, s16, $0xb8;
	[tilespmem:$0x1D000] =	vst v63  }
0x114: {  	s9 =	rddreg [dreg:$0xe]  }
0x115: {  	[spmem:s1] =	stream.indirect.scatter.add.f32 [tilespmem:s17], [sflag:$0x5], $0x80, s9, s16, $0xb8;
	[tilespmem:$0x1D000] =	vst v63  }
0x116: {  	_ =	swait.ge [sflag:s13], $0x4000  }
0x117: {  	[sflag:s13] =	ssyncset.done $0x0  }
0x118: {  	[sflag:s13] =	ssyncadd.s32 $0xFFFFC000  }
0x119: {  	_ =	swait.ge [sflag:s22], $0x4000  }
0x11a: {  	[sflag:s22] =	ssyncset.done $0x0  }
0x11b: {  	[sflag:s22] =	ssyncadd.s32 $0xFFFFC000  }
0x11c: {  	_ =	swait.ge [sflag:s23], $0x400  }
0x11d: {  	[sflag:s23] =	ssyncset.done $0x0  }
0x11e: {  	[sflag:s23] =	ssyncadd.s32 $0xFFFFFC00  }
0x11f: {  	_ =	swait.ge [sflag:s23], $0x400  }
0x120: {  	[sflag:s23] =	ssyncset.done $0x0  }
0x121: {  	[sflag:s23] =	ssyncadd.s32 $0xFFFFFC00  }
0x122: {  	[tilespmem:s17], [sflag:$0x3] =	stream.indirect.gather [hbm4b:s4+s16], $0x80, s18, s16, $0xb8;
	[tilespmem:$0x1D000] =	vst v63  }
0x123: {  	s9 =	rddreg [dreg:$0xf]  }
0x124: {  	[spmem:s1] =	stream.indirect.scatter.add.f32 [tilespmem:s21], [sflag:$0x5], $0x80, s9, s16, $0xb8;
	[tilespmem:$0x1D000] =	vst v63  }
0x125: {  	s5 =	smov.u32 s2;
	p1 =	seq.s32 s0, $0x400;
	_ =	swait.ge [sflag:s13], $0x4000  }
0x126: {  	s8 =	sadd.s32 @!p1 s0, s11;
	s0 =	smov.u32 s5;
	[sflag:s13] =	ssyncset.done $0x0  }
0x127: {  	s5 =	simm.s32 @!p1 $0x0;
	s9 =	sadd.s32 @!p1 $0x100, s8;
	[sflag:s13] =	ssyncadd.s32 $0xFFFFC000  }
0x128: {  	[tilespmem:s5], [sflag:$0x1] =	stream.linear.gather @!p1 [hbm4b:s9+s5], $0x400, $0x38;
	[tilespmem:$0x1D000] =	vst v63  }
0x129: {  	s8 =	sadd.s32 @!p1 $0xA100, s8;
	s9 =	simm.s32 @!p1 $0x400  }
0x12a: {  	[tilespmem:s9], [sflag:$0x1] =	stream.linear.gather @!p1 [hbm4b:s8+s5], $0x400, $0x38;
	[tilespmem:$0x1D000] =	vst v63  }
0x12b: {  	_ =	swait.ge [sflag:s20], $0x4000  }
0x12c: {  	[sflag:s20] =	ssyncset.done $0x0  }
0x12d: {  	s9 =	rddreg [dreg:$0x10];
	[sflag:s20] =	ssyncadd.s32 $0xFFFFC000  }
0x12e: {  	[tilespmem:s21], [sflag:$0x4] =	stream.indirect.gather [hbm4b:s4+s16], $0x80, s9, s16, $0xb8;
	[tilespmem:$0x1D000] =	vst v63  }
0x12f: {  	_ = 	snop  }
0x130: {  	[spmem:s1] =	stream.indirect.scatter.add.f32 [tilespmem:s17], [sflag:$0x5], $0x80, s19, s16, $0xb8;
	[tilespmem:$0x1D000] =	vst v63  }
0x131: {  	_ =	swait.ge [sflag:s13], $0x4000  }
0x132: {  	[sflag:s13] =	ssyncset.done $0x0  }
0x133: {  	[sflag:s13] =	ssyncadd.s32 $0xFFFFC000  }
0x134: {  	_ =	swait.ge [sflag:s22], $0x4000  }
0x135: {  	[sflag:s22] =	ssyncset.done $0x0  }
0x136: {  	s8 =	rddreg [dreg:$0x11];
	[sflag:s22] =	ssyncadd.s32 $0xFFFFC000  }
0x137: {  	[tilespmem:s17], [sflag:$0x3] =	stream.indirect.gather [hbm4b:s4+s16], $0x80, s8, s16, $0xb8;
	[tilespmem:$0x1D000] =	vst v63  }
0x138: {  	s9 =	rddreg [dreg:$0x12]  }
0x139: {  	[spmem:s1] =	stream.indirect.scatter.add.f32 [tilespmem:s21], [sflag:$0x5], $0x80, s9, s16, $0xb8;
	[tilespmem:$0x1D000] =	vst v63  }
0x13a: {  	_ =	swait.ge [sflag:s13], $0x4000  }
0x13b: {  	[sflag:s13] =	ssyncset.done $0x0  }
0x13c: {  	[sflag:s13] =	ssyncadd.s32 $0xFFFFC000  }
0x13d: {  	_ =	swait.ge [sflag:s20], $0x4000  }
0x13e: {  	[sflag:s20] =	ssyncset.done $0x0  }
0x13f: {  	s8 =	rddreg [dreg:$0x13];
	[sflag:s20] =	ssyncadd.s32 $0xFFFFC000  }
0x140: {  	[tilespmem:s21], [sflag:$0x4] =	stream.indirect.gather [hbm4b:s4+s16], $0x80, s8, s16, $0xb8;
	[tilespmem:$0x1D000] =	vst v63  }
0x141: {  	s9 =	rddreg [dreg:$0x14]  }
0x142: {  	[spmem:s1] =	stream.indirect.scatter.add.f32 [tilespmem:s17], [sflag:$0x5], $0x80, s9, s16, $0xb8;
	[tilespmem:$0x1D000] =	vst v63  }
0x143: {  	_ =	swait.ge [sflag:s13], $0x4000  }
0x144: {  	[sflag:s13] =	ssyncset.done $0x0  }
0x145: {  	[sflag:s13] =	ssyncadd.s32 $0xFFFFC000  }
0x146: {  	_ =	swait.ge [sflag:s22], $0x4000  }
0x147: {  	[sflag:s22] =	ssyncset.done $0x0  }
0x148: {  	s8 =	rddreg [dreg:$0x15];
	[sflag:s22] =	ssyncadd.s32 $0xFFFFC000  }
0x149: {  	[tilespmem:s17], [sflag:$0x3] =	stream.indirect.gather [hbm4b:s4+s16], $0x80, s8, s16, $0xb8;
	[tilespmem:$0x1D000] =	vst v63  }
0x14a: {  	s9 =	rddreg [dreg:$0x16]  }
0x14b: {  	[spmem:s1] =	stream.indirect.scatter.add.f32 [tilespmem:s21], [sflag:$0x5], $0x80, s9, s16, $0xb8;
	[tilespmem:$0x1D000] =	vst v63  }
0x14c: {  	_ =	swait.ge [sflag:s13], $0x4000  }
0x14d: {  	[sflag:s13] =	ssyncset.done $0x0  }
0x14e: {  	[sflag:s13] =	ssyncadd.s32 $0xFFFFC000  }
0x14f: {  	_ =	swait.ge [sflag:s20], $0x4000  }
0x150: {  	[sflag:s20] =	ssyncset.done $0x0  }
0x151: {  	s9 =	rddreg [dreg:$0x17];
	[sflag:s20] =	ssyncadd.s32 $0xFFFFC000  }
0x152: {  	[tilespmem:s21], [sflag:$0x4] =	stream.indirect.gather [hbm4b:s4+s16], $0x80, s9, s16, $0xb8;
	[tilespmem:$0x1D000] =	vst v63  }
0x153: {  	_ = 	snop  }
0x154: {  	[spmem:s1] =	stream.indirect.scatter.add.f32 [tilespmem:s17], [sflag:$0x5], $0x80, s24, s16, $0xb8;
	[tilespmem:$0x1D000] =	vst v63  }
0x155: {  	_ =	swait.ge [sflag:s13], $0x4000  }
0x156: {  	[sflag:s13] =	ssyncset.done $0x0  }
0x157: {  	[sflag:s13] =	ssyncadd.s32 $0xFFFFC000  }
0x158: {  	_ =	swait.ge [sflag:s22], $0x4000  }
0x159: {  	[sflag:s22] =	ssyncset.done $0x0  }
0x15a: {  	[sflag:s22] =	ssyncadd.s32 $0xFFFFC000  }
0x15b: {  	[tilespmem:s17], [sflag:$0x3] =	stream.indirect.gather [hbm4b:s4+s16], $0x80, s25, s16, $0xb8;
	[tilespmem:$0x1D000] =	vst v63  }
0x15c: {  	_ = 	snop  }
0x15d: {  	[spmem:s1] =	stream.indirect.scatter.add.f32 [tilespmem:s21], [sflag:$0x5], $0x80, s26, s16, $0xb8;
	[tilespmem:$0x1D000] =	vst v63  }
0x15e: {  	_ =	swait.ge [sflag:s13], $0x4000  }
0x15f: {  	[sflag:s13] =	ssyncset.done $0x0  }
0x160: {  	[sflag:s13] =	ssyncadd.s32 $0xFFFFC000  }
0x161: {  	_ =	swait.ge [sflag:s20], $0x4000  }
0x162: {  	[sflag:s20] =	ssyncset.done $0x0  }
0x163: {  	[sflag:s20] =	ssyncadd.s32 $0xFFFFC000  }
0x164: {  	[tilespmem:s21], [sflag:$0x4] =	stream.indirect.gather [hbm4b:s4+s16], $0x80, s28, s16, $0xb8;
	[tilespmem:$0x1D000] =	vst v63  }
0x165: {  	_ = 	snop  }
0x166: {  	[spmem:s1] =	stream.indirect.scatter.add.f32 [tilespmem:s17], [sflag:$0x5], $0x80, s29, s16, $0xb8;
	[tilespmem:$0x1D000] =	vst v63  }
0x167: {  	_ =	swait.ge [sflag:s13], $0x4000  }
0x168: {  	[sflag:s13] =	ssyncset.done $0x0  }
0x169: {  	[sflag:s13] =	ssyncadd.s32 $0xFFFFC000  }
0x16a: {  	_ =	swait.ge [sflag:s22], $0x4000  }
0x16b: {  	[sflag:s22] =	ssyncset.done $0x0  }
0x16c: {  	s8 =	simm.s32 @!p1 $0x1;
	[sflag:s22] =	ssyncadd.s32 $0xFFFFC000  }
0x16d: {  	_ =	swait.ge @!p1 [sflag:s8], $0x400  }
0x16e: {  	[sflag:s8] =	ssyncset.done @!p1 $0x0  }
0x16f: {  	[sflag:s8] =	ssyncadd.s32 @!p1 $0xFFFFFC00  }
0x170: {  	s2 =	sadd.s32 $0x100, s2;
	_ =	swait.ge @!p1 [sflag:s8], $0x400  }
0x171: {  	p0 =	sne.s32 s2, $0x500;
	[sflag:s8] =	ssyncset.done @!p1 $0x0  }
0x172: {  	s9 =	simm.s32 @!p1 $0x1000;
	[sflag:s8] =	ssyncadd.s32 @!p1 $0xFFFFFC00;
	s8 =	simm.s32 @!p1 $0x80  }
0x173: {  	[tilespmem:s9], [sflag:$0x3] =	stream.indirect.gather @!p1 [hbm4b:s4+s8], $0x80, s5, s8, $0xb8;
	[tilespmem:$0x1D000] =	vst v63  }
.Ltmp0:
0x174: {  	_ = 	snop;
	(pc) =	sbr.rel @p0 .LBB2_2-.Ltmp0, $4  }
0x175: {  	_ = 	snop  }
0x176: {  	[spmem:s1] =	stream.indirect.scatter.add.f32 [tilespmem:s21], [sflag:$0x5], $0x80, s30, s16, $0xb8;
	[tilespmem:$0x1D000] =	vst v63  }
0x177: {  	_ =	swait.ge [sflag:s13], $0x4000  }
0x178: {  	[sflag:s13] =	ssyncset.done $0x0  }
0x179: {  	s2 =	sadd.s32 s0, s11  }
0x17a: {  	[sflag:s13] =	ssyncadd.s32 $0xFFFFC000;
	s5 =	sadd.s32 $0x80, s2  }
0x17b: {  	[tilespmem:s18], [sflag:$0x2] =	stream.linear.gather [hbm4b:s5+s3], $0x400, $0x38;
	[tilespmem:$0x1D000] =	vst v63  }
0x17c: {  	s2 =	sadd.s32 $0xA080, s2  }
0x17d: {  	[tilespmem:s19], [sflag:$0x2] =	stream.linear.gather [hbm4b:s2+s3], $0x400, $0x38;
	[tilespmem:$0x1D000] =	vst v63  }
0x17e: {  	_ =	swait.ge [sflag:s20], $0x4000  }
0x17f: {  	[sflag:s20] =	ssyncset.done $0x0  }
0x180: {  	[sflag:s20] =	ssyncadd.s32 $0xFFFFC000  }
0x181: {  	[tilespmem:s21], [sflag:$0x4] =	stream.indirect.gather [hbm4b:s4+s16], $0x80, s16, s16, $0xb8;
	[tilespmem:$0x1D000] =	vst v63  }
0x182: {  	_ = 	snop  }
0x183: {  	[spmem:s1] =	stream.indirect.scatter.add.f32 [tilespmem:s17], [sflag:$0x5], $0x80, s14, s16, $0xb8;
	[tilespmem:$0x1D000] =	vst v63  }
0x184: {  	_ =	swait.ge [sflag:s13], $0x4000  }
0x185: {  	[sflag:s13] =	ssyncset.done $0x0  }
0x186: {  	[sflag:s13] =	ssyncadd.s32 $0xFFFFC000  }
0x187: {  	_ =	swait.ge [sflag:s22], $0x4000  }
0x188: {  	[sflag:s22] =	ssyncset.done $0x0  }
0x189: {  	s8 =	rddreg [dreg:$0x3];
	[sflag:s22] =	ssyncadd.s32 $0xFFFFC000  }
0x18a: {  	[tilespmem:s17], [sflag:$0x3] =	stream.indirect.gather [hbm4b:s4+s16], $0x80, s8, s16, $0xb8;
	[tilespmem:$0x1D000] =	vst v63  }
0x18b: {  	s9 =	rddreg [dreg:$0x4]  }
0x18c: {  	[spmem:s1] =	stream.indirect.scatter.add.f32 [tilespmem:s21], [sflag:$0x5], $0x80, s9, s16, $0xb8;
	[tilespmem:$0x1D000] =	vst v63  }
0x18d: {  	_ =	swait.ge [sflag:s13], $0x4000  }
0x18e: {  	[sflag:s13] =	ssyncset.done $0x0  }
0x18f: {  	[sflag:s13] =	ssyncadd.s32 $0xFFFFC000  }
0x190: {  	_ =	swait.ge [sflag:s20], $0x4000  }
0x191: {  	[sflag:s20] =	ssyncset.done $0x0  }
0x192: {  	s8 =	rddreg [dreg:$0x5];
	[sflag:s20] =	ssyncadd.s32 $0xFFFFC000  }
0x193: {  	[tilespmem:s21], [sflag:$0x4] =	stream.indirect.gather [hbm4b:s4+s16], $0x80, s8, s16, $0xb8;
	[tilespmem:$0x1D000] =	vst v63  }
0x194: {  	s9 =	rddreg [dreg:$0x6]  }
0x195: {  	[spmem:s1] =	stream.indirect.scatter.add.f32 [tilespmem:s17], [sflag:$0x5], $0x80, s9, s16, $0xb8;
	[tilespmem:$0x1D000] =	vst v63  }
0x196: {  	_ =	swait.ge [sflag:s13], $0x4000  }
0x197: {  	[sflag:s13] =	ssyncset.done $0x0  }
0x198: {  	[sflag:s13] =	ssyncadd.s32 $0xFFFFC000  }
0x199: {  	_ =	swait.ge [sflag:s22], $0x4000  }
0x19a: {  	[sflag:s22] =	ssyncset.done $0x0  }
0x19b: {  	s8 =	rddreg [dreg:$0x7];
	[sflag:s22] =	ssyncadd.s32 $0xFFFFC000  }
0x19c: {  	[tilespmem:s17], [sflag:$0x3] =	stream.indirect.gather [hbm4b:s4+s16], $0x80, s8, s16, $0xb8;
	[tilespmem:$0x1D000] =	vst v63  }
0x19d: {  	s9 =	rddreg [dreg:$0x8]  }
0x19e: {  	[spmem:s1] =	stream.indirect.scatter.add.f32 [tilespmem:s21], [sflag:$0x5], $0x80, s9, s16, $0xb8;
	[tilespmem:$0x1D000] =	vst v63  }
0x19f: {  	_ =	swait.ge [sflag:s13], $0x4000  }
0x1a0: {  	[sflag:s13] =	ssyncset.done $0x0  }
0x1a1: {  	[sflag:s13] =	ssyncadd.s32 $0xFFFFC000  }
0x1a2: {  	_ =	swait.ge [sflag:s20], $0x4000  }
0x1a3: {  	[sflag:s20] =	ssyncset.done $0x0  }
0x1a4: {  	s8 =	rddreg [dreg:$0x9];
	[sflag:s20] =	ssyncadd.s32 $0xFFFFC000  }
0x1a5: {  	[tilespmem:s21], [sflag:$0x4] =	stream.indirect.gather [hbm4b:s4+s16], $0x80, s8, s16, $0xb8;
	[tilespmem:$0x1D000] =	vst v63  }
0x1a6: {  	s9 =	rddreg [dreg:$0xa]  }
0x1a7: {  	[spmem:s1] =	stream.indirect.scatter.add.f32 [tilespmem:s17], [sflag:$0x5], $0x80, s9, s16, $0xb8;
	[tilespmem:$0x1D000] =	vst v63  }
0x1a8: {  	_ =	swait.ge [sflag:s13], $0x4000  }
0x1a9: {  	[sflag:s13] =	ssyncset.done $0x0  }
0x1aa: {  	[sflag:s13] =	ssyncadd.s32 $0xFFFFC000  }
0x1ab: {  	_ =	swait.ge [sflag:s22], $0x4000  }
0x1ac: {  	[sflag:s22] =	ssyncset.done $0x0  }
0x1ad: {  	s8 =	rddreg [dreg:$0xb];
	[sflag:s22] =	ssyncadd.s32 $0xFFFFC000  }
0x1ae: {  	[tilespmem:s17], [sflag:$0x3] =	stream.indirect.gather [hbm4b:s4+s16], $0x80, s8, s16, $0xb8;
	[tilespmem:$0x1D000] =	vst v63  }
0x1af: {  	s9 =	rddreg [dreg:$0xc]  }
0x1b0: {  	[spmem:s1] =	stream.indirect.scatter.add.f32 [tilespmem:s21], [sflag:$0x5], $0x80, s9, s16, $0xb8;
	[tilespmem:$0x1D000] =	vst v63  }
0x1b1: {  	_ =	swait.ge [sflag:s13], $0x4000  }
0x1b2: {  	[sflag:s13] =	ssyncset.done $0x0  }
0x1b3: {  	[sflag:s13] =	ssyncadd.s32 $0xFFFFC000  }
0x1b4: {  	_ =	swait.ge [sflag:s20], $0x4000  }
0x1b5: {  	[sflag:s20] =	ssyncset.done $0x0  }
0x1b6: {  	s5 =	rddreg [dreg:$0xd];
	[sflag:s20] =	ssyncadd.s32 $0xFFFFC000  }
0x1b7: {  	[tilespmem:s21], [sflag:$0x4] =	stream.indirect.gather [hbm4b:s4+s16], $0x80, s5, s16, $0xb8;
	[tilespmem:$0x1D000] =	vst v63  }
0x1b8: {  	s8 =	rddreg [dreg:$0xe]  }
0x1b9: {  	[spmem:s1] =	stream.indirect.scatter.add.f32 [tilespmem:s17], [sflag:$0x5], $0x80, s8, s16, $0xb8;
	[tilespmem:$0x1D000] =	vst v63  }
0x1ba: {  	_ =	swait.ge [sflag:s13], $0x4000  }
0x1bb: {  	[sflag:s13] =	ssyncset.done $0x0  }
0x1bc: {  	[sflag:s13] =	ssyncadd.s32 $0xFFFFC000  }
0x1bd: {  	_ =	swait.ge [sflag:s22], $0x4000  }
0x1be: {  	[sflag:s22] =	ssyncset.done $0x0  }
0x1bf: {  	[sflag:s22] =	ssyncadd.s32 $0xFFFFC000  }
0x1c0: {  	_ =	swait.ge [sflag:s23], $0x400  }
0x1c1: {  	[sflag:s23] =	ssyncset.done $0x0  }
0x1c2: {  	[sflag:s23] =	ssyncadd.s32 $0xFFFFFC00  }
0x1c3: {  	_ =	swait.ge [sflag:s23], $0x400  }
0x1c4: {  	[sflag:s23] =	ssyncset.done $0x0  }
0x1c5: {  	[sflag:s23] =	ssyncadd.s32 $0xFFFFFC00  }
0x1c6: {  	[tilespmem:s17], [sflag:$0x3] =	stream.indirect.gather [hbm4b:s4+s16], $0x80, s18, s16, $0xb8;
	[tilespmem:$0x1D000] =	vst v63  }
0x1c7: {  	s9 =	rddreg [dreg:$0xf]  }
0x1c8: {  	[spmem:s1] =	stream.indirect.scatter.add.f32 [tilespmem:s21], [sflag:$0x5], $0x80, s9, s16, $0xb8;
	[tilespmem:$0x1D000] =	vst v63  }
0x1c9: {  	p0 =	seq.s32 s0, $0x400;
	_ =	swait.ge [sflag:s13], $0x4000  }
0x1ca: {  	s2 =	sadd.s32 @!p0 s0, s11;
	[sflag:s13] =	ssyncset.done $0x0  }
0x1cb: {  	s0 =	simm.s32 @!p0 $0x0;
	s5 =	sadd.s32 @!p0 $0x100, s2;
	[sflag:s13] =	ssyncadd.s32 $0xFFFFC000  }
0x1cc: {  	[tilespmem:s0], [sflag:$0x1] =	stream.linear.gather @!p0 [hbm4b:s5+s0], $0x400, $0x38;
	[tilespmem:$0x1D000] =	vst v63  }
0x1cd: {  	s2 =	sadd.s32 @!p0 $0xA100, s2;
	s5 =	simm.s32 @!p0 $0x400  }
0x1ce: {  	[tilespmem:s5], [sflag:$0x1] =	stream.linear.gather @!p0 [hbm4b:s2+s0], $0x400, $0x38;
	[tilespmem:$0x1D000] =	vst v63  }
0x1cf: {  	_ =	swait.ge [sflag:s20], $0x4000  }
0x1d0: {  	[sflag:s20] =	ssyncset.done $0x0  }
0x1d1: {  	s5 =	rddreg [dreg:$0x10];
	[sflag:s20] =	ssyncadd.s32 $0xFFFFC000  }
0x1d2: {  	[tilespmem:s21], [sflag:$0x4] =	stream.indirect.gather [hbm4b:s4+s16], $0x80, s5, s16, $0xb8;
	[tilespmem:$0x1D000] =	vst v63  }
0x1d3: {  	_ = 	snop  }
0x1d4: {  	[spmem:s1] =	stream.indirect.scatter.add.f32 [tilespmem:s17], [sflag:$0x5], $0x80, s19, s16, $0xb8;
	[tilespmem:$0x1D000] =	vst v63  }
0x1d5: {  	_ =	swait.ge [sflag:s13], $0x4000  }
0x1d6: {  	[sflag:s13] =	ssyncset.done $0x0  }
0x1d7: {  	[sflag:s13] =	ssyncadd.s32 $0xFFFFC000  }
0x1d8: {  	_ =	swait.ge [sflag:s22], $0x4000  }
0x1d9: {  	[sflag:s22] =	ssyncset.done $0x0  }
0x1da: {  	s8 =	rddreg [dreg:$0x11];
	[sflag:s22] =	ssyncadd.s32 $0xFFFFC000  }
0x1db: {  	[tilespmem:s17], [sflag:$0x3] =	stream.indirect.gather [hbm4b:s4+s16], $0x80, s8, s16, $0xb8;
	[tilespmem:$0x1D000] =	vst v63  }
0x1dc: {  	s9 =	rddreg [dreg:$0x12]  }
0x1dd: {  	[spmem:s1] =	stream.indirect.scatter.add.f32 [tilespmem:s21], [sflag:$0x5], $0x80, s9, s16, $0xb8;
	[tilespmem:$0x1D000] =	vst v63  }
0x1de: {  	_ =	swait.ge [sflag:s13], $0x4000  }
0x1df: {  	[sflag:s13] =	ssyncset.done $0x0  }
0x1e0: {  	[sflag:s13] =	ssyncadd.s32 $0xFFFFC000  }
0x1e1: {  	_ =	swait.ge [sflag:s20], $0x4000  }
0x1e2: {  	[sflag:s20] =	ssyncset.done $0x0  }
0x1e3: {  	s8 =	rddreg [dreg:$0x13];
	[sflag:s20] =	ssyncadd.s32 $0xFFFFC000  }
0x1e4: {  	[tilespmem:s21], [sflag:$0x4] =	stream.indirect.gather [hbm4b:s4+s16], $0x80, s8, s16, $0xb8;
	[tilespmem:$0x1D000] =	vst v63  }
0x1e5: {  	s9 =	rddreg [dreg:$0x14]  }
0x1e6: {  	[spmem:s1] =	stream.indirect.scatter.add.f32 [tilespmem:s17], [sflag:$0x5], $0x80, s9, s16, $0xb8;
	[tilespmem:$0x1D000] =	vst v63  }
0x1e7: {  	_ =	swait.ge [sflag:s13], $0x4000  }
0x1e8: {  	[sflag:s13] =	ssyncset.done $0x0  }
0x1e9: {  	[sflag:s13] =	ssyncadd.s32 $0xFFFFC000  }
0x1ea: {  	_ =	swait.ge [sflag:s22], $0x4000  }
0x1eb: {  	[sflag:s22] =	ssyncset.done $0x0  }
0x1ec: {  	s8 =	rddreg [dreg:$0x15];
	[sflag:s22] =	ssyncadd.s32 $0xFFFFC000  }
0x1ed: {  	[tilespmem:s17], [sflag:$0x3] =	stream.indirect.gather [hbm4b:s4+s16], $0x80, s8, s16, $0xb8;
	[tilespmem:$0x1D000] =	vst v63  }
0x1ee: {  	s9 =	rddreg [dreg:$0x16]  }
0x1ef: {  	[spmem:s1] =	stream.indirect.scatter.add.f32 [tilespmem:s21], [sflag:$0x5], $0x80, s9, s16, $0xb8;
	[tilespmem:$0x1D000] =	vst v63  }
0x1f0: {  	_ =	swait.ge [sflag:s13], $0x4000  }
0x1f1: {  	[sflag:s13] =	ssyncset.done $0x0  }
0x1f2: {  	[sflag:s13] =	ssyncadd.s32 $0xFFFFC000  }
0x1f3: {  	_ =	swait.ge [sflag:s20], $0x4000  }
0x1f4: {  	[sflag:s20] =	ssyncset.done $0x0  }
0x1f5: {  	s8 =	rddreg [dreg:$0x17];
	[sflag:s20] =	ssyncadd.s32 $0xFFFFC000  }
0x1f6: {  	[tilespmem:s21], [sflag:$0x4] =	stream.indirect.gather [hbm4b:s4+s16], $0x80, s8, s16, $0xb8;
	[tilespmem:$0x1D000] =	vst v63  }
0x1f7: {  	_ = 	snop  }
0x1f8: {  	[spmem:s1] =	stream.indirect.scatter.add.f32 [tilespmem:s17], [sflag:$0x5], $0x80, s24, s16, $0xb8;
	[tilespmem:$0x1D000] =	vst v63  }
0x1f9: {  	_ =	swait.ge [sflag:s13], $0x4000  }
0x1fa: {  	[sflag:s13] =	ssyncset.done $0x0  }
0x1fb: {  	[sflag:s13] =	ssyncadd.s32 $0xFFFFC000  }
0x1fc: {  	_ =	swait.ge [sflag:s22], $0x4000  }
0x1fd: {  	[sflag:s22] =	ssyncset.done $0x0  }
0x1fe: {  	[sflag:s22] =	ssyncadd.s32 $0xFFFFC000  }
0x1ff: {  	[tilespmem:s17], [sflag:$0x3] =	stream.indirect.gather [hbm4b:s4+s16], $0x80, s25, s16, $0xb8;
	[tilespmem:$0x1D000] =	vst v63  }
0x200: {  	_ = 	snop  }
0x201: {  	[spmem:s1] =	stream.indirect.scatter.add.f32 [tilespmem:s21], [sflag:$0x5], $0x80, s26, s16, $0xb8;
	[tilespmem:$0x1D000] =	vst v63  }
0x202: {  	_ =	swait.ge [sflag:s13], $0x4000  }
0x203: {  	[sflag:s13] =	ssyncset.done $0x0  }
0x204: {  	[sflag:s13] =	ssyncadd.s32 $0xFFFFC000  }
0x205: {  	_ =	swait.ge [sflag:s20], $0x4000  }
0x206: {  	[sflag:s20] =	ssyncset.done $0x0  }
0x207: {  	[sflag:s20] =	ssyncadd.s32 $0xFFFFC000  }
0x208: {  	[tilespmem:s21], [sflag:$0x4] =	stream.indirect.gather [hbm4b:s4+s16], $0x80, s28, s16, $0xb8;
	[tilespmem:$0x1D000] =	vst v63  }
0x209: {  	_ = 	snop  }
0x20a: {  	[spmem:s1] =	stream.indirect.scatter.add.f32 [tilespmem:s17], [sflag:$0x5], $0x80, s29, s16, $0xb8;
	[tilespmem:$0x1D000] =	vst v63  }
0x20b: {  	_ =	swait.ge [sflag:s13], $0x4000  }
0x20c: {  	[sflag:s13] =	ssyncset.done $0x0  }
0x20d: {  	[sflag:s13] =	ssyncadd.s32 $0xFFFFC000  }
0x20e: {  	_ =	swait.ge [sflag:s22], $0x4000  }
0x20f: {  	[sflag:s22] =	ssyncset.done $0x0  }
0x210: {  	s2 =	simm.s32 @!p0 $0x1;
	[sflag:s22] =	ssyncadd.s32 $0xFFFFC000  }
0x211: {  	_ =	swait.ge @!p0 [sflag:s2], $0x400  }
0x212: {  	[sflag:s2] =	ssyncset.done @!p0 $0x0  }
0x213: {  	[sflag:s2] =	ssyncadd.s32 @!p0 $0xFFFFFC00  }
0x214: {  	_ =	swait.ge @!p0 [sflag:s2], $0x400  }
0x215: {  	[sflag:s2] =	ssyncset.done @!p0 $0x0  }
0x216: {  	s5 =	simm.s32 @!p0 $0x1000;
	[sflag:s2] =	ssyncadd.s32 @!p0 $0xFFFFFC00;
	s2 =	simm.s32 @!p0 $0x80  }
0x217: {  	[tilespmem:s5], [sflag:$0x3] =	stream.indirect.gather @!p0 [hbm4b:s4+s2], $0x80, s0, s2, $0xb8;
	[tilespmem:$0x1D000] =	vst v63  }
0x218: {  	_ = 	snop  }
0x219: {  	[spmem:s1] =	stream.indirect.scatter.add.f32 [tilespmem:s21], [sflag:$0x5], $0x80, s30, s16, $0xb8;
	[tilespmem:$0x1D000] =	vst v63  }
0x21a: {  	_ =	swait.ge [sflag:s13], $0x4000  }
0x21b: {  	[sflag:s13] =	ssyncset.done $0x0  }
0x21c: {  	s31 =	sadd.s32 $0x1, s31;
	[sflag:s13] =	ssyncadd.s32 $0xFFFFC000  }
0x21d: {  	p0 =	sne.s32 s31, s10;
	[bflag:$0x0] =	sbarrier.arrive $0xFFFF  }
.Ltmp1:
0x21e: {  	s9 =	rddreg [dreg:$0x1a];
	(pc) =	sbr.rel @p0 .LBB2_1-.Ltmp1, $4  }
0x21f: {  	[hbm:s9], [sflag:s6] =	dma.local [spmem:s12], $0x2800  }
0x220: {  	_ =	swait.ge [sflag:s13], $0x2800  }
0x221: {  	[sflag:s13] =	ssyncset.done $0x0  }
0x222: {  	[sflag:s13] =	ssyncadd.s32 $0xFFFFD800  }
0x223: {  	_ =	sfence.sel $0x180000  }
0x224: {  	[bflag:$0x0] =	sbarrier.arrive $0xFFFF  }
0x225: {  	_ =	strace $0x9000004A  }
0x226: {  	s0 =	stileid.u32;
	[bflag:$0x2] =	sbarrier.arrive $0xFFFF  }
0x227: {  	p0 =	sne.s32 s0, $0x0;
	s0 =	rddreg [dreg:$0x2]  }
0x228: {  	s0 =	sadd.s32 @!p0 $0x100000, s0  }
0x229: {  	[sflag:s0] =	ssyncadd.tile.s32 @!p0 $0x1;
	_ =	shalt  }
.Lfunc_end2:
_tile_overlayer_lowered:
.L_overlay_start_2:
0x22a: {  	(tag) =	ssettag $0x2  }
0x22b: {  	s0 =	rddreg [dreg:$0x0];
	s2 =	stileid.u32  }
0x22c: {  	s1 =	rddreg [dreg:$0x1];
	p0 =	sne.s32 s2, $0x0  }
0x22d: {  	s3 =	rddreg [dreg:$0x2];
	[bflag:$0x3] =	sbarrier.arrive $0xFFFF;
	s2 =	simm.s32 @!p0 $0x1C05  }
0x22e: {  	[timem:s3], [sflag:s2] =	dma.local @!p0 [hbm:s0], s1  }
0x22f: {  	s0 =	simm.s32 @!p0 $0x5  }
0x230: {  	_ =	swait.ge @!p0 [sflag:s0], s1  }
0x231: {  	s1 =	ssub.s32 @!p0 $0x0, s1;
	[sflag:s0] =	ssyncset.done @!p0 $0x0  }
0x232: {  	[sflag:s0] =	ssyncadd.s32 @!p0 s1  }
0x233: {  	[bflag:$0x3] =	sbarrier.arrive $0xFFFF  }
0x234: {  	_ =	shalt  }

// kernel: kernel.14.cloned.1.call-start
scs
__scs_entry_jumppad:
0x0: {  	(pc) =	sbr.rel $0x88, $3  }
0x1: {  	(tag) =	ssettag $0x0;
	lr =	simm.s32 $0x1  }
0x2: {  	[smem:$0x3F83] =	sst lr;
	_ =	strace $0xD0000000  }
0x3: {  	_ = 	snop  }
0x4: {  	_ = 	snop  }
0x5: {  	_ = 	snop  }
0x6: {  	_ = 	snop  }
0x7: {  	_ = 	snop  }
__scs_overlays_trampoline_lowered:
0x8: {  	[smem:$0x3F92] =	sst s0  }
0x9: {  	[smem:$0x3F93] =	sst s1  }
0xa: {  	[smem:$0x3F94] =	sst s2  }
0xb: {  	[smem:$0x3F95] =	sst s3  }
0xc: {  	[smem:$0x3F96] =	sst s4  }
0xd: {  	[smem:$0x3F97] =	sst s5  }
0xe: {  	[smem:$0x3F98] =	sst s6  }
0xf: {  	[smem:$0x3F99] =	sst s7  }
0x10: {  	[smem:$0x3F9A] =	sst s8  }
0x11: {  	[smem:$0x3F9B] =	sst s9;
	s0 =	simm.s32 @!p0 $0x0  }
0x12: {  	s1 =	sld [smem:$0x3F81];
	s0 =	simm.s32 @p0 $0x1  }
0x13: {  	[smem:$0x3F9C] =	sst s0;
	s0 =	simm.s32 @!p1 $0x0  }
0x14: {  	s2 =	sld [smem:$0x3F80];
	s0 =	simm.s32 @p1 $0x1  }
0x15: {  	[smem:$0x3F9D] =	sst s0;
	s0 =	simm.s32 @!p2 $0x0  }
0x16: {  	s3 =	sld [smem:$0x3FDB];
	s0 =	simm.s32 @p2 $0x1  }
0x17: {  	s4 =	simm.s32 $0x1BF5;
	[smem:$0x3F9F] =	sst s0  }
0x18: {  	s0 =	sld [smem:$0x3F82];
	_ =	swait.ge [sflag:s4], $0x0  }
0x19: {  	s7 =	sld [smem:$0x3F83]  }
0x1a: {  	s8 =	sadd.s32 $0xFFFFE003, lr  }
0x1b: {  	s9 =	sadd.s32 $0xFFFFFEF7, lr;
	s5 =	simm.s32 $0xFFFFFFFF;
	p2 =	slt.u32 s8, $0xFFFFF086  }
0x1c: {  	p1 =	slt.u32 s9, $0xF7A;
	s5 =	simm.s32 @!p2 $0x0  }
0x1d: {  	s5 =	simm.s32 @p1 $0x1;
	p0 =	seq.s32 s7, s2  }
0x1e: {  	s7 =	smul.u32 @!p0 $0xF7A, s2;
	p2 =	seq.s32 @!p0 s5, $0x0  }
0x1f: {  	s9 =	smul.u32 $0xF7A, s1;
	s8 =	simm.s32 @!p0 $0x1BF5;
	p2 =	por !p2, p0  }
0x20: {  	[sflag:s8] =	ssyncset.s32 @!p0 $0xFFFFF086;
	s6 =	sadd.s32 @!p0 s3, s7;
	s7 =	simm.s32 @!p0 $0x108  }
0x21: {  	s3 =	sadd.s32 s3, s9;
	s6 =	sadd.s32 @!p0 $0x88, s6;
	s7 =	simm.s32 @p2 $0x1082  }
0x22: {  	[simem:s7], [sflag:s8] =	dma.local @!p0 [hbm:s6], $0xF7A  }
0x23: {  	s9 =	sor.u32 $0xD0000000, s2;
	s6 =	simm.s32 $0x108;
	_ =	swait.ge @!p0 [sflag:s8], $0x0  }
0x24: {  	s3 =	sadd.s32 $0x88, s3;
	s6 =	simm.s32 @!p1 $0x1082;
	[sflag:s4] =	ssyncset.s32 $0xFFFFF086  }
0x25: {  	[simem:s6], [sflag:s4] =	dma.local [hbm:s3], $0xF7A  }
0x26: {  	[smem:$0x3F83] =	sst s1;
	(tag) =	ssettag s2;
	_ =	strace s9  }
0x27: {  	s1 =	sld [smem:$0x3F93]  }
0x28: {  	s2 =	sld [smem:$0x3F94]  }
0x29: {  	s4 =	sld [smem:$0x3F96]  }
0x2a: {  	p0 =	seq.s32 s5, $0x0;
	s5 =	sld [smem:$0x3F97]  }
0x2b: {  	s6 =	sld [smem:$0x3F98]  }
0x2c: {  	s7 =	sld [smem:$0x3F99]  }
0x2d: {  	s3 =	simm.s32 $0x108;
	s8 =	sld [smem:$0x3F9A]  }
0x2e: {  	s3 =	simm.s32 @!p0 $0x1082;
	s9 =	sld [smem:$0x3F9B]  }
0x2f: {  	lr =	sadd.s32 s0, s3;
	s0 =	sld [smem:$0x3F92]  }
0x30: {  	s3 =	sld [smem:$0x3F95]  }
0x31: {  	[smem:$0x3F9E] =	sst s10  }
0x32: {  	s10 =	sld [smem:$0x3F9C];
	_ =	sdelay $0x3  }
0x33: {  	p0 =	seq.s32 s10, $0x1;
	s10 =	sld [smem:$0x3F9E];
	_ =	sdelay $0x3  }
0x34: {  	[smem:$0x3F9E] =	sst s10  }
0x35: {  	s10 =	sld [smem:$0x3F9D];
	_ =	sdelay $0x3  }
0x36: {  	p1 =	seq.s32 s10, $0x1;
	s10 =	sld [smem:$0x3F9E];
	_ =	sdelay $0x3  }
0x37: {  	[smem:$0x3F9E] =	sst s10  }
0x38: {  	s10 =	sld [smem:$0x3F9F]  }
0x39: {  	_ = 	snop;
	(pc) =	sbr.ind lr, $3  }
0x3a: {  	_ = 	snop  }
0x3b: {  	_ = 	snop  }
0x3c: {  	p2 =	seq.s32 s10, $0x1;
	s10 =	sld [smem:$0x3F9E]  }
0x3d: {  	_ =	shalt  }
0x3e: {  	_ =	shalt  }
0x3f: {  	_ =	shalt  }
0x40: {  	_ =	shalt  }
0x41: {  	_ =	shalt  }
0x42: {  	_ =	shalt  }
0x43: {  	_ =	shalt  }
0x44: {  	_ =	shalt  }
0x45: {  	_ =	shalt  }
0x46: {  	_ =	shalt  }
0x47: {  	_ =	shalt  }
0x48: {  	_ =	shalt  }
0x49: {  	_ =	shalt  }
0x4a: {  	_ =	shalt  }
0x4b: {  	_ =	shalt  }
0x4c: {  	_ =	shalt  }
0x4d: {  	_ =	shalt  }
0x4e: {  	_ =	shalt  }
0x4f: {  	_ =	shalt  }
0x50: {  	_ =	shalt  }
0x51: {  	_ =	shalt  }
0x52: {  	_ =	shalt  }
0x53: {  	_ =	shalt  }
0x54: {  	_ =	shalt  }
0x55: {  	_ =	shalt  }
0x56: {  	_ =	shalt  }
0x57: {  	_ =	shalt  }
0x58: {  	_ =	shalt  }
0x59: {  	_ =	shalt  }
0x5a: {  	_ =	shalt  }
0x5b: {  	_ =	shalt  }
0x5c: {  	_ =	shalt  }
0x5d: {  	_ =	shalt  }
0x5e: {  	_ =	shalt  }
0x5f: {  	_ =	shalt  }
0x60: {  	_ =	shalt  }
0x61: {  	_ =	shalt  }
0x62: {  	_ =	shalt  }
0x63: {  	_ =	shalt  }
0x64: {  	_ =	shalt  }
0x65: {  	_ =	shalt  }
0x66: {  	_ =	shalt  }
0x67: {  	_ =	shalt  }
0x68: {  	_ =	shalt  }
0x69: {  	_ =	shalt  }
0x6a: {  	_ =	shalt  }
0x6b: {  	_ =	shalt  }
0x6c: {  	_ =	shalt  }
0x6d: {  	_ =	shalt  }
0x6e: {  	_ =	shalt  }
0x6f: {  	_ =	shalt  }
0x70: {  	_ =	shalt  }
0x71: {  	_ =	shalt  }
0x72: {  	_ =	shalt  }
0x73: {  	_ =	shalt  }
0x74: {  	_ =	shalt  }
0x75: {  	_ =	shalt  }
0x76: {  	_ =	shalt  }
0x77: {  	_ =	shalt  }
0x78: {  	_ =	shalt  }
0x79: {  	_ =	shalt  }
0x7a: {  	_ =	shalt  }
0x7b: {  	_ =	shalt  }
0x7c: {  	_ =	shalt  }
0x7d: {  	_ =	shalt  }
0x7e: {  	_ =	shalt  }
0x7f: {  	_ =	shalt  }
0x80: {  	_ =	shalt  }
0x81: {  	_ =	shalt  }
0x82: {  	_ =	shalt  }
0x83: {  	_ =	shalt  }
0x84: {  	_ =	shalt  }
0x85: {  	_ =	shalt  }
0x86: {  	_ =	shalt  }
0x87: {  	_ =	shalt  }
.Lfunc_end0:
.L_simem_size_0:
called_computation.2_lowered:
.L_overlay_start_0:
0x88: {  	s2 =	sld [smem:$0x3FD9]  }
0x89: {  	s3 =	sld [smem:$0x3FFE];
	_ =	sdelay $0x1  }
0x8a: {  	s1 =	srdreg.scid  }
0x8b: {  	s0 =	sand.u32 $0x1, s1  }
0x8c: {  	s16 =	sshll.u32 s0, $0xA;
	s2 =	sadd.s32 s3, s2  }
0x8d: {  	s2 =	sadd.s32 s2, s16  }
0x8e: {  	[smem:$0x3FAA] =	sst s2  }
0x8f: {  	_ = 	snop  }
0x90: {  	(tm) =	ssettm $0x1  }
0x91: {  	s17 =	sld [smem:$0x3FFB];
	_ =	sdelay $0x3  }
0x92: {  	_ =	strace s17  }
0x93: {  	s2 =	sld [smem:$0x3FFC];
	_ =	sdelay $0x3  }
0x94: {  	_ =	strace s2  }
0x95: {  	s2 =	sld [smem:$0x3FFD];
	_ =	sdelay $0x3  }
0x96: {  	_ =	strace s2  }
0x97: {  	_ =	strace $0x8FFFFFFF  }
0x98: {  	s18 =	sld [smem:$0x3FDB];
	_ =	sdelay $0x1  }
0x99: {  	s19 =	simm.s32 $_scs_section_size  }
0x9a: {  	s4 =	simm.s32 $_size__tile_overlayer_lowered;
	s5 =	simm.s32 $_tile_overlayer_lowered  }
0x9b: {  	s22 =	simm.s32 $0x1BFF;
	s21 =	sshll.u32 s5, $0x1;
	s2 =	sadd.s32 s19, s18  }
0x9c: {  	s6 =	simm.s32 $0x0;
	s20 =	sshll.u32 s4, $0x1;
	s4 =	sadd.s32 s21, s2  }
0x9d: {  	[timem:s6], [sflag:s22] =	dma.local [hbm:s4], s20  }
0x9e: {  	_ =	swait.ge [sflag:s22], s20  }
0x9f: {  	s3 =	ssub.s32 $0x0, s20;
	[sflag:s22] =	ssyncset.done $0x0  }
0xa0: {  	[sflag:s22] =	ssyncadd.s32 s3;
	_ =	sdelay $0x1  }
0xa1: {  	s23 =	simm.s32 $0x1B8B  }
0xa2: {  	_ =	swait.ge [sflag:s23], $0x1  }
0xa3: {  	[sflag:s23] =	ssyncset.done $0x0  }
0xa4: {  	s25 =	simm.s32 $0x1B8E;
	s24 =	sld [smem:$0x3FFE];
	[sflag:s23] =	ssyncadd.s32 $0xFFFFFFFF  }
0xa5: {  	s26 =	simm.s32 $execute0_lowered;
	[smem:$0x3FD2] =	sst s25  }
0xa6: {  	s4 =	sshll.u32 s26, $0x1;
	_ =	strace $0x8000004C;
	[dreg:$0x1] =	wrdreg $0xFFFFFFFF  }
0xa7: {  	s28 =	simm.s32 $_size_execute0_lowered;
	s2 =	sadd.s32 s2, s4;
	[dreg:$0x0] =	wrdreg $0x0  }
0xa8: {  	s4 =	sshll.u32 s28, $0x1;
	[dreg:$0x2] =	wrdreg s2  }
0xa9: {  	[dreg:$0x3] =	wrdreg s4  }
0xaa: {  	[dreg:$0x4] =	wrdreg $0xC0  }
0xab: {  	_ =	task [dreg:s6], $0x5FFFF  }
0xac: {  	[dreg:$0x1] =	wrdreg $0xFFFFFFFF  }
0xad: {  	[dreg:$0x0] =	wrdreg $0x60  }
0xae: {  	[dreg:$0x2] =	wrdreg s24  }
0xaf: {  	[dreg:$0x3] =	wrdreg $0x90000  }
0xb0: {  	[dreg:$0x4] =	wrdreg $0x9  }
0xb1: {  	_ =	task.clear_ibuf [dreg:s6], $0x5FFFF;
	_ =	strace $0x9000004C  }
0xb2: {  	s29 =	simm.s32 $0x9;
	_ =	strace $0x8000004E  }
0xb3: {  	_ =	swait.ge [sflag:s29], $0x1  }
0xb4: {  	[sflag:s29] =	ssyncadd.s32 $0xFFFFFFFF  }
0xb5: {  	_ =	strace $0x9000004E  }
0xb6: {  	_ =	sfence  }
0xb7: {  	s30 =	sld [smem:$0x0];
	_ =	sdelay $0x2  }
0xb8: {  	s31 =	sshll.u32 s1, $0xD;
	s1 =	sshrl.u32 s1, $0x2  }
0xb9: {  	s3 =	sand.u32 $0x4000, s31;
	s1 =	sadd.s32 s1, s30  }
0xba: {  	s0 =	sor.u32 s3, s0;
	s1 =	sshll.u32 s1, $0x11  }
0xbb: {  	s0 =	sor.u32 s1, s0  }
0xbc: {  	s0 =	sadd.s32 $0x8F2B, s0  }
0xbd: {  	[sflag:s0] =	ssyncadd.remote.s32 $0x1  }
0xbe: {  	_ =	sfence.sel $0xFFFF  }
0xbf: {  	[dreg:$0x0] =	wrdreg $0xFFFFFFFF;
	(pc) =	sbr.abs _section_cstart, $3  }
0xc0: {  	[dreg:$0x1] =	wrdreg $0xFFFFFFFF  }
0xc1: {  	_ =	task.clear_ibuf [dreg:s6], $0x2FFFF;
	_ =	strace $0x9FFFFFFF  }
0xc2: {  	(tm) =	ssettm $0x7FFFFFFF  }
0xc3: {  	_ =	shalt  }
tec
execute0_lowered:
.L_overlay_start_1:
0x0: {  	(tag) =	ssettag $0x1  }
0x1: {  	s0 =	rddreg [dreg:$0x0]  }
0x2: {  	s1 =	rddreg [dreg:$0x1];
	s2 =	srdreg.scid;
	s3 =	simm.s32 $0x0  }
0x3: {  	s13 =	stileid.u32;
	s22 =	simm.s32 $0x100;
	s23 =	simm.s32 $0x480  }
0x4: {  	s24 =	simm.s32 $0x180;
	s10 =	simm.s32 $0x500;
	s26 =	simm.s32 $0x200  }
0x5: {  	s14 =	simm.s32 $0x300;
	[smem:$0x7FF] =	sst s3;
	s18 =	sadd.s32 $0x19000, s0  }
0x6: {  	s15 =	simm.s32 $0x680;
	_ =	strace $0x8000004D;
	[dreg:$0x18] =	wrdreg s18  }
0x7: {  	s16 =	simm.s32 $0x380;
	s17 =	simm.s32 $0x700;
	[dreg:$0x3] =	wrdreg s22  }
0x8: {  	s28 =	simm.s32 $0xB80;
	s29 =	simm.s32 $0xF00;
	[dreg:$0x4] =	wrdreg s23  }
0x9: {  	s30 =	simm.s32 $0xF80;
	s31 =	simm.s32 $0x0;
	[dreg:$0x5] =	wrdreg s24  }
0xa: {  	s2 =	sand.u32 $0x1, s2;
	s6 =	smul.u32 $0x14000, s13;
	[dreg:$0x6] =	wrdreg s10  }
0xb: {  	s4 =	sadd.s32 $0x6B800, s0;
	s19 =	smul.u32 $0x50000, s13;
	[dreg:$0x7] =	wrdreg s26  }
0xc: {  	s11 =	sadd.s32 $0x5000, s0;
	s9 =	smul.u32 $0x50, s13;
	[dreg:$0xb] =	wrdreg s14  }
0xd: {  	s21 =	sshll.u32 s13, $0x6;
	s5 =	smul.u32 $0x140000, s2;
	[dreg:$0xc] =	wrdreg s15  }
0xe: {  	s20 =	ssub.s32 $0x2, s2;
	s7 =	smul.u32 $0x500, s2;
	[dreg:$0xd] =	wrdreg s16  }
0xf: {  	s2 =	smul.u32 $0x5000, s2;
	s14 =	simm.s32 $0x400;
	[dreg:$0xe] =	wrdreg s17  }
0x10: {  	s18 =	simm.s32 $0x780;
	s15 =	simm.s32 $0x1;
	s16 =	simm.s32 $0x80  }
0x11: {  	s17 =	simm.s32 $0x1000;
	s22 =	simm.s32 $0x980;
	[dreg:$0xf] =	wrdreg s18  }
0x12: {  	s23 =	simm.s32 $0xD00;
	s24 =	simm.s32 $0xA00;
	[dreg:$0x13] =	wrdreg s22  }
0x13: {  	s26 =	simm.s32 $0xA80;
	s8 =	sshrl.u32 s20, $0x1;
	[dreg:$0x14] =	wrdreg s23  }
0x14: {  	s18 =	simm.s32 $0x800;
	[dreg:$0x15] =	wrdreg s24;
	s22 =	simm.s32 $0x4  }
0x15: {  	s23 =	simm.s32 $0x2;
	[dreg:$0x17] =	wrdreg s26;
	s24 =	simm.s32 $0xE00  }
0x16: {  	s26 =	simm.s32 $0xE80;
	s5 =	sadd.s32 s6, s5;
	s6 =	sshrl.u32 s19, $0x2  }
0x17: {  	s7 =	sadd.s32 s9, s7;
	s9 =	smul.u32 $0x500, s13;
	s13 =	simm.s32 $0x600  }
0x18: {  	s2 =	sadd.s32 s2, s11;
	s19 =	simm.s32 $0x880;
	s5 =	sshrl.u32 s5, $0x3  }
0x19: {  	s12 =	sadd.s32 s6, s1;
	s6 =	sor.u32 $0x1C05, s21;
	[dreg:$0xa] =	wrdreg s13  }
0x1a: {  	s7 =	sshll.u32 s7, $0x4;
	s13 =	simm.s32 $0x5;
	[dreg:$0x10] =	wrdreg s19  }
0x1b: {  	s21 =	simm.s32 $0xC80;
	s19 =	simm.s32 $0xC00;
	s0 =	sadd.s32 s5, s0  }
0x1c: {  	s5 =	ssub.s32 s20, s8;
	s8 =	simm.s32 $0x280;
	[dreg:$0x12] =	wrdreg s21  }
0x1d: {  	s7 =	sadd.s32 s11, s7;
	s20 =	simm.s32 $0x900;
	[dreg:$0x9] =	wrdreg s8  }
0x1e: {  	s11 =	sadd.s32 s9, s2;
	s25 =	sadd.s32 $0xA000, s7;
	[dreg:$0x11] =	wrdreg s20  }
0x1f: {  	s12 =	sshrl.u32 s12, $0x3;
	s0 =	sadd.s32 $0x93800, s0;
	[dreg:$0x19] =	wrdreg s25  }
0x20: {  	s10 =	smax.u32 s5, $0x1;
	s5 =	simm.s32 $0x580;
	[dreg:$0x1a] =	wrdreg s0  }
0x21: {  	s21 =	simm.s32 $0x5000;
	[dreg:$0x8] =	wrdreg s5;
	s25 =	simm.s32 $0xD80  }
0x22: {  	s20 =	simm.s32 $0x3;
	[dreg:$0x16] =	wrdreg s25;
	s25 =	simm.s32 $0xB00  }
.LBB2_1:
0x23: {  	s0 =	rddreg [dreg:$0x18]  }
0x24: {  	[spmem:s12], [sflag:s6] =	dma.local [hbm:s0], $0x2800  }
0x25: {  	_ =	swait.ge [sflag:s13], $0x2800  }
0x26: {  	[sflag:s13] =	ssyncset.done $0x0  }
0x27: {  	[sflag:s13] =	ssyncadd.s32 $0xFFFFD800  }
0x28: {  	[bflag:$0x0] =	sbarrier.arrive $0xFFFF  }
0x29: {  	[tilespmem:s3], [sflag:$0x1] =	stream.linear.gather [hbm4b:s7+s3], $0x400, $0x38;
	[tilespmem:$0x1D000] =	vst v63  }
0x2a: {  	s8 =	rddreg [dreg:$0x19]  }
0x2b: {  	[tilespmem:s14], [sflag:$0x1] =	stream.linear.gather [hbm4b:s8+s3], $0x400, $0x38;
	[tilespmem:$0x1D000] =	vst v63  }
0x2c: {  	_ =	swait.ge [sflag:s15], $0x400  }
0x2d: {  	[sflag:s15] =	ssyncset.done $0x0  }
0x2e: {  	[sflag:s15] =	ssyncadd.s32 $0xFFFFFC00  }
0x2f: {  	_ =	swait.ge [sflag:s15], $0x400  }
0x30: {  	[sflag:s15] =	ssyncset.done $0x0  }
0x31: {  	s9 =	sadd.s32 $0x0, s11;
	[sflag:s15] =	ssyncadd.s32 $0xFFFFFC00  }
0x32: {  	[tilespmem:s17], [sflag:$0x3] =	stream.indirect.gather [hbm4b:s4+s16], $0x80, s3, s16, $0xb8;
	[tilespmem:$0x1D000] =	vst v63  }
0x33: {  	s2 =	sadd.s32 $0x80, s9  }
0x34: {  	[tilespmem:s18], [sflag:$0x2] =	stream.linear.gather [hbm4b:s2+s3], $0x400, $0x38;
	[tilespmem:$0x1D000] =	vst v63  }
0x35: {  	s0 =	sadd.s32 $0xA080, s9  }
0x36: {  	[tilespmem:s19], [sflag:$0x2] =	stream.linear.gather [hbm4b:s0+s3], $0x400, $0x38;
	[tilespmem:$0x1D000] =	vst v63  }
0x37: {  	_ =	swait.ge [sflag:s20], $0x4000  }
0x38: {  	[sflag:s20] =	ssyncset.done $0x0  }
0x39: {  	[sflag:s20] =	ssyncadd.s32 $0xFFFFC000  }
0x3a: {  	[tilespmem:s21], [sflag:$0x4] =	stream.indirect.gather [hbm4b:s4+s16], $0x80, s16, s16, $0xb8;
	[tilespmem:$0x1D000] =	vst v63  }
0x3b: {  	_ = 	snop  }
0x3c: {  	[spmem:s1] =	stream.indirect.scatter.add.f32 [tilespmem:s17], [sflag:$0x5], $0x80, s14, s16, $0xb8;
	[tilespmem:$0x1D000] =	vst v63  }
0x3d: {  	_ =	swait.ge [sflag:s13], $0x4000  }
0x3e: {  	[sflag:s13] =	ssyncset.done $0x0  }
0x3f: {  	[sflag:s13] =	ssyncadd.s32 $0xFFFFC000  }
0x40: {  	_ =	swait.ge [sflag:s22], $0x4000  }
0x41: {  	[sflag:s22] =	ssyncset.done $0x0  }
0x42: {  	s2 =	rddreg [dreg:$0x3];
	[sflag:s22] =	ssyncadd.s32 $0xFFFFC000  }
0x43: {  	[tilespmem:s17], [sflag:$0x3] =	stream.indirect.gather [hbm4b:s4+s16], $0x80, s2, s16, $0xb8;
	[tilespmem:$0x1D000] =	vst v63  }
0x44: {  	s5 =	rddreg [dreg:$0x4]  }
0x45: {  	[spmem:s1] =	stream.indirect.scatter.add.f32 [tilespmem:s21], [sflag:$0x5], $0x80, s5, s16, $0xb8;
	[tilespmem:$0x1D000] =	vst v63  }
0x46: {  	_ =	swait.ge [sflag:s13], $0x4000  }
0x47: {  	[sflag:s13] =	ssyncset.done $0x0  }
0x48: {  	[sflag:s13] =	ssyncadd.s32 $0xFFFFC000  }
0x49: {  	_ =	swait.ge [sflag:s20], $0x4000  }
0x4a: {  	[sflag:s20] =	ssyncset.done $0x0  }
0x4b: {  	s8 =	rddreg [dreg:$0x5];
	[sflag:s20] =	ssyncadd.s32 $0xFFFFC000  }
0x4c: {  	[tilespmem:s21], [sflag:$0x4] =	stream.indirect.gather [hbm4b:s4+s16], $0x80, s8, s16, $0xb8;
	[tilespmem:$0x1D000] =	vst v63  }
0x4d: {  	s9 =	rddreg [dreg:$0x6]  }
0x4e: {  	[spmem:s1] =	stream.indirect.scatter.add.f32 [tilespmem:s17], [sflag:$0x5], $0x80, s9, s16, $0xb8;
	[tilespmem:$0x1D000] =	vst v63  }
0x4f: {  	_ =	swait.ge [sflag:s13], $0x4000  }
0x50: {  	[sflag:s13] =	ssyncset.done $0x0  }
0x51: {  	[sflag:s13] =	ssyncadd.s32 $0xFFFFC000  }
0x52: {  	_ =	swait.ge [sflag:s22], $0x4000  }
0x53: {  	[sflag:s22] =	ssyncset.done $0x0  }
0x54: {  	s2 =	rddreg [dreg:$0x7];
	[sflag:s22] =	ssyncadd.s32 $0xFFFFC000  }
0x55: {  	[tilespmem:s17], [sflag:$0x3] =	stream.indirect.gather [hbm4b:s4+s16], $0x80, s2, s16, $0xb8;
	[tilespmem:$0x1D000] =	vst v63  }
0x56: {  	s5 =	rddreg [dreg:$0x8]  }
0x57: {  	[spmem:s1] =	stream.indirect.scatter.add.f32 [tilespmem:s21], [sflag:$0x5], $0x80, s5, s16, $0xb8;
	[tilespmem:$0x1D000] =	vst v63  }
0x58: {  	_ =	swait.ge [sflag:s13], $0x4000  }
0x59: {  	[sflag:s13] =	ssyncset.done $0x0  }
0x5a: {  	[sflag:s13] =	ssyncadd.s32 $0xFFFFC000  }
0x5b: {  	_ =	swait.ge [sflag:s20], $0x4000  }
0x5c: {  	[sflag:s20] =	ssyncset.done $0x0  }
0x5d: {  	s8 =	rddreg [dreg:$0x9];
	[sflag:s20] =	ssyncadd.s32 $0xFFFFC000  }
0x5e: {  	[tilespmem:s21], [sflag:$0x4] =	stream.indirect.gather [hbm4b:s4+s16], $0x80, s8, s16, $0xb8;
	[tilespmem:$0x1D000] =	vst v63  }
0x5f: {  	s9 =	rddreg [dreg:$0xa]  }
0x60: {  	[spmem:s1] =	stream.indirect.scatter.add.f32 [tilespmem:s17], [sflag:$0x5], $0x80, s9, s16, $0xb8;
	[tilespmem:$0x1D000] =	vst v63  }
0x61: {  	_ =	swait.ge [sflag:s13], $0x4000  }
0x62: {  	[sflag:s13] =	ssyncset.done $0x0  }
0x63: {  	[sflag:s13] =	ssyncadd.s32 $0xFFFFC000  }
0x64: {  	_ =	swait.ge [sflag:s22], $0x4000  }
0x65: {  	[sflag:s22] =	ssyncset.done $0x0  }
0x66: {  	s2 =	rddreg [dreg:$0xb];
	[sflag:s22] =	ssyncadd.s32 $0xFFFFC000  }
0x67: {  	[tilespmem:s17], [sflag:$0x3] =	stream.indirect.gather [hbm4b:s4+s16], $0x80, s2, s16, $0xb8;
	[tilespmem:$0x1D000] =	vst v63  }
0x68: {  	s5 =	rddreg [dreg:$0xc]  }
0x69: {  	[spmem:s1] =	stream.indirect.scatter.add.f32 [tilespmem:s21], [sflag:$0x5], $0x80, s5, s16, $0xb8;
	[tilespmem:$0x1D000] =	vst v63  }
0x6a: {  	_ =	swait.ge [sflag:s13], $0x4000  }
0x6b: {  	[sflag:s13] =	ssyncset.done $0x0  }
0x6c: {  	[sflag:s13] =	ssyncadd.s32 $0xFFFFC000  }
0x6d: {  	_ =	swait.ge [sflag:s20], $0x4000  }
0x6e: {  	[sflag:s20] =	ssyncset.done $0x0  }
0x6f: {  	s8 =	rddreg [dreg:$0xd];
	[sflag:s20] =	ssyncadd.s32 $0xFFFFC000  }
0x70: {  	[tilespmem:s21], [sflag:$0x4] =	stream.indirect.gather [hbm4b:s4+s16], $0x80, s8, s16, $0xb8;
	[tilespmem:$0x1D000] =	vst v63  }
0x71: {  	s9 =	rddreg [dreg:$0xe]  }
0x72: {  	[spmem:s1] =	stream.indirect.scatter.add.f32 [tilespmem:s17], [sflag:$0x5], $0x80, s9, s16, $0xb8;
	[tilespmem:$0x1D000] =	vst v63  }
0x73: {  	_ =	swait.ge [sflag:s13], $0x4000  }
0x74: {  	[sflag:s13] =	ssyncset.done $0x0  }
0x75: {  	[sflag:s13] =	ssyncadd.s32 $0xFFFFC000  }
0x76: {  	_ =	swait.ge [sflag:s22], $0x4000  }
0x77: {  	[sflag:s22] =	ssyncset.done $0x0  }
0x78: {  	[sflag:s22] =	ssyncadd.s32 $0xFFFFC000  }
0x79: {  	_ =	swait.ge [sflag:s23], $0x400  }
0x7a: {  	[sflag:s23] =	ssyncset.done $0x0  }
0x7b: {  	[sflag:s23] =	ssyncadd.s32 $0xFFFFFC00  }
0x7c: {  	_ =	swait.ge [sflag:s23], $0x400  }
0x7d: {  	[sflag:s23] =	ssyncset.done $0x0  }
0x7e: {  	[sflag:s23] =	ssyncadd.s32 $0xFFFFFC00  }
0x7f: {  	[tilespmem:s17], [sflag:$0x3] =	stream.indirect.gather [hbm4b:s4+s16], $0x80, s18, s16, $0xb8;
	[tilespmem:$0x1D000] =	vst v63  }
0x80: {  	s2 =	rddreg [dreg:$0xf]  }
0x81: {  	[spmem:s1] =	stream.indirect.scatter.add.f32 [tilespmem:s21], [sflag:$0x5], $0x80, s2, s16, $0xb8;
	[tilespmem:$0x1D000] =	vst v63  }
0x82: {  	p0 =	por $0x0, $0x0;
	_ =	swait.ge [sflag:s13], $0x4000  }
0x83: {  	s2 =	sadd.s32 @!p0 $0x0, s11;
	[sflag:s13] =	ssyncset.done $0x0  }
0x84: {  	s0 =	simm.s32 @!p0 $0x0;
	s5 =	sadd.s32 @!p0 $0x100, s2;
	[sflag:s13] =	ssyncadd.s32 $0xFFFFC000  }
0x85: {  	[tilespmem:s0], [sflag:$0x1] =	stream.linear.gather @!p0 [hbm4b:s5+s0], $0x400, $0x38;
	[tilespmem:$0x1D000] =	vst v63  }
0x86: {  	s2 =	sadd.s32 @!p0 $0xA100, s2;
	s5 =	simm.s32 @!p0 $0x400  }
0x87: {  	[tilespmem:s5], [sflag:$0x1] =	stream.linear.gather @!p0 [hbm4b:s2+s0], $0x400, $0x38;
	[tilespmem:$0x1D000] =	vst v63  }
0x88: {  	_ =	swait.ge [sflag:s20], $0x4000  }
0x89: {  	[sflag:s20] =	ssyncset.done $0x0  }
0x8a: {  	s5 =	rddreg [dreg:$0x10];
	[sflag:s20] =	ssyncadd.s32 $0xFFFFC000  }
0x8b: {  	[tilespmem:s21], [sflag:$0x4] =	stream.indirect.gather [hbm4b:s4+s16], $0x80, s5, s16, $0xb8;
	[tilespmem:$0x1D000] =	vst v63  }
0x8c: {  	_ = 	snop  }
0x8d: {  	[spmem:s1] =	stream.indirect.scatter.add.f32 [tilespmem:s17], [sflag:$0x5], $0x80, s19, s16, $0xb8;
	[tilespmem:$0x1D000] =	vst v63  }
0x8e: {  	_ =	swait.ge [sflag:s13], $0x4000  }
0x8f: {  	[sflag:s13] =	ssyncset.done $0x0  }
0x90: {  	[sflag:s13] =	ssyncadd.s32 $0xFFFFC000  }
0x91: {  	_ =	swait.ge [sflag:s22], $0x4000  }
0x92: {  	[sflag:s22] =	ssyncset.done $0x0  }
0x93: {  	s8 =	rddreg [dreg:$0x11];
	[sflag:s22] =	ssyncadd.s32 $0xFFFFC000  }
0x94: {  	[tilespmem:s17], [sflag:$0x3] =	stream.indirect.gather [hbm4b:s4+s16], $0x80, s8, s16, $0xb8;
	[tilespmem:$0x1D000] =	vst v63  }
0x95: {  	s9 =	rddreg [dreg:$0x12]  }
0x96: {  	[spmem:s1] =	stream.indirect.scatter.add.f32 [tilespmem:s21], [sflag:$0x5], $0x80, s9, s16, $0xb8;
	[tilespmem:$0x1D000] =	vst v63  }
0x97: {  	_ =	swait.ge [sflag:s13], $0x4000  }
0x98: {  	[sflag:s13] =	ssyncset.done $0x0  }
0x99: {  	[sflag:s13] =	ssyncadd.s32 $0xFFFFC000  }
0x9a: {  	_ =	swait.ge [sflag:s20], $0x4000  }
0x9b: {  	[sflag:s20] =	ssyncset.done $0x0  }
0x9c: {  	s8 =	rddreg [dreg:$0x13];
	[sflag:s20] =	ssyncadd.s32 $0xFFFFC000  }
0x9d: {  	[tilespmem:s21], [sflag:$0x4] =	stream.indirect.gather [hbm4b:s4+s16], $0x80, s8, s16, $0xb8;
	[tilespmem:$0x1D000] =	vst v63  }
0x9e: {  	s9 =	rddreg [dreg:$0x14]  }
0x9f: {  	[spmem:s1] =	stream.indirect.scatter.add.f32 [tilespmem:s17], [sflag:$0x5], $0x80, s9, s16, $0xb8;
	[tilespmem:$0x1D000] =	vst v63  }
0xa0: {  	_ =	swait.ge [sflag:s13], $0x4000  }
0xa1: {  	[sflag:s13] =	ssyncset.done $0x0  }
0xa2: {  	[sflag:s13] =	ssyncadd.s32 $0xFFFFC000  }
0xa3: {  	_ =	swait.ge [sflag:s22], $0x4000  }
0xa4: {  	[sflag:s22] =	ssyncset.done $0x0  }
0xa5: {  	s5 =	rddreg [dreg:$0x15];
	[sflag:s22] =	ssyncadd.s32 $0xFFFFC000  }
0xa6: {  	[tilespmem:s17], [sflag:$0x3] =	stream.indirect.gather [hbm4b:s4+s16], $0x80, s5, s16, $0xb8;
	[tilespmem:$0x1D000] =	vst v63  }
0xa7: {  	s8 =	rddreg [dreg:$0x16]  }
0xa8: {  	[spmem:s1] =	stream.indirect.scatter.add.f32 [tilespmem:s21], [sflag:$0x5], $0x80, s8, s16, $0xb8;
	[tilespmem:$0x1D000] =	vst v63  }
0xa9: {  	_ =	swait.ge [sflag:s13], $0x4000  }
0xaa: {  	[sflag:s13] =	ssyncset.done $0x0  }
0xab: {  	[sflag:s13] =	ssyncadd.s32 $0xFFFFC000  }
0xac: {  	_ =	swait.ge [sflag:s20], $0x4000  }
0xad: {  	[sflag:s20] =	ssyncset.done $0x0  }
0xae: {  	s9 =	rddreg [dreg:$0x17];
	[sflag:s20] =	ssyncadd.s32 $0xFFFFC000  }
0xaf: {  	[tilespmem:s21], [sflag:$0x4] =	stream.indirect.gather [hbm4b:s4+s16], $0x80, s9, s16, $0xb8;
	[tilespmem:$0x1D000] =	vst v63  }
0xb0: {  	_ = 	snop  }
0xb1: {  	[spmem:s1] =	stream.indirect.scatter.add.f32 [tilespmem:s17], [sflag:$0x5], $0x80, s24, s16, $0xb8;
	[tilespmem:$0x1D000] =	vst v63  }
0xb2: {  	_ =	swait.ge [sflag:s13], $0x4000  }
0xb3: {  	[sflag:s13] =	ssyncset.done $0x0  }
0xb4: {  	[sflag:s13] =	ssyncadd.s32 $0xFFFFC000  }
0xb5: {  	_ =	swait.ge [sflag:s22], $0x4000  }
0xb6: {  	[sflag:s22] =	ssyncset.done $0x0  }
0xb7: {  	[sflag:s22] =	ssyncadd.s32 $0xFFFFC000  }
0xb8: {  	[tilespmem:s17], [sflag:$0x3] =	stream.indirect.gather [hbm4b:s4+s16], $0x80, s25, s16, $0xb8;
	[tilespmem:$0x1D000] =	vst v63  }
0xb9: {  	_ = 	snop  }
0xba: {  	[spmem:s1] =	stream.indirect.scatter.add.f32 [tilespmem:s21], [sflag:$0x5], $0x80, s26, s16, $0xb8;
	[tilespmem:$0x1D000] =	vst v63  }
0xbb: {  	_ =	swait.ge [sflag:s13], $0x4000  }
0xbc: {  	[sflag:s13] =	ssyncset.done $0x0  }
0xbd: {  	[sflag:s13] =	ssyncadd.s32 $0xFFFFC000  }
0xbe: {  	_ =	swait.ge [sflag:s20], $0x4000  }
0xbf: {  	[sflag:s20] =	ssyncset.done $0x0  }
0xc0: {  	[sflag:s20] =	ssyncadd.s32 $0xFFFFC000  }
0xc1: {  	[tilespmem:s21], [sflag:$0x4] =	stream.indirect.gather [hbm4b:s4+s16], $0x80, s28, s16, $0xb8;
	[tilespmem:$0x1D000] =	vst v63  }
0xc2: {  	_ = 	snop  }
0xc3: {  	[spmem:s1] =	stream.indirect.scatter.add.f32 [tilespmem:s17], [sflag:$0x5], $0x80, s29, s16, $0xb8;
	[tilespmem:$0x1D000] =	vst v63  }
0xc4: {  	_ =	swait.ge [sflag:s13], $0x4000  }
0xc5: {  	[sflag:s13] =	ssyncset.done $0x0  }
0xc6: {  	[sflag:s13] =	ssyncadd.s32 $0xFFFFC000  }
0xc7: {  	_ =	swait.ge [sflag:s22], $0x4000  }
0xc8: {  	[sflag:s22] =	ssyncset.done $0x0  }
0xc9: {  	s2 =	simm.s32 @!p0 $0x1;
	[sflag:s22] =	ssyncadd.s32 $0xFFFFC000  }
0xca: {  	_ =	swait.ge @!p0 [sflag:s2], $0x400  }
0xcb: {  	[sflag:s2] =	ssyncset.done @!p0 $0x0  }
0xcc: {  	[sflag:s2] =	ssyncadd.s32 @!p0 $0xFFFFFC00  }
0xcd: {  	_ =	swait.ge @!p0 [sflag:s2], $0x400  }
0xce: {  	[sflag:s2] =	ssyncset.done @!p0 $0x0  }
0xcf: {  	s5 =	simm.s32 @!p0 $0x1000;
	[sflag:s2] =	ssyncadd.s32 @!p0 $0xFFFFFC00;
	s2 =	simm.s32 @!p0 $0x80  }
0xd0: {  	[tilespmem:s5], [sflag:$0x3] =	stream.indirect.gather @!p0 [hbm4b:s4+s2], $0x80, s0, s2, $0xb8;
	[tilespmem:$0x1D000] =	vst v63  }
0xd1: {  	_ = 	snop  }
0xd2: {  	[spmem:s1] =	stream.indirect.scatter.add.f32 [tilespmem:s21], [sflag:$0x5], $0x80, s30, s16, $0xb8;
	[tilespmem:$0x1D000] =	vst v63  }
0xd3: {  	_ =	swait.ge [sflag:s13], $0x4000  }
0xd4: {  	s0 =	simm.s32 $0x100;
	s2 =	simm.s32 $0x200;
	[sflag:s13] =	ssyncset.done $0x0  }
.LBB2_2:
0xd5: {  	s8 =	sadd.s32 s0, s11  }
0xd6: {  	[sflag:s13] =	ssyncadd.s32 $0xFFFFC000;
	s9 =	sadd.s32 $0x80, s8  }
0xd7: {  	[tilespmem:s18], [sflag:$0x2] =	stream.linear.gather [hbm4b:s9+s3], $0x400, $0x38;
	[tilespmem:$0x1D000] =	vst v63  }
0xd8: {  	s8 =	sadd.s32 $0xA080, s8  }
0xd9: {  	[tilespmem:s19], [sflag:$0x2] =	stream.linear.gather [hbm4b:s8+s3], $0x400, $0x38;
	[tilespmem:$0x1D000] =	vst v63  }
0xda: {  	_ =	swait.ge [sflag:s20], $0x4000  }
0xdb: {  	[sflag:s20] =	ssyncset.done $0x0  }
0xdc: {  	[sflag:s20] =	ssyncadd.s32 $0xFFFFC000  }
0xdd: {  	[tilespmem:s21], [sflag:$0x4] =	stream.indirect.gather [hbm4b:s4+s16], $0x80, s16, s16, $0xb8;
	[tilespmem:$0x1D000] =	vst v63  }
0xde: {  	_ = 	snop  }
0xdf: {  	[spmem:s1] =	stream.indirect.scatter.add.f32 [tilespmem:s17], [sflag:$0x5], $0x80, s14, s16, $0xb8;
	[tilespmem:$0x1D000] =	vst v63  }
0xe0: {  	_ =	swait.ge [sflag:s13], $0x4000  }
0xe1: {  	[sflag:s13] =	ssyncset.done $0x0  }
0xe2: {  	[sflag:s13] =	ssyncadd.s32 $0xFFFFC000  }
0xe3: {  	_ =	swait.ge [sflag:s22], $0x4000  }
0xe4: {  	[sflag:s22] =	ssyncset.done $0x0  }
0xe5: {  	s8 =	rddreg [dreg:$0x3];
	[sflag:s22] =	ssyncadd.s32 $0xFFFFC000  }
0xe6: {  	[tilespmem:s17], [sflag:$0x3] =	stream.indirect.gather [hbm4b:s4+s16], $0x80, s8, s16, $0xb8;
	[tilespmem:$0x1D000] =	vst v63  }
0xe7: {  	s9 =	rddreg [dreg:$0x4]  }
0xe8: {  	[spmem:s1] =	stream.indirect.scatter.add.f32 [tilespmem:s21], [sflag:$0x5], $0x80, s9, s16, $0xb8;
	[tilespmem:$0x1D000] =	vst v63  }
0xe9: {  	_ =	swait.ge [sflag:s13], $0x4000  }
0xea: {  	[sflag:s13] =	ssyncset.done $0x0  }
0xeb: {  	[sflag:s13] =	ssyncadd.s32 $0xFFFFC000  }
0xec: {  	_ =	swait.ge [sflag:s20], $0x4000  }
0xed: {  	[sflag:s20] =	ssyncset.done $0x0  }
0xee: {  	s8 =	rddreg [dreg:$0x5];
	[sflag:s20] =	ssyncadd.s32 $0xFFFFC000  }
0xef: {  	[tilespmem:s21], [sflag:$0x4] =	stream.indirect.gather [hbm4b:s4+s16], $0x80, s8, s16, $0xb8;
	[tilespmem:$0x1D000] =	vst v63  }
0xf0: {  	s9 =	rddreg [dreg:$0x6]  }
0xf1: {  	[spmem:s1] =	stream.indirect.scatter.add.f32 [tilespmem:s17], [sflag:$0x5], $0x80, s9, s16, $0xb8;
	[tilespmem:$0x1D000] =	vst v63  }
0xf2: {  	_ =	swait.ge [sflag:s13], $0x4000  }
0xf3: {  	[sflag:s13] =	ssyncset.done $0x0  }
0xf4: {  	[sflag:s13] =	ssyncadd.s32 $0xFFFFC000  }
0xf5: {  	_ =	swait.ge [sflag:s22], $0x4000  }
0xf6: {  	[sflag:s22] =	ssyncset.done $0x0  }
0xf7: {  	s8 =	rddreg [dreg:$0x7];
	[sflag:s22] =	ssyncadd.s32 $0xFFFFC000  }
0xf8: {  	[tilespmem:s17], [sflag:$0x3] =	stream.indirect.gather [hbm4b:s4+s16], $0x80, s8, s16, $0xb8;
	[tilespmem:$0x1D000] =	vst v63  }
0xf9: {  	s9 =	rddreg [dreg:$0x8]  }
0xfa: {  	[spmem:s1] =	stream.indirect.scatter.add.f32 [tilespmem:s21], [sflag:$0x5], $0x80, s9, s16, $0xb8;
	[tilespmem:$0x1D000] =	vst v63  }
0xfb: {  	_ =	swait.ge [sflag:s13], $0x4000  }
0xfc: {  	[sflag:s13] =	ssyncset.done $0x0  }
0xfd: {  	[sflag:s13] =	ssyncadd.s32 $0xFFFFC000  }
0xfe: {  	_ =	swait.ge [sflag:s20], $0x4000  }
0xff: {  	[sflag:s20] =	ssyncset.done $0x0  }
0x100: {  	s8 =	rddreg [dreg:$0x9];
	[sflag:s20] =	ssyncadd.s32 $0xFFFFC000  }
0x101: {  	[tilespmem:s21], [sflag:$0x4] =	stream.indirect.gather [hbm4b:s4+s16], $0x80, s8, s16, $0xb8;
	[tilespmem:$0x1D000] =	vst v63  }
0x102: {  	s9 =	rddreg [dreg:$0xa]  }
0x103: {  	[spmem:s1] =	stream.indirect.scatter.add.f32 [tilespmem:s17], [sflag:$0x5], $0x80, s9, s16, $0xb8;
	[tilespmem:$0x1D000] =	vst v63  }
0x104: {  	_ =	swait.ge [sflag:s13], $0x4000  }
0x105: {  	[sflag:s13] =	ssyncset.done $0x0  }
0x106: {  	[sflag:s13] =	ssyncadd.s32 $0xFFFFC000  }
0x107: {  	_ =	swait.ge [sflag:s22], $0x4000  }
0x108: {  	[sflag:s22] =	ssyncset.done $0x0  }
0x109: {  	s8 =	rddreg [dreg:$0xb];
	[sflag:s22] =	ssyncadd.s32 $0xFFFFC000  }
0x10a: {  	[tilespmem:s17], [sflag:$0x3] =	stream.indirect.gather [hbm4b:s4+s16], $0x80, s8, s16, $0xb8;
	[tilespmem:$0x1D000] =	vst v63  }
0x10b: {  	s9 =	rddreg [dreg:$0xc]  }
0x10c: {  	[spmem:s1] =	stream.indirect.scatter.add.f32 [tilespmem:s21], [sflag:$0x5], $0x80, s9, s16, $0xb8;
	[tilespmem:$0x1D000] =	vst v63  }
0x10d: {  	_ =	swait.ge [sflag:s13], $0x4000  }
0x10e: {  	[sflag:s13] =	ssyncset.done $0x0  }
0x10f: {  	[sflag:s13] =	ssyncadd.s32 $0xFFFFC000  }
0x110: {  	_ =	swait.ge [sflag:s20], $0x4000  }
0x111: {  	[sflag:s20] =	ssyncset.done $0x0  }
0x112: {  	s8 =	rddreg [dreg:$0xd];
	[sflag:s20] =	ssyncadd.s32 $0xFFFFC000  }
0x113: {  	[tilespmem:s21], [sflag:$0x4] =	stream.indirect.gather [hbm4b:s4+s16], $0x80, s8, s16, $0xb8;
	[tilespmem:$0x1D000] =	vst v63  }
0x114: {  	s9 =	rddreg [dreg:$0xe]  }
0x115: {  	[spmem:s1] =	stream.indirect.scatter.add.f32 [tilespmem:s17], [sflag:$0x5], $0x80, s9, s16, $0xb8;
	[tilespmem:$0x1D000] =	vst v63  }
0x116: {  	_ =	swait.ge [sflag:s13], $0x4000  }
0x117: {  	[sflag:s13] =	ssyncset.done $0x0  }
0x118: {  	[sflag:s13] =	ssyncadd.s32 $0xFFFFC000  }
0x119: {  	_ =	swait.ge [sflag:s22], $0x4000  }
0x11a: {  	[sflag:s22] =	ssyncset.done $0x0  }
0x11b: {  	[sflag:s22] =	ssyncadd.s32 $0xFFFFC000  }
0x11c: {  	_ =	swait.ge [sflag:s23], $0x400  }
0x11d: {  	[sflag:s23] =	ssyncset.done $0x0  }
0x11e: {  	[sflag:s23] =	ssyncadd.s32 $0xFFFFFC00  }
0x11f: {  	_ =	swait.ge [sflag:s23], $0x400  }
0x120: {  	[sflag:s23] =	ssyncset.done $0x0  }
0x121: {  	[sflag:s23] =	ssyncadd.s32 $0xFFFFFC00  }
0x122: {  	[tilespmem:s17], [sflag:$0x3] =	stream.indirect.gather [hbm4b:s4+s16], $0x80, s18, s16, $0xb8;
	[tilespmem:$0x1D000] =	vst v63  }
0x123: {  	s9 =	rddreg [dreg:$0xf]  }
0x124: {  	[spmem:s1] =	stream.indirect.scatter.add.f32 [tilespmem:s21], [sflag:$0x5], $0x80, s9, s16, $0xb8;
	[tilespmem:$0x1D000] =	vst v63  }
0x125: {  	s5 =	smov.u32 s2;
	p1 =	seq.s32 s0, $0x400;
	_ =	swait.ge [sflag:s13], $0x4000  }
0x126: {  	s8 =	sadd.s32 @!p1 s0, s11;
	s0 =	smov.u32 s5;
	[sflag:s13] =	ssyncset.done $0x0  }
0x127: {  	s5 =	simm.s32 @!p1 $0x0;
	s9 =	sadd.s32 @!p1 $0x100, s8;
	[sflag:s13] =	ssyncadd.s32 $0xFFFFC000  }
0x128: {  	[tilespmem:s5], [sflag:$0x1] =	stream.linear.gather @!p1 [hbm4b:s9+s5], $0x400, $0x38;
	[tilespmem:$0x1D000] =	vst v63  }
0x129: {  	s8 =	sadd.s32 @!p1 $0xA100, s8;
	s9 =	simm.s32 @!p1 $0x400  }
0x12a: {  	[tilespmem:s9], [sflag:$0x1] =	stream.linear.gather @!p1 [hbm4b:s8+s5], $0x400, $0x38;
	[tilespmem:$0x1D000] =	vst v63  }
0x12b: {  	_ =	swait.ge [sflag:s20], $0x4000  }
0x12c: {  	[sflag:s20] =	ssyncset.done $0x0  }
0x12d: {  	s9 =	rddreg [dreg:$0x10];
	[sflag:s20] =	ssyncadd.s32 $0xFFFFC000  }
0x12e: {  	[tilespmem:s21], [sflag:$0x4] =	stream.indirect.gather [hbm4b:s4+s16], $0x80, s9, s16, $0xb8;
	[tilespmem:$0x1D000] =	vst v63  }
0x12f: {  	_ = 	snop  }
0x130: {  	[spmem:s1] =	stream.indirect.scatter.add.f32 [tilespmem:s17], [sflag:$0x5], $0x80, s19, s16, $0xb8;
	[tilespmem:$0x1D000] =	vst v63  }
0x131: {  	_ =	swait.ge [sflag:s13], $0x4000  }
0x132: {  	[sflag:s13] =	ssyncset.done $0x0  }
0x133: {  	[sflag:s13] =	ssyncadd.s32 $0xFFFFC000  }
0x134: {  	_ =	swait.ge [sflag:s22], $0x4000  }
0x135: {  	[sflag:s22] =	ssyncset.done $0x0  }
0x136: {  	s8 =	rddreg [dreg:$0x11];
	[sflag:s22] =	ssyncadd.s32 $0xFFFFC000  }
0x137: {  	[tilespmem:s17], [sflag:$0x3] =	stream.indirect.gather [hbm4b:s4+s16], $0x80, s8, s16, $0xb8;
	[tilespmem:$0x1D000] =	vst v63  }
0x138: {  	s9 =	rddreg [dreg:$0x12]  }
0x139: {  	[spmem:s1] =	stream.indirect.scatter.add.f32 [tilespmem:s21], [sflag:$0x5], $0x80, s9, s16, $0xb8;
	[tilespmem:$0x1D000] =	vst v63  }
0x13a: {  	_ =	swait.ge [sflag:s13], $0x4000  }
0x13b: {  	[sflag:s13] =	ssyncset.done $0x0  }
0x13c: {  	[sflag:s13] =	ssyncadd.s32 $0xFFFFC000  }
0x13d: {  	_ =	swait.ge [sflag:s20], $0x4000  }
0x13e: {  	[sflag:s20] =	ssyncset.done $0x0  }
0x13f: {  	s8 =	rddreg [dreg:$0x13];
	[sflag:s20] =	ssyncadd.s32 $0xFFFFC000  }
0x140: {  	[tilespmem:s21], [sflag:$0x4] =	stream.indirect.gather [hbm4b:s4+s16], $0x80, s8, s16, $0xb8;
	[tilespmem:$0x1D000] =	vst v63  }
0x141: {  	s9 =	rddreg [dreg:$0x14]  }
0x142: {  	[spmem:s1] =	stream.indirect.scatter.add.f32 [tilespmem:s17], [sflag:$0x5], $0x80, s9, s16, $0xb8;
	[tilespmem:$0x1D000] =	vst v63  }
0x143: {  	_ =	swait.ge [sflag:s13], $0x4000  }
0x144: {  	[sflag:s13] =	ssyncset.done $0x0  }
0x145: {  	[sflag:s13] =	ssyncadd.s32 $0xFFFFC000  }
0x146: {  	_ =	swait.ge [sflag:s22], $0x4000  }
0x147: {  	[sflag:s22] =	ssyncset.done $0x0  }
0x148: {  	s8 =	rddreg [dreg:$0x15];
	[sflag:s22] =	ssyncadd.s32 $0xFFFFC000  }
0x149: {  	[tilespmem:s17], [sflag:$0x3] =	stream.indirect.gather [hbm4b:s4+s16], $0x80, s8, s16, $0xb8;
	[tilespmem:$0x1D000] =	vst v63  }
0x14a: {  	s9 =	rddreg [dreg:$0x16]  }
0x14b: {  	[spmem:s1] =	stream.indirect.scatter.add.f32 [tilespmem:s21], [sflag:$0x5], $0x80, s9, s16, $0xb8;
	[tilespmem:$0x1D000] =	vst v63  }
0x14c: {  	_ =	swait.ge [sflag:s13], $0x4000  }
0x14d: {  	[sflag:s13] =	ssyncset.done $0x0  }
0x14e: {  	[sflag:s13] =	ssyncadd.s32 $0xFFFFC000  }
0x14f: {  	_ =	swait.ge [sflag:s20], $0x4000  }
0x150: {  	[sflag:s20] =	ssyncset.done $0x0  }
0x151: {  	s9 =	rddreg [dreg:$0x17];
	[sflag:s20] =	ssyncadd.s32 $0xFFFFC000  }
0x152: {  	[tilespmem:s21], [sflag:$0x4] =	stream.indirect.gather [hbm4b:s4+s16], $0x80, s9, s16, $0xb8;
	[tilespmem:$0x1D000] =	vst v63  }
0x153: {  	_ = 	snop  }
0x154: {  	[spmem:s1] =	stream.indirect.scatter.add.f32 [tilespmem:s17], [sflag:$0x5], $0x80, s24, s16, $0xb8;
	[tilespmem:$0x1D000] =	vst v63  }
0x155: {  	_ =	swait.ge [sflag:s13], $0x4000  }
0x156: {  	[sflag:s13] =	ssyncset.done $0x0  }
0x157: {  	[sflag:s13] =	ssyncadd.s32 $0xFFFFC000  }
0x158: {  	_ =	swait.ge [sflag:s22], $0x4000  }
0x159: {  	[sflag:s22] =	ssyncset.done $0x0  }
0x15a: {  	[sflag:s22] =	ssyncadd.s32 $0xFFFFC000  }
0x15b: {  	[tilespmem:s17], [sflag:$0x3] =	stream.indirect.gather [hbm4b:s4+s16], $0x80, s25, s16, $0xb8;
	[tilespmem:$0x1D000] =	vst v63  }
0x15c: {  	_ = 	snop  }
0x15d: {  	[spmem:s1] =	stream.indirect.scatter.add.f32 [tilespmem:s21], [sflag:$0x5], $0x80, s26, s16, $0xb8;
	[tilespmem:$0x1D000] =	vst v63  }
0x15e: {  	_ =	swait.ge [sflag:s13], $0x4000  }
0x15f: {  	[sflag:s13] =	ssyncset.done $0x0  }
0x160: {  	[sflag:s13] =	ssyncadd.s32 $0xFFFFC000  }
0x161: {  	_ =	swait.ge [sflag:s20], $0x4000  }
0x162: {  	[sflag:s20] =	ssyncset.done $0x0  }
0x163: {  	[sflag:s20] =	ssyncadd.s32 $0xFFFFC000  }
0x164: {  	[tilespmem:s21], [sflag:$0x4] =	stream.indirect.gather [hbm4b:s4+s16], $0x80, s28, s16, $0xb8;
	[tilespmem:$0x1D000] =	vst v63  }
0x165: {  	_ = 	snop  }
0x166: {  	[spmem:s1] =	stream.indirect.scatter.add.f32 [tilespmem:s17], [sflag:$0x5], $0x80, s29, s16, $0xb8;
	[tilespmem:$0x1D000] =	vst v63  }
0x167: {  	_ =	swait.ge [sflag:s13], $0x4000  }
0x168: {  	[sflag:s13] =	ssyncset.done $0x0  }
0x169: {  	[sflag:s13] =	ssyncadd.s32 $0xFFFFC000  }
0x16a: {  	_ =	swait.ge [sflag:s22], $0x4000  }
0x16b: {  	[sflag:s22] =	ssyncset.done $0x0  }
0x16c: {  	s8 =	simm.s32 @!p1 $0x1;
	[sflag:s22] =	ssyncadd.s32 $0xFFFFC000  }
0x16d: {  	_ =	swait.ge @!p1 [sflag:s8], $0x400  }
0x16e: {  	[sflag:s8] =	ssyncset.done @!p1 $0x0  }
0x16f: {  	[sflag:s8] =	ssyncadd.s32 @!p1 $0xFFFFFC00  }
0x170: {  	s2 =	sadd.s32 $0x100, s2;
	_ =	swait.ge @!p1 [sflag:s8], $0x400  }
0x171: {  	p0 =	sne.s32 s2, $0x500;
	[sflag:s8] =	ssyncset.done @!p1 $0x0  }
0x172: {  	s9 =	simm.s32 @!p1 $0x1000;
	[sflag:s8] =	ssyncadd.s32 @!p1 $0xFFFFFC00;
	s8 =	simm.s32 @!p1 $0x80  }
0x173: {  	[tilespmem:s9], [sflag:$0x3] =	stream.indirect.gather @!p1 [hbm4b:s4+s8], $0x80, s5, s8, $0xb8;
	[tilespmem:$0x1D000] =	vst v63  }
.Ltmp0:
0x174: {  	_ = 	snop;
	(pc) =	sbr.rel @p0 .LBB2_2-.Ltmp0, $4  }
0x175: {  	_ = 	snop  }
0x176: {  	[spmem:s1] =	stream.indirect.scatter.add.f32 [tilespmem:s21], [sflag:$0x5], $0x80, s30, s16, $0xb8;
	[tilespmem:$0x1D000] =	vst v63  }
0x177: {  	_ =	swait.ge [sflag:s13], $0x4000  }
0x178: {  	[sflag:s13] =	ssyncset.done $0x0  }
0x179: {  	s2 =	sadd.s32 s0, s11  }
0x17a: {  	[sflag:s13] =	ssyncadd.s32 $0xFFFFC000;
	s5 =	sadd.s32 $0x80, s2  }
0x17b: {  	[tilespmem:s18], [sflag:$0x2] =	stream.linear.gather [hbm4b:s5+s3], $0x400, $0x38;
	[tilespmem:$0x1D000] =	vst v63  }
0x17c: {  	s2 =	sadd.s32 $0xA080, s2  }
0x17d: {  	[tilespmem:s19], [sflag:$0x2] =	stream.linear.gather [hbm4b:s2+s3], $0x400, $0x38;
	[tilespmem:$0x1D000] =	vst v63  }
0x17e: {  	_ =	swait.ge [sflag:s20], $0x4000  }
0x17f: {  	[sflag:s20] =	ssyncset.done $0x0  }
0x180: {  	[sflag:s20] =	ssyncadd.s32 $0xFFFFC000  }
0x181: {  	[tilespmem:s21], [sflag:$0x4] =	stream.indirect.gather [hbm4b:s4+s16], $0x80, s16, s16, $0xb8;
	[tilespmem:$0x1D000] =	vst v63  }
0x182: {  	_ = 	snop  }
0x183: {  	[spmem:s1] =	stream.indirect.scatter.add.f32 [tilespmem:s17], [sflag:$0x5], $0x80, s14, s16, $0xb8;
	[tilespmem:$0x1D000] =	vst v63  }
0x184: {  	_ =	swait.ge [sflag:s13], $0x4000  }
0x185: {  	[sflag:s13] =	ssyncset.done $0x0  }
0x186: {  	[sflag:s13] =	ssyncadd.s32 $0xFFFFC000  }
0x187: {  	_ =	swait.ge [sflag:s22], $0x4000  }
0x188: {  	[sflag:s22] =	ssyncset.done $0x0  }
0x189: {  	s8 =	rddreg [dreg:$0x3];
	[sflag:s22] =	ssyncadd.s32 $0xFFFFC000  }
0x18a: {  	[tilespmem:s17], [sflag:$0x3] =	stream.indirect.gather [hbm4b:s4+s16], $0x80, s8, s16, $0xb8;
	[tilespmem:$0x1D000] =	vst v63  }
0x18b: {  	s9 =	rddreg [dreg:$0x4]  }
0x18c: {  	[spmem:s1] =	stream.indirect.scatter.add.f32 [tilespmem:s21], [sflag:$0x5], $0x80, s9, s16, $0xb8;
	[tilespmem:$0x1D000] =	vst v63  }
0x18d: {  	_ =	swait.ge [sflag:s13], $0x4000  }
0x18e: {  	[sflag:s13] =	ssyncset.done $0x0  }
0x18f: {  	[sflag:s13] =	ssyncadd.s32 $0xFFFFC000  }
0x190: {  	_ =	swait.ge [sflag:s20], $0x4000  }
0x191: {  	[sflag:s20] =	ssyncset.done $0x0  }
0x192: {  	s8 =	rddreg [dreg:$0x5];
	[sflag:s20] =	ssyncadd.s32 $0xFFFFC000  }
0x193: {  	[tilespmem:s21], [sflag:$0x4] =	stream.indirect.gather [hbm4b:s4+s16], $0x80, s8, s16, $0xb8;
	[tilespmem:$0x1D000] =	vst v63  }
0x194: {  	s9 =	rddreg [dreg:$0x6]  }
0x195: {  	[spmem:s1] =	stream.indirect.scatter.add.f32 [tilespmem:s17], [sflag:$0x5], $0x80, s9, s16, $0xb8;
	[tilespmem:$0x1D000] =	vst v63  }
0x196: {  	_ =	swait.ge [sflag:s13], $0x4000  }
0x197: {  	[sflag:s13] =	ssyncset.done $0x0  }
0x198: {  	[sflag:s13] =	ssyncadd.s32 $0xFFFFC000  }
0x199: {  	_ =	swait.ge [sflag:s22], $0x4000  }
0x19a: {  	[sflag:s22] =	ssyncset.done $0x0  }
0x19b: {  	s8 =	rddreg [dreg:$0x7];
	[sflag:s22] =	ssyncadd.s32 $0xFFFFC000  }
0x19c: {  	[tilespmem:s17], [sflag:$0x3] =	stream.indirect.gather [hbm4b:s4+s16], $0x80, s8, s16, $0xb8;
	[tilespmem:$0x1D000] =	vst v63  }
0x19d: {  	s9 =	rddreg [dreg:$0x8]  }
0x19e: {  	[spmem:s1] =	stream.indirect.scatter.add.f32 [tilespmem:s21], [sflag:$0x5], $0x80, s9, s16, $0xb8;
	[tilespmem:$0x1D000] =	vst v63  }
0x19f: {  	_ =	swait.ge [sflag:s13], $0x4000  }
0x1a0: {  	[sflag:s13] =	ssyncset.done $0x0  }
0x1a1: {  	[sflag:s13] =	ssyncadd.s32 $0xFFFFC000  }
0x1a2: {  	_ =	swait.ge [sflag:s20], $0x4000  }
0x1a3: {  	[sflag:s20] =	ssyncset.done $0x0  }
0x1a4: {  	s8 =	rddreg [dreg:$0x9];
	[sflag:s20] =	ssyncadd.s32 $0xFFFFC000  }
0x1a5: {  	[tilespmem:s21], [sflag:$0x4] =	stream.indirect.gather [hbm4b:s4+s16], $0x80, s8, s16, $0xb8;
	[tilespmem:$0x1D000] =	vst v63  }
0x1a6: {  	s9 =	rddreg [dreg:$0xa]  }
0x1a7: {  	[spmem:s1] =	stream.indirect.scatter.add.f32 [tilespmem:s17], [sflag:$0x5], $0x80, s9, s16, $0xb8;
	[tilespmem:$0x1D000] =	vst v63  }
0x1a8: {  	_ =	swait.ge [sflag:s13], $0x4000  }
0x1a9: {  	[sflag:s13] =	ssyncset.done $0x0  }
0x1aa: {  	[sflag:s13] =	ssyncadd.s32 $0xFFFFC000  }
0x1ab: {  	_ =	swait.ge [sflag:s22], $0x4000  }
0x1ac: {  	[sflag:s22] =	ssyncset.done $0x0  }
0x1ad: {  	s8 =	rddreg [dreg:$0xb];
	[sflag:s22] =	ssyncadd.s32 $0xFFFFC000  }
0x1ae: {  	[tilespmem:s17], [sflag:$0x3] =	stream.indirect.gather [hbm4b:s4+s16], $0x80, s8, s16, $0xb8;
	[tilespmem:$0x1D000] =	vst v63  }
0x1af: {  	s9 =	rddreg [dreg:$0xc]  }
0x1b0: {  	[spmem:s1] =	stream.indirect.scatter.add.f32 [tilespmem:s21], [sflag:$0x5], $0x80, s9, s16, $0xb8;
	[tilespmem:$0x1D000] =	vst v63  }
0x1b1: {  	_ =	swait.ge [sflag:s13], $0x4000  }
0x1b2: {  	[sflag:s13] =	ssyncset.done $0x0  }
0x1b3: {  	[sflag:s13] =	ssyncadd.s32 $0xFFFFC000  }
0x1b4: {  	_ =	swait.ge [sflag:s20], $0x4000  }
0x1b5: {  	[sflag:s20] =	ssyncset.done $0x0  }
0x1b6: {  	s5 =	rddreg [dreg:$0xd];
	[sflag:s20] =	ssyncadd.s32 $0xFFFFC000  }
0x1b7: {  	[tilespmem:s21], [sflag:$0x4] =	stream.indirect.gather [hbm4b:s4+s16], $0x80, s5, s16, $0xb8;
	[tilespmem:$0x1D000] =	vst v63  }
0x1b8: {  	s8 =	rddreg [dreg:$0xe]  }
0x1b9: {  	[spmem:s1] =	stream.indirect.scatter.add.f32 [tilespmem:s17], [sflag:$0x5], $0x80, s8, s16, $0xb8;
	[tilespmem:$0x1D000] =	vst v63  }
0x1ba: {  	_ =	swait.ge [sflag:s13], $0x4000  }
0x1bb: {  	[sflag:s13] =	ssyncset.done $0x0  }
0x1bc: {  	[sflag:s13] =	ssyncadd.s32 $0xFFFFC000  }
0x1bd: {  	_ =	swait.ge [sflag:s22], $0x4000  }
0x1be: {  	[sflag:s22] =	ssyncset.done $0x0  }
0x1bf: {  	[sflag:s22] =	ssyncadd.s32 $0xFFFFC000  }
0x1c0: {  	_ =	swait.ge [sflag:s23], $0x400  }
0x1c1: {  	[sflag:s23] =	ssyncset.done $0x0  }
0x1c2: {  	[sflag:s23] =	ssyncadd.s32 $0xFFFFFC00  }
0x1c3: {  	_ =	swait.ge [sflag:s23], $0x400  }
0x1c4: {  	[sflag:s23] =	ssyncset.done $0x0  }
0x1c5: {  	[sflag:s23] =	ssyncadd.s32 $0xFFFFFC00  }
0x1c6: {  	[tilespmem:s17], [sflag:$0x3] =	stream.indirect.gather [hbm4b:s4+s16], $0x80, s18, s16, $0xb8;
	[tilespmem:$0x1D000] =	vst v63  }
0x1c7: {  	s9 =	rddreg [dreg:$0xf]  }
0x1c8: {  	[spmem:s1] =	stream.indirect.scatter.add.f32 [tilespmem:s21], [sflag:$0x5], $0x80, s9, s16, $0xb8;
	[tilespmem:$0x1D000] =	vst v63  }
0x1c9: {  	p0 =	seq.s32 s0, $0x400;
	_ =	swait.ge [sflag:s13], $0x4000  }
0x1ca: {  	s2 =	sadd.s32 @!p0 s0, s11;
	[sflag:s13] =	ssyncset.done $0x0  }
0x1cb: {  	s0 =	simm.s32 @!p0 $0x0;
	s5 =	sadd.s32 @!p0 $0x100, s2;
	[sflag:s13] =	ssyncadd.s32 $0xFFFFC000  }
0x1cc: {  	[tilespmem:s0], [sflag:$0x1] =	stream.linear.gather @!p0 [hbm4b:s5+s0], $0x400, $0x38;
	[tilespmem:$0x1D000] =	vst v63  }
0x1cd: {  	s2 =	sadd.s32 @!p0 $0xA100, s2;
	s5 =	simm.s32 @!p0 $0x400  }
0x1ce: {  	[tilespmem:s5], [sflag:$0x1] =	stream.linear.gather @!p0 [hbm4b:s2+s0], $0x400, $0x38;
	[tilespmem:$0x1D000] =	vst v63  }
0x1cf: {  	_ =	swait.ge [sflag:s20], $0x4000  }
0x1d0: {  	[sflag:s20] =	ssyncset.done $0x0  }
0x1d1: {  	s5 =	rddreg [dreg:$0x10];
	[sflag:s20] =	ssyncadd.s32 $0xFFFFC000  }
0x1d2: {  	[tilespmem:s21], [sflag:$0x4] =	stream.indirect.gather [hbm4b:s4+s16], $0x80, s5, s16, $0xb8;
	[tilespmem:$0x1D000] =	vst v63  }
0x1d3: {  	_ = 	snop  }
0x1d4: {  	[spmem:s1] =	stream.indirect.scatter.add.f32 [tilespmem:s17], [sflag:$0x5], $0x80, s19, s16, $0xb8;
	[tilespmem:$0x1D000] =	vst v63  }
0x1d5: {  	_ =	swait.ge [sflag:s13], $0x4000  }
0x1d6: {  	[sflag:s13] =	ssyncset.done $0x0  }
0x1d7: {  	[sflag:s13] =	ssyncadd.s32 $0xFFFFC000  }
0x1d8: {  	_ =	swait.ge [sflag:s22], $0x4000  }
0x1d9: {  	[sflag:s22] =	ssyncset.done $0x0  }
0x1da: {  	s8 =	rddreg [dreg:$0x11];
	[sflag:s22] =	ssyncadd.s32 $0xFFFFC000  }
0x1db: {  	[tilespmem:s17], [sflag:$0x3] =	stream.indirect.gather [hbm4b:s4+s16], $0x80, s8, s16, $0xb8;
	[tilespmem:$0x1D000] =	vst v63  }
0x1dc: {  	s9 =	rddreg [dreg:$0x12]  }
0x1dd: {  	[spmem:s1] =	stream.indirect.scatter.add.f32 [tilespmem:s21], [sflag:$0x5], $0x80, s9, s16, $0xb8;
	[tilespmem:$0x1D000] =	vst v63  }
0x1de: {  	_ =	swait.ge [sflag:s13], $0x4000  }
0x1df: {  	[sflag:s13] =	ssyncset.done $0x0  }
0x1e0: {  	[sflag:s13] =	ssyncadd.s32 $0xFFFFC000  }
0x1e1: {  	_ =	swait.ge [sflag:s20], $0x4000  }
0x1e2: {  	[sflag:s20] =	ssyncset.done $0x0  }
0x1e3: {  	s8 =	rddreg [dreg:$0x13];
	[sflag:s20] =	ssyncadd.s32 $0xFFFFC000  }
0x1e4: {  	[tilespmem:s21], [sflag:$0x4] =	stream.indirect.gather [hbm4b:s4+s16], $0x80, s8, s16, $0xb8;
	[tilespmem:$0x1D000] =	vst v63  }
0x1e5: {  	s9 =	rddreg [dreg:$0x14]  }
0x1e6: {  	[spmem:s1] =	stream.indirect.scatter.add.f32 [tilespmem:s17], [sflag:$0x5], $0x80, s9, s16, $0xb8;
	[tilespmem:$0x1D000] =	vst v63  }
0x1e7: {  	_ =	swait.ge [sflag:s13], $0x4000  }
0x1e8: {  	[sflag:s13] =	ssyncset.done $0x0  }
0x1e9: {  	[sflag:s13] =	ssyncadd.s32 $0xFFFFC000  }
0x1ea: {  	_ =	swait.ge [sflag:s22], $0x4000  }
0x1eb: {  	[sflag:s22] =	ssyncset.done $0x0  }
0x1ec: {  	s8 =	rddreg [dreg:$0x15];
	[sflag:s22] =	ssyncadd.s32 $0xFFFFC000  }
0x1ed: {  	[tilespmem:s17], [sflag:$0x3] =	stream.indirect.gather [hbm4b:s4+s16], $0x80, s8, s16, $0xb8;
	[tilespmem:$0x1D000] =	vst v63  }
0x1ee: {  	s9 =	rddreg [dreg:$0x16]  }
0x1ef: {  	[spmem:s1] =	stream.indirect.scatter.add.f32 [tilespmem:s21], [sflag:$0x5], $0x80, s9, s16, $0xb8;
	[tilespmem:$0x1D000] =	vst v63  }
0x1f0: {  	_ =	swait.ge [sflag:s13], $0x4000  }
0x1f1: {  	[sflag:s13] =	ssyncset.done $0x0  }
0x1f2: {  	[sflag:s13] =	ssyncadd.s32 $0xFFFFC000  }
0x1f3: {  	_ =	swait.ge [sflag:s20], $0x4000  }
0x1f4: {  	[sflag:s20] =	ssyncset.done $0x0  }
0x1f5: {  	s8 =	rddreg [dreg:$0x17];
	[sflag:s20] =	ssyncadd.s32 $0xFFFFC000  }
0x1f6: {  	[tilespmem:s21], [sflag:$0x4] =	stream.indirect.gather [hbm4b:s4+s16], $0x80, s8, s16, $0xb8;
	[tilespmem:$0x1D000] =	vst v63  }
0x1f7: {  	_ = 	snop  }
0x1f8: {  	[spmem:s1] =	stream.indirect.scatter.add.f32 [tilespmem:s17], [sflag:$0x5], $0x80, s24, s16, $0xb8;
	[tilespmem:$0x1D000] =	vst v63  }
0x1f9: {  	_ =	swait.ge [sflag:s13], $0x4000  }
0x1fa: {  	[sflag:s13] =	ssyncset.done $0x0  }
0x1fb: {  	[sflag:s13] =	ssyncadd.s32 $0xFFFFC000  }
0x1fc: {  	_ =	swait.ge [sflag:s22], $0x4000  }
0x1fd: {  	[sflag:s22] =	ssyncset.done $0x0  }
0x1fe: {  	[sflag:s22] =	ssyncadd.s32 $0xFFFFC000  }
0x1ff: {  	[tilespmem:s17], [sflag:$0x3] =	stream.indirect.gather [hbm4b:s4+s16], $0x80, s25, s16, $0xb8;
	[tilespmem:$0x1D000] =	vst v63  }
0x200: {  	_ = 	snop  }
0x201: {  	[spmem:s1] =	stream.indirect.scatter.add.f32 [tilespmem:s21], [sflag:$0x5], $0x80, s26, s16, $0xb8;
	[tilespmem:$0x1D000] =	vst v63  }
0x202: {  	_ =	swait.ge [sflag:s13], $0x4000  }
0x203: {  	[sflag:s13] =	ssyncset.done $0x0  }
0x204: {  	[sflag:s13] =	ssyncadd.s32 $0xFFFFC000  }
0x205: {  	_ =	swait.ge [sflag:s20], $0x4000  }
0x206: {  	[sflag:s20] =	ssyncset.done $0x0  }
0x207: {  	[sflag:s20] =	ssyncadd.s32 $0xFFFFC000  }
0x208: {  	[tilespmem:s21], [sflag:$0x4] =	stream.indirect.gather [hbm4b:s4+s16], $0x80, s28, s16, $0xb8;
	[tilespmem:$0x1D000] =	vst v63  }
0x209: {  	_ = 	snop  }
0x20a: {  	[spmem:s1] =	stream.indirect.scatter.add.f32 [tilespmem:s17], [sflag:$0x5], $0x80, s29, s16, $0xb8;
	[tilespmem:$0x1D000] =	vst v63  }
0x20b: {  	_ =	swait.ge [sflag:s13], $0x4000  }
0x20c: {  	[sflag:s13] =	ssyncset.done $0x0  }
0x20d: {  	[sflag:s13] =	ssyncadd.s32 $0xFFFFC000  }
0x20e: {  	_ =	swait.ge [sflag:s22], $0x4000  }
0x20f: {  	[sflag:s22] =	ssyncset.done $0x0  }
0x210: {  	s2 =	simm.s32 @!p0 $0x1;
	[sflag:s22] =	ssyncadd.s32 $0xFFFFC000  }
0x211: {  	_ =	swait.ge @!p0 [sflag:s2], $0x400  }
0x212: {  	[sflag:s2] =	ssyncset.done @!p0 $0x0  }
0x213: {  	[sflag:s2] =	ssyncadd.s32 @!p0 $0xFFFFFC00  }
0x214: {  	_ =	swait.ge @!p0 [sflag:s2], $0x400  }
0x215: {  	[sflag:s2] =	ssyncset.done @!p0 $0x0  }
0x216: {  	s5 =	simm.s32 @!p0 $0x1000;
	[sflag:s2] =	ssyncadd.s32 @!p0 $0xFFFFFC00;
	s2 =	simm.s32 @!p0 $0x80  }
0x217: {  	[tilespmem:s5], [sflag:$0x3] =	stream.indirect.gather @!p0 [hbm4b:s4+s2], $0x80, s0, s2, $0xb8;
	[tilespmem:$0x1D000] =	vst v63  }
0x218: {  	_ = 	snop  }
0x219: {  	[spmem:s1] =	stream.indirect.scatter.add.f32 [tilespmem:s21], [sflag:$0x5], $0x80, s30, s16, $0xb8;
	[tilespmem:$0x1D000] =	vst v63  }
0x21a: {  	_ =	swait.ge [sflag:s13], $0x4000  }
0x21b: {  	[sflag:s13] =	ssyncset.done $0x0  }
0x21c: {  	s31 =	sadd.s32 $0x1, s31;
	[sflag:s13] =	ssyncadd.s32 $0xFFFFC000  }
0x21d: {  	p0 =	sne.s32 s31, s10;
	[bflag:$0x0] =	sbarrier.arrive $0xFFFF  }
.Ltmp1:
0x21e: {  	s9 =	rddreg [dreg:$0x1a];
	(pc) =	sbr.rel @p0 .LBB2_1-.Ltmp1, $4  }
0x21f: {  	[hbm:s9], [sflag:s6] =	dma.local [spmem:s12], $0x2800  }
0x220: {  	_ =	swait.ge [sflag:s13], $0x2800  }
0x221: {  	[sflag:s13] =	ssyncset.done $0x0  }
0x222: {  	[sflag:s13] =	ssyncadd.s32 $0xFFFFD800  }
0x223: {  	_ =	sfence.sel $0x180000  }
0x224: {  	[bflag:$0x0] =	sbarrier.arrive $0xFFFF  }
0x225: {  	_ =	strace $0x9000004D  }
0x226: {  	s0 =	stileid.u32;
	[bflag:$0x2] =	sbarrier.arrive $0xFFFF  }
0x227: {  	p0 =	sne.s32 s0, $0x0;
	s0 =	rddreg [dreg:$0x2]  }
0x228: {  	s0 =	sadd.s32 @!p0 $0x100000, s0  }
0x229: {  	[sflag:s0] =	ssyncadd.tile.s32 @!p0 $0x1;
	_ =	shalt  }
.Lfunc_end2:
_tile_overlayer_lowered:
.L_overlay_start_2:
0x22a: {  	(tag) =	ssettag $0x2  }
0x22b: {  	s0 =	rddreg [dreg:$0x0];
	s2 =	stileid.u32  }
0x22c: {  	s1 =	rddreg [dreg:$0x1];
	p0 =	sne.s32 s2, $0x0  }
0x22d: {  	s3 =	rddreg [dreg:$0x2];
	[bflag:$0x3] =	sbarrier.arrive $0xFFFF;
	s2 =	simm.s32 @!p0 $0x1C05  }
0x22e: {  	[timem:s3], [sflag:s2] =	dma.local @!p0 [hbm:s0], s1  }
0x22f: {  	s0 =	simm.s32 @!p0 $0x5  }
0x230: {  	_ =	swait.ge @!p0 [sflag:s0], s1  }
0x231: {  	s1 =	ssub.s32 @!p0 $0x0, s1;
	[sflag:s0] =	ssyncset.done @!p0 $0x0  }
0x232: {  	[sflag:s0] =	ssyncadd.s32 @!p0 s1  }
0x233: {  	[bflag:$0x3] =	sbarrier.arrive $0xFFFF  }
0x234: {  	_ =	shalt  }

// kernel: kernel.8.cloned.1.call-start
scs
__scs_entry_jumppad:
0x0: {  	(pc) =	sbr.rel $0x88, $3  }
0x1: {  	(tag) =	ssettag $0x0;
	lr =	simm.s32 $0x1  }
0x2: {  	[smem:$0x3F83] =	sst lr;
	_ =	strace $0xD0000000  }
0x3: {  	_ = 	snop  }
0x4: {  	_ = 	snop  }
0x5: {  	_ = 	snop  }
0x6: {  	_ = 	snop  }
0x7: {  	_ = 	snop  }
__scs_overlays_trampoline_lowered:
0x8: {  	[smem:$0x3F92] =	sst s0  }
0x9: {  	[smem:$0x3F93] =	sst s1  }
0xa: {  	[smem:$0x3F94] =	sst s2  }
0xb: {  	[smem:$0x3F95] =	sst s3  }
0xc: {  	[smem:$0x3F96] =	sst s4  }
0xd: {  	[smem:$0x3F97] =	sst s5  }
0xe: {  	[smem:$0x3F98] =	sst s6  }
0xf: {  	[smem:$0x3F99] =	sst s7  }
0x10: {  	[smem:$0x3F9A] =	sst s8  }
0x11: {  	[smem:$0x3F9B] =	sst s9;
	s0 =	simm.s32 @!p0 $0x0  }
0x12: {  	s1 =	sld [smem:$0x3F81];
	s0 =	simm.s32 @p0 $0x1  }
0x13: {  	[smem:$0x3F9C] =	sst s0;
	s0 =	simm.s32 @!p1 $0x0  }
0x14: {  	s2 =	sld [smem:$0x3F80];
	s0 =	simm.s32 @p1 $0x1  }
0x15: {  	[smem:$0x3F9D] =	sst s0;
	s0 =	simm.s32 @!p2 $0x0  }
0x16: {  	s3 =	sld [smem:$0x3FDB];
	s0 =	simm.s32 @p2 $0x1  }
0x17: {  	s4 =	simm.s32 $0x1BF5;
	[smem:$0x3F9F] =	sst s0  }
0x18: {  	s0 =	sld [smem:$0x3F82];
	_ =	swait.ge [sflag:s4], $0x0  }
0x19: {  	s7 =	sld [smem:$0x3F83]  }
0x1a: {  	s8 =	sadd.s32 $0xFFFFE003, lr  }
0x1b: {  	s9 =	sadd.s32 $0xFFFFFEF7, lr;
	s5 =	simm.s32 $0xFFFFFFFF;
	p2 =	slt.u32 s8, $0xFFFFF086  }
0x1c: {  	p1 =	slt.u32 s9, $0xF7A;
	s5 =	simm.s32 @!p2 $0x0  }
0x1d: {  	s5 =	simm.s32 @p1 $0x1;
	p0 =	seq.s32 s7, s2  }
0x1e: {  	s7 =	smul.u32 @!p0 $0xF7A, s2;
	p2 =	seq.s32 @!p0 s5, $0x0  }
0x1f: {  	s9 =	smul.u32 $0xF7A, s1;
	s8 =	simm.s32 @!p0 $0x1BF5;
	p2 =	por !p2, p0  }
0x20: {  	[sflag:s8] =	ssyncset.s32 @!p0 $0xFFFFF086;
	s6 =	sadd.s32 @!p0 s3, s7;
	s7 =	simm.s32 @!p0 $0x108  }
0x21: {  	s3 =	sadd.s32 s3, s9;
	s6 =	sadd.s32 @!p0 $0x88, s6;
	s7 =	simm.s32 @p2 $0x1082  }
0x22: {  	[simem:s7], [sflag:s8] =	dma.local @!p0 [hbm:s6], $0xF7A  }
0x23: {  	s9 =	sor.u32 $0xD0000000, s2;
	s6 =	simm.s32 $0x108;
	_ =	swait.ge @!p0 [sflag:s8], $0x0  }
0x24: {  	s3 =	sadd.s32 $0x88, s3;
	s6 =	simm.s32 @!p1 $0x1082;
	[sflag:s4] =	ssyncset.s32 $0xFFFFF086  }
0x25: {  	[simem:s6], [sflag:s4] =	dma.local [hbm:s3], $0xF7A  }
0x26: {  	[smem:$0x3F83] =	sst s1;
	(tag) =	ssettag s2;
	_ =	strace s9  }
0x27: {  	s1 =	sld [smem:$0x3F93]  }
0x28: {  	s2 =	sld [smem:$0x3F94]  }
0x29: {  	s4 =	sld [smem:$0x3F96]  }
0x2a: {  	p0 =	seq.s32 s5, $0x0;
	s5 =	sld [smem:$0x3F97]  }
0x2b: {  	s6 =	sld [smem:$0x3F98]  }
0x2c: {  	s7 =	sld [smem:$0x3F99]  }
0x2d: {  	s3 =	simm.s32 $0x108;
	s8 =	sld [smem:$0x3F9A]  }
0x2e: {  	s3 =	simm.s32 @!p0 $0x1082;
	s9 =	sld [smem:$0x3F9B]  }
0x2f: {  	lr =	sadd.s32 s0, s3;
	s0 =	sld [smem:$0x3F92]  }
0x30: {  	s3 =	sld [smem:$0x3F95]  }
0x31: {  	[smem:$0x3F9E] =	sst s10  }
0x32: {  	s10 =	sld [smem:$0x3F9C];
	_ =	sdelay $0x3  }
0x33: {  	p0 =	seq.s32 s10, $0x1;
	s10 =	sld [smem:$0x3F9E];
	_ =	sdelay $0x3  }
0x34: {  	[smem:$0x3F9E] =	sst s10  }
0x35: {  	s10 =	sld [smem:$0x3F9D];
	_ =	sdelay $0x3  }
0x36: {  	p1 =	seq.s32 s10, $0x1;
	s10 =	sld [smem:$0x3F9E];
	_ =	sdelay $0x3  }
0x37: {  	[smem:$0x3F9E] =	sst s10  }
0x38: {  	s10 =	sld [smem:$0x3F9F]  }
0x39: {  	_ = 	snop;
	(pc) =	sbr.ind lr, $3  }
0x3a: {  	_ = 	snop  }
0x3b: {  	_ = 	snop  }
0x3c: {  	p2 =	seq.s32 s10, $0x1;
	s10 =	sld [smem:$0x3F9E]  }
0x3d: {  	_ =	shalt  }
0x3e: {  	_ =	shalt  }
0x3f: {  	_ =	shalt  }
0x40: {  	_ =	shalt  }
0x41: {  	_ =	shalt  }
0x42: {  	_ =	shalt  }
0x43: {  	_ =	shalt  }
0x44: {  	_ =	shalt  }
0x45: {  	_ =	shalt  }
0x46: {  	_ =	shalt  }
0x47: {  	_ =	shalt  }
0x48: {  	_ =	shalt  }
0x49: {  	_ =	shalt  }
0x4a: {  	_ =	shalt  }
0x4b: {  	_ =	shalt  }
0x4c: {  	_ =	shalt  }
0x4d: {  	_ =	shalt  }
0x4e: {  	_ =	shalt  }
0x4f: {  	_ =	shalt  }
0x50: {  	_ =	shalt  }
0x51: {  	_ =	shalt  }
0x52: {  	_ =	shalt  }
0x53: {  	_ =	shalt  }
0x54: {  	_ =	shalt  }
0x55: {  	_ =	shalt  }
0x56: {  	_ =	shalt  }
0x57: {  	_ =	shalt  }
0x58: {  	_ =	shalt  }
0x59: {  	_ =	shalt  }
0x5a: {  	_ =	shalt  }
0x5b: {  	_ =	shalt  }
0x5c: {  	_ =	shalt  }
0x5d: {  	_ =	shalt  }
0x5e: {  	_ =	shalt  }
0x5f: {  	_ =	shalt  }
0x60: {  	_ =	shalt  }
0x61: {  	_ =	shalt  }
0x62: {  	_ =	shalt  }
0x63: {  	_ =	shalt  }
0x64: {  	_ =	shalt  }
0x65: {  	_ =	shalt  }
0x66: {  	_ =	shalt  }
0x67: {  	_ =	shalt  }
0x68: {  	_ =	shalt  }
0x69: {  	_ =	shalt  }
0x6a: {  	_ =	shalt  }
0x6b: {  	_ =	shalt  }
0x6c: {  	_ =	shalt  }
0x6d: {  	_ =	shalt  }
0x6e: {  	_ =	shalt  }
0x6f: {  	_ =	shalt  }
0x70: {  	_ =	shalt  }
0x71: {  	_ =	shalt  }
0x72: {  	_ =	shalt  }
0x73: {  	_ =	shalt  }
0x74: {  	_ =	shalt  }
0x75: {  	_ =	shalt  }
0x76: {  	_ =	shalt  }
0x77: {  	_ =	shalt  }
0x78: {  	_ =	shalt  }
0x79: {  	_ =	shalt  }
0x7a: {  	_ =	shalt  }
0x7b: {  	_ =	shalt  }
0x7c: {  	_ =	shalt  }
0x7d: {  	_ =	shalt  }
0x7e: {  	_ =	shalt  }
0x7f: {  	_ =	shalt  }
0x80: {  	_ =	shalt  }
0x81: {  	_ =	shalt  }
0x82: {  	_ =	shalt  }
0x83: {  	_ =	shalt  }
0x84: {  	_ =	shalt  }
0x85: {  	_ =	shalt  }
0x86: {  	_ =	shalt  }
0x87: {  	_ =	shalt  }
.Lfunc_end0:
.L_simem_size_0:
called_computation_lowered:
.L_overlay_start_0:
0x88: {  	s2 =	sld [smem:$0x3FD9]  }
0x89: {  	s3 =	sld [smem:$0x3FFE];
	_ =	sdelay $0x1  }
0x8a: {  	s1 =	srdreg.scid  }
0x8b: {  	s0 =	sand.u32 $0x1, s1  }
0x8c: {  	s14 =	sshll.u32 s0, $0xA;
	s2 =	sadd.s32 s3, s2  }
0x8d: {  	s2 =	sadd.s32 s2, s14  }
0x8e: {  	[smem:$0x3FAA] =	sst s2  }
0x8f: {  	_ = 	snop  }
0x90: {  	s2 =	sld [smem:$0x3FD0];
	_ =	sdelay $0x2  }
0x91: {  	s15 =	simm.s32 $0xA;
	s4 =	simm.s32 $0x10  }
0x92: {  	[smem:s4], [sflag:s15] =	dma.local [hbm:s2], $0x1  }
0x93: {  	_ =	swait.eq [sflag:s15], $0x1  }
0x94: {  	[sflag:s15] =	ssyncset.done $0x0  }
0x95: {  	[sflag:s15] =	ssyncadd.s32 $0xFFFFFFFF  }
0x96: {  	s16 =	sld [smem:$0x10];
	(tm) =	ssettm $0x1  }
0x97: {  	s17 =	sld [smem:$0x3FFB];
	_ =	sdelay $0x3  }
0x98: {  	_ =	strace s17  }
0x99: {  	s3 =	sld [smem:$0x3FFC];
	_ =	sdelay $0x3  }
0x9a: {  	_ =	strace s3  }
0x9b: {  	s3 =	sld [smem:$0x3FFD];
	_ =	sdelay $0x3  }
0x9c: {  	_ =	strace s3  }
0x9d: {  	_ =	strace $0x8FFFFFFF  }
0x9e: {  	s18 =	sld [smem:$0x3FDB];
	_ =	sdelay $0x1  }
0x9f: {  	s19 =	simm.s32 $_scs_section_size  }
0xa0: {  	s5 =	simm.s32 $_size__tile_overlayer_lowered;
	s6 =	simm.s32 $_tile_overlayer_lowered  }
0xa1: {  	s22 =	simm.s32 $0x1BFF;
	s21 =	sshll.u32 s6, $0x1;
	s3 =	sadd.s32 s19, s18  }
0xa2: {  	s7 =	simm.s32 $0x0;
	s20 =	sshll.u32 s5, $0x1;
	s5 =	sadd.s32 s21, s3  }
0xa3: {  	[timem:s7], [sflag:s22] =	dma.local [hbm:s5], s20  }
0xa4: {  	_ =	swait.ge [sflag:s22], s20  }
0xa5: {  	s4 =	ssub.s32 $0x0, s20;
	[sflag:s22] =	ssyncset.done $0x0  }
0xa6: {  	[sflag:s22] =	ssyncadd.s32 s4;
	_ =	sdelay $0x1  }
0xa7: {  	s23 =	simm.s32 $0x1B8B  }
0xa8: {  	_ =	swait.ge [sflag:s23], $0x1  }
0xa9: {  	[sflag:s23] =	ssyncset.done $0x0  }
0xaa: {  	s25 =	simm.s32 $0x1B8E;
	s24 =	sld [smem:$0x3FFE];
	[sflag:s23] =	ssyncadd.s32 $0xFFFFFFFF  }
0xab: {  	s26 =	simm.s32 $execute0_lowered;
	[smem:$0x3FD2] =	sst s25  }
0xac: {  	s5 =	sshll.u32 s26, $0x1;
	_ =	strace $0x80000046;
	[dreg:$0x1] =	wrdreg $0xFFFFFFFF  }
0xad: {  	s28 =	simm.s32 $_size_execute0_lowered;
	s3 =	sadd.s32 s3, s5;
	[dreg:$0x0] =	wrdreg $0x0  }
0xae: {  	s5 =	sshll.u32 s28, $0x1;
	[dreg:$0x2] =	wrdreg s3  }
0xaf: {  	[dreg:$0x3] =	wrdreg s5  }
0xb0: {  	[dreg:$0x4] =	wrdreg $0xC0  }
0xb1: {  	_ =	task [dreg:s7], $0x5FFFF  }
0xb2: {  	[dreg:$0x1] =	wrdreg $0xFFFFFFFF  }
0xb3: {  	[dreg:$0x0] =	wrdreg $0x60  }
0xb4: {  	[dreg:$0x2] =	wrdreg s24  }
0xb5: {  	[dreg:$0x3] =	wrdreg s16  }
0xb6: {  	[dreg:$0x4] =	wrdreg $0x80800  }
0xb7: {  	[dreg:$0x5] =	wrdreg $0x9  }
0xb8: {  	_ =	task.clear_ibuf [dreg:s7], $0x6FFFF;
	_ =	strace $0x90000046  }
0xb9: {  	s29 =	simm.s32 $0x9;
	_ =	strace $0x80000048  }
0xba: {  	_ =	swait.ge [sflag:s29], $0x1  }
0xbb: {  	[sflag:s29] =	ssyncadd.s32 $0xFFFFFFFF  }
0xbc: {  	_ =	strace $0x90000048  }
0xbd: {  	_ =	sfence  }
0xbe: {  	s30 =	sld [smem:$0x0];
	_ =	sdelay $0x2  }
0xbf: {  	s31 =	sshll.u32 s1, $0xD;
	s1 =	sshrl.u32 s1, $0x2  }
0xc0: {  	s3 =	sand.u32 $0x4000, s31;
	s1 =	sadd.s32 s1, s30  }
0xc1: {  	s0 =	sor.u32 s3, s0;
	s1 =	sshll.u32 s1, $0x11  }
0xc2: {  	s0 =	sor.u32 s1, s0  }
0xc3: {  	s0 =	sadd.s32 $0x8F2B, s0  }
0xc4: {  	[sflag:s0] =	ssyncadd.remote.s32 $0x1  }
0xc5: {  	_ =	sfence.sel $0xFFFF  }
0xc6: {  	[dreg:$0x0] =	wrdreg $0xFFFFFFFF;
	(pc) =	sbr.abs _section_cstart, $3  }
0xc7: {  	[dreg:$0x1] =	wrdreg $0xFFFFFFFF  }
0xc8: {  	_ =	task.clear_ibuf [dreg:s7], $0x2FFFF;
	_ =	strace $0x9FFFFFFF  }
0xc9: {  	(tm) =	ssettm $0x7FFFFFFF  }
tec
execute0_lowered:
.L_overlay_start_1:
0x0: {  	(tag) =	ssettag $0x1  }
0x1: {  	s4 =	rddreg [dreg:$0x0]  }
0x2: {  	s8 =	rddreg [dreg:$0x1];
	s0 =	srdreg.scid  }
0x3: {  	s7 =	rddreg [dreg:$0x2];
	s1 =	stileid.u32  }
0x4: {  	s2 =	simm.s32 $0x0;
	s13 =	simm.s32 $0x7800;
	s14 =	simm.s32 $0x7C00  }
0x5: {  	s5 =	sand.u32 $0x1, s0;
	s0 =	rddreg [dreg:$0x3];
	s6 =	smul.u32 $0xA00, s1  }
0x6: {  	s15 =	simm.s32 $0x0;
	[smem:$0x7FF] =	sst s2;
	s10 =	smul.u32 $0xA000, s1  }
0x7: {  	s29 =	sshll.u32 s1, $0xA;
	p0 =	sgt.u32 s1, $0x9;
	s3 =	smul.u32 $0xA000, s5  }
0x8: {  	_ =	strace $0x80000047;
	s9 =	ssub.s32 $0x2, s5;
	s12 =	smul.u32 $0x2800, s5  }
0x9: {  	s11 =	sshrl.u32 s9, $0x1;
	s30 =	sshrl.u32 s10, $0x2;
	s3 =	sadd.s32 s6, s3  }
.Ltmp0:
0xa: {  	s9 =	ssub.s32 s9, s11;
	s31 =	sadd.s32 s29, s12;
	(pc) =	sbr.rel .LBB2_1-.Ltmp0, $4  }
0xb: {  	s11 =	simm.s32 $0x1;
	s12 =	simm.s32 $0x8000;
	s6 =	sadd.s32 s3, s4  }
0xc: {  	s3 =	sadd.s32 $0x19000, s4;
	s4 =	sadd.s32 $0x1B800, s4;
	s10 =	sshrl.u32 s31, $0x3  }
0xd: {  	s9 =	smax.u32 s9, $0x1;
	s5 =	sadd.s32 $0x5000, s6;
	s6 =	sadd.s32 s30, s7  }
0xe: {  	s7 =	sadd.s32 s29, s7;
	s8 =	sadd.s32 s8, s10;
	s10 =	simm.s32 $0x5000  }
.LBB2_6:
0xf: {  	[tilespmem:$0x7BF0] =	vst v0  }
0x10: {  	[hbm4b:s8+s2] =	stream.linear.scatter [tilespmem:s13], [sflag:$0x1], $0x400, $0x38;
	[tilespmem:$0xA880] =	vst v63  }
0x11: {  	_ =	swait.ge [sflag:s11], $0x400  }
0x12: {  	[sflag:s11] =	ssyncset.done $0x0  }
0x13: {  	[sflag:s11] =	ssyncadd.s32 $0xFFFFFC00  }
.LBB2_7:
0x14: {  	s15 =	sadd.s32 $0x1, s15  }
0x15: {  	p1 =	sne.s32 s15, s9  }
.Ltmp1:
0x16: {  	_ = 	snop;
	(pc) =	sbr.rel @!p1 .LBB2_8-.Ltmp1, $1  }
0x17: {  	_ =	sdelay $0x3  }
.LBB2_1:
0x18: {  	[tilespmem:s10], [sflag:$0x1] =	stream.linear.gather [hbm4b:s3+s2], $0x2800, $0x38;
	[tilespmem:$0xA880] =	vst v63  }
0x19: {  	_ =	swait.ge [sflag:s11], $0x2800  }
0x1a: {  	[sflag:s11] =	ssyncset.done $0x0  }
0x1b: {  	[sflag:s11] =	ssyncadd.s32 $0xFFFFD800  }
0x1c: {  	[tilespmem:s2], [sflag:$0x1] =	stream.linear.gather [hbm4b:s5+s2], $0x5000, $0x38;
	[tilespmem:$0xA880] =	vst v63  }
0x1d: {  	_ =	swait.ge [sflag:s11], $0x5000  }
0x1e: {  	[sflag:s11] =	ssyncset.done $0x0  }
0x1f: {  	[sflag:s11] =	ssyncadd.s32 $0xFFFFB000  }
0x20: {  	[tilespmem:s12], [sflag:$0x1] =	stream.linear.gather [hbm4b:s4+s2], $0x10, $0x38;
	[tilespmem:$0xA880] =	vst v63  }
0x21: {  	_ =	swait.ge [sflag:s11], $0x10  }
0x22: {  	[sflag:s11] =	ssyncset.done $0x0  }
0x23: {  	[sflag:s11] =	ssyncadd.s32 $0xFFFFFFF0  }
0x24: {  	s16 =	simm.s32 $0x0;
	v0 =	vld [tilespmem:$0x8000]  }
.LBB2_2:
0x25: {  	s17 =	sshra.s32 s16, $0x2  }
0x26: {  	v1 =	vld [tilespmem:s17+$0x0];
	_ =	sdelay $0x7  }
0x27: {  	[tilespmem:v1+s10+$0x0] =	vst.idx.add.f32.msk $0xffff, v0  }
0x28: {  	v1 =	vld [tilespmem:s17+$0x10];
	_ =	sdelay $0x7  }
0x29: {  	[tilespmem:v1+s10+$0x0] =	vst.idx.add.f32.msk $0xffff, v0  }
0x2a: {  	v1 =	vld [tilespmem:s17+$0x20];
	_ =	sdelay $0x7  }
0x2b: {  	[tilespmem:v1+s10+$0x0] =	vst.idx.add.f32.msk $0xffff, v0  }
0x2c: {  	v1 =	vld [tilespmem:s17+$0x30];
	_ =	sdelay $0x7  }
0x2d: {  	[tilespmem:v1+s10+$0x0] =	vst.idx.add.f32.msk $0xffff, v0  }
0x2e: {  	v1 =	vld [tilespmem:s17+$0x40];
	_ =	sdelay $0x7  }
0x2f: {  	[tilespmem:v1+s10+$0x0] =	vst.idx.add.f32.msk $0xffff, v0  }
0x30: {  	v1 =	vld [tilespmem:s17+$0x50];
	_ =	sdelay $0x7  }
0x31: {  	[tilespmem:v1+s10+$0x0] =	vst.idx.add.f32.msk $0xffff, v0  }
0x32: {  	v1 =	vld [tilespmem:s17+$0x60];
	_ =	sdelay $0x7  }
0x33: {  	[tilespmem:v1+s10+$0x0] =	vst.idx.add.f32.msk $0xffff, v0  }
0x34: {  	v1 =	vld [tilespmem:s17+$0x70];
	_ =	sdelay $0x2  }
0x35: {  	p1 =	sne.s32 s16, $0x13E00  }
.Ltmp2:
0x36: {  	_ = 	snop;
	(pc) =	sbr.rel @p1 .LBB2_2-.Ltmp2, $2  }
0x37: {  	_ =	sdelay $0x2  }
0x38: {  	s16 =	sadd.s32 $0x200, s16;
	[tilespmem:v1+s10+$0x0] =	vst.idx.add.f32.msk $0xffff, v0  }
0x39: {  	[spmem:s6] =	stream.linear.scatter [tilespmem:s10], [sflag:$0x1], $0x2800, $0x38;
	[tilespmem:$0xA880] =	vst v63  }
.Ltmp3:
0x3a: {  	_ =	swait.ge [sflag:s11], $0x2800;
	(pc) =	sbr.rel @p0 .LBB2_7-.Ltmp3, $3  }
0x3b: {  	[sflag:s11] =	ssyncset.done $0x0  }
0x3c: {  	[sflag:s11] =	ssyncadd.s32 $0xFFFFD800  }
0x3d: {  	[bflag:$0x0] =	sbarrier.arrive $0xFFFF;
	_ =	sdelay $0x1  }
0x3e: {  	[tilespmem:s13], [sflag:$0x1] =	stream.linear.gather [spmem:s7], $0x400, $0x38;
	[tilespmem:$0xA880] =	vst v63  }
0x3f: {  	_ =	swait.ge [sflag:s11], $0x400  }
0x40: {  	[sflag:s11] =	ssyncset.done $0x0  }
0x41: {  	s16 =	sadd.s32 $0x2800, s7;
	[sflag:s11] =	ssyncadd.s32 $0xFFFFFC00  }
0x42: {  	[tilespmem:s14], [sflag:$0x1] =	stream.linear.gather [spmem:s16], $0x400, $0x38;
	[tilespmem:$0xA880] =	vst v63  }
0x43: {  	_ =	swait.ge [sflag:s11], $0x400  }
0x44: {  	[sflag:s11] =	ssyncset.done $0x0  }
0x45: {  	[sflag:s11] =	ssyncadd.s32 $0xFFFFFC00  }
0x46: {  	v0 =	vld [tilespmem:$0x7EB0]  }
0x47: {  	v2 =	vld [tilespmem:$0x7810]  }
0x48: {  	v3 =	vld [tilespmem:$0x7C10]  }
0x49: {  	v4 =	vld [tilespmem:$0x7820]  }
0x4a: {  	v5 =	vld [tilespmem:$0x7C20]  }
0x4b: {  	v6 =	vld [tilespmem:$0x7830]  }
0x4c: {  	v7 =	vld [tilespmem:$0x7C30]  }
0x4d: {  	v8 =	vld [tilespmem:$0x7840]  }
0x4e: {  	v9 =	vld [tilespmem:$0x7C40]  }
0x4f: {  	v10 =	vld [tilespmem:$0x7850]  }
0x50: {  	v11 =	vld [tilespmem:$0x7C50]  }
0x51: {  	v12 =	vld [tilespmem:$0x7860]  }
0x52: {  	v13 =	vld [tilespmem:$0x7C60]  }
0x53: {  	v14 =	vld [tilespmem:$0x7870]  }
0x54: {  	v15 =	vld [tilespmem:$0x7C70]  }
0x55: {  	v16 =	vld [tilespmem:$0x7880]  }
0x56: {  	v17 =	vld [tilespmem:$0x7C80]  }
0x57: {  	v18 =	vld [tilespmem:$0x7890]  }
0x58: {  	v19 =	vld [tilespmem:$0x7C90]  }
0x59: {  	v20 =	vld [tilespmem:$0x78A0]  }
0x5a: {  	v21 =	vld [tilespmem:$0x7CA0]  }
0x5b: {  	v22 =	vld [tilespmem:$0x78B0]  }
0x5c: {  	v23 =	vld [tilespmem:$0x7CB0]  }
0x5d: {  	v24 =	vld [tilespmem:$0x78C0]  }
0x5e: {  	v25 =	vld [tilespmem:$0x7CC0]  }
0x5f: {  	v26 =	vld [tilespmem:$0x78D0]  }
0x60: {  	v27 =	vld [tilespmem:$0x7CD0]  }
0x61: {  	v28 =	vld [tilespmem:$0x78E0]  }
0x62: {  	v29 =	vld [tilespmem:$0x7CE0]  }
0x63: {  	v30 =	vld [tilespmem:$0x78F0]  }
0x64: {  	v31 =	vld [tilespmem:$0x7CF0]  }
0x65: {  	v32 =	vld [tilespmem:$0x7900]  }
0x66: {  	v33 =	vld [tilespmem:$0x7D00]  }
0x67: {  	v34 =	vld [tilespmem:$0x7910]  }
0x68: {  	v35 =	vld [tilespmem:$0x7D10]  }
0x69: {  	v36 =	vld [tilespmem:$0x7920]  }
0x6a: {  	v37 =	vld [tilespmem:$0x7D20]  }
0x6b: {  	v38 =	vld [tilespmem:$0x7930]  }
0x6c: {  	v39 =	vld [tilespmem:$0x7D30]  }
0x6d: {  	v40 =	vld [tilespmem:$0x7940]  }
0x6e: {  	v41 =	vld [tilespmem:$0x7D40]  }
0x6f: {  	v42 =	vld [tilespmem:$0x7950]  }
0x70: {  	v43 =	vld [tilespmem:$0x7D50]  }
0x71: {  	v44 =	vld [tilespmem:$0x7960]  }
0x72: {  	v45 =	vld [tilespmem:$0x7D60]  }
0x73: {  	v46 =	vld [tilespmem:$0x7970]  }
0x74: {  	v47 =	vld [tilespmem:$0x7D70]  }
0x75: {  	v48 =	vld [tilespmem:$0x7980]  }
0x76: {  	v49 =	vld [tilespmem:$0x7D80]  }
0x77: {  	v50 =	vld [tilespmem:$0x7990]  }
0x78: {  	v51 =	vld [tilespmem:$0x7D90]  }
0x79: {  	v52 =	vld [tilespmem:$0x79A0]  }
0x7a: {  	v53 =	vld [tilespmem:$0x7DA0]  }
0x7b: {  	v54 =	vld [tilespmem:$0x79B0]  }
0x7c: {  	v55 =	vld [tilespmem:$0x7DB0]  }
0x7d: {  	v56 =	vld [tilespmem:$0x79C0]  }
0x7e: {  	v57 =	vld [tilespmem:$0x7DC0]  }
0x7f: {  	v58 =	vld [tilespmem:$0x79D0]  }
0x80: {  	v59 =	vld [tilespmem:$0x7DD0]  }
0x81: {  	v60 =	vld [tilespmem:$0x79E0]  }
0x82: {  	v1 =	vld [tilespmem:$0x7A10]  }
0x83: {  	v61 =	vld [tilespmem:$0x7DE0]  }
0x84: {  	v62 =	vld [tilespmem:$0x79F0]  }
0x85: {  	v63 =	vld [tilespmem:$0x7DF0]  }
0x86: {  	[tilespmem:$0x1FFE0] =	vst v0;
	v0 =	vld [tilespmem:$0x7C00]  }
0x87: {  	[tilespmem:$0x1FFC0] =	vst v1;
	v1 =	vld [tilespmem:$0x7E10]  }
0x88: {  	v2 =	vadd.f32 v3, v2;
	v3 =	vld [tilespmem:$0x7A20]  }
0x89: {  	v4 =	vadd.f32 v5, v4;
	v5 =	vld [tilespmem:$0x7E20]  }
0x8a: {  	v13 =	vadd.f32 v13, v12;
	v12 =	vld [tilespmem:$0x7A60];
	[tilespmem:$0x7810] =	vst v2;
	v2 =	vadd.f32 v7, v6  }
0x8b: {  	v17 =	vadd.f32 v17, v16;
	v16 =	vld [tilespmem:$0x7A80]  }
0x8c: {  	v21 =	vadd.f32 v21, v20;
	v20 =	vld [tilespmem:$0x7AA0];
	[tilespmem:$0x7830] =	vst v2;
	v2 =	vadd.f32 v11, v10  }
0x8d: {  	v25 =	vadd.f32 v25, v24;
	v24 =	vld [tilespmem:$0x7AC0];
	[tilespmem:$0x7820] =	vst v4  }
0x8e: {  	v29 =	vadd.f32 v29, v28;
	v28 =	vld [tilespmem:$0x7AE0];
	[tilespmem:$0x7850] =	vst v2;
	v2 =	vadd.f32 v15, v14  }
0x8f: {  	v52 =	vadd.f32 v53, v52;
	v53 =	vld [tilespmem:$0x7EE0];
	[tilespmem:$0x7860] =	vst v13  }
0x90: {  	v56 =	vadd.f32 v57, v56;
	v57 =	vld [tilespmem:$0x7EF0];
	[tilespmem:$0x7870] =	vst v2;
	v2 =	vadd.f32 v19, v18  }
0x91: {  	v60 =	vadd.f32 v61, v60;
	v61 =	vld [tilespmem:$0x7F00];
	[tilespmem:$0x7880] =	vst v17  }
0x92: {  	v37 =	vadd.f32 v37, v36;
	v36 =	vld [tilespmem:$0x7B10];
	[tilespmem:$0x7890] =	vst v2;
	v2 =	vadd.f32 v23, v22  }
0x93: {  	v41 =	vadd.f32 v41, v40;
	v40 =	vld [tilespmem:$0x7F30];
	[tilespmem:$0x78A0] =	vst v21  }
0x94: {  	v45 =	vadd.f32 v45, v44;
	v44 =	vld [tilespmem:$0x7F50];
	[tilespmem:$0x78B0] =	vst v2;
	v2 =	vadd.f32 v27, v26  }
0x95: {  	v6 =	vld [tilespmem:$0x7A30];
	[tilespmem:$0x78C0] =	vst v25  }
0x96: {  	v7 =	vld [tilespmem:$0x7E30];
	[tilespmem:$0x78D0] =	vst v2;
	v2 =	vadd.f32 v31, v30  }
0x97: {  	v4 =	vadd.f32 v9, v8;
	v8 =	vld [tilespmem:$0x7A40];
	[tilespmem:$0x7940] =	vst v41  }
0x98: {  	v9 =	vld [tilespmem:$0x7E40];
	[tilespmem:$0x78F0] =	vst v2;
	v2 =	vadd.f32 v35, v34  }
0x99: {  	v49 =	vadd.f32 v49, v48;
	v13 =	vld [tilespmem:$0x7E60];
	[tilespmem:$0x7960] =	vst v45  }
0x9a: {  	v17 =	vld [tilespmem:$0x7E80];
	[tilespmem:$0x7910] =	vst v2;
	v2 =	vadd.f32 v39, v38  }
0x9b: {  	v21 =	vld [tilespmem:$0x7EA0];
	[tilespmem:$0x7980] =	vst v49  }
0x9c: {  	v25 =	vld [tilespmem:$0x7EC0];
	[tilespmem:$0x7930] =	vst v2;
	v2 =	vadd.f32 v43, v42  }
0x9d: {  	[tilespmem:$0x79A0] =	vst v52;
	v41 =	vld [tilespmem:$0x7B40]  }
0x9e: {  	v45 =	vld [tilespmem:$0x7B60];
	[tilespmem:$0x7950] =	vst v2;
	v2 =	vadd.f32 v47, v46  }
0x9f: {  	[tilespmem:$0x79C0] =	vst v56;
	v49 =	vld [tilespmem:$0x7B80]  }
0xa0: {  	v52 =	vld [tilespmem:$0x7B90];
	[tilespmem:$0x7970] =	vst v2;
	v2 =	vadd.f32 v51, v50  }
0xa1: {  	[tilespmem:$0x79E0] =	vst v60;
	v56 =	vld [tilespmem:$0x7FA0]  }
0xa2: {  	v60 =	vld [tilespmem:$0x7BD0];
	[tilespmem:$0x7990] =	vst v2;
	v2 =	vadd.f32 v55, v54  }
0xa3: {  	v10 =	vld [tilespmem:$0x7A50];
	[tilespmem:$0x1FFF0] =	vst v0  }
0xa4: {  	v11 =	vld [tilespmem:$0x7E50];
	[tilespmem:$0x79B0] =	vst v2;
	v2 =	vadd.f32 v59, v58  }
0xa5: {  	v0 =	vld [tilespmem:$0x7A00];
	[tilespmem:$0x1FFD0] =	vst v1  }
0xa6: {  	v14 =	vld [tilespmem:$0x7A70];
	[tilespmem:$0x79D0] =	vst v2;
	v2 =	vadd.f32 v63, v62  }
0xa7: {  	[tilespmem:$0x7920] =	vst v37;
	v37 =	vld [tilespmem:$0x1FFD0]  }
0xa8: {  	[tilespmem:$0x79F0] =	vst v2;
	v2 =	vld [tilespmem:$0x1FFC0]  }
0xa9: {  	v15 =	vld [tilespmem:$0x7E70]  }
0xaa: {  	[tilespmem:$0x1FFB0] =	vst v0;
	v0 =	vld [tilespmem:$0x7E00]  }
0xab: {  	v1 =	vld [tilespmem:$0x1FFB0]  }
0xac: {  	v48 =	vld [tilespmem:$0x1FFF0]  }
0xad: {  	v18 =	vld [tilespmem:$0x7A90];
	v2 =	vadd.f32 v37, v2  }
0xae: {  	v33 =	vadd.f32 v33, v32;
	[tilespmem:$0x78E0] =	vst v29;
	v19 =	vld [tilespmem:$0x7E90]  }
0xaf: {  	v22 =	vld [tilespmem:$0x7AB0];
	[tilespmem:$0x7A10] =	vst v2;
	v2 =	vadd.f32 v7, v6  }
0xb0: {  	[tilespmem:$0x7900] =	vst v33;
	v23 =	vld [tilespmem:$0x7800];
	v0 =	vadd.f32 v0, v1  }
0xb1: {  	v26 =	vld [tilespmem:$0x7AD0];
	[tilespmem:$0x7A30] =	vst v2;
	v2 =	vadd.f32 v11, v10  }
0xb2: {  	v27 =	vld [tilespmem:$0x7ED0];
	[tilespmem:$0x7A00] =	vst v0;
	v0 =	vadd.f32 v5, v3  }
0xb3: {  	v1 =	vld [tilespmem:$0x7F10];
	[tilespmem:$0x7A50] =	vst v2;
	v2 =	vadd.f32 v15, v14  }
0xb4: {  	v38 =	vld [tilespmem:$0x7B20];
	[tilespmem:$0x7A20] =	vst v0;
	v0 =	vadd.f32 v9, v8  }
0xb5: {  	v3 =	vld [tilespmem:$0x7F20];
	[tilespmem:$0x7A70] =	vst v2;
	v2 =	vadd.f32 v19, v18  }
0xb6: {  	v39 =	vld [tilespmem:$0x7B30];
	[tilespmem:$0x7A40] =	vst v0;
	v0 =	vadd.f32 v13, v12  }
0xb7: {  	[tilespmem:$0x7A90] =	vst v2;
	v2 =	vld [tilespmem:$0x1FFE0]  }
0xb8: {  	v42 =	vld [tilespmem:$0x7F40];
	[tilespmem:$0x7A60] =	vst v0;
	v0 =	vadd.f32 v17, v16  }
0xb9: {  	[tilespmem:$0x7840] =	vst v4;
	v43 =	vld [tilespmem:$0x7B50];
	v1 =	vadd.f32 v1, v36  }
0xba: {  	v47 =	vld [tilespmem:$0x7B70];
	[tilespmem:$0x7A80] =	vst v0;
	v0 =	vadd.f32 v21, v20  }
0xbb: {  	[tilespmem:$0x7B10] =	vst v1;
	v1 =	vadd.f32 v40, v39;
	v55 =	vld [tilespmem:$0x7AF0]  }
0xbc: {  	[tilespmem:$0x7AA0] =	vst v0;
	v0 =	vld [tilespmem:$0x7F70];
	v2 =	vadd.f32 v2, v22  }
0xbd: {  	v50 =	vadd.f32 v27, v26;
	[tilespmem:$0x7B30] =	vst v1;
	v59 =	vld [tilespmem:$0x7B00]  }
0xbe: {  	v54 =	vld [tilespmem:$0x7F90];
	[tilespmem:$0x7AB0] =	vst v2;
	v2 =	vadd.f32 v25, v24  }
0xbf: {  	v46 =	vld [tilespmem:$0x7F60];
	v1 =	vadd.f32 v44, v43;
	[tilespmem:$0x7AD0] =	vst v50  }
0xc0: {  	v51 =	vld [tilespmem:$0x7F80];
	[tilespmem:$0x7AC0] =	vst v2;
	v2 =	vadd.f32 v53, v28  }
0xc1: {  	[tilespmem:$0x7B50] =	vst v1;
	v1 =	vld [tilespmem:$0x7FD0];
	v0 =	vadd.f32 v0, v47  }
0xc2: {  	v58 =	vld [tilespmem:$0x7BC0];
	[tilespmem:$0x7AE0] =	vst v2;
	v2 =	vadd.f32 v61, v59  }
0xc3: {  	[tilespmem:$0x7B70] =	vst v0;
	v0 =	vadd.f32 v54, v52;
	v53 =	vadd.f32 v57, v55;
	v57 =	vld [tilespmem:$0x7FB0]  }
0xc4: {  	[tilespmem:$0x7B00] =	vst v2;
	v2 =	vadd.f32 v3, v38;
	v3 =	vld [tilespmem:$0x7BB0]  }
0xc5: {  	v62 =	vld [tilespmem:$0x7FE0];
	[tilespmem:$0x7B90] =	vst v0;
	v14 =	vadd.f32 v48, v23  }
0xc6: {  	v63 =	vld [tilespmem:$0x7BF0];
	[tilespmem:$0x7B20] =	vst v2;
	v2 =	vadd.f32 v42, v41  }
0xc7: {  	[tilespmem:$0x7800] =	vst v14;
	v55 =	vld [tilespmem:$0x7BA0]  }
0xc8: {  	v61 =	vld [tilespmem:$0x7BE0];
	[tilespmem:$0x7B40] =	vst v2;
	v2 =	vadd.f32 v46, v45  }
0xc9: {  	[tilespmem:$0x7AF0] =	vst v53;
	v59 =	vld [tilespmem:$0x7FC0];
	v0 =	vadd.f32 v57, v3  }
0xca: {  	v3 =	vld [tilespmem:$0x7FF0];
	[tilespmem:$0x7B60] =	vst v2;
	v2 =	vadd.f32 v51, v49  }
0xcb: {  	[tilespmem:$0x7BB0] =	vst v0;
	v0 =	vadd.f32 v1, v60  }
0xcc: {  	[tilespmem:$0x7B80] =	vst v2;
	v2 =	vadd.f32 v56, v55  }
0xcd: {  	v1 =	vadd.f32 v62, v61;
	[tilespmem:$0x7BD0] =	vst v0  }
0xce: {  	[tilespmem:$0x7BA0] =	vst v2;
	v2 =	vadd.f32 v59, v58  }
0xcf: {  	[tilespmem:$0x7BE0] =	vst v1;
	v0 =	vadd.f32 v3, v63  }
0xd0: {  	s16 =	simm.s32 $0x14000;
	[tilespmem:$0x7BC0] =	vst v2  }
.LBB2_5:
0xd1: {  	s17 =	sshra.s32 s16, $0x2;
	p1 =	sne.s32 s16, $0x96000;
	s16 =	sadd.s32 $0xA000, s16;
	[tilespmem:$0x7BF0] =	vst v0  }
0xd2: {  	s17 =	sadd.s32 s17, s7  }
0xd3: {  	[tilespmem:s14], [sflag:$0x1] =	stream.linear.gather [spmem:s17], $0x400, $0x38;
	[tilespmem:$0xA880] =	vst v63  }
0xd4: {  	_ =	swait.ge [sflag:s11], $0x400  }
0xd5: {  	[sflag:s11] =	ssyncset.done $0x0  }
0xd6: {  	[sflag:s11] =	ssyncadd.s32 $0xFFFFFC00  }
0xd7: {  	v1 =	vld [tilespmem:$0x7EB0]  }
0xd8: {  	v0 =	vld [tilespmem:$0x7C00]  }
0xd9: {  	v2 =	vld [tilespmem:$0x7810]  }
0xda: {  	v3 =	vld [tilespmem:$0x7C10]  }
0xdb: {  	v4 =	vld [tilespmem:$0x7820]  }
0xdc: {  	v5 =	vld [tilespmem:$0x7C20]  }
0xdd: {  	v6 =	vld [tilespmem:$0x7830]  }
0xde: {  	v7 =	vld [tilespmem:$0x7C30]  }
0xdf: {  	v2 =	vadd.f32 v3, v2;
	v3 =	vld [tilespmem:$0x7840]  }
0xe0: {  	v8 =	vld [tilespmem:$0x7C40]  }
0xe1: {  	[tilespmem:$0x7810] =	vst v2;
	v2 =	vadd.f32 v5, v4;
	v4 =	vld [tilespmem:$0x7850]  }
0xe2: {  	v5 =	vld [tilespmem:$0x7C50]  }
0xe3: {  	[tilespmem:$0x7820] =	vst v2;
	v2 =	vadd.f32 v7, v6;
	v6 =	vld [tilespmem:$0x7860]  }
0xe4: {  	v7 =	vld [tilespmem:$0x7C60]  }
0xe5: {  	[tilespmem:$0x7830] =	vst v2;
	v2 =	vadd.f32 v8, v3;
	v3 =	vld [tilespmem:$0x7870]  }
0xe6: {  	v8 =	vld [tilespmem:$0x7C70]  }
0xe7: {  	[tilespmem:$0x7840] =	vst v2;
	v2 =	vadd.f32 v5, v4;
	v4 =	vld [tilespmem:$0x7880]  }
0xe8: {  	v5 =	vld [tilespmem:$0x7C80]  }
0xe9: {  	[tilespmem:$0x7850] =	vst v2;
	v2 =	vadd.f32 v7, v6;
	v6 =	vld [tilespmem:$0x7890]  }
0xea: {  	v7 =	vld [tilespmem:$0x7C90]  }
0xeb: {  	[tilespmem:$0x7860] =	vst v2;
	v2 =	vadd.f32 v8, v3;
	v3 =	vld [tilespmem:$0x78A0]  }
0xec: {  	v8 =	vld [tilespmem:$0x7CA0]  }
0xed: {  	[tilespmem:$0x7870] =	vst v2;
	v2 =	vadd.f32 v5, v4;
	v4 =	vld [tilespmem:$0x78B0]  }
0xee: {  	v5 =	vld [tilespmem:$0x7CB0]  }
0xef: {  	[tilespmem:$0x7880] =	vst v2;
	v2 =	vadd.f32 v7, v6;
	v6 =	vld [tilespmem:$0x78C0]  }
0xf0: {  	v7 =	vld [tilespmem:$0x7CC0]  }
0xf1: {  	[tilespmem:$0x7890] =	vst v2;
	v2 =	vadd.f32 v8, v3;
	v3 =	vld [tilespmem:$0x78D0]  }
0xf2: {  	v8 =	vld [tilespmem:$0x7CD0]  }
0xf3: {  	[tilespmem:$0x78A0] =	vst v2;
	v2 =	vadd.f32 v5, v4;
	v4 =	vld [tilespmem:$0x78E0]  }
0xf4: {  	v5 =	vld [tilespmem:$0x7CE0]  }
0xf5: {  	[tilespmem:$0x78B0] =	vst v2;
	v2 =	vadd.f32 v7, v6;
	v6 =	vld [tilespmem:$0x78F0]  }
0xf6: {  	v7 =	vld [tilespmem:$0x7CF0]  }
0xf7: {  	[tilespmem:$0x78C0] =	vst v2;
	v2 =	vadd.f32 v8, v3;
	v3 =	vld [tilespmem:$0x7900]  }
0xf8: {  	v8 =	vld [tilespmem:$0x7D00]  }
0xf9: {  	[tilespmem:$0x78D0] =	vst v2;
	v2 =	vadd.f32 v5, v4;
	v4 =	vld [tilespmem:$0x7910]  }
0xfa: {  	v5 =	vld [tilespmem:$0x7D10]  }
0xfb: {  	[tilespmem:$0x78E0] =	vst v2;
	v2 =	vadd.f32 v7, v6;
	v6 =	vld [tilespmem:$0x7920]  }
0xfc: {  	v7 =	vld [tilespmem:$0x7D20]  }
0xfd: {  	[tilespmem:$0x78F0] =	vst v2;
	v2 =	vadd.f32 v8, v3;
	v3 =	vld [tilespmem:$0x7930]  }
0xfe: {  	v8 =	vld [tilespmem:$0x7D30]  }
0xff: {  	[tilespmem:$0x7900] =	vst v2;
	v2 =	vadd.f32 v5, v4;
	v4 =	vld [tilespmem:$0x7940]  }
0x100: {  	v5 =	vld [tilespmem:$0x7D40]  }
0x101: {  	[tilespmem:$0x7910] =	vst v2;
	v2 =	vadd.f32 v7, v6;
	v6 =	vld [tilespmem:$0x7950]  }
0x102: {  	v7 =	vld [tilespmem:$0x7D50]  }
0x103: {  	[tilespmem:$0x7920] =	vst v2;
	v2 =	vadd.f32 v8, v3;
	v3 =	vld [tilespmem:$0x7960]  }
0x104: {  	v8 =	vld [tilespmem:$0x7D60]  }
0x105: {  	[tilespmem:$0x7930] =	vst v2;
	v2 =	vadd.f32 v5, v4;
	v4 =	vld [tilespmem:$0x7970]  }
0x106: {  	v5 =	vld [tilespmem:$0x7D70]  }
0x107: {  	[tilespmem:$0x7940] =	vst v2;
	v2 =	vadd.f32 v7, v6;
	v6 =	vld [tilespmem:$0x7980]  }
0x108: {  	v7 =	vld [tilespmem:$0x7D80]  }
0x109: {  	[tilespmem:$0x7950] =	vst v2;
	v2 =	vadd.f32 v8, v3;
	v3 =	vld [tilespmem:$0x7990]  }
0x10a: {  	v8 =	vld [tilespmem:$0x7D90]  }
0x10b: {  	[tilespmem:$0x7960] =	vst v2;
	v2 =	vadd.f32 v5, v4;
	v4 =	vld [tilespmem:$0x79A0]  }
0x10c: {  	v5 =	vld [tilespmem:$0x7DA0]  }
0x10d: {  	[tilespmem:$0x7970] =	vst v2;
	v2 =	vadd.f32 v7, v6;
	v6 =	vld [tilespmem:$0x79B0]  }
0x10e: {  	v7 =	vld [tilespmem:$0x7DB0]  }
0x10f: {  	[tilespmem:$0x7980] =	vst v2;
	v2 =	vadd.f32 v8, v3;
	v3 =	vld [tilespmem:$0x79C0]  }
0x110: {  	v8 =	vld [tilespmem:$0x7DC0]  }
0x111: {  	[tilespmem:$0x7990] =	vst v2;
	v2 =	vadd.f32 v5, v4;
	v4 =	vld [tilespmem:$0x79D0]  }
0x112: {  	v5 =	vld [tilespmem:$0x7DD0]  }
0x113: {  	[tilespmem:$0x79A0] =	vst v2;
	v2 =	vadd.f32 v7, v6;
	v6 =	vld [tilespmem:$0x79E0]  }
0x114: {  	v7 =	vld [tilespmem:$0x7DE0]  }
0x115: {  	[tilespmem:$0x79B0] =	vst v2;
	v2 =	vadd.f32 v8, v3;
	v3 =	vld [tilespmem:$0x79F0]  }
0x116: {  	v8 =	vld [tilespmem:$0x7DF0]  }
0x117: {  	[tilespmem:$0x79C0] =	vst v2;
	v2 =	vadd.f32 v5, v4;
	v4 =	vld [tilespmem:$0x7A00]  }
0x118: {  	v5 =	vld [tilespmem:$0x7E00]  }
0x119: {  	[tilespmem:$0x79D0] =	vst v2;
	v2 =	vadd.f32 v7, v6;
	v6 =	vld [tilespmem:$0x7A10]  }
0x11a: {  	v7 =	vld [tilespmem:$0x7E10]  }
0x11b: {  	[tilespmem:$0x79E0] =	vst v2;
	v2 =	vadd.f32 v8, v3;
	v3 =	vld [tilespmem:$0x7A20]  }
0x11c: {  	v8 =	vld [tilespmem:$0x7E20]  }
0x11d: {  	[tilespmem:$0x79F0] =	vst v2;
	v2 =	vadd.f32 v5, v4;
	v4 =	vld [tilespmem:$0x7A30]  }
0x11e: {  	v5 =	vld [tilespmem:$0x7E30]  }
0x11f: {  	[tilespmem:$0x7A00] =	vst v2;
	v2 =	vadd.f32 v7, v6;
	v6 =	vld [tilespmem:$0x7A40]  }
0x120: {  	v7 =	vld [tilespmem:$0x7E40]  }
0x121: {  	[tilespmem:$0x7A10] =	vst v2;
	v2 =	vadd.f32 v8, v3;
	v3 =	vld [tilespmem:$0x7A50]  }
0x122: {  	v8 =	vld [tilespmem:$0x7E50]  }
0x123: {  	[tilespmem:$0x7A20] =	vst v2;
	v2 =	vadd.f32 v5, v4;
	v4 =	vld [tilespmem:$0x7A60]  }
0x124: {  	v5 =	vld [tilespmem:$0x7E60]  }
0x125: {  	[tilespmem:$0x7A30] =	vst v2;
	v2 =	vadd.f32 v7, v6;
	v6 =	vld [tilespmem:$0x7A70]  }
0x126: {  	v7 =	vld [tilespmem:$0x7E70]  }
0x127: {  	[tilespmem:$0x7A40] =	vst v2;
	v2 =	vadd.f32 v8, v3;
	v3 =	vld [tilespmem:$0x7A80]  }
0x128: {  	v8 =	vld [tilespmem:$0x7E80]  }
0x129: {  	[tilespmem:$0x7A50] =	vst v2;
	v2 =	vadd.f32 v5, v4;
	v4 =	vld [tilespmem:$0x7A90]  }
0x12a: {  	v5 =	vld [tilespmem:$0x7E90]  }
0x12b: {  	[tilespmem:$0x7A60] =	vst v2;
	v2 =	vadd.f32 v7, v6;
	v6 =	vld [tilespmem:$0x7AA0]  }
0x12c: {  	v7 =	vld [tilespmem:$0x7EA0]  }
0x12d: {  	[tilespmem:$0x7A70] =	vst v2;
	v2 =	vadd.f32 v8, v3;
	v3 =	vld [tilespmem:$0x7AB0]  }
0x12e: {  	v8 =	vld [tilespmem:$0x7800]  }
0x12f: {  	[tilespmem:$0x7A80] =	vst v2;
	v2 =	vadd.f32 v5, v4;
	v4 =	vld [tilespmem:$0x7AC0]  }
0x130: {  	v5 =	vld [tilespmem:$0x7EC0]  }
0x131: {  	[tilespmem:$0x7A90] =	vst v2;
	v2 =	vadd.f32 v7, v6;
	v6 =	vld [tilespmem:$0x7AD0]  }
0x132: {  	v1 =	vadd.f32 v1, v3;
	v3 =	vld [tilespmem:$0x7ED0]  }
0x133: {  	v0 =	vadd.f32 v0, v8;
	[tilespmem:$0x7AA0] =	vst v2;
	v2 =	vld [tilespmem:$0x7AE0]  }
0x134: {  	[tilespmem:$0x7AB0] =	vst v1;
	v1 =	vld [tilespmem:$0x7EE0]  }
0x135: {  	[tilespmem:$0x7800] =	vst v0;
	v0 =	vadd.f32 v5, v4;
	v4 =	vld [tilespmem:$0x7AF0]  }
0x136: {  	v5 =	vld [tilespmem:$0x7EF0]  }
0x137: {  	[tilespmem:$0x7AC0] =	vst v0;
	v0 =	vadd.f32 v3, v6;
	v3 =	vld [tilespmem:$0x7B00]  }
0x138: {  	v6 =	vld [tilespmem:$0x7F00]  }
0x139: {  	[tilespmem:$0x7AD0] =	vst v0;
	v0 =	vadd.f32 v1, v2;
	v1 =	vld [tilespmem:$0x7B10]  }
0x13a: {  	v2 =	vld [tilespmem:$0x7F10]  }
0x13b: {  	[tilespmem:$0x7AE0] =	vst v0;
	v0 =	vadd.f32 v5, v4;
	v4 =	vld [tilespmem:$0x7B20]  }
0x13c: {  	v5 =	vld [tilespmem:$0x7F20]  }
0x13d: {  	[tilespmem:$0x7AF0] =	vst v0;
	v0 =	vadd.f32 v6, v3;
	v3 =	vld [tilespmem:$0x7B30]  }
0x13e: {  	v6 =	vld [tilespmem:$0x7F30]  }
0x13f: {  	[tilespmem:$0x7B00] =	vst v0;
	v0 =	vadd.f32 v2, v1;
	v1 =	vld [tilespmem:$0x7B40]  }
0x140: {  	v2 =	vld [tilespmem:$0x7F40]  }
0x141: {  	[tilespmem:$0x7B10] =	vst v0;
	v0 =	vadd.f32 v5, v4;
	v4 =	vld [tilespmem:$0x7B50]  }
0x142: {  	v5 =	vld [tilespmem:$0x7F50]  }
0x143: {  	[tilespmem:$0x7B20] =	vst v0;
	v0 =	vadd.f32 v6, v3;
	v3 =	vld [tilespmem:$0x7B60]  }
0x144: {  	v6 =	vld [tilespmem:$0x7F60]  }
0x145: {  	[tilespmem:$0x7B30] =	vst v0;
	v0 =	vadd.f32 v2, v1;
	v1 =	vld [tilespmem:$0x7B70]  }
0x146: {  	v2 =	vld [tilespmem:$0x7F70]  }
0x147: {  	[tilespmem:$0x7B40] =	vst v0;
	v0 =	vadd.f32 v5, v4;
	v4 =	vld [tilespmem:$0x7B80]  }
0x148: {  	v5 =	vld [tilespmem:$0x7F80]  }
0x149: {  	[tilespmem:$0x7B50] =	vst v0;
	v0 =	vadd.f32 v6, v3;
	v3 =	vld [tilespmem:$0x7B90]  }
0x14a: {  	v6 =	vld [tilespmem:$0x7F90]  }
0x14b: {  	[tilespmem:$0x7B60] =	vst v0;
	v0 =	vadd.f32 v2, v1;
	v1 =	vld [tilespmem:$0x7BA0]  }
0x14c: {  	v2 =	vld [tilespmem:$0x7FA0]  }
0x14d: {  	[tilespmem:$0x7B70] =	vst v0;
	v0 =	vadd.f32 v5, v4;
	v4 =	vld [tilespmem:$0x7BB0]  }
0x14e: {  	v5 =	vld [tilespmem:$0x7FB0]  }
0x14f: {  	[tilespmem:$0x7B80] =	vst v0;
	v0 =	vadd.f32 v6, v3;
	v3 =	vld [tilespmem:$0x7BC0]  }
0x150: {  	v6 =	vld [tilespmem:$0x7FC0]  }
0x151: {  	[tilespmem:$0x7B90] =	vst v0;
	v0 =	vadd.f32 v2, v1;
	v1 =	vld [tilespmem:$0x7BD0]  }
0x152: {  	v2 =	vld [tilespmem:$0x7FD0]  }
0x153: {  	[tilespmem:$0x7BA0] =	vst v0;
	v0 =	vadd.f32 v5, v4;
	v4 =	vld [tilespmem:$0x7BE0]  }
0x154: {  	v5 =	vld [tilespmem:$0x7FE0]  }
0x155: {  	[tilespmem:$0x7BB0] =	vst v0;
	v0 =	vadd.f32 v6, v3;
	v3 =	vld [tilespmem:$0x7BF0]  }
0x156: {  	v6 =	vld [tilespmem:$0x7FF0]  }
.Ltmp4:
0x157: {  	[tilespmem:$0x7BC0] =	vst v0;
	v0 =	vadd.f32 v2, v1;
	(pc) =	sbr.rel @p1 .LBB2_5-.Ltmp4, $3  }
0x158: {  	_ = 	snop  }
0x159: {  	[tilespmem:$0x7BD0] =	vst v0;
	v0 =	vadd.f32 v5, v4;
	_ =	sdelay $0x1  }
0x15a: {  	[tilespmem:$0x7BE0] =	vst v0;
	v0 =	vadd.f32 v6, v3  }
.Ltmp5:
0x15b: {  	_ = 	snop;
	(pc) =	sbr.rel .LBB2_6-.Ltmp5, $1  }
0x15c: {  	_ =	sdelay $0x3  }
.LBB2_8:
0x15d: {  	_ =	sfence.sel $0x180000  }
0x15e: {  	[bflag:$0x0] =	sbarrier.arrive $0xFFFF  }
0x15f: {  	p0 =	sne.s32 s1, $0x0;
	_ =	strace $0x90000047  }
0x160: {  	s0 =	sadd.s32 @!p0 $0x100000, s0;
	[bflag:$0x2] =	sbarrier.arrive $0xFFFF  }
0x161: {  	[sflag:s0] =	ssyncadd.tile.s32 @!p0 $0x1;
	_ =	shalt  }
.Lfunc_end2:
_tile_overlayer_lowered:
.L_overlay_start_2:
0x162: {  	(tag) =	ssettag $0x2  }
0x163: {  	s0 =	rddreg [dreg:$0x0];
	s2 =	stileid.u32  }
0x164: {  	s1 =	rddreg [dreg:$0x1];
	p0 =	sne.s32 s2, $0x0  }
0x165: {  	s3 =	rddreg [dreg:$0x2];
	[bflag:$0x3] =	sbarrier.arrive $0xFFFF;
	s2 =	simm.s32 @!p0 $0x1C01  }
0x166: {  	[timem:s3], [sflag:s2] =	dma.local @!p0 [hbm:s0], s1  }
0x167: {  	s0 =	simm.s32 @!p0 $0x1  }
0x168: {  	_ =	swait.ge @!p0 [sflag:s0], s1  }
0x169: {  	s1 =	ssub.s32 @!p0 $0x0, s1;
	[sflag:s0] =	ssyncset.done @!p0 $0x0  }
0x16a: {  	[sflag:s0] =	ssyncadd.s32 @!p0 s1  }
0x16b: {  	[bflag:$0x3] =	sbarrier.arrive $0xFFFF  }
0x16c: {  	_ =	shalt  }

</sc_bundles>
